<compile_context>
chip_gen: v7x
topology: tpu7x:2x2x1
jax: 0.10.2.dev20260603
libtpu: 0.0.44.dev20260713+nightly
codegen_flags: <defaults>
</compile_context>

<pallas_src>
import functools

import jax
import jax.numpy as jnp
from jax import lax
from jax.experimental import pallas as pl
from jax.experimental.pallas import tpu as pltpu
from jax.experimental.pallas import tpu_sc as plsc

B = 16
NCLS = 80
C = NCLS + 5
N = 20
NROW = 85
NW = 32


def _softplus16(v):
    m = jnp.maximum(v, 0.0)
    t = jnp.exp(-jnp.abs(v))
    z = t / (2.0 + t)
    z2 = z * z
    p = 1.0 / 9.0
    p = 1.0 / 7.0 + z2 * p
    p = 1.0 / 5.0 + z2 * p
    p = 1.0 / 3.0 + z2 * p
    p = 1.0 + z2 * p
    return m + 2.0 * z * p


def _compute_cells(tb_v, flat_v, H, W, k0):
    lanes = lax.iota(jnp.int32, 16)
    out = []
    for k in range(2):
        n = lanes + 16 * k
        nv = jnp.minimum(n, N - 1)
        i4 = nv * 4
        x = plsc.load_gather(tb_v, [i4])
        y = plsc.load_gather(tb_v, [i4 + 1])
        gx = jnp.clip((x * float(W)).astype(jnp.int32), 0, W - 1)
        gy = jnp.clip((y * float(H)).astype(jnp.int32), 0, H - 1)
        fl = gy * W + gx
        fl = jnp.where(n < N, fl, -1)
        flat_v[pl.ds(k0 + 16 * k, 16)] = fl
        out.append(fl)
    return out


def _fire_cells(det, g_v, gsem, fls, b, W, r0):
    lanes = lax.iota(jnp.int32, 16)
    shift = W.bit_length() - 1

    def body(n, _):
        fl = jnp.where(n < 16, fls[0], fls[1])
        fl_s = jnp.sum(jnp.where(lanes == (n & 15), fl, 0))
        gy = lax.shift_right_logical(fl_s, shift)
        gx = fl_s & (W - 1)
        pltpu.make_async_copy(
            det.at[b, gy, pl.ds(gx, 1), :],
            g_v.at[pl.ds(r0 + n, 1), :],
            gsem).start()
        return 0

    lax.fori_loop(0, N, body, 0)


def _dense_scan(det, vb0, vb1, dsem0, dsem1, H, W, w, nper, prefired=False):
    nslab = H // 4
    lanes = lax.iota(jnp.int32, 16)
    bufs = (vb0, vb1)
    sems = (dsem0, dsem1)

    def fire(j, buf, sem):
        u = w * nper + j
        bb = u // nslab
        y0 = (u % nslab) * 4
        pltpu.make_async_copy(det.at[bb, pl.ds(y0, 4), :, :],
                              buf.at[:, pl.ds(0, W), :], sem).start()

    def wait(buf, sem):
        pltpu.make_async_copy(det.at[0, pl.ds(0, 4), :, :],
                              buf.at[:, pl.ds(0, W), :], sem).wait()

    def extract(buf):
        c4 = jnp.full((16,), 4, jnp.int32)
        shift = W.bit_length() - 1
        nvec = (4 * W) // 16

        def ibody(i, acc):
            cell = lanes + 16 * i
            r = lax.shift_right_logical(cell, shift)
            x = cell & (W - 1)
            return acc + _softplus16(plsc.load_gather(buf, [r, x, c4]))

        return jnp.sum(lax.fori_loop(0, nvec, ibody,
                                     jnp.zeros((16,), jnp.float32)))

    if not prefired:
        fire(0, bufs[0], sems[0])

    def jbody(j2, s):
        j = 2 * j2
        fire(j + 1, bufs[1], sems[1])
        wait(bufs[0], sems[0])
        s = s + extract(bufs[0])

        @pl.when(j2 + 1 < nper // 2)
        def _():
            fire(j + 2, bufs[0], sems[0])

        wait(bufs[1], sems[1])
        return s + extract(bufs[1])

    return lax.fori_loop(0, nper // 2, jbody, jnp.float32(0.0))


def _sparse_task(g_v, tb_v, tc_v, flat_v, keep_v, pk_v, r0, k0):
    lanes = lax.iota(jnp.int32, 16)

    f0 = flat_v[pl.ds(k0, 16)]
    f1 = flat_v[pl.ds(k0 + 16, 16)]
    c0 = tc_v[pl.ds(0, 16)]
    c1 = tc_v[pl.ds(16, 16)]

    def dbody(m, carry):
        d0, d1, p0, p1 = carry
        fm = plsc.load_gather(flat_v, [jnp.full((16,), k0 + m, jnp.int32)])
        cm = plsc.load_gather(tc_v, [jnp.full((16,), m, jnp.int32)])
        e0 = (f0 == fm) & (lanes < m)
        e1 = (f1 == fm) & ((lanes + 16) < m)
        d0 = d0 | e0
        d1 = d1 | e1
        p0 = p0 | (e0 & (c0 == cm))
        p1 = p1 | (e1 & (c1 == cm))
        return d0, d1, p0, p1

    false16 = lanes < 0
    d0, d1, p0, p1 = lax.fori_loop(1, N, dbody,
                                   (false16, false16, false16, false16))
    v0 = lanes < N
    v1 = (lanes + 16) < N
    keep_v[pl.ds(0, 16)] = jnp.where(v0 & (~d0), 1.0, 0.0)
    keep_v[pl.ds(16, 16)] = jnp.where(v1 & (~d1), 1.0, 0.0)
    pk_v[pl.ds(0, 16)] = jnp.where(v0 & (~p0), 1.0, 0.0)
    pk_v[pl.ds(16, 16)] = jnp.where(v1 & (~p1), 1.0, 0.0)

    zero16 = jnp.zeros((16,), jnp.float32)
    bbox_s = jnp.float32(0.0)
    objx_s = jnp.float32(0.0)
    objsp_s = jnp.float32(0.0)
    nobj_s = jnp.float32(0.0)
    clsx_s = jnp.float32(0.0)
    for k in range(2):
        n = lanes + 16 * k
        nv = jnp.minimum(n, N - 1)
        keep = keep_v[pl.ds(16 * k, 16)]
        pk = pk_v[pl.ds(16 * k, 16)]
        rr = r0 + nv
        bacc = zero16
        for j in range(4):
            pj = plsc.load_gather(g_v, [rr, jnp.full((16,), j, jnp.int32)])
            tj = plsc.load_gather(tb_v, [nv * 4 + j])
            d = pj - tj
            bacc = bacc + d * d
        bbox_s = bbox_s + jnp.sum(keep * bacc)
        po = plsc.load_gather(g_v, [rr, jnp.full((16,), 4, jnp.int32)])
        objx_s = objx_s + jnp.sum(keep * po)
        objsp_s = objsp_s + jnp.sum(keep * _softplus16(po))
        nobj_s = nobj_s + jnp.sum(keep)
        cv = tc_v[pl.ds(16 * k, 16)]
        xc = plsc.load_gather(g_v, [rr, 5 + jnp.clip(cv, 0, NCLS - 1)])
        clsx_s = clsx_s + jnp.sum(pk * xc)

    def cbody(c, accs):
        a0, a1 = accs
        for k in range(2):
            n = lanes + 16 * k
            nv = jnp.minimum(n, N - 1)
            keep = keep_v[pl.ds(16 * k, 16)]
            pc = plsc.load_gather(g_v, [r0 + nv, jnp.full((16,), 5, jnp.int32) + c])
            if k == 0:
                a0 = a0 + keep * _softplus16(pc)
            else:
                a1 = a1 + keep * _softplus16(pc)
        return a0, a1

    a0, a1 = lax.fori_loop(0, NCLS, cbody, (zero16, zero16))
    clssp_s = jnp.sum(a0 + a1)
    return bbox_s, objx_s, objsp_s, nobj_s, clssp_s, clsx_s


def _contrib(lanes, r, HW):
    bbox_s, objx_s, objsp_s, nobj_s, clssp_s, clsx_s = r
    inv = 1.0 / 48.0
    den = jnp.maximum(nobj_s * float(NCLS), 1.0)
    row = jnp.where(lanes == 0, 5.0 * bbox_s * inv, 0.0)
    row = row - jnp.where(lanes == 1,
                          (objx_s + 0.5 * objsp_s) * (inv / HW), 0.0)
    row = row + jnp.where((lanes == 2) & (nobj_s > 0.0),
                          (clssp_s - clsx_s) * inv, 0.0) / den
    return row


def _sc_partials(d3, d4, d5, tbf, tcf):
    info = plsc.get_sparse_core_info()
    nc = info.num_cores
    mesh = plsc.VectorSubcoreMesh(core_axis_name="c", subcore_axis_name="s")

    @functools.partial(
        pl.kernel,
        out_type=jax.ShapeDtypeStruct((32 * 16,), jnp.float32),
        mesh=mesh,
        compiler_params=pltpu.CompilerParams(needs_layout_passes=False),
        scratch_types=[
            pltpu.VMEM((4, 64, 85), jnp.float32),
            pltpu.VMEM((4, 64, 85), jnp.float32),
            pltpu.VMEM((40, NROW), jnp.float32),
            pltpu.VMEM((80,), jnp.float32),
            pltpu.VMEM((32,), jnp.int32),
            pltpu.VMEM((64,), jnp.int32),
            pltpu.VMEM((32,), jnp.float32),
            pltpu.VMEM((32,), jnp.float32),
            pltpu.VMEM((16,), jnp.float32),
            pltpu.SemaphoreType.DMA,
            pltpu.SemaphoreType.DMA,
            pltpu.SemaphoreType.DMA,
        ],
    )
    def k(d3r, d4r, d5r, tbr, tcr, outr, vb0, vb1, g_v, tb_v, tc_v,
          flat_v, keep_v, pk_v, row_v, gsem, dsem0, dsem1):
        sid = lax.axis_index("s")
        cid = lax.axis_index("c")
        w = sid * nc + cid
        lanes = lax.iota(jnp.int32, 16)
        b1 = jnp.where(w < 16, w, w - 16)

        u0 = w * 8
        pltpu.make_async_copy(
            d3r.at[u0 // 16, pl.ds((u0 % 16) * 4, 4), :, :],
            vb0.at[:, pl.ds(0, 64), :], dsem0).start()

        pltpu.sync_copy(tbr.at[pl.ds(b1 * 80, 80)], tb_v)
        pltpu.sync_copy(tcr.at[pl.ds(b1 * 32, 32)], tc_v)

        @pl.when(w < 16)
        def _():
            fls = _compute_cells(tb_v, flat_v, 64, 64, 0)
            _fire_cells(d3r, g_v, gsem, fls, b1, 64, 0)
            fls = _compute_cells(tb_v, flat_v, 16, 16, 32)
            _fire_cells(d5r, g_v, gsem, fls, b1, 16, N)

        @pl.when(w >= 16)
        def _():
            fls = _compute_cells(tb_v, flat_v, 32, 32, 0)
            _fire_cells(d4r, g_v, gsem, fls, b1, 32, 0)

        s3 = _dense_scan(d3r, vb0, vb1, dsem0, dsem1, 64, 64, w, 8,
                         prefired=True)
        s4 = _dense_scan(d4r, vb0, vb1, dsem0, dsem1, 32, 32, w, 4)
        s5 = _dense_scan(d5r, vb0, vb1, dsem0, dsem1, 16, 16, w, 2)
        dense_part = (1.5 / 48.0) * (s3 * (1.0 / 4096.0)
                                     + s4 * (1.0 / 1024.0)
                                     + s5 * (1.0 / 256.0))
        v = jnp.where(lanes == 1, dense_part, 0.0)

        @pl.when(w < 16)
        def _():
            def drain(i, _):
                pltpu.make_async_copy(
                    d3r.at[0, 0, pl.ds(0, 1), :],
                    g_v.at[pl.ds(0, 1), :], gsem).wait()
                return 0
            lax.fori_loop(0, 2 * N, drain, 0)
            r = _sparse_task(g_v, tb_v, tc_v, flat_v, keep_v, pk_v, 0, 0)
            c3 = _contrib(lanes, r, 4096)
            r = _sparse_task(g_v, tb_v, tc_v, flat_v, keep_v, pk_v, N, 32)
            row_v[...] = v + c3 + _contrib(lanes, r, 256)

        @pl.when(w >= 16)
        def _():
            def drain(i, _):
                pltpu.make_async_copy(
                    d4r.at[0, 0, pl.ds(0, 1), :],
                    g_v.at[pl.ds(0, 1), :], gsem).wait()
                return 0
            lax.fori_loop(0, N, drain, 0)
            r = _sparse_task(g_v, tb_v, tc_v, flat_v, keep_v, pk_v, 0, 0)
            row_v[...] = v + _contrib(lanes, r, 1024)

        vrow = row_v[...]
        tot = jnp.sum(jnp.where(lanes < 3, vrow, 0.0))
        row_v[...] = vrow + jnp.where(lanes == 3, tot, 0.0)
        pltpu.sync_copy(row_v, outr.at[pl.ds(w * 16, 16)])

    return k(d3, d4, d5, tbf, tcf)


def kernel(det_p3, det_p4, det_p5, targets_box, targets_cls):
    t3 = jnp.transpose(det_p3, (0, 2, 3, 1))
    t4 = jnp.transpose(det_p4, (0, 2, 3, 1))
    t5 = jnp.transpose(det_p5, (0, 2, 3, 1))

    tbf = targets_box.reshape(-1)
    tcf = jnp.pad(targets_cls.astype(jnp.int32),
                  ((0, 0), (0, 32 - N))).reshape(-1)
    partials = _sc_partials(t3, t4, t5, tbf, tcf).reshape(32, 16)
    return partials.sum(axis=0)[:4]

# --- scband reference (transcript-rebuilt; emitter-appended) ---
"""Pipeline reference for scband-yololoss-12249246729029 (READ-ONLY COPY).

The authoritative reference and input builder live on the scoring server;
editing this copy changes nothing except your own understanding.
"""

import jax, jax.numpy as jnp
import numpy as np

NUM_CLASSES = 80
LAMBDA_COORD = 5.0
LAMBDA_NOOBJ = 0.5


def setup_inputs(seed: int = 0) -> dict:
    key = jax.random.key(seed)
    k1, k2, k3, k4, k5 = jax.random.split(key, 5)
    B = 16
    C = NUM_CLASSES + 5
    N = 20
    det_p3 = jax.random.normal(k1, (B, C, 64, 64), dtype=jnp.float32)
    det_p4 = jax.random.normal(k2, (B, C, 32, 32), dtype=jnp.float32)
    det_p5 = jax.random.normal(k3, (B, C, 16, 16), dtype=jnp.float32)
    targets_box = jax.random.uniform(k4, (B, N, 4), dtype=jnp.float32)
    targets_cls = jax.random.randint(k5, (B, N), 0, NUM_CLASSES)
    return {"det_p3": det_p3, "det_p4": det_p4, "det_p5": det_p5,
            "targets_box": targets_box, "targets_cls": targets_cls}


def _bce_with_logits(x, t):
    # BCEWithLogits: softplus(x) - x*t (numerically stable)
    return jax.nn.softplus(x) - x * t


def _scale_loss(pred, targets_box, targets_cls):
    # pred: [B, C, H, W] -> [B, H*W, C]
    B, C, H, W = pred.shape
    p = jnp.transpose(pred, (0, 2, 3, 1)).reshape(B, H * W, C)
    pred_boxes = p[..., :4]
    pred_obj = p[..., 4]
    pred_cls = p[..., 5:]
    # assign each gt box to a grid cell (truncation toward zero like int() for x>=0)
    gx = jnp.clip(jnp.floor(targets_box[..., 0] * W).astype(jnp.int32), 0, W - 1)
    gy = jnp.clip(jnp.floor(targets_box[..., 1] * H).astype(jnp.int32), 0, H - 1)
    flat = gy * W + gx  # [B, N]
    bidx = jnp.broadcast_to(jnp.arange(B)[:, None], flat.shape)
    obj_mask = jnp.zeros((B, H * W), jnp.float32).at[bidx, flat].max(1.0)
    target_boxes = jnp.zeros((B, H * W, 4), jnp.float32).at[bidx, flat].set(targets_box)
    target_cls = jnp.zeros((B, H * W, NUM_CLASSES), jnp.float32).at[bidx, flat, targets_cls].set(1.0)
    # objectness loss: mean BCE + lambda_noobj * mean(BCE * noobj_mask), summed over batch
    bce_o = _bce_with_logits(pred_obj, obj_mask)
    obj_loss = jnp.sum(jnp.mean(bce_o, axis=1) + LAMBDA_NOOBJ * jnp.mean(bce_o * (1.0 - obj_mask), axis=1))
    # bbox loss: sum of squared error over object cells (mask zero elsewhere)
    bbox_loss = LAMBDA_COORD * jnp.sum(obj_mask[..., None] * (pred_boxes - target_boxes) ** 2)
    # classification loss: mean BCE over object cells, per batch, then summed
    n_obj = jnp.sum(obj_mask, axis=1)
    cls_per = jnp.sum(obj_mask[..., None] * _bce_with_logits(pred_cls, target_cls), axis=(1, 2)) / jnp.maximum(n_obj * NUM_CLASSES, 1.0)
    cls_loss = jnp.sum(jnp.where(n_obj > 0, cls_per, 0.0))
    return bbox_loss, obj_loss, cls_loss


def reference(det_p3, det_p4, det_p5, targets_box, targets_cls):
    preds = [det_p3, det_p4, det_p5]
    bbox = 0.0
    obj = 0.0
    cls = 0.0
    for pred in preds:
        b, o, c = _scale_loss(pred, targets_box, targets_cls)
        bbox = bbox + b
        obj = obj + o
        cls = cls + c
    denom = det_p3.shape[0] * len(preds)
    bbox = bbox / denom
    obj = obj / denom
    cls = cls / denom
    total = bbox + obj + cls
    return jnp.stack([bbox, obj, cls, total])

if __name__ == "__main__":
    import jax
    _d = setup_inputs()
    print(jax.jit(kernel)(*tuple(_d.values())))

</pallas_src>

<mosaic_0001>
#map = affine_map<(d0, d1) -> (0, 0, 0, 0)>
#map1 = affine_map<(d0, d1) -> (0)>
module attributes {stable_mosaic.version = 14 : i64} {
  func.func @k(%arg0: i32, %arg1: i32, %arg2: memref<16x64x64x85xf32, #tpu.memory_space<hbm>>, %arg3: memref<16x32x32x85xf32, #tpu.memory_space<hbm>>, %arg4: memref<16x16x16x85xf32, #tpu.memory_space<hbm>>, %arg5: memref<1280xf32, #tpu.memory_space<hbm>>, %arg6: memref<512xi32, #tpu.memory_space<hbm>>, %arg7: memref<512xf32, #tpu.memory_space<hbm>>, %arg8: memref<4x64x85xf32, #tpu.memory_space<vmem>>, %arg9: memref<4x64x85xf32, #tpu.memory_space<vmem>>, %arg10: memref<40x85xf32, #tpu.memory_space<vmem>>, %arg11: memref<80xf32, #tpu.memory_space<vmem>>, %arg12: memref<32xi32, #tpu.memory_space<vmem>>, %arg13: memref<64xi32, #tpu.memory_space<vmem>>, %arg14: memref<32xf32, #tpu.memory_space<vmem>>, %arg15: memref<32xf32, #tpu.memory_space<vmem>>, %arg16: memref<16xf32, #tpu.memory_space<vmem>>, %arg17: memref<!tpu.dma_semaphore, #tpu.memory_space<semaphore_mem>>, %arg18: memref<!tpu.dma_semaphore, #tpu.memory_space<semaphore_mem>>, %arg19: memref<!tpu.dma_semaphore, #tpu.memory_space<semaphore_mem>>) attributes {dimension_semantics = [#tpu.dimension_semantics<core_parallel>, #tpu.dimension_semantics<subcore_parallel>], iteration_bounds = array<i64: 2, 16>, scalar_prefetch = 0 : i64, scratch_operands = 12 : i64, tpu.core_type = #tpu.core_type<sc_vector_subcore>, window_params = [{transform_indices = #map}, {transform_indices = #map}, {transform_indices = #map}, {transform_indices = #map1}, {transform_indices = #map1}, {transform_indices = #map1}]} {
    %mul3A = arith.constant 2 : i32
    %mul3A_0 = arith.muli %arg1, %mul3A : i32
    %add3A = arith.addi %mul3A_0, %arg0 : i32
    %iota3A = tpu.iota {dimensions = array<i32: 0>} : vector<16xi32>
    %lt3A = arith.constant 16 : i32
    %lt3A_1 = arith.cmpi slt, %add3A, %lt3A : i32
    %sub3A = arith.constant 16 : i32
    %sub3A_2 = arith.subi %add3A, %sub3A : i32
    %select_n3A = arith.select %lt3A_1, %add3A, %sub3A_2 : i32
    %mul3A_3 = arith.constant 8 : i32
    %mul3A_4 = arith.muli %add3A, %mul3A_3 : i32
    %jit3A = arith.constant 16 : i32
    %div3A = arith.divsi %mul3A_4, %jit3A : i32
    %sign3A = arith.constant 0 : i32
    %sign3A_5 = arith.cmpi sgt, %mul3A_4, %sign3A : i32
    %sign3A_6 = arith.extui %sign3A_5 : i1 to i32
    %sign3A_7 = arith.constant 0 : i32
    %sign3A_8 = arith.cmpi slt, %mul3A_4, %sign3A_7 : i32
    %sign3A_9 = arith.extui %sign3A_8 : i1 to i32
    %sign3A_10 = arith.subi %sign3A_6, %sign3A_9 : i32
    %sign3A_11 = arith.constant 0 : i32
    %sign3A_12 = arith.cmpi sgt, %jit3A, %sign3A_11 : i32
    %sign3A_13 = arith.extui %sign3A_12 : i1 to i32
    %sign3A_14 = arith.constant 0 : i32
    %sign3A_15 = arith.cmpi slt, %jit3A, %sign3A_14 : i32
    %sign3A_16 = arith.extui %sign3A_15 : i1 to i32
    %sign3A_17 = arith.subi %sign3A_13, %sign3A_16 : i32
    %ne3A = arith.cmpi ne, %sign3A_10, %sign3A_17 : i32
    %rem3A = arith.remsi %mul3A_4, %jit3A : i32
    %ne3A_18 = arith.constant 0 : i32
    %ne3A_19 = arith.cmpi ne, %rem3A, %ne3A_18 : i32
    %and3A = arith.andi %ne3A, %ne3A_19 : i1
    %sub3A_20 = arith.constant 1 : i32
    %sub3A_21 = arith.subi %div3A, %sub3A_20 : i32
    %select_n3A_22 = arith.select %and3A, %sub3A_21, %div3A : i32
    %jit3A_23 = arith.constant 16 : i32
    %eq3A = arith.constant 0 : i32
    %eq3A_24 = arith.cmpi eq, %jit3A_23, %eq3A : i32
    %jit3A_25 = arith.constant 1 : i32
    %select_n3A_26 = arith.select %eq3A_24, %jit3A_25, %jit3A_23 : i32
    %rem3A_27 = arith.remsi %mul3A_4, %select_n3A_26 : i32
    %ne3A_28 = arith.constant 0 : i32
    %ne3A_29 = arith.cmpi ne, %rem3A_27, %ne3A_28 : i32
    %lt3A_30 = arith.constant 0 : i32
    %lt3A_31 = arith.cmpi slt, %rem3A_27, %lt3A_30 : i32
    %lt3A_32 = arith.constant 0 : i32
    %lt3A_33 = arith.cmpi slt, %select_n3A_26, %lt3A_32 : i32
    %ne3A_34 = arith.xori %lt3A_31, %lt3A_33 : i1
    %and3A_35 = arith.andi %ne3A_34, %ne3A_29 : i1
    %add3A_36 = arith.addi %rem3A_27, %select_n3A_26 : i32
    %select_n3A_37 = arith.select %and3A_35, %add3A_36, %rem3A_27 : i32
    %mul3A_38 = arith.constant 4 : i32
    %mul3A_39 = arith.muli %select_n3A_37, %mul3A_38 : i32
    %dma_start3A = arith.constant 0 : i32
    %dma_start3A_40 = arith.constant 0 : i32
    %dma_start3A_41 = arith.constant 0 : i32
    %dma_start3A_42 = tpu.memref_slice %arg8[%dma_start3A, %dma_start3A_40, %dma_start3A_41] : memref<4x64x85xf32, #tpu.memory_space<vmem>> -> memref<4x64x85xf32, #tpu.memory_space<vmem>>
    %dma_start3A_43 = arith.constant 0 : i32
    %dma_start3A_44 = arith.constant 0 : i32
    %dma_start3A_45 = tpu.memref_slice %arg2[%select_n3A_22, %mul3A_39, %dma_start3A_43, %dma_start3A_44] : memref<16x64x64x85xf32, #tpu.memory_space<hbm>> -> memref<1x4x64x85xf32, #tpu.memory_space<hbm>>
    %dma_start3A_46 = tpu.memref_squeeze %dma_start3A_45 : memref<1x4x64x85xf32, #tpu.memory_space<hbm>> -> memref<4x64x85xf32, #tpu.memory_space<hbm>>
    %dma_start3A_47 = arith.constant 0 : i32
    %dma_start3A_48 = arith.constant 0 : i32
    %dma_start3A_49 = arith.constant 0 : i32
    %dma_start3A_50 = tpu.memref_slice %arg8[%dma_start3A_47, %dma_start3A_48, %dma_start3A_49] : memref<4x64x85xf32, #tpu.memory_space<vmem>> -> memref<4x64x85xf32, #tpu.memory_space<vmem>>
    %dma_start3A_51 = arith.constant 0 : i32
    %dma_start3A_52 = arith.constant 0 : i32
    %dma_start3A_53 = tpu.memref_slice %arg2[%select_n3A_22, %mul3A_39, %dma_start3A_51, %dma_start3A_52] : memref<16x64x64x85xf32, #tpu.memory_space<hbm>> -> memref<1x4x64x85xf32, #tpu.memory_space<hbm>>
    %dma_start3A_54 = tpu.memref_squeeze %dma_start3A_53 : memref<1x4x64x85xf32, #tpu.memory_space<hbm>> -> memref<4x64x85xf32, #tpu.memory_space<hbm>>
    tpu.enqueue_dma source(%dma_start3A_54 : memref<4x64x85xf32, #tpu.memory_space<hbm>>) target(%dma_start3A_50 : memref<4x64x85xf32, #tpu.memory_space<vmem>>) target_semaphore(%arg18 : memref<!tpu.dma_semaphore, #tpu.memory_space<semaphore_mem>>)
    %mul3A_55 = arith.constant 80 : i32
    %mul3A_56 = arith.muli %select_n3A, %mul3A_55 : i32
    "tpu.region"() ({
      %run_scoped3A = tpu.sem_alloc : memref<!tpu.dma_semaphore, #tpu.memory_space<semaphore_mem>>
      %dma_start3A_395 = tpu.memref_slice %arg5[%mul3A_56] : memref<1280xf32, #tpu.memory_space<hbm>> -> memref<80xf32, #tpu.memory_space<hbm>>
      %dma_start3A_396 = tpu.memref_slice %arg5[%mul3A_56] : memref<1280xf32, #tpu.memory_space<hbm>> -> memref<80xf32, #tpu.memory_space<hbm>>
      tpu.enqueue_dma source(%dma_start3A_396 : memref<80xf32, #tpu.memory_space<hbm>>) target(%arg11 : memref<80xf32, #tpu.memory_space<vmem>>) target_semaphore(%run_scoped3A : memref<!tpu.dma_semaphore, #tpu.memory_space<semaphore_mem>>)
      %dma_wait3A_397 = tpu.memref_slice %arg5[%mul3A_56] : memref<1280xf32, #tpu.memory_space<hbm>> -> memref<80xf32, #tpu.memory_space<hbm>>
      %dma_wait3A_398 = tpu.memref_slice %arg5[%mul3A_56] : memref<1280xf32, #tpu.memory_space<hbm>> -> memref<80xf32, #tpu.memory_space<hbm>>
      tpu.wait_dma2 semaphore(%run_scoped3A : memref<!tpu.dma_semaphore, #tpu.memory_space<semaphore_mem>>) src(%dma_wait3A_398 : memref<80xf32, #tpu.memory_space<hbm>>) dst(%arg11 : memref<80xf32, #tpu.memory_space<vmem>>)
      tpu.yield
    }) : () -> ()
    %mul3A_57 = arith.constant 32 : i32
    %mul3A_58 = arith.muli %select_n3A, %mul3A_57 : i32
    "tpu.region"() ({
      %run_scoped3A = tpu.sem_alloc : memref<!tpu.dma_semaphore, #tpu.memory_space<semaphore_mem>>
      %dma_start3A_395 = tpu.memref_slice %arg6[%mul3A_58] : memref<512xi32, #tpu.memory_space<hbm>> -> memref<32xi32, #tpu.memory_space<hbm>>
      %dma_start3A_396 = tpu.memref_slice %arg6[%mul3A_58] : memref<512xi32, #tpu.memory_space<hbm>> -> memref<32xi32, #tpu.memory_space<hbm>>
      tpu.enqueue_dma source(%dma_start3A_396 : memref<32xi32, #tpu.memory_space<hbm>>) target(%arg12 : memref<32xi32, #tpu.memory_space<vmem>>) target_semaphore(%run_scoped3A : memref<!tpu.dma_semaphore, #tpu.memory_space<semaphore_mem>>)
      %dma_wait3A_397 = tpu.memref_slice %arg6[%mul3A_58] : memref<512xi32, #tpu.memory_space<hbm>> -> memref<32xi32, #tpu.memory_space<hbm>>
      %dma_wait3A_398 = tpu.memref_slice %arg6[%mul3A_58] : memref<512xi32, #tpu.memory_space<hbm>> -> memref<32xi32, #tpu.memory_space<hbm>>
      tpu.wait_dma2 semaphore(%run_scoped3A : memref<!tpu.dma_semaphore, #tpu.memory_space<semaphore_mem>>) src(%dma_wait3A_398 : memref<32xi32, #tpu.memory_space<hbm>>) dst(%arg12 : memref<32xi32, #tpu.memory_space<vmem>>)
      tpu.yield
    }) : () -> ()
    %lt3A_59 = arith.constant 16 : i32
    %lt3A_60 = arith.cmpi slt, %add3A, %lt3A_59 : i32
    %convert_element_type3A = arith.extui %lt3A_60 : i1 to i32
    %cond3A = arith.constant 0 : i32
    %cond3A_61 = arith.cmpi ne, %convert_element_type3A, %cond3A : i32
    scf.if %cond3A_61 {
      %iota3A_395 = tpu.iota {dimensions = array<i32: 0>} : vector<16xi32>
      %add3A_396 = arith.constant 0 : i32
      %add3A_397 = vector.broadcast %add3A_396 : i32 to vector<16xi32>
      %add3A_398 = arith.addi %iota3A_395, %add3A_397 : vector<16xi32>
      %min3A = arith.constant 19 : i32
      %min3A_399 = vector.broadcast %min3A : i32 to vector<16xi32>
      %min3A_400 = arith.minsi %add3A_398, %min3A_399 : vector<16xi32>
      %mul3A_401 = arith.constant 4 : i32
      %mul3A_402 = vector.broadcast %mul3A_401 : i32 to vector<16xi32>
      %mul3A_403 = arith.muli %min3A_400, %mul3A_402 : vector<16xi32>
      %gather3A = tpu.vector_load_idx %arg11[%mul3A_403] : memref<80xf32, #tpu.memory_space<vmem>>[vector<16xi32>], vector<16xf32>,
      %add3A_404 = arith.constant 1 : i32
      %add3A_405 = vector.broadcast %add3A_404 : i32 to vector<16xi32>
      %add3A_406 = arith.addi %mul3A_403, %add3A_405 : vector<16xi32>
      %gather3A_407 = tpu.vector_load_idx %arg11[%add3A_406] : memref<80xf32, #tpu.memory_space<vmem>>[vector<16xi32>], vector<16xf32>,
      %mul3A_408 = arith.constant 6.400000e+01 : f32
      %mul3A_409 = vector.broadcast %mul3A_408 : f32 to vector<16xf32>
      %mul3A_410 = arith.mulf %gather3A, %mul3A_409 : vector<16xf32>
      %convert_element_type3A_411 = arith.fptosi %mul3A_410 : vector<16xf32> to vector<16xi32>
      %jit3A_412 = arith.constant 0 : i32
      %jit3A_413 = arith.constant 63 : i32
      %max3A = vector.broadcast %jit3A_412 : i32 to vector<16xi32>
      %max3A_414 = arith.maxsi %max3A, %convert_element_type3A_411 : vector<16xi32>
      %min3A_415 = vector.broadcast %jit3A_413 : i32 to vector<16xi32>
      %min3A_416 = arith.minsi %min3A_415, %max3A_414 : vector<16xi32>
      %mul3A_417 = arith.constant 6.400000e+01 : f32
      %mul3A_418 = vector.broadcast %mul3A_417 : f32 to vector<16xf32>
      %mul3A_419 = arith.mulf %gather3A_407, %mul3A_418 : vector<16xf32>
      %convert_element_type3A_420 = arith.fptosi %mul3A_419 : vector<16xf32> to vector<16xi32>
      %jit3A_421 = arith.constant 0 : i32
      %jit3A_422 = arith.constant 63 : i32
      %max3A_423 = vector.broadcast %jit3A_421 : i32 to vector<16xi32>
      %max3A_424 = arith.maxsi %max3A_423, %convert_element_type3A_420 : vector<16xi32>
      %min3A_425 = vector.broadcast %jit3A_422 : i32 to vector<16xi32>
      %min3A_426 = arith.minsi %min3A_425, %max3A_424 : vector<16xi32>
      %mul3A_427 = arith.constant 64 : i32
      %mul3A_428 = vector.broadcast %mul3A_427 : i32 to vector<16xi32>
      %mul3A_429 = arith.muli %min3A_426, %mul3A_428 : vector<16xi32>
      %add3A_430 = arith.addi %mul3A_429, %min3A_416 : vector<16xi32>
      %lt3A_431 = arith.constant 20 : i32
      %lt3A_432 = vector.broadcast %lt3A_431 : i32 to vector<16xi32>
      %lt3A_433 = arith.cmpi slt, %add3A_398, %lt3A_432 : vector<16xi32>
      %jit3A_434 = arith.constant -1 : i32
      %broadcast_in_dim3A_435 = vector.broadcast %jit3A_434 : i32 to vector<16xi32>
      %select_n3A_436 = arith.select %lt3A_433, %add3A_430, %broadcast_in_dim3A_435 : vector<16xi1>, vector<16xi32>
      %swap3A_437 = arith.constant 0 : index
      %swap3A_438 = tpu.vector_load %arg13[%swap3A_437] {strides = array<i32>} : memref<64xi32, #tpu.memory_space<vmem>>, vector<16xi32>,
      tpu.vector_store %arg13[%swap3A_437], %select_n3A_436 {strides = array<i32>} : memref<64xi32, #tpu.memory_space<vmem>>, vector<16xi32>,
      %add3A_439 = arith.constant 16 : i32
      %add3A_440 = vector.broadcast %add3A_439 : i32 to vector<16xi32>
      %add3A_441 = arith.addi %iota3A_395, %add3A_440 : vector<16xi32>
      %min3A_442 = arith.constant 19 : i32
      %min3A_443 = vector.broadcast %min3A_442 : i32 to vector<16xi32>
      %min3A_444 = arith.minsi %add3A_441, %min3A_443 : vector<16xi32>
      %mul3A_445 = arith.constant 4 : i32
      %mul3A_446 = vector.broadcast %mul3A_445 : i32 to vector<16xi32>
      %mul3A_447 = arith.muli %min3A_444, %mul3A_446 : vector<16xi32>
      %gather3A_448 = tpu.vector_load_idx %arg11[%mul3A_447] : memref<80xf32, #tpu.memory_space<vmem>>[vector<16xi32>], vector<16xf32>,
      %add3A_449 = arith.constant 1 : i32
      %add3A_450 = vector.broadcast %add3A_449 : i32 to vector<16xi32>
      %add3A_451 = arith.addi %mul3A_447, %add3A_450 : vector<16xi32>
      %gather3A_452 = tpu.vector_load_idx %arg11[%add3A_451] : memref<80xf32, #tpu.memory_space<vmem>>[vector<16xi32>], vector<16xf32>,
      %mul3A_453 = arith.constant 6.400000e+01 : f32
      %mul3A_454 = vector.broadcast %mul3A_453 : f32 to vector<16xf32>
      %mul3A_455 = arith.mulf %gather3A_448, %mul3A_454 : vector<16xf32>
      %convert_element_type3A_456 = arith.fptosi %mul3A_455 : vector<16xf32> to vector<16xi32>
      %jit3A_457 = arith.constant 0 : i32
      %jit3A_458 = arith.constant 63 : i32
      %max3A_459 = vector.broadcast %jit3A_457 : i32 to vector<16xi32>
      %max3A_460 = arith.maxsi %max3A_459, %convert_element_type3A_456 : vector<16xi32>
      %min3A_461 = vector.broadcast %jit3A_458 : i32 to vector<16xi32>
      %min3A_462 = arith.minsi %min3A_461, %max3A_460 : vector<16xi32>
      %mul3A_463 = arith.constant 6.400000e+01 : f32
      %mul3A_464 = vector.broadcast %mul3A_463 : f32 to vector<16xf32>
      %mul3A_465 = arith.mulf %gather3A_452, %mul3A_464 : vector<16xf32>
      %convert_element_type3A_466 = arith.fptosi %mul3A_465 : vector<16xf32> to vector<16xi32>
      %jit3A_467 = arith.constant 0 : i32
      %jit3A_468 = arith.constant 63 : i32
      %max3A_469 = vector.broadcast %jit3A_467 : i32 to vector<16xi32>
      %max3A_470 = arith.maxsi %max3A_469, %convert_element_type3A_466 : vector<16xi32>
      %min3A_471 = vector.broadcast %jit3A_468 : i32 to vector<16xi32>
      %min3A_472 = arith.minsi %min3A_471, %max3A_470 : vector<16xi32>
      %mul3A_473 = arith.constant 64 : i32
      %mul3A_474 = vector.broadcast %mul3A_473 : i32 to vector<16xi32>
      %mul3A_475 = arith.muli %min3A_472, %mul3A_474 : vector<16xi32>
      %add3A_476 = arith.addi %mul3A_475, %min3A_462 : vector<16xi32>
      %lt3A_477 = arith.constant 20 : i32
      %lt3A_478 = vector.broadcast %lt3A_477 : i32 to vector<16xi32>
      %lt3A_479 = arith.cmpi slt, %add3A_441, %lt3A_478 : vector<16xi32>
      %jit3A_480 = arith.constant -1 : i32
      %broadcast_in_dim3A_481 = vector.broadcast %jit3A_480 : i32 to vector<16xi32>
      %select_n3A_482 = arith.select %lt3A_479, %add3A_476, %broadcast_in_dim3A_481 : vector<16xi1>, vector<16xi32>
      %swap3A_483 = arith.constant 16 : index
      %swap3A_484 = tpu.vector_load %arg13[%swap3A_483] {strides = array<i32>} : memref<64xi32, #tpu.memory_space<vmem>>, vector<16xi32>,
      tpu.vector_store %arg13[%swap3A_483], %select_n3A_482 {strides = array<i32>} : memref<64xi32, #tpu.memory_space<vmem>>, vector<16xi32>,
      %iota3A_485 = tpu.iota {dimensions = array<i32: 0>} : vector<16xi32>
      %scan3A_486 = arith.constant 0 : i32
      %scan3A_487 = arith.constant 0 : i32
      %scan3A_488 = arith.constant 20 : i32
      %scan3A_489 = arith.addi %scan3A_487, %scan3A_488 : i32
      %scan3A_490 = arith.constant 1 : i32
      %scan3A_491 = scf.for %scan3A_594 = %scan3A_487 to %scan3A_489 step %scan3A_490 iter_args(%scan3A_595 = %scan3A_486) -> (i32)  : i32 {
        %lt3A_596 = arith.constant 16 : i32
        %lt3A_597 = arith.cmpi slt, %scan3A_594, %lt3A_596 : i32
        %select_n3A_598 = arith.select %lt3A_597, %select_n3A_436, %select_n3A_482 : vector<16xi32>
        %and3A_599 = arith.constant 15 : i32
        %and3A_600 = arith.andi %scan3A_594, %and3A_599 : i32
        %eq3A_601 = vector.broadcast %and3A_600 : i32 to vector<16xi32>
        %eq3A_602 = arith.cmpi eq, %iota3A_485, %eq3A_601 : vector<16xi32>
        %jit3A_603 = arith.constant 0 : i32
        %broadcast_in_dim3A_604 = vector.broadcast %jit3A_603 : i32 to vector<16xi32>
        %select_n3A_605 = arith.select %eq3A_602, %select_n3A_598, %broadcast_in_dim3A_604 : vector<16xi1>, vector<16xi32>
        %reduce_sum3A_606 = arith.constant true
        %reduce_sum3A_607 = vector.broadcast %reduce_sum3A_606 : i1 to vector<16xi1>
        %reduce_sum3A_608 = tpu.scan <sum>, %select_n3A_605 masked %reduce_sum3A_607 : vector<16xi32>, vector<16xi1> -> vector<16xi32>
        %reduce_sum3A_609 = vector.extract %reduce_sum3A_608[15] : i32 from vector<16xi32>
        %shift_right_logical3A = arith.constant 6 : i32
        %shift_right_logical3A_610 = arith.shrui %reduce_sum3A_609, %shift_right_logical3A : i32
        %and3A_611 = arith.constant 63 : i32
        %and3A_612 = arith.andi %reduce_sum3A_609, %and3A_611 : i32
        %add3A_613 = arith.constant 0 : i32
        %add3A_614 = arith.addi %add3A_613, %scan3A_594 : i32
        %dma_start3A_615 = arith.constant 0 : i32
        %dma_start3A_616 = tpu.memref_slice %arg10[%add3A_614, %dma_start3A_615] : memref<40x85xf32, #tpu.memory_space<vmem>> -> memref<1x85xf32, #tpu.memory_space<vmem>>
        %dma_start3A_617 = arith.constant 0 : i32
        %dma_start3A_618 = tpu.memref_slice %arg2[%select_n3A, %shift_right_logical3A_610, %and3A_612, %dma_start3A_617] : memref<16x64x64x85xf32, #tpu.memory_space<hbm>> -> memref<1x1x1x85xf32, #tpu.memory_space<hbm>>
        %dma_start3A_619 = tpu.memref_squeeze %dma_start3A_618 : memref<1x1x1x85xf32, #tpu.memory_space<hbm>> -> memref<1x85xf32, #tpu.memory_space<hbm>>
        %dma_start3A_620 = arith.constant 0 : i32
        %dma_start3A_621 = tpu.memref_slice %arg10[%add3A_614, %dma_start3A_620] : memref<40x85xf32, #tpu.memory_space<vmem>> -> memref<1x85xf32, #tpu.memory_space<vmem>>
        %dma_start3A_622 = arith.constant 0 : i32
        %dma_start3A_623 = tpu.memref_slice %arg2[%select_n3A, %shift_right_logical3A_610, %and3A_612, %dma_start3A_622] : memref<16x64x64x85xf32, #tpu.memory_space<hbm>> -> memref<1x1x1x85xf32, #tpu.memory_space<hbm>>
        %dma_start3A_624 = tpu.memref_squeeze %dma_start3A_623 : memref<1x1x1x85xf32, #tpu.memory_space<hbm>> -> memref<1x85xf32, #tpu.memory_space<hbm>>
        tpu.enqueue_dma source(%dma_start3A_624 : memref<1x85xf32, #tpu.memory_space<hbm>>) target(%dma_start3A_621 : memref<1x85xf32, #tpu.memory_space<vmem>>) target_semaphore(%arg17 : memref<!tpu.dma_semaphore, #tpu.memory_space<semaphore_mem>>)
        %scan3A_625 = arith.constant 0 : i32
        scf.yield %scan3A_625 : i32
      }
      %scan3A_492 = arith.constant 20 : i32
      %iota3A_493 = tpu.iota {dimensions = array<i32: 0>} : vector<16xi32>
      %add3A_494 = arith.constant 0 : i32
      %add3A_495 = vector.broadcast %add3A_494 : i32 to vector<16xi32>
      %add3A_496 = arith.addi %iota3A_493, %add3A_495 : vector<16xi32>
      %min3A_497 = arith.constant 19 : i32
      %min3A_498 = vector.broadcast %min3A_497 : i32 to vector<16xi32>
      %min3A_499 = arith.minsi %add3A_496, %min3A_498 : vector<16xi32>
      %mul3A_500 = arith.constant 4 : i32
      %mul3A_501 = vector.broadcast %mul3A_500 : i32 to vector<16xi32>
      %mul3A_502 = arith.muli %min3A_499, %mul3A_501 : vector<16xi32>
      %gather3A_503 = tpu.vector_load_idx %arg11[%mul3A_502] : memref<80xf32, #tpu.memory_space<vmem>>[vector<16xi32>], vector<16xf32>,
      %add3A_504 = arith.constant 1 : i32
      %add3A_505 = vector.broadcast %add3A_504 : i32 to vector<16xi32>
      %add3A_506 = arith.addi %mul3A_502, %add3A_505 : vector<16xi32>
      %gather3A_507 = tpu.vector_load_idx %arg11[%add3A_506] : memref<80xf32, #tpu.memory_space<vmem>>[vector<16xi32>], vector<16xf32>,
      %mul3A_508 = arith.constant 1.600000e+01 : f32
      %mul3A_509 = vector.broadcast %mul3A_508 : f32 to vector<16xf32>
      %mul3A_510 = arith.mulf %gather3A_503, %mul3A_509 : vector<16xf32>
      %convert_element_type3A_511 = arith.fptosi %mul3A_510 : vector<16xf32> to vector<16xi32>
      %jit3A_512 = arith.constant 0 : i32
      %jit3A_513 = arith.constant 15 : i32
      %max3A_514 = vector.broadcast %jit3A_512 : i32 to vector<16xi32>
      %max3A_515 = arith.maxsi %max3A_514, %convert_element_type3A_511 : vector<16xi32>
      %min3A_516 = vector.broadcast %jit3A_513 : i32 to vector<16xi32>
      %min3A_517 = arith.minsi %min3A_516, %max3A_515 : vector<16xi32>
      %mul3A_518 = arith.constant 1.600000e+01 : f32
      %mul3A_519 = vector.broadcast %mul3A_518 : f32 to vector<16xf32>
      %mul3A_520 = arith.mulf %gather3A_507, %mul3A_519 : vector<16xf32>
      %convert_element_type3A_521 = arith.fptosi %mul3A_520 : vector<16xf32> to vector<16xi32>
      %jit3A_522 = arith.constant 0 : i32
      %jit3A_523 = arith.constant 15 : i32
      %max3A_524 = vector.broadcast %jit3A_522 : i32 to vector<16xi32>
      %max3A_525 = arith.maxsi %max3A_524, %convert_element_type3A_521 : vector<16xi32>
      %min3A_526 = vector.broadcast %jit3A_523 : i32 to vector<16xi32>
      %min3A_527 = arith.minsi %min3A_526, %max3A_525 : vector<16xi32>
      %mul3A_528 = arith.constant 16 : i32
      %mul3A_529 = vector.broadcast %mul3A_528 : i32 to vector<16xi32>
      %mul3A_530 = arith.muli %min3A_527, %mul3A_529 : vector<16xi32>
      %add3A_531 = arith.addi %mul3A_530, %min3A_517 : vector<16xi32>
      %lt3A_532 = arith.constant 20 : i32
      %lt3A_533 = vector.broadcast %lt3A_532 : i32 to vector<16xi32>
      %lt3A_534 = arith.cmpi slt, %add3A_496, %lt3A_533 : vector<16xi32>
      %jit3A_535 = arith.constant -1 : i32
      %broadcast_in_dim3A_536 = vector.broadcast %jit3A_535 : i32 to vector<16xi32>
      %select_n3A_537 = arith.select %lt3A_534, %add3A_531, %broadcast_in_dim3A_536 : vector<16xi1>, vector<16xi32>
      %swap3A_538 = arith.constant 32 : index
      %swap3A_539 = tpu.vector_load %arg13[%swap3A_538] {strides = array<i32>} : memref<64xi32, #tpu.memory_space<vmem>>, vector<16xi32>,
      tpu.vector_store %arg13[%swap3A_538], %select_n3A_537 {strides = array<i32>} : memref<64xi32, #tpu.memory_space<vmem>>, vector<16xi32>,
      %add3A_540 = arith.constant 16 : i32
      %add3A_541 = vector.broadcast %add3A_540 : i32 to vector<16xi32>
      %add3A_542 = arith.addi %iota3A_493, %add3A_541 : vector<16xi32>
      %min3A_543 = arith.constant 19 : i32
      %min3A_544 = vector.broadcast %min3A_543 : i32 to vector<16xi32>
      %min3A_545 = arith.minsi %add3A_542, %min3A_544 : vector<16xi32>
      %mul3A_546 = arith.constant 4 : i32
      %mul3A_547 = vector.broadcast %mul3A_546 : i32 to vector<16xi32>
      %mul3A_548 = arith.muli %min3A_545, %mul3A_547 : vector<16xi32>
      %gather3A_549 = tpu.vector_load_idx %arg11[%mul3A_548] : memref<80xf32, #tpu.memory_space<vmem>>[vector<16xi32>], vector<16xf32>,
      %add3A_550 = arith.constant 1 : i32
      %add3A_551 = vector.broadcast %add3A_550 : i32 to vector<16xi32>
      %add3A_552 = arith.addi %mul3A_548, %add3A_551 : vector<16xi32>
      %gather3A_553 = tpu.vector_load_idx %arg11[%add3A_552] : memref<80xf32, #tpu.memory_space<vmem>>[vector<16xi32>], vector<16xf32>,
      %mul3A_554 = arith.constant 1.600000e+01 : f32
      %mul3A_555 = vector.broadcast %mul3A_554 : f32 to vector<16xf32>
      %mul3A_556 = arith.mulf %gather3A_549, %mul3A_555 : vector<16xf32>
      %convert_element_type3A_557 = arith.fptosi %mul3A_556 : vector<16xf32> to vector<16xi32>
      %jit3A_558 = arith.constant 0 : i32
      %jit3A_559 = arith.constant 15 : i32
      %max3A_560 = vector.broadcast %jit3A_558 : i32 to vector<16xi32>
      %max3A_561 = arith.maxsi %max3A_560, %convert_element_type3A_557 : vector<16xi32>
      %min3A_562 = vector.broadcast %jit3A_559 : i32 to vector<16xi32>
      %min3A_563 = arith.minsi %min3A_562, %max3A_561 : vector<16xi32>
      %mul3A_564 = arith.constant 1.600000e+01 : f32
      %mul3A_565 = vector.broadcast %mul3A_564 : f32 to vector<16xf32>
      %mul3A_566 = arith.mulf %gather3A_553, %mul3A_565 : vector<16xf32>
      %convert_element_type3A_567 = arith.fptosi %mul3A_566 : vector<16xf32> to vector<16xi32>
      %jit3A_568 = arith.constant 0 : i32
      %jit3A_569 = arith.constant 15 : i32
      %max3A_570 = vector.broadcast %jit3A_568 : i32 to vector<16xi32>
      %max3A_571 = arith.maxsi %max3A_570, %convert_element_type3A_567 : vector<16xi32>
      %min3A_572 = vector.broadcast %jit3A_569 : i32 to vector<16xi32>
      %min3A_573 = arith.minsi %min3A_572, %max3A_571 : vector<16xi32>
      %mul3A_574 = arith.constant 16 : i32
      %mul3A_575 = vector.broadcast %mul3A_574 : i32 to vector<16xi32>
      %mul3A_576 = arith.muli %min3A_573, %mul3A_575 : vector<16xi32>
      %add3A_577 = arith.addi %mul3A_576, %min3A_563 : vector<16xi32>
      %lt3A_578 = arith.constant 20 : i32
      %lt3A_579 = vector.broadcast %lt3A_578 : i32 to vector<16xi32>
      %lt3A_580 = arith.cmpi slt, %add3A_542, %lt3A_579 : vector<16xi32>
      %jit3A_581 = arith.constant -1 : i32
      %broadcast_in_dim3A_582 = vector.broadcast %jit3A_581 : i32 to vector<16xi32>
      %select_n3A_583 = arith.select %lt3A_580, %add3A_577, %broadcast_in_dim3A_582 : vector<16xi1>, vector<16xi32>
      %swap3A_584 = arith.constant 48 : index
      %swap3A_585 = tpu.vector_load %arg13[%swap3A_584] {strides = array<i32>} : memref<64xi32, #tpu.memory_space<vmem>>, vector<16xi32>,
      tpu.vector_store %arg13[%swap3A_584], %select_n3A_583 {strides = array<i32>} : memref<64xi32, #tpu.memory_space<vmem>>, vector<16xi32>,
      %iota3A_586 = tpu.iota {dimensions = array<i32: 0>} : vector<16xi32>
      %scan3A_587 = arith.constant 0 : i32
      %scan3A_588 = arith.constant 0 : i32
      %scan3A_589 = arith.constant 20 : i32
      %scan3A_590 = arith.addi %scan3A_588, %scan3A_589 : i32
      %scan3A_591 = arith.constant 1 : i32
      %scan3A_592 = scf.for %scan3A_594 = %scan3A_588 to %scan3A_590 step %scan3A_591 iter_args(%scan3A_595 = %scan3A_587) -> (i32)  : i32 {
        %lt3A_596 = arith.constant 16 : i32
        %lt3A_597 = arith.cmpi slt, %scan3A_594, %lt3A_596 : i32
        %select_n3A_598 = arith.select %lt3A_597, %select_n3A_537, %select_n3A_583 : vector<16xi32>
        %and3A_599 = arith.constant 15 : i32
        %and3A_600 = arith.andi %scan3A_594, %and3A_599 : i32
        %eq3A_601 = vector.broadcast %and3A_600 : i32 to vector<16xi32>
        %eq3A_602 = arith.cmpi eq, %iota3A_586, %eq3A_601 : vector<16xi32>
        %jit3A_603 = arith.constant 0 : i32
        %broadcast_in_dim3A_604 = vector.broadcast %jit3A_603 : i32 to vector<16xi32>
        %select_n3A_605 = arith.select %eq3A_602, %select_n3A_598, %broadcast_in_dim3A_604 : vector<16xi1>, vector<16xi32>
        %reduce_sum3A_606 = arith.constant true
        %reduce_sum3A_607 = vector.broadcast %reduce_sum3A_606 : i1 to vector<16xi1>
        %reduce_sum3A_608 = tpu.scan <sum>, %select_n3A_605 masked %reduce_sum3A_607 : vector<16xi32>, vector<16xi1> -> vector<16xi32>
        %reduce_sum3A_609 = vector.extract %reduce_sum3A_608[15] : i32 from vector<16xi32>
        %shift_right_logical3A = arith.constant 4 : i32
        %shift_right_logical3A_610 = arith.shrui %reduce_sum3A_609, %shift_right_logical3A : i32
        %and3A_611 = arith.constant 15 : i32
        %and3A_612 = arith.andi %reduce_sum3A_609, %and3A_611 : i32
        %add3A_613 = arith.constant 20 : i32
        %add3A_614 = arith.addi %add3A_613, %scan3A_594 : i32
        %dma_start3A_615 = arith.constant 0 : i32
        %dma_start3A_616 = tpu.memref_slice %arg10[%add3A_614, %dma_start3A_615] : memref<40x85xf32, #tpu.memory_space<vmem>> -> memref<1x85xf32, #tpu.memory_space<vmem>>
        %dma_start3A_617 = arith.constant 0 : i32
        %dma_start3A_618 = tpu.memref_slice %arg4[%select_n3A, %shift_right_logical3A_610, %and3A_612, %dma_start3A_617] : memref<16x16x16x85xf32, #tpu.memory_space<hbm>> -> memref<1x1x1x85xf32, #tpu.memory_space<hbm>>
        %dma_start3A_619 = tpu.memref_squeeze %dma_start3A_618 : memref<1x1x1x85xf32, #tpu.memory_space<hbm>> -> memref<1x85xf32, #tpu.memory_space<hbm>>
        %dma_start3A_620 = arith.constant 0 : i32
        %dma_start3A_621 = tpu.memref_slice %arg10[%add3A_614, %dma_start3A_620] : memref<40x85xf32, #tpu.memory_space<vmem>> -> memref<1x85xf32, #tpu.memory_space<vmem>>
        %dma_start3A_622 = arith.constant 0 : i32
        %dma_start3A_623 = tpu.memref_slice %arg4[%select_n3A, %shift_right_logical3A_610, %and3A_612, %dma_start3A_622] : memref<16x16x16x85xf32, #tpu.memory_space<hbm>> -> memref<1x1x1x85xf32, #tpu.memory_space<hbm>>
        %dma_start3A_624 = tpu.memref_squeeze %dma_start3A_623 : memref<1x1x1x85xf32, #tpu.memory_space<hbm>> -> memref<1x85xf32, #tpu.memory_space<hbm>>
        tpu.enqueue_dma source(%dma_start3A_624 : memref<1x85xf32, #tpu.memory_space<hbm>>) target(%dma_start3A_621 : memref<1x85xf32, #tpu.memory_space<vmem>>) target_semaphore(%arg17 : memref<!tpu.dma_semaphore, #tpu.memory_space<semaphore_mem>>)
        %scan3A_625 = arith.constant 0 : i32
        scf.yield %scan3A_625 : i32
      }
      %scan3A_593 = arith.constant 20 : i32
    } else {
    }
    %ge3A = arith.constant 16 : i32
    %ge3A_62 = arith.cmpi sge, %add3A, %ge3A : i32
    %convert_element_type3A_63 = arith.extui %ge3A_62 : i1 to i32
    %cond3A_64 = arith.constant 0 : i32
    %cond3A_65 = arith.cmpi ne, %convert_element_type3A_63, %cond3A_64 : i32
    scf.if %cond3A_65 {
      %iota3A_395 = tpu.iota {dimensions = array<i32: 0>} : vector<16xi32>
      %add3A_396 = arith.constant 0 : i32
      %add3A_397 = vector.broadcast %add3A_396 : i32 to vector<16xi32>
      %add3A_398 = arith.addi %iota3A_395, %add3A_397 : vector<16xi32>
      %min3A = arith.constant 19 : i32
      %min3A_399 = vector.broadcast %min3A : i32 to vector<16xi32>
      %min3A_400 = arith.minsi %add3A_398, %min3A_399 : vector<16xi32>
      %mul3A_401 = arith.constant 4 : i32
      %mul3A_402 = vector.broadcast %mul3A_401 : i32 to vector<16xi32>
      %mul3A_403 = arith.muli %min3A_400, %mul3A_402 : vector<16xi32>
      %gather3A = tpu.vector_load_idx %arg11[%mul3A_403] : memref<80xf32, #tpu.memory_space<vmem>>[vector<16xi32>], vector<16xf32>,
      %add3A_404 = arith.constant 1 : i32
      %add3A_405 = vector.broadcast %add3A_404 : i32 to vector<16xi32>
      %add3A_406 = arith.addi %mul3A_403, %add3A_405 : vector<16xi32>
      %gather3A_407 = tpu.vector_load_idx %arg11[%add3A_406] : memref<80xf32, #tpu.memory_space<vmem>>[vector<16xi32>], vector<16xf32>,
      %mul3A_408 = arith.constant 3.200000e+01 : f32
      %mul3A_409 = vector.broadcast %mul3A_408 : f32 to vector<16xf32>
      %mul3A_410 = arith.mulf %gather3A, %mul3A_409 : vector<16xf32>
      %convert_element_type3A_411 = arith.fptosi %mul3A_410 : vector<16xf32> to vector<16xi32>
      %jit3A_412 = arith.constant 0 : i32
      %jit3A_413 = arith.constant 31 : i32
      %max3A = vector.broadcast %jit3A_412 : i32 to vector<16xi32>
      %max3A_414 = arith.maxsi %max3A, %convert_element_type3A_411 : vector<16xi32>
      %min3A_415 = vector.broadcast %jit3A_413 : i32 to vector<16xi32>
      %min3A_416 = arith.minsi %min3A_415, %max3A_414 : vector<16xi32>
      %mul3A_417 = arith.constant 3.200000e+01 : f32
      %mul3A_418 = vector.broadcast %mul3A_417 : f32 to vector<16xf32>
      %mul3A_419 = arith.mulf %gather3A_407, %mul3A_418 : vector<16xf32>
      %convert_element_type3A_420 = arith.fptosi %mul3A_419 : vector<16xf32> to vector<16xi32>
      %jit3A_421 = arith.constant 0 : i32
      %jit3A_422 = arith.constant 31 : i32
      %max3A_423 = vector.broadcast %jit3A_421 : i32 to vector<16xi32>
      %max3A_424 = arith.maxsi %max3A_423, %convert_element_type3A_420 : vector<16xi32>
      %min3A_425 = vector.broadcast %jit3A_422 : i32 to vector<16xi32>
      %min3A_426 = arith.minsi %min3A_425, %max3A_424 : vector<16xi32>
      %mul3A_427 = arith.constant 32 : i32
      %mul3A_428 = vector.broadcast %mul3A_427 : i32 to vector<16xi32>
      %mul3A_429 = arith.muli %min3A_426, %mul3A_428 : vector<16xi32>
      %add3A_430 = arith.addi %mul3A_429, %min3A_416 : vector<16xi32>
      %lt3A_431 = arith.constant 20 : i32
      %lt3A_432 = vector.broadcast %lt3A_431 : i32 to vector<16xi32>
      %lt3A_433 = arith.cmpi slt, %add3A_398, %lt3A_432 : vector<16xi32>
      %jit3A_434 = arith.constant -1 : i32
      %broadcast_in_dim3A_435 = vector.broadcast %jit3A_434 : i32 to vector<16xi32>
      %select_n3A_436 = arith.select %lt3A_433, %add3A_430, %broadcast_in_dim3A_435 : vector<16xi1>, vector<16xi32>
      %swap3A_437 = arith.constant 0 : index
      %swap3A_438 = tpu.vector_load %arg13[%swap3A_437] {strides = array<i32>} : memref<64xi32, #tpu.memory_space<vmem>>, vector<16xi32>,
      tpu.vector_store %arg13[%swap3A_437], %select_n3A_436 {strides = array<i32>} : memref<64xi32, #tpu.memory_space<vmem>>, vector<16xi32>,
      %add3A_439 = arith.constant 16 : i32
      %add3A_440 = vector.broadcast %add3A_439 : i32 to vector<16xi32>
      %add3A_441 = arith.addi %iota3A_395, %add3A_440 : vector<16xi32>
      %min3A_442 = arith.constant 19 : i32
      %min3A_443 = vector.broadcast %min3A_442 : i32 to vector<16xi32>
      %min3A_444 = arith.minsi %add3A_441, %min3A_443 : vector<16xi32>
      %mul3A_445 = arith.constant 4 : i32
      %mul3A_446 = vector.broadcast %mul3A_445 : i32 to vector<16xi32>
      %mul3A_447 = arith.muli %min3A_444, %mul3A_446 : vector<16xi32>
      %gather3A_448 = tpu.vector_load_idx %arg11[%mul3A_447] : memref<80xf32, #tpu.memory_space<vmem>>[vector<16xi32>], vector<16xf32>,
      %add3A_449 = arith.constant 1 : i32
      %add3A_450 = vector.broadcast %add3A_449 : i32 to vector<16xi32>
      %add3A_451 = arith.addi %mul3A_447, %add3A_450 : vector<16xi32>
      %gather3A_452 = tpu.vector_load_idx %arg11[%add3A_451] : memref<80xf32, #tpu.memory_space<vmem>>[vector<16xi32>], vector<16xf32>,
      %mul3A_453 = arith.constant 3.200000e+01 : f32
      %mul3A_454 = vector.broadcast %mul3A_453 : f32 to vector<16xf32>
      %mul3A_455 = arith.mulf %gather3A_448, %mul3A_454 : vector<16xf32>
      %convert_element_type3A_456 = arith.fptosi %mul3A_455 : vector<16xf32> to vector<16xi32>
      %jit3A_457 = arith.constant 0 : i32
      %jit3A_458 = arith.constant 31 : i32
      %max3A_459 = vector.broadcast %jit3A_457 : i32 to vector<16xi32>
      %max3A_460 = arith.maxsi %max3A_459, %convert_element_type3A_456 : vector<16xi32>
      %min3A_461 = vector.broadcast %jit3A_458 : i32 to vector<16xi32>
      %min3A_462 = arith.minsi %min3A_461, %max3A_460 : vector<16xi32>
      %mul3A_463 = arith.constant 3.200000e+01 : f32
      %mul3A_464 = vector.broadcast %mul3A_463 : f32 to vector<16xf32>
      %mul3A_465 = arith.mulf %gather3A_452, %mul3A_464 : vector<16xf32>
      %convert_element_type3A_466 = arith.fptosi %mul3A_465 : vector<16xf32> to vector<16xi32>
      %jit3A_467 = arith.constant 0 : i32
      %jit3A_468 = arith.constant 31 : i32
      %max3A_469 = vector.broadcast %jit3A_467 : i32 to vector<16xi32>
      %max3A_470 = arith.maxsi %max3A_469, %convert_element_type3A_466 : vector<16xi32>
      %min3A_471 = vector.broadcast %jit3A_468 : i32 to vector<16xi32>
      %min3A_472 = arith.minsi %min3A_471, %max3A_470 : vector<16xi32>
      %mul3A_473 = arith.constant 32 : i32
      %mul3A_474 = vector.broadcast %mul3A_473 : i32 to vector<16xi32>
      %mul3A_475 = arith.muli %min3A_472, %mul3A_474 : vector<16xi32>
      %add3A_476 = arith.addi %mul3A_475, %min3A_462 : vector<16xi32>
      %lt3A_477 = arith.constant 20 : i32
      %lt3A_478 = vector.broadcast %lt3A_477 : i32 to vector<16xi32>
      %lt3A_479 = arith.cmpi slt, %add3A_441, %lt3A_478 : vector<16xi32>
      %jit3A_480 = arith.constant -1 : i32
      %broadcast_in_dim3A_481 = vector.broadcast %jit3A_480 : i32 to vector<16xi32>
      %select_n3A_482 = arith.select %lt3A_479, %add3A_476, %broadcast_in_dim3A_481 : vector<16xi1>, vector<16xi32>
      %swap3A_483 = arith.constant 16 : index
      %swap3A_484 = tpu.vector_load %arg13[%swap3A_483] {strides = array<i32>} : memref<64xi32, #tpu.memory_space<vmem>>, vector<16xi32>,
      tpu.vector_store %arg13[%swap3A_483], %select_n3A_482 {strides = array<i32>} : memref<64xi32, #tpu.memory_space<vmem>>, vector<16xi32>,
      %iota3A_485 = tpu.iota {dimensions = array<i32: 0>} : vector<16xi32>
      %scan3A_486 = arith.constant 0 : i32
      %scan3A_487 = arith.constant 0 : i32
      %scan3A_488 = arith.constant 20 : i32
      %scan3A_489 = arith.addi %scan3A_487, %scan3A_488 : i32
      %scan3A_490 = arith.constant 1 : i32
      %scan3A_491 = scf.for %scan3A_493 = %scan3A_487 to %scan3A_489 step %scan3A_490 iter_args(%scan3A_494 = %scan3A_486) -> (i32)  : i32 {
        %lt3A_495 = arith.constant 16 : i32
        %lt3A_496 = arith.cmpi slt, %scan3A_493, %lt3A_495 : i32
        %select_n3A_497 = arith.select %lt3A_496, %select_n3A_436, %select_n3A_482 : vector<16xi32>
        %and3A_498 = arith.constant 15 : i32
        %and3A_499 = arith.andi %scan3A_493, %and3A_498 : i32
        %eq3A_500 = vector.broadcast %and3A_499 : i32 to vector<16xi32>
        %eq3A_501 = arith.cmpi eq, %iota3A_485, %eq3A_500 : vector<16xi32>
        %jit3A_502 = arith.constant 0 : i32
        %broadcast_in_dim3A_503 = vector.broadcast %jit3A_502 : i32 to vector<16xi32>
        %select_n3A_504 = arith.select %eq3A_501, %select_n3A_497, %broadcast_in_dim3A_503 : vector<16xi1>, vector<16xi32>
        %reduce_sum3A_505 = arith.constant true
        %reduce_sum3A_506 = vector.broadcast %reduce_sum3A_505 : i1 to vector<16xi1>
        %reduce_sum3A_507 = tpu.scan <sum>, %select_n3A_504 masked %reduce_sum3A_506 : vector<16xi32>, vector<16xi1> -> vector<16xi32>
        %reduce_sum3A_508 = vector.extract %reduce_sum3A_507[15] : i32 from vector<16xi32>
        %shift_right_logical3A = arith.constant 5 : i32
        %shift_right_logical3A_509 = arith.shrui %reduce_sum3A_508, %shift_right_logical3A : i32
        %and3A_510 = arith.constant 31 : i32
        %and3A_511 = arith.andi %reduce_sum3A_508, %and3A_510 : i32
        %add3A_512 = arith.constant 0 : i32
        %add3A_513 = arith.addi %add3A_512, %scan3A_493 : i32
        %dma_start3A_514 = arith.constant 0 : i32
        %dma_start3A_515 = tpu.memref_slice %arg10[%add3A_513, %dma_start3A_514] : memref<40x85xf32, #tpu.memory_space<vmem>> -> memref<1x85xf32, #tpu.memory_space<vmem>>
        %dma_start3A_516 = arith.constant 0 : i32
        %dma_start3A_517 = tpu.memref_slice %arg3[%select_n3A, %shift_right_logical3A_509, %and3A_511, %dma_start3A_516] : memref<16x32x32x85xf32, #tpu.memory_space<hbm>> -> memref<1x1x1x85xf32, #tpu.memory_space<hbm>>
        %dma_start3A_518 = tpu.memref_squeeze %dma_start3A_517 : memref<1x1x1x85xf32, #tpu.memory_space<hbm>> -> memref<1x85xf32, #tpu.memory_space<hbm>>
        %dma_start3A_519 = arith.constant 0 : i32
        %dma_start3A_520 = tpu.memref_slice %arg10[%add3A_513, %dma_start3A_519] : memref<40x85xf32, #tpu.memory_space<vmem>> -> memref<1x85xf32, #tpu.memory_space<vmem>>
        %dma_start3A_521 = arith.constant 0 : i32
        %dma_start3A_522 = tpu.memref_slice %arg3[%select_n3A, %shift_right_logical3A_509, %and3A_511, %dma_start3A_521] : memref<16x32x32x85xf32, #tpu.memory_space<hbm>> -> memref<1x1x1x85xf32, #tpu.memory_space<hbm>>
        %dma_start3A_523 = tpu.memref_squeeze %dma_start3A_522 : memref<1x1x1x85xf32, #tpu.memory_space<hbm>> -> memref<1x85xf32, #tpu.memory_space<hbm>>
        tpu.enqueue_dma source(%dma_start3A_523 : memref<1x85xf32, #tpu.memory_space<hbm>>) target(%dma_start3A_520 : memref<1x85xf32, #tpu.memory_space<vmem>>) target_semaphore(%arg17 : memref<!tpu.dma_semaphore, #tpu.memory_space<semaphore_mem>>)
        %scan3A_524 = arith.constant 0 : i32
        scf.yield %scan3A_524 : i32
      }
      %scan3A_492 = arith.constant 20 : i32
    } else {
    }
    %iota3A_66 = tpu.iota {dimensions = array<i32: 0>} : vector<16xi32>
    %scan3A = arith.constant 0.000000e+00 : f32
    %scan3A_67 = arith.constant 0 : i32
    %scan3A_68 = arith.constant 4 : i32
    %scan3A_69 = arith.addi %scan3A_67, %scan3A_68 : i32
    %scan3A_70 = arith.constant 1 : i32
    %scan3A_71 = scf.for %scan3A_395 = %scan3A_67 to %scan3A_69 step %scan3A_70 iter_args(%scan3A_396 = %scan3A) -> (f32)  : i32 {
      %mul3A_397 = arith.constant 2 : i32
      %mul3A_398 = arith.muli %mul3A_397, %scan3A_395 : i32
      %add3A_399 = arith.constant 1 : i32
      %add3A_400 = arith.addi %mul3A_398, %add3A_399 : i32
      %mul3A_401 = arith.constant 8 : i32
      %mul3A_402 = arith.muli %add3A, %mul3A_401 : i32
      %add3A_403 = arith.addi %mul3A_402, %add3A_400 : i32
      %jit3A_404 = arith.constant 16 : i32
      %div3A_405 = arith.divsi %add3A_403, %jit3A_404 : i32
      %sign3A_406 = arith.constant 0 : i32
      %sign3A_407 = arith.cmpi sgt, %add3A_403, %sign3A_406 : i32
      %sign3A_408 = arith.extui %sign3A_407 : i1 to i32
      %sign3A_409 = arith.constant 0 : i32
      %sign3A_410 = arith.cmpi slt, %add3A_403, %sign3A_409 : i32
      %sign3A_411 = arith.extui %sign3A_410 : i1 to i32
      %sign3A_412 = arith.subi %sign3A_408, %sign3A_411 : i32
      %sign3A_413 = arith.constant 0 : i32
      %sign3A_414 = arith.cmpi sgt, %jit3A_404, %sign3A_413 : i32
      %sign3A_415 = arith.extui %sign3A_414 : i1 to i32
      %sign3A_416 = arith.constant 0 : i32
      %sign3A_417 = arith.cmpi slt, %jit3A_404, %sign3A_416 : i32
      %sign3A_418 = arith.extui %sign3A_417 : i1 to i32
      %sign3A_419 = arith.subi %sign3A_415, %sign3A_418 : i32
      %ne3A_420 = arith.cmpi ne, %sign3A_412, %sign3A_419 : i32
      %rem3A_421 = arith.remsi %add3A_403, %jit3A_404 : i32
      %ne3A_422 = arith.constant 0 : i32
      %ne3A_423 = arith.cmpi ne, %rem3A_421, %ne3A_422 : i32
      %and3A_424 = arith.andi %ne3A_420, %ne3A_423 : i1
      %sub3A_425 = arith.constant 1 : i32
      %sub3A_426 = arith.subi %div3A_405, %sub3A_425 : i32
      %select_n3A_427 = arith.select %and3A_424, %sub3A_426, %div3A_405 : i32
      %jit3A_428 = arith.constant 16 : i32
      %eq3A_429 = arith.constant 0 : i32
      %eq3A_430 = arith.cmpi eq, %jit3A_428, %eq3A_429 : i32
      %jit3A_431 = arith.constant 1 : i32
      %select_n3A_432 = arith.select %eq3A_430, %jit3A_431, %jit3A_428 : i32
      %rem3A_433 = arith.remsi %add3A_403, %select_n3A_432 : i32
      %ne3A_434 = arith.constant 0 : i32
      %ne3A_435 = arith.cmpi ne, %rem3A_433, %ne3A_434 : i32
      %lt3A_436 = arith.constant 0 : i32
      %lt3A_437 = arith.cmpi slt, %rem3A_433, %lt3A_436 : i32
      %lt3A_438 = arith.constant 0 : i32
      %lt3A_439 = arith.cmpi slt, %select_n3A_432, %lt3A_438 : i32
      %ne3A_440 = arith.xori %lt3A_437, %lt3A_439 : i1
      %and3A_441 = arith.andi %ne3A_440, %ne3A_435 : i1
      %add3A_442 = arith.addi %rem3A_433, %select_n3A_432 : i32
      %select_n3A_443 = arith.select %and3A_441, %add3A_442, %rem3A_433 : i32
      %mul3A_444 = arith.constant 4 : i32
      %mul3A_445 = arith.muli %select_n3A_443, %mul3A_444 : i32
      %dma_start3A_446 = arith.constant 0 : i32
      %dma_start3A_447 = arith.constant 0 : i32
      %dma_start3A_448 = arith.constant 0 : i32
      %dma_start3A_449 = tpu.memref_slice %arg9[%dma_start3A_446, %dma_start3A_447, %dma_start3A_448] : memref<4x64x85xf32, #tpu.memory_space<vmem>> -> memref<4x64x85xf32, #tpu.memory_space<vmem>>
      %dma_start3A_450 = arith.constant 0 : i32
      %dma_start3A_451 = arith.constant 0 : i32
      %dma_start3A_452 = tpu.memref_slice %arg2[%select_n3A_427, %mul3A_445, %dma_start3A_450, %dma_start3A_451] : memref<16x64x64x85xf32, #tpu.memory_space<hbm>> -> memref<1x4x64x85xf32, #tpu.memory_space<hbm>>
      %dma_start3A_453 = tpu.memref_squeeze %dma_start3A_452 : memref<1x4x64x85xf32, #tpu.memory_space<hbm>> -> memref<4x64x85xf32, #tpu.memory_space<hbm>>
      %dma_start3A_454 = arith.constant 0 : i32
      %dma_start3A_455 = arith.constant 0 : i32
      %dma_start3A_456 = arith.constant 0 : i32
      %dma_start3A_457 = tpu.memref_slice %arg9[%dma_start3A_454, %dma_start3A_455, %dma_start3A_456] : memref<4x64x85xf32, #tpu.memory_space<vmem>> -> memref<4x64x85xf32, #tpu.memory_space<vmem>>
      %dma_start3A_458 = arith.constant 0 : i32
      %dma_start3A_459 = arith.constant 0 : i32
      %dma_start3A_460 = tpu.memref_slice %arg2[%select_n3A_427, %mul3A_445, %dma_start3A_458, %dma_start3A_459] : memref<16x64x64x85xf32, #tpu.memory_space<hbm>> -> memref<1x4x64x85xf32, #tpu.memory_space<hbm>>
      %dma_start3A_461 = tpu.memref_squeeze %dma_start3A_460 : memref<1x4x64x85xf32, #tpu.memory_space<hbm>> -> memref<4x64x85xf32, #tpu.memory_space<hbm>>
      tpu.enqueue_dma source(%dma_start3A_461 : memref<4x64x85xf32, #tpu.memory_space<hbm>>) target(%dma_start3A_457 : memref<4x64x85xf32, #tpu.memory_space<vmem>>) target_semaphore(%arg19 : memref<!tpu.dma_semaphore, #tpu.memory_space<semaphore_mem>>)
      %dma_wait3A_462 = arith.constant 0 : i32
      %dma_wait3A_463 = arith.constant 0 : i32
      %dma_wait3A_464 = arith.constant 0 : i32
      %dma_wait3A_465 = arith.constant 0 : i32
      %dma_wait3A_466 = tpu.memref_slice %arg8[%dma_wait3A_463, %dma_wait3A_464, %dma_wait3A_465] : memref<4x64x85xf32, #tpu.memory_space<vmem>> -> memref<4x64x85xf32, #tpu.memory_space<vmem>>
      %dma_wait3A_467 = arith.constant 0 : i32
      %dma_wait3A_468 = arith.constant 0 : i32
      %dma_wait3A_469 = arith.constant 0 : i32
      %dma_wait3A_470 = tpu.memref_slice %arg2[%dma_wait3A_462, %dma_wait3A_467, %dma_wait3A_468, %dma_wait3A_469] : memref<16x64x64x85xf32, #tpu.memory_space<hbm>> -> memref<1x4x64x85xf32, #tpu.memory_space<hbm>>
      %dma_wait3A_471 = tpu.memref_squeeze %dma_wait3A_470 : memref<1x4x64x85xf32, #tpu.memory_space<hbm>> -> memref<4x64x85xf32, #tpu.memory_space<hbm>>
      %dma_wait3A_472 = arith.constant 0 : i32
      %dma_wait3A_473 = arith.constant 0 : i32
      %dma_wait3A_474 = arith.constant 0 : i32
      %dma_wait3A_475 = tpu.memref_slice %arg8[%dma_wait3A_472, %dma_wait3A_473, %dma_wait3A_474] : memref<4x64x85xf32, #tpu.memory_space<vmem>> -> memref<4x64x85xf32, #tpu.memory_space<vmem>>
      %dma_wait3A_476 = arith.constant 0 : i32
      %dma_wait3A_477 = arith.constant 0 : i32
      %dma_wait3A_478 = arith.constant 0 : i32
      %dma_wait3A_479 = tpu.memref_slice %arg2[%dma_wait3A_462, %dma_wait3A_476, %dma_wait3A_477, %dma_wait3A_478] : memref<16x64x64x85xf32, #tpu.memory_space<hbm>> -> memref<1x4x64x85xf32, #tpu.memory_space<hbm>>
      %dma_wait3A_480 = tpu.memref_squeeze %dma_wait3A_479 : memref<1x4x64x85xf32, #tpu.memory_space<hbm>> -> memref<4x64x85xf32, #tpu.memory_space<hbm>>
      tpu.wait_dma2 semaphore(%arg18 : memref<!tpu.dma_semaphore, #tpu.memory_space<semaphore_mem>>) src(%dma_wait3A_480 : memref<4x64x85xf32, #tpu.memory_space<hbm>>) dst(%dma_wait3A_475 : memref<4x64x85xf32, #tpu.memory_space<vmem>>)
      %broadcast_in_dim3A_481 = arith.constant 4 : i32
      %broadcast_in_dim3A_482 = vector.broadcast %broadcast_in_dim3A_481 : i32 to vector<16xi32>
      %broadcast_in_dim3A_483 = arith.constant 0.000000e+00 : f32
      %broadcast_in_dim3A_484 = vector.broadcast %broadcast_in_dim3A_483 : f32 to vector<16xf32>
      %scan3A_485 = arith.constant 0 : i32
      %scan3A_486 = arith.constant 16 : i32
      %scan3A_487 = arith.addi %scan3A_485, %scan3A_486 : i32
      %scan3A_488 = arith.constant 1 : i32
      %scan3A_489 = scf.for %scan3A_537 = %scan3A_485 to %scan3A_487 step %scan3A_488 iter_args(%scan3A_538 = %broadcast_in_dim3A_484) -> (vector<16xf32>)  : i32 {
        %mul3A_539 = arith.constant 16 : i32
        %mul3A_540 = arith.muli %mul3A_539, %scan3A_537 : i32
        %add3A_541 = vector.broadcast %mul3A_540 : i32 to vector<16xi32>
        %add3A_542 = arith.addi %iota3A_66, %add3A_541 : vector<16xi32>
        %shift_right_logical3A = arith.constant 6 : i32
        %shift_right_logical3A_543 = vector.broadcast %shift_right_logical3A : i32 to vector<16xi32>
        %shift_right_logical3A_544 = arith.shrui %add3A_542, %shift_right_logical3A_543 : vector<16xi32>
        %and3A_545 = arith.constant 63 : i32
        %and3A_546 = vector.broadcast %and3A_545 : i32 to vector<16xi32>
        %and3A_547 = arith.andi %add3A_542, %and3A_546 : vector<16xi32>
        %gather3A = tpu.vector_load_idx %arg8[%shift_right_logical3A_544, %and3A_547, %broadcast_in_dim3A_482] : memref<4x64x85xf32, #tpu.memory_space<vmem>>[vector<16xi32>, vector<16xi32>, vector<16xi32>], vector<16xf32>,
        %max3A = arith.constant 0.000000e+00 : f32
        %max3A_548 = vector.broadcast %max3A : f32 to vector<16xf32>
        %max3A_549 = arith.maximumf %gather3A, %max3A_548 : vector<16xf32>
        %abs3A = math.absf %gather3A : vector<16xf32>
        %neg3A = arith.constant 0.000000e+00 : f32
        %neg3A_550 = vector.broadcast %neg3A : f32 to vector<16xf32>
        %neg3A_551 = arith.subf %neg3A_550, %abs3A : vector<16xf32>
        %exp3A = math.exp %neg3A_551 : vector<16xf32>
        %add3A_552 = arith.constant 2.000000e+00 : f32
        %add3A_553 = vector.broadcast %add3A_552 : f32 to vector<16xf32>
        %add3A_554 = arith.addf %add3A_553, %exp3A : vector<16xf32>
        %div3A_555 = arith.divf %exp3A, %add3A_554 : vector<16xf32>
        %mul3A_556 = arith.mulf %div3A_555, %div3A_555 : vector<16xf32>
        %mul3A_557 = arith.constant 0.111111112 : f32
        %mul3A_558 = vector.broadcast %mul3A_557 : f32 to vector<16xf32>
        %mul3A_559 = arith.mulf %mul3A_556, %mul3A_558 : vector<16xf32>
        %add3A_560 = arith.constant 0.142857149 : f32
        %add3A_561 = vector.broadcast %add3A_560 : f32 to vector<16xf32>
        %add3A_562 = arith.addf %add3A_561, %mul3A_559 : vector<16xf32>
        %mul3A_563 = arith.mulf %mul3A_556, %add3A_562 : vector<16xf32>
        %add3A_564 = arith.constant 2.000000e-01 : f32
        %add3A_565 = vector.broadcast %add3A_564 : f32 to vector<16xf32>
        %add3A_566 = arith.addf %add3A_565, %mul3A_563 : vector<16xf32>
        %mul3A_567 = arith.mulf %mul3A_556, %add3A_566 : vector<16xf32>
        %add3A_568 = arith.constant 0.333333343 : f32
        %add3A_569 = vector.broadcast %add3A_568 : f32 to vector<16xf32>
        %add3A_570 = arith.addf %add3A_569, %mul3A_567 : vector<16xf32>
        %mul3A_571 = arith.mulf %mul3A_556, %add3A_570 : vector<16xf32>
        %add3A_572 = arith.constant 1.000000e+00 : f32
        %add3A_573 = vector.broadcast %add3A_572 : f32 to vector<16xf32>
        %add3A_574 = arith.addf %add3A_573, %mul3A_571 : vector<16xf32>
        %mul3A_575 = arith.constant 2.000000e+00 : f32
        %mul3A_576 = vector.broadcast %mul3A_575 : f32 to vector<16xf32>
        %mul3A_577 = arith.mulf %mul3A_576, %div3A_555 : vector<16xf32>
        %mul3A_578 = arith.mulf %mul3A_577, %add3A_574 : vector<16xf32>
        %add3A_579 = arith.addf %max3A_549, %mul3A_578 : vector<16xf32>
        %add3A_580 = arith.addf %scan3A_538, %add3A_579 : vector<16xf32>
        scf.yield %add3A_580 : vector<16xf32>
      }
      %scan3A_490 = arith.constant 16 : i32
      %reduce_sum3A_491 = arith.constant true
      %reduce_sum3A_492 = vector.broadcast %reduce_sum3A_491 : i1 to vector<16xi1>
      %reduce_sum3A_493 = tpu.scan <sum>, %scan3A_489 masked %reduce_sum3A_492 : vector<16xf32>, vector<16xi1> -> vector<16xf32>
      %reduce_sum3A_494 = vector.extract %reduce_sum3A_493[15] : f32 from vector<16xf32>
      %add3A_495 = arith.addf %scan3A_396, %reduce_sum3A_494 : f32
      %add3A_496 = arith.constant 1 : i32
      %add3A_497 = arith.addi %scan3A_395, %add3A_496 : i32
      %lt3A_498 = arith.constant 4 : i32
      %lt3A_499 = arith.cmpi slt, %add3A_497, %lt3A_498 : i32
      %convert_element_type3A_500 = arith.extui %lt3A_499 : i1 to i32
      %cond3A_501 = arith.constant 0 : i32
      %cond3A_502 = arith.cmpi ne, %convert_element_type3A_500, %cond3A_501 : i32
      scf.if %cond3A_502 {
        %add3A_537 = arith.constant 2 : i32
        %add3A_538 = arith.addi %mul3A_398, %add3A_537 : i32
        %mul3A_539 = arith.constant 8 : i32
        %mul3A_540 = arith.muli %add3A, %mul3A_539 : i32
        %add3A_541 = arith.addi %mul3A_540, %add3A_538 : i32
        %jit3A_542 = arith.constant 16 : i32
        %div3A_543 = arith.divsi %add3A_541, %jit3A_542 : i32
        %sign3A_544 = arith.constant 0 : i32
        %sign3A_545 = arith.cmpi sgt, %add3A_541, %sign3A_544 : i32
        %sign3A_546 = arith.extui %sign3A_545 : i1 to i32
        %sign3A_547 = arith.constant 0 : i32
        %sign3A_548 = arith.cmpi slt, %add3A_541, %sign3A_547 : i32
        %sign3A_549 = arith.extui %sign3A_548 : i1 to i32
        %sign3A_550 = arith.subi %sign3A_546, %sign3A_549 : i32
        %sign3A_551 = arith.constant 0 : i32
        %sign3A_552 = arith.cmpi sgt, %jit3A_542, %sign3A_551 : i32
        %sign3A_553 = arith.extui %sign3A_552 : i1 to i32
        %sign3A_554 = arith.constant 0 : i32
        %sign3A_555 = arith.cmpi slt, %jit3A_542, %sign3A_554 : i32
        %sign3A_556 = arith.extui %sign3A_555 : i1 to i32
        %sign3A_557 = arith.subi %sign3A_553, %sign3A_556 : i32
        %ne3A_558 = arith.cmpi ne, %sign3A_550, %sign3A_557 : i32
        %rem3A_559 = arith.remsi %add3A_541, %jit3A_542 : i32
        %ne3A_560 = arith.constant 0 : i32
        %ne3A_561 = arith.cmpi ne, %rem3A_559, %ne3A_560 : i32
        %and3A_562 = arith.andi %ne3A_558, %ne3A_561 : i1
        %sub3A_563 = arith.constant 1 : i32
        %sub3A_564 = arith.subi %div3A_543, %sub3A_563 : i32
        %select_n3A_565 = arith.select %and3A_562, %sub3A_564, %div3A_543 : i32
        %jit3A_566 = arith.constant 16 : i32
        %eq3A_567 = arith.constant 0 : i32
        %eq3A_568 = arith.cmpi eq, %jit3A_566, %eq3A_567 : i32
        %jit3A_569 = arith.constant 1 : i32
        %select_n3A_570 = arith.select %eq3A_568, %jit3A_569, %jit3A_566 : i32
        %rem3A_571 = arith.remsi %add3A_541, %select_n3A_570 : i32
        %ne3A_572 = arith.constant 0 : i32
        %ne3A_573 = arith.cmpi ne, %rem3A_571, %ne3A_572 : i32
        %lt3A_574 = arith.constant 0 : i32
        %lt3A_575 = arith.cmpi slt, %rem3A_571, %lt3A_574 : i32
        %lt3A_576 = arith.constant 0 : i32
        %lt3A_577 = arith.cmpi slt, %select_n3A_570, %lt3A_576 : i32
        %ne3A_578 = arith.xori %lt3A_575, %lt3A_577 : i1
        %and3A_579 = arith.andi %ne3A_578, %ne3A_573 : i1
        %add3A_580 = arith.addi %rem3A_571, %select_n3A_570 : i32
        %select_n3A_581 = arith.select %and3A_579, %add3A_580, %rem3A_571 : i32
        %mul3A_582 = arith.constant 4 : i32
        %mul3A_583 = arith.muli %select_n3A_581, %mul3A_582 : i32
        %dma_start3A_584 = arith.constant 0 : i32
        %dma_start3A_585 = arith.constant 0 : i32
        %dma_start3A_586 = arith.constant 0 : i32
        %dma_start3A_587 = tpu.memref_slice %arg8[%dma_start3A_584, %dma_start3A_585, %dma_start3A_586] : memref<4x64x85xf32, #tpu.memory_space<vmem>> -> memref<4x64x85xf32, #tpu.memory_space<vmem>>
        %dma_start3A_588 = arith.constant 0 : i32
        %dma_start3A_589 = arith.constant 0 : i32
        %dma_start3A_590 = tpu.memref_slice %arg2[%select_n3A_565, %mul3A_583, %dma_start3A_588, %dma_start3A_589] : memref<16x64x64x85xf32, #tpu.memory_space<hbm>> -> memref<1x4x64x85xf32, #tpu.memory_space<hbm>>
        %dma_start3A_591 = tpu.memref_squeeze %dma_start3A_590 : memref<1x4x64x85xf32, #tpu.memory_space<hbm>> -> memref<4x64x85xf32, #tpu.memory_space<hbm>>
        %dma_start3A_592 = arith.constant 0 : i32
        %dma_start3A_593 = arith.constant 0 : i32
        %dma_start3A_594 = arith.constant 0 : i32
        %dma_start3A_595 = tpu.memref_slice %arg8[%dma_start3A_592, %dma_start3A_593, %dma_start3A_594] : memref<4x64x85xf32, #tpu.memory_space<vmem>> -> memref<4x64x85xf32, #tpu.memory_space<vmem>>
        %dma_start3A_596 = arith.constant 0 : i32
        %dma_start3A_597 = arith.constant 0 : i32
        %dma_start3A_598 = tpu.memref_slice %arg2[%select_n3A_565, %mul3A_583, %dma_start3A_596, %dma_start3A_597] : memref<16x64x64x85xf32, #tpu.memory_space<hbm>> -> memref<1x4x64x85xf32, #tpu.memory_space<hbm>>
        %dma_start3A_599 = tpu.memref_squeeze %dma_start3A_598 : memref<1x4x64x85xf32, #tpu.memory_space<hbm>> -> memref<4x64x85xf32, #tpu.memory_space<hbm>>
        tpu.enqueue_dma source(%dma_start3A_599 : memref<4x64x85xf32, #tpu.memory_space<hbm>>) target(%dma_start3A_595 : memref<4x64x85xf32, #tpu.memory_space<vmem>>) target_semaphore(%arg18 : memref<!tpu.dma_semaphore, #tpu.memory_space<semaphore_mem>>)
      } else {
      }
      %dma_wait3A_503 = arith.constant 0 : i32
      %dma_wait3A_504 = arith.constant 0 : i32
      %dma_wait3A_505 = arith.constant 0 : i32
      %dma_wait3A_506 = arith.constant 0 : i32
      %dma_wait3A_507 = tpu.memref_slice %arg9[%dma_wait3A_504, %dma_wait3A_505, %dma_wait3A_506] : memref<4x64x85xf32, #tpu.memory_space<vmem>> -> memref<4x64x85xf32, #tpu.memory_space<vmem>>
      %dma_wait3A_508 = arith.constant 0 : i32
      %dma_wait3A_509 = arith.constant 0 : i32
      %dma_wait3A_510 = arith.constant 0 : i32
      %dma_wait3A_511 = tpu.memref_slice %arg2[%dma_wait3A_503, %dma_wait3A_508, %dma_wait3A_509, %dma_wait3A_510] : memref<16x64x64x85xf32, #tpu.memory_space<hbm>> -> memref<1x4x64x85xf32, #tpu.memory_space<hbm>>
      %dma_wait3A_512 = tpu.memref_squeeze %dma_wait3A_511 : memref<1x4x64x85xf32, #tpu.memory_space<hbm>> -> memref<4x64x85xf32, #tpu.memory_space<hbm>>
      %dma_wait3A_513 = arith.constant 0 : i32
      %dma_wait3A_514 = arith.constant 0 : i32
      %dma_wait3A_515 = arith.constant 0 : i32
      %dma_wait3A_516 = tpu.memref_slice %arg9[%dma_wait3A_513, %dma_wait3A_514, %dma_wait3A_515] : memref<4x64x85xf32, #tpu.memory_space<vmem>> -> memref<4x64x85xf32, #tpu.memory_space<vmem>>
      %dma_wait3A_517 = arith.constant 0 : i32
      %dma_wait3A_518 = arith.constant 0 : i32
      %dma_wait3A_519 = arith.constant 0 : i32
      %dma_wait3A_520 = tpu.memref_slice %arg2[%dma_wait3A_503, %dma_wait3A_517, %dma_wait3A_518, %dma_wait3A_519] : memref<16x64x64x85xf32, #tpu.memory_space<hbm>> -> memref<1x4x64x85xf32, #tpu.memory_space<hbm>>
      %dma_wait3A_521 = tpu.memref_squeeze %dma_wait3A_520 : memref<1x4x64x85xf32, #tpu.memory_space<hbm>> -> memref<4x64x85xf32, #tpu.memory_space<hbm>>
      tpu.wait_dma2 semaphore(%arg19 : memref<!tpu.dma_semaphore, #tpu.memory_space<semaphore_mem>>) src(%dma_wait3A_521 : memref<4x64x85xf32, #tpu.memory_space<hbm>>) dst(%dma_wait3A_516 : memref<4x64x85xf32, #tpu.memory_space<vmem>>)
      %broadcast_in_dim3A_522 = arith.constant 4 : i32
      %broadcast_in_dim3A_523 = vector.broadcast %broadcast_in_dim3A_522 : i32 to vector<16xi32>
      %broadcast_in_dim3A_524 = arith.constant 0.000000e+00 : f32
      %broadcast_in_dim3A_525 = vector.broadcast %broadcast_in_dim3A_524 : f32 to vector<16xf32>
      %scan3A_526 = arith.constant 0 : i32
      %scan3A_527 = arith.constant 16 : i32
      %scan3A_528 = arith.addi %scan3A_526, %scan3A_527 : i32
      %scan3A_529 = arith.constant 1 : i32
      %scan3A_530 = scf.for %scan3A_537 = %scan3A_526 to %scan3A_528 step %scan3A_529 iter_args(%scan3A_538 = %broadcast_in_dim3A_525) -> (vector<16xf32>)  : i32 {
        %mul3A_539 = arith.constant 16 : i32
        %mul3A_540 = arith.muli %mul3A_539, %scan3A_537 : i32
        %add3A_541 = vector.broadcast %mul3A_540 : i32 to vector<16xi32>
        %add3A_542 = arith.addi %iota3A_66, %add3A_541 : vector<16xi32>
        %shift_right_logical3A = arith.constant 6 : i32
        %shift_right_logical3A_543 = vector.broadcast %shift_right_logical3A : i32 to vector<16xi32>
        %shift_right_logical3A_544 = arith.shrui %add3A_542, %shift_right_logical3A_543 : vector<16xi32>
        %and3A_545 = arith.constant 63 : i32
        %and3A_546 = vector.broadcast %and3A_545 : i32 to vector<16xi32>
        %and3A_547 = arith.andi %add3A_542, %and3A_546 : vector<16xi32>
        %gather3A = tpu.vector_load_idx %arg9[%shift_right_logical3A_544, %and3A_547, %broadcast_in_dim3A_523] : memref<4x64x85xf32, #tpu.memory_space<vmem>>[vector<16xi32>, vector<16xi32>, vector<16xi32>], vector<16xf32>,
        %max3A = arith.constant 0.000000e+00 : f32
        %max3A_548 = vector.broadcast %max3A : f32 to vector<16xf32>
        %max3A_549 = arith.maximumf %gather3A, %max3A_548 : vector<16xf32>
        %abs3A = math.absf %gather3A : vector<16xf32>
        %neg3A = arith.constant 0.000000e+00 : f32
        %neg3A_550 = vector.broadcast %neg3A : f32 to vector<16xf32>
        %neg3A_551 = arith.subf %neg3A_550, %abs3A : vector<16xf32>
        %exp3A = math.exp %neg3A_551 : vector<16xf32>
        %add3A_552 = arith.constant 2.000000e+00 : f32
        %add3A_553 = vector.broadcast %add3A_552 : f32 to vector<16xf32>
        %add3A_554 = arith.addf %add3A_553, %exp3A : vector<16xf32>
        %div3A_555 = arith.divf %exp3A, %add3A_554 : vector<16xf32>
        %mul3A_556 = arith.mulf %div3A_555, %div3A_555 : vector<16xf32>
        %mul3A_557 = arith.constant 0.111111112 : f32
        %mul3A_558 = vector.broadcast %mul3A_557 : f32 to vector<16xf32>
        %mul3A_559 = arith.mulf %mul3A_556, %mul3A_558 : vector<16xf32>
        %add3A_560 = arith.constant 0.142857149 : f32
        %add3A_561 = vector.broadcast %add3A_560 : f32 to vector<16xf32>
        %add3A_562 = arith.addf %add3A_561, %mul3A_559 : vector<16xf32>
        %mul3A_563 = arith.mulf %mul3A_556, %add3A_562 : vector<16xf32>
        %add3A_564 = arith.constant 2.000000e-01 : f32
        %add3A_565 = vector.broadcast %add3A_564 : f32 to vector<16xf32>
        %add3A_566 = arith.addf %add3A_565, %mul3A_563 : vector<16xf32>
        %mul3A_567 = arith.mulf %mul3A_556, %add3A_566 : vector<16xf32>
        %add3A_568 = arith.constant 0.333333343 : f32
        %add3A_569 = vector.broadcast %add3A_568 : f32 to vector<16xf32>
        %add3A_570 = arith.addf %add3A_569, %mul3A_567 : vector<16xf32>
        %mul3A_571 = arith.mulf %mul3A_556, %add3A_570 : vector<16xf32>
        %add3A_572 = arith.constant 1.000000e+00 : f32
        %add3A_573 = vector.broadcast %add3A_572 : f32 to vector<16xf32>
        %add3A_574 = arith.addf %add3A_573, %mul3A_571 : vector<16xf32>
        %mul3A_575 = arith.constant 2.000000e+00 : f32
        %mul3A_576 = vector.broadcast %mul3A_575 : f32 to vector<16xf32>
        %mul3A_577 = arith.mulf %mul3A_576, %div3A_555 : vector<16xf32>
        %mul3A_578 = arith.mulf %mul3A_577, %add3A_574 : vector<16xf32>
        %add3A_579 = arith.addf %max3A_549, %mul3A_578 : vector<16xf32>
        %add3A_580 = arith.addf %scan3A_538, %add3A_579 : vector<16xf32>
        scf.yield %add3A_580 : vector<16xf32>
      }
      %scan3A_531 = arith.constant 16 : i32
      %reduce_sum3A_532 = arith.constant true
      %reduce_sum3A_533 = vector.broadcast %reduce_sum3A_532 : i1 to vector<16xi1>
      %reduce_sum3A_534 = tpu.scan <sum>, %scan3A_530 masked %reduce_sum3A_533 : vector<16xf32>, vector<16xi1> -> vector<16xf32>
      %reduce_sum3A_535 = vector.extract %reduce_sum3A_534[15] : f32 from vector<16xf32>
      %add3A_536 = arith.addf %add3A_495, %reduce_sum3A_535 : f32
      scf.yield %add3A_536 : f32
    }
    %scan3A_72 = arith.constant 4 : i32
    %iota3A_73 = tpu.iota {dimensions = array<i32: 0>} : vector<16xi32>
    %mul3A_74 = arith.constant 4 : i32
    %mul3A_75 = arith.muli %add3A, %mul3A_74 : i32
    %add3A_76 = arith.constant 0 : i32
    %add3A_77 = arith.addi %mul3A_75, %add3A_76 : i32
    %jit3A_78 = arith.constant 8 : i32
    %div3A_79 = arith.divsi %add3A_77, %jit3A_78 : i32
    %sign3A_80 = arith.constant 0 : i32
    %sign3A_81 = arith.cmpi sgt, %add3A_77, %sign3A_80 : i32
    %sign3A_82 = arith.extui %sign3A_81 : i1 to i32
    %sign3A_83 = arith.constant 0 : i32
    %sign3A_84 = arith.cmpi slt, %add3A_77, %sign3A_83 : i32
    %sign3A_85 = arith.extui %sign3A_84 : i1 to i32
    %sign3A_86 = arith.subi %sign3A_82, %sign3A_85 : i32
    %sign3A_87 = arith.constant 0 : i32
    %sign3A_88 = arith.cmpi sgt, %jit3A_78, %sign3A_87 : i32
    %sign3A_89 = arith.extui %sign3A_88 : i1 to i32
    %sign3A_90 = arith.constant 0 : i32
    %sign3A_91 = arith.cmpi slt, %jit3A_78, %sign3A_90 : i32
    %sign3A_92 = arith.extui %sign3A_91 : i1 to i32
    %sign3A_93 = arith.subi %sign3A_89, %sign3A_92 : i32
    %ne3A_94 = arith.cmpi ne, %sign3A_86, %sign3A_93 : i32
    %rem3A_95 = arith.remsi %add3A_77, %jit3A_78 : i32
    %ne3A_96 = arith.constant 0 : i32
    %ne3A_97 = arith.cmpi ne, %rem3A_95, %ne3A_96 : i32
    %and3A_98 = arith.andi %ne3A_94, %ne3A_97 : i1
    %sub3A_99 = arith.constant 1 : i32
    %sub3A_100 = arith.subi %div3A_79, %sub3A_99 : i32
    %select_n3A_101 = arith.select %and3A_98, %sub3A_100, %div3A_79 : i32
    %jit3A_102 = arith.constant 8 : i32
    %eq3A_103 = arith.constant 0 : i32
    %eq3A_104 = arith.cmpi eq, %jit3A_102, %eq3A_103 : i32
    %jit3A_105 = arith.constant 1 : i32
    %select_n3A_106 = arith.select %eq3A_104, %jit3A_105, %jit3A_102 : i32
    %rem3A_107 = arith.remsi %add3A_77, %select_n3A_106 : i32
    %ne3A_108 = arith.constant 0 : i32
    %ne3A_109 = arith.cmpi ne, %rem3A_107, %ne3A_108 : i32
    %lt3A_110 = arith.constant 0 : i32
    %lt3A_111 = arith.cmpi slt, %rem3A_107, %lt3A_110 : i32
    %lt3A_112 = arith.constant 0 : i32
    %lt3A_113 = arith.cmpi slt, %select_n3A_106, %lt3A_112 : i32
    %ne3A_114 = arith.xori %lt3A_111, %lt3A_113 : i1
    %and3A_115 = arith.andi %ne3A_114, %ne3A_109 : i1
    %add3A_116 = arith.addi %rem3A_107, %select_n3A_106 : i32
    %select_n3A_117 = arith.select %and3A_115, %add3A_116, %rem3A_107 : i32
    %mul3A_118 = arith.constant 4 : i32
    %mul3A_119 = arith.muli %select_n3A_117, %mul3A_118 : i32
    %dma_start3A_120 = arith.constant 0 : i32
    %dma_start3A_121 = arith.constant 0 : i32
    %dma_start3A_122 = arith.constant 0 : i32
    %dma_start3A_123 = tpu.memref_slice %arg8[%dma_start3A_120, %dma_start3A_121, %dma_start3A_122] : memref<4x64x85xf32, #tpu.memory_space<vmem>> -> memref<4x32x85xf32, #tpu.memory_space<vmem>>
    %dma_start3A_124 = arith.constant 0 : i32
    %dma_start3A_125 = arith.constant 0 : i32
    %dma_start3A_126 = tpu.memref_slice %arg3[%select_n3A_101, %mul3A_119, %dma_start3A_124, %dma_start3A_125] : memref<16x32x32x85xf32, #tpu.memory_space<hbm>> -> memref<1x4x32x85xf32, #tpu.memory_space<hbm>>
    %dma_start3A_127 = tpu.memref_squeeze %dma_start3A_126 : memref<1x4x32x85xf32, #tpu.memory_space<hbm>> -> memref<4x32x85xf32, #tpu.memory_space<hbm>>
    %dma_start3A_128 = arith.constant 0 : i32
    %dma_start3A_129 = arith.constant 0 : i32
    %dma_start3A_130 = arith.constant 0 : i32
    %dma_start3A_131 = tpu.memref_slice %arg8[%dma_start3A_128, %dma_start3A_129, %dma_start3A_130] : memref<4x64x85xf32, #tpu.memory_space<vmem>> -> memref<4x32x85xf32, #tpu.memory_space<vmem>>
    %dma_start3A_132 = arith.constant 0 : i32
    %dma_start3A_133 = arith.constant 0 : i32
    %dma_start3A_134 = tpu.memref_slice %arg3[%select_n3A_101, %mul3A_119, %dma_start3A_132, %dma_start3A_133] : memref<16x32x32x85xf32, #tpu.memory_space<hbm>> -> memref<1x4x32x85xf32, #tpu.memory_space<hbm>>
    %dma_start3A_135 = tpu.memref_squeeze %dma_start3A_134 : memref<1x4x32x85xf32, #tpu.memory_space<hbm>> -> memref<4x32x85xf32, #tpu.memory_space<hbm>>
    tpu.enqueue_dma source(%dma_start3A_135 : memref<4x32x85xf32, #tpu.memory_space<hbm>>) target(%dma_start3A_131 : memref<4x32x85xf32, #tpu.memory_space<vmem>>) target_semaphore(%arg18 : memref<!tpu.dma_semaphore, #tpu.memory_space<semaphore_mem>>)
    %scan3A_136 = arith.constant 0.000000e+00 : f32
    %scan3A_137 = arith.constant 0 : i32
    %scan3A_138 = arith.constant 2 : i32
    %scan3A_139 = arith.addi %scan3A_137, %scan3A_138 : i32
    %scan3A_140 = arith.constant 1 : i32
    %scan3A_141 = scf.for %scan3A_395 = %scan3A_137 to %scan3A_139 step %scan3A_140 iter_args(%scan3A_396 = %scan3A_136) -> (f32)  : i32 {
      %mul3A_397 = arith.constant 2 : i32
      %mul3A_398 = arith.muli %mul3A_397, %scan3A_395 : i32
      %add3A_399 = arith.constant 1 : i32
      %add3A_400 = arith.addi %mul3A_398, %add3A_399 : i32
      %mul3A_401 = arith.constant 4 : i32
      %mul3A_402 = arith.muli %add3A, %mul3A_401 : i32
      %add3A_403 = arith.addi %mul3A_402, %add3A_400 : i32
      %jit3A_404 = arith.constant 8 : i32
      %div3A_405 = arith.divsi %add3A_403, %jit3A_404 : i32
      %sign3A_406 = arith.constant 0 : i32
      %sign3A_407 = arith.cmpi sgt, %add3A_403, %sign3A_406 : i32
      %sign3A_408 = arith.extui %sign3A_407 : i1 to i32
      %sign3A_409 = arith.constant 0 : i32
      %sign3A_410 = arith.cmpi slt, %add3A_403, %sign3A_409 : i32
      %sign3A_411 = arith.extui %sign3A_410 : i1 to i32
      %sign3A_412 = arith.subi %sign3A_408, %sign3A_411 : i32
      %sign3A_413 = arith.constant 0 : i32
      %sign3A_414 = arith.cmpi sgt, %jit3A_404, %sign3A_413 : i32
      %sign3A_415 = arith.extui %sign3A_414 : i1 to i32
      %sign3A_416 = arith.constant 0 : i32
      %sign3A_417 = arith.cmpi slt, %jit3A_404, %sign3A_416 : i32
      %sign3A_418 = arith.extui %sign3A_417 : i1 to i32
      %sign3A_419 = arith.subi %sign3A_415, %sign3A_418 : i32
      %ne3A_420 = arith.cmpi ne, %sign3A_412, %sign3A_419 : i32
      %rem3A_421 = arith.remsi %add3A_403, %jit3A_404 : i32
      %ne3A_422 = arith.constant 0 : i32
      %ne3A_423 = arith.cmpi ne, %rem3A_421, %ne3A_422 : i32
      %and3A_424 = arith.andi %ne3A_420, %ne3A_423 : i1
      %sub3A_425 = arith.constant 1 : i32
      %sub3A_426 = arith.subi %div3A_405, %sub3A_425 : i32
      %select_n3A_427 = arith.select %and3A_424, %sub3A_426, %div3A_405 : i32
      %jit3A_428 = arith.constant 8 : i32
      %eq3A_429 = arith.constant 0 : i32
      %eq3A_430 = arith.cmpi eq, %jit3A_428, %eq3A_429 : i32
      %jit3A_431 = arith.constant 1 : i32
      %select_n3A_432 = arith.select %eq3A_430, %jit3A_431, %jit3A_428 : i32
      %rem3A_433 = arith.remsi %add3A_403, %select_n3A_432 : i32
      %ne3A_434 = arith.constant 0 : i32
      %ne3A_435 = arith.cmpi ne, %rem3A_433, %ne3A_434 : i32
      %lt3A_436 = arith.constant 0 : i32
      %lt3A_437 = arith.cmpi slt, %rem3A_433, %lt3A_436 : i32
      %lt3A_438 = arith.constant 0 : i32
      %lt3A_439 = arith.cmpi slt, %select_n3A_432, %lt3A_438 : i32
      %ne3A_440 = arith.xori %lt3A_437, %lt3A_439 : i1
      %and3A_441 = arith.andi %ne3A_440, %ne3A_435 : i1
      %add3A_442 = arith.addi %rem3A_433, %select_n3A_432 : i32
      %select_n3A_443 = arith.select %and3A_441, %add3A_442, %rem3A_433 : i32
      %mul3A_444 = arith.constant 4 : i32
      %mul3A_445 = arith.muli %select_n3A_443, %mul3A_444 : i32
      %dma_start3A_446 = arith.constant 0 : i32
      %dma_start3A_447 = arith.constant 0 : i32
      %dma_start3A_448 = arith.constant 0 : i32
      %dma_start3A_449 = tpu.memref_slice %arg9[%dma_start3A_446, %dma_start3A_447, %dma_start3A_448] : memref<4x64x85xf32, #tpu.memory_space<vmem>> -> memref<4x32x85xf32, #tpu.memory_space<vmem>>
      %dma_start3A_450 = arith.constant 0 : i32
      %dma_start3A_451 = arith.constant 0 : i32
      %dma_start3A_452 = tpu.memref_slice %arg3[%select_n3A_427, %mul3A_445, %dma_start3A_450, %dma_start3A_451] : memref<16x32x32x85xf32, #tpu.memory_space<hbm>> -> memref<1x4x32x85xf32, #tpu.memory_space<hbm>>
      %dma_start3A_453 = tpu.memref_squeeze %dma_start3A_452 : memref<1x4x32x85xf32, #tpu.memory_space<hbm>> -> memref<4x32x85xf32, #tpu.memory_space<hbm>>
      %dma_start3A_454 = arith.constant 0 : i32
      %dma_start3A_455 = arith.constant 0 : i32
      %dma_start3A_456 = arith.constant 0 : i32
      %dma_start3A_457 = tpu.memref_slice %arg9[%dma_start3A_454, %dma_start3A_455, %dma_start3A_456] : memref<4x64x85xf32, #tpu.memory_space<vmem>> -> memref<4x32x85xf32, #tpu.memory_space<vmem>>
      %dma_start3A_458 = arith.constant 0 : i32
      %dma_start3A_459 = arith.constant 0 : i32
      %dma_start3A_460 = tpu.memref_slice %arg3[%select_n3A_427, %mul3A_445, %dma_start3A_458, %dma_start3A_459] : memref<16x32x32x85xf32, #tpu.memory_space<hbm>> -> memref<1x4x32x85xf32, #tpu.memory_space<hbm>>
      %dma_start3A_461 = tpu.memref_squeeze %dma_start3A_460 : memref<1x4x32x85xf32, #tpu.memory_space<hbm>> -> memref<4x32x85xf32, #tpu.memory_space<hbm>>
      tpu.enqueue_dma source(%dma_start3A_461 : memref<4x32x85xf32, #tpu.memory_space<hbm>>) target(%dma_start3A_457 : memref<4x32x85xf32, #tpu.memory_space<vmem>>) target_semaphore(%arg19 : memref<!tpu.dma_semaphore, #tpu.memory_space<semaphore_mem>>)
      %dma_wait3A_462 = arith.constant 0 : i32
      %dma_wait3A_463 = arith.constant 0 : i32
      %dma_wait3A_464 = arith.constant 0 : i32
      %dma_wait3A_465 = arith.constant 0 : i32
      %dma_wait3A_466 = tpu.memref_slice %arg8[%dma_wait3A_463, %dma_wait3A_464, %dma_wait3A_465] : memref<4x64x85xf32, #tpu.memory_space<vmem>> -> memref<4x32x85xf32, #tpu.memory_space<vmem>>
      %dma_wait3A_467 = arith.constant 0 : i32
      %dma_wait3A_468 = arith.constant 0 : i32
      %dma_wait3A_469 = arith.constant 0 : i32
      %dma_wait3A_470 = tpu.memref_slice %arg3[%dma_wait3A_462, %dma_wait3A_467, %dma_wait3A_468, %dma_wait3A_469] : memref<16x32x32x85xf32, #tpu.memory_space<hbm>> -> memref<1x4x32x85xf32, #tpu.memory_space<hbm>>
      %dma_wait3A_471 = tpu.memref_squeeze %dma_wait3A_470 : memref<1x4x32x85xf32, #tpu.memory_space<hbm>> -> memref<4x32x85xf32, #tpu.memory_space<hbm>>
      %dma_wait3A_472 = arith.constant 0 : i32
      %dma_wait3A_473 = arith.constant 0 : i32
      %dma_wait3A_474 = arith.constant 0 : i32
      %dma_wait3A_475 = tpu.memref_slice %arg8[%dma_wait3A_472, %dma_wait3A_473, %dma_wait3A_474] : memref<4x64x85xf32, #tpu.memory_space<vmem>> -> memref<4x32x85xf32, #tpu.memory_space<vmem>>
      %dma_wait3A_476 = arith.constant 0 : i32
      %dma_wait3A_477 = arith.constant 0 : i32
      %dma_wait3A_478 = arith.constant 0 : i32
      %dma_wait3A_479 = tpu.memref_slice %arg3[%dma_wait3A_462, %dma_wait3A_476, %dma_wait3A_477, %dma_wait3A_478] : memref<16x32x32x85xf32, #tpu.memory_space<hbm>> -> memref<1x4x32x85xf32, #tpu.memory_space<hbm>>
      %dma_wait3A_480 = tpu.memref_squeeze %dma_wait3A_479 : memref<1x4x32x85xf32, #tpu.memory_space<hbm>> -> memref<4x32x85xf32, #tpu.memory_space<hbm>>
      tpu.wait_dma2 semaphore(%arg18 : memref<!tpu.dma_semaphore, #tpu.memory_space<semaphore_mem>>) src(%dma_wait3A_480 : memref<4x32x85xf32, #tpu.memory_space<hbm>>) dst(%dma_wait3A_475 : memref<4x32x85xf32, #tpu.memory_space<vmem>>)
      %broadcast_in_dim3A_481 = arith.constant 4 : i32
      %broadcast_in_dim3A_482 = vector.broadcast %broadcast_in_dim3A_481 : i32 to vector<16xi32>
      %broadcast_in_dim3A_483 = arith.constant 0.000000e+00 : f32
      %broadcast_in_dim3A_484 = vector.broadcast %broadcast_in_dim3A_483 : f32 to vector<16xf32>
      %scan3A_485 = arith.constant 0 : i32
      %scan3A_486 = arith.constant 8 : i32
      %scan3A_487 = arith.addi %scan3A_485, %scan3A_486 : i32
      %scan3A_488 = arith.constant 1 : i32
      %scan3A_489 = scf.for %scan3A_537 = %scan3A_485 to %scan3A_487 step %scan3A_488 iter_args(%scan3A_538 = %broadcast_in_dim3A_484) -> (vector<16xf32>)  : i32 {
        %mul3A_539 = arith.constant 16 : i32
        %mul3A_540 = arith.muli %mul3A_539, %scan3A_537 : i32
        %add3A_541 = vector.broadcast %mul3A_540 : i32 to vector<16xi32>
        %add3A_542 = arith.addi %iota3A_73, %add3A_541 : vector<16xi32>
        %shift_right_logical3A = arith.constant 5 : i32
        %shift_right_logical3A_543 = vector.broadcast %shift_right_logical3A : i32 to vector<16xi32>
        %shift_right_logical3A_544 = arith.shrui %add3A_542, %shift_right_logical3A_543 : vector<16xi32>
        %and3A_545 = arith.constant 31 : i32
        %and3A_546 = vector.broadcast %and3A_545 : i32 to vector<16xi32>
        %and3A_547 = arith.andi %add3A_542, %and3A_546 : vector<16xi32>
        %gather3A = tpu.vector_load_idx %arg8[%shift_right_logical3A_544, %and3A_547, %broadcast_in_dim3A_482] : memref<4x64x85xf32, #tpu.memory_space<vmem>>[vector<16xi32>, vector<16xi32>, vector<16xi32>], vector<16xf32>,
        %max3A = arith.constant 0.000000e+00 : f32
        %max3A_548 = vector.broadcast %max3A : f32 to vector<16xf32>
        %max3A_549 = arith.maximumf %gather3A, %max3A_548 : vector<16xf32>
        %abs3A = math.absf %gather3A : vector<16xf32>
        %neg3A = arith.constant 0.000000e+00 : f32
        %neg3A_550 = vector.broadcast %neg3A : f32 to vector<16xf32>
        %neg3A_551 = arith.subf %neg3A_550, %abs3A : vector<16xf32>
        %exp3A = math.exp %neg3A_551 : vector<16xf32>
        %add3A_552 = arith.constant 2.000000e+00 : f32
        %add3A_553 = vector.broadcast %add3A_552 : f32 to vector<16xf32>
        %add3A_554 = arith.addf %add3A_553, %exp3A : vector<16xf32>
        %div3A_555 = arith.divf %exp3A, %add3A_554 : vector<16xf32>
        %mul3A_556 = arith.mulf %div3A_555, %div3A_555 : vector<16xf32>
        %mul3A_557 = arith.constant 0.111111112 : f32
        %mul3A_558 = vector.broadcast %mul3A_557 : f32 to vector<16xf32>
        %mul3A_559 = arith.mulf %mul3A_556, %mul3A_558 : vector<16xf32>
        %add3A_560 = arith.constant 0.142857149 : f32
        %add3A_561 = vector.broadcast %add3A_560 : f32 to vector<16xf32>
        %add3A_562 = arith.addf %add3A_561, %mul3A_559 : vector<16xf32>
        %mul3A_563 = arith.mulf %mul3A_556, %add3A_562 : vector<16xf32>
        %add3A_564 = arith.constant 2.000000e-01 : f32
        %add3A_565 = vector.broadcast %add3A_564 : f32 to vector<16xf32>
        %add3A_566 = arith.addf %add3A_565, %mul3A_563 : vector<16xf32>
        %mul3A_567 = arith.mulf %mul3A_556, %add3A_566 : vector<16xf32>
        %add3A_568 = arith.constant 0.333333343 : f32
        %add3A_569 = vector.broadcast %add3A_568 : f32 to vector<16xf32>
        %add3A_570 = arith.addf %add3A_569, %mul3A_567 : vector<16xf32>
        %mul3A_571 = arith.mulf %mul3A_556, %add3A_570 : vector<16xf32>
        %add3A_572 = arith.constant 1.000000e+00 : f32
        %add3A_573 = vector.broadcast %add3A_572 : f32 to vector<16xf32>
        %add3A_574 = arith.addf %add3A_573, %mul3A_571 : vector<16xf32>
        %mul3A_575 = arith.constant 2.000000e+00 : f32
        %mul3A_576 = vector.broadcast %mul3A_575 : f32 to vector<16xf32>
        %mul3A_577 = arith.mulf %mul3A_576, %div3A_555 : vector<16xf32>
        %mul3A_578 = arith.mulf %mul3A_577, %add3A_574 : vector<16xf32>
        %add3A_579 = arith.addf %max3A_549, %mul3A_578 : vector<16xf32>
        %add3A_580 = arith.addf %scan3A_538, %add3A_579 : vector<16xf32>
        scf.yield %add3A_580 : vector<16xf32>
      }
      %scan3A_490 = arith.constant 8 : i32
      %reduce_sum3A_491 = arith.constant true
      %reduce_sum3A_492 = vector.broadcast %reduce_sum3A_491 : i1 to vector<16xi1>
      %reduce_sum3A_493 = tpu.scan <sum>, %scan3A_489 masked %reduce_sum3A_492 : vector<16xf32>, vector<16xi1> -> vector<16xf32>
      %reduce_sum3A_494 = vector.extract %reduce_sum3A_493[15] : f32 from vector<16xf32>
      %add3A_495 = arith.addf %scan3A_396, %reduce_sum3A_494 : f32
      %add3A_496 = arith.constant 1 : i32
      %add3A_497 = arith.addi %scan3A_395, %add3A_496 : i32
      %lt3A_498 = arith.constant 2 : i32
      %lt3A_499 = arith.cmpi slt, %add3A_497, %lt3A_498 : i32
      %convert_element_type3A_500 = arith.extui %lt3A_499 : i1 to i32
      %cond3A_501 = arith.constant 0 : i32
      %cond3A_502 = arith.cmpi ne, %convert_element_type3A_500, %cond3A_501 : i32
      scf.if %cond3A_502 {
        %add3A_537 = arith.constant 2 : i32
        %add3A_538 = arith.addi %mul3A_398, %add3A_537 : i32
        %mul3A_539 = arith.constant 4 : i32
        %mul3A_540 = arith.muli %add3A, %mul3A_539 : i32
        %add3A_541 = arith.addi %mul3A_540, %add3A_538 : i32
        %jit3A_542 = arith.constant 8 : i32
        %div3A_543 = arith.divsi %add3A_541, %jit3A_542 : i32
        %sign3A_544 = arith.constant 0 : i32
        %sign3A_545 = arith.cmpi sgt, %add3A_541, %sign3A_544 : i32
        %sign3A_546 = arith.extui %sign3A_545 : i1 to i32
        %sign3A_547 = arith.constant 0 : i32
        %sign3A_548 = arith.cmpi slt, %add3A_541, %sign3A_547 : i32
        %sign3A_549 = arith.extui %sign3A_548 : i1 to i32
        %sign3A_550 = arith.subi %sign3A_546, %sign3A_549 : i32
        %sign3A_551 = arith.constant 0 : i32
        %sign3A_552 = arith.cmpi sgt, %jit3A_542, %sign3A_551 : i32
        %sign3A_553 = arith.extui %sign3A_552 : i1 to i32
        %sign3A_554 = arith.constant 0 : i32
        %sign3A_555 = arith.cmpi slt, %jit3A_542, %sign3A_554 : i32
        %sign3A_556 = arith.extui %sign3A_555 : i1 to i32
        %sign3A_557 = arith.subi %sign3A_553, %sign3A_556 : i32
        %ne3A_558 = arith.cmpi ne, %sign3A_550, %sign3A_557 : i32
        %rem3A_559 = arith.remsi %add3A_541, %jit3A_542 : i32
        %ne3A_560 = arith.constant 0 : i32
        %ne3A_561 = arith.cmpi ne, %rem3A_559, %ne3A_560 : i32
        %and3A_562 = arith.andi %ne3A_558, %ne3A_561 : i1
        %sub3A_563 = arith.constant 1 : i32
        %sub3A_564 = arith.subi %div3A_543, %sub3A_563 : i32
        %select_n3A_565 = arith.select %and3A_562, %sub3A_564, %div3A_543 : i32
        %jit3A_566 = arith.constant 8 : i32
        %eq3A_567 = arith.constant 0 : i32
        %eq3A_568 = arith.cmpi eq, %jit3A_566, %eq3A_567 : i32
        %jit3A_569 = arith.constant 1 : i32
        %select_n3A_570 = arith.select %eq3A_568, %jit3A_569, %jit3A_566 : i32
        %rem3A_571 = arith.remsi %add3A_541, %select_n3A_570 : i32
        %ne3A_572 = arith.constant 0 : i32
        %ne3A_573 = arith.cmpi ne, %rem3A_571, %ne3A_572 : i32
        %lt3A_574 = arith.constant 0 : i32
        %lt3A_575 = arith.cmpi slt, %rem3A_571, %lt3A_574 : i32
        %lt3A_576 = arith.constant 0 : i32
        %lt3A_577 = arith.cmpi slt, %select_n3A_570, %lt3A_576 : i32
        %ne3A_578 = arith.xori %lt3A_575, %lt3A_577 : i1
        %and3A_579 = arith.andi %ne3A_578, %ne3A_573 : i1
        %add3A_580 = arith.addi %rem3A_571, %select_n3A_570 : i32
        %select_n3A_581 = arith.select %and3A_579, %add3A_580, %rem3A_571 : i32
        %mul3A_582 = arith.constant 4 : i32
        %mul3A_583 = arith.muli %select_n3A_581, %mul3A_582 : i32
        %dma_start3A_584 = arith.constant 0 : i32
        %dma_start3A_585 = arith.constant 0 : i32
        %dma_start3A_586 = arith.constant 0 : i32
        %dma_start3A_587 = tpu.memref_slice %arg8[%dma_start3A_584, %dma_start3A_585, %dma_start3A_586] : memref<4x64x85xf32, #tpu.memory_space<vmem>> -> memref<4x32x85xf32, #tpu.memory_space<vmem>>
        %dma_start3A_588 = arith.constant 0 : i32
        %dma_start3A_589 = arith.constant 0 : i32
        %dma_start3A_590 = tpu.memref_slice %arg3[%select_n3A_565, %mul3A_583, %dma_start3A_588, %dma_start3A_589] : memref<16x32x32x85xf32, #tpu.memory_space<hbm>> -> memref<1x4x32x85xf32, #tpu.memory_space<hbm>>
        %dma_start3A_591 = tpu.memref_squeeze %dma_start3A_590 : memref<1x4x32x85xf32, #tpu.memory_space<hbm>> -> memref<4x32x85xf32, #tpu.memory_space<hbm>>
        %dma_start3A_592 = arith.constant 0 : i32
        %dma_start3A_593 = arith.constant 0 : i32
        %dma_start3A_594 = arith.constant 0 : i32
        %dma_start3A_595 = tpu.memref_slice %arg8[%dma_start3A_592, %dma_start3A_593, %dma_start3A_594] : memref<4x64x85xf32, #tpu.memory_space<vmem>> -> memref<4x32x85xf32, #tpu.memory_space<vmem>>
        %dma_start3A_596 = arith.constant 0 : i32
        %dma_start3A_597 = arith.constant 0 : i32
        %dma_start3A_598 = tpu.memref_slice %arg3[%select_n3A_565, %mul3A_583, %dma_start3A_596, %dma_start3A_597] : memref<16x32x32x85xf32, #tpu.memory_space<hbm>> -> memref<1x4x32x85xf32, #tpu.memory_space<hbm>>
        %dma_start3A_599 = tpu.memref_squeeze %dma_start3A_598 : memref<1x4x32x85xf32, #tpu.memory_space<hbm>> -> memref<4x32x85xf32, #tpu.memory_space<hbm>>
        tpu.enqueue_dma source(%dma_start3A_599 : memref<4x32x85xf32, #tpu.memory_space<hbm>>) target(%dma_start3A_595 : memref<4x32x85xf32, #tpu.memory_space<vmem>>) target_semaphore(%arg18 : memref<!tpu.dma_semaphore, #tpu.memory_space<semaphore_mem>>)
      } else {
      }
      %dma_wait3A_503 = arith.constant 0 : i32
      %dma_wait3A_504 = arith.constant 0 : i32
      %dma_wait3A_505 = arith.constant 0 : i32
      %dma_wait3A_506 = arith.constant 0 : i32
      %dma_wait3A_507 = tpu.memref_slice %arg9[%dma_wait3A_504, %dma_wait3A_505, %dma_wait3A_506] : memref<4x64x85xf32, #tpu.memory_space<vmem>> -> memref<4x32x85xf32, #tpu.memory_space<vmem>>
      %dma_wait3A_508 = arith.constant 0 : i32
      %dma_wait3A_509 = arith.constant 0 : i32
      %dma_wait3A_510 = arith.constant 0 : i32
      %dma_wait3A_511 = tpu.memref_slice %arg3[%dma_wait3A_503, %dma_wait3A_508, %dma_wait3A_509, %dma_wait3A_510] : memref<16x32x32x85xf32, #tpu.memory_space<hbm>> -> memref<1x4x32x85xf32, #tpu.memory_space<hbm>>
      %dma_wait3A_512 = tpu.memref_squeeze %dma_wait3A_511 : memref<1x4x32x85xf32, #tpu.memory_space<hbm>> -> memref<4x32x85xf32, #tpu.memory_space<hbm>>
      %dma_wait3A_513 = arith.constant 0 : i32
      %dma_wait3A_514 = arith.constant 0 : i32
      %dma_wait3A_515 = arith.constant 0 : i32
      %dma_wait3A_516 = tpu.memref_slice %arg9[%dma_wait3A_513, %dma_wait3A_514, %dma_wait3A_515] : memref<4x64x85xf32, #tpu.memory_space<vmem>> -> memref<4x32x85xf32, #tpu.memory_space<vmem>>
      %dma_wait3A_517 = arith.constant 0 : i32
      %dma_wait3A_518 = arith.constant 0 : i32
      %dma_wait3A_519 = arith.constant 0 : i32
      %dma_wait3A_520 = tpu.memref_slice %arg3[%dma_wait3A_503, %dma_wait3A_517, %dma_wait3A_518, %dma_wait3A_519] : memref<16x32x32x85xf32, #tpu.memory_space<hbm>> -> memref<1x4x32x85xf32, #tpu.memory_space<hbm>>
      %dma_wait3A_521 = tpu.memref_squeeze %dma_wait3A_520 : memref<1x4x32x85xf32, #tpu.memory_space<hbm>> -> memref<4x32x85xf32, #tpu.memory_space<hbm>>
      tpu.wait_dma2 semaphore(%arg19 : memref<!tpu.dma_semaphore, #tpu.memory_space<semaphore_mem>>) src(%dma_wait3A_521 : memref<4x32x85xf32, #tpu.memory_space<hbm>>) dst(%dma_wait3A_516 : memref<4x32x85xf32, #tpu.memory_space<vmem>>)
      %broadcast_in_dim3A_522 = arith.constant 4 : i32
      %broadcast_in_dim3A_523 = vector.broadcast %broadcast_in_dim3A_522 : i32 to vector<16xi32>
      %broadcast_in_dim3A_524 = arith.constant 0.000000e+00 : f32
      %broadcast_in_dim3A_525 = vector.broadcast %broadcast_in_dim3A_524 : f32 to vector<16xf32>
      %scan3A_526 = arith.constant 0 : i32
      %scan3A_527 = arith.constant 8 : i32
      %scan3A_528 = arith.addi %scan3A_526, %scan3A_527 : i32
      %scan3A_529 = arith.constant 1 : i32
      %scan3A_530 = scf.for %scan3A_537 = %scan3A_526 to %scan3A_528 step %scan3A_529 iter_args(%scan3A_538 = %broadcast_in_dim3A_525) -> (vector<16xf32>)  : i32 {
        %mul3A_539 = arith.constant 16 : i32
        %mul3A_540 = arith.muli %mul3A_539, %scan3A_537 : i32
        %add3A_541 = vector.broadcast %mul3A_540 : i32 to vector<16xi32>
        %add3A_542 = arith.addi %iota3A_73, %add3A_541 : vector<16xi32>
        %shift_right_logical3A = arith.constant 5 : i32
        %shift_right_logical3A_543 = vector.broadcast %shift_right_logical3A : i32 to vector<16xi32>
        %shift_right_logical3A_544 = arith.shrui %add3A_542, %shift_right_logical3A_543 : vector<16xi32>
        %and3A_545 = arith.constant 31 : i32
        %and3A_546 = vector.broadcast %and3A_545 : i32 to vector<16xi32>
        %and3A_547 = arith.andi %add3A_542, %and3A_546 : vector<16xi32>
        %gather3A = tpu.vector_load_idx %arg9[%shift_right_logical3A_544, %and3A_547, %broadcast_in_dim3A_523] : memref<4x64x85xf32, #tpu.memory_space<vmem>>[vector<16xi32>, vector<16xi32>, vector<16xi32>], vector<16xf32>,
        %max3A = arith.constant 0.000000e+00 : f32
        %max3A_548 = vector.broadcast %max3A : f32 to vector<16xf32>
        %max3A_549 = arith.maximumf %gather3A, %max3A_548 : vector<16xf32>
        %abs3A = math.absf %gather3A : vector<16xf32>
        %neg3A = arith.constant 0.000000e+00 : f32
        %neg3A_550 = vector.broadcast %neg3A : f32 to vector<16xf32>
        %neg3A_551 = arith.subf %neg3A_550, %abs3A : vector<16xf32>
        %exp3A = math.exp %neg3A_551 : vector<16xf32>
        %add3A_552 = arith.constant 2.000000e+00 : f32
        %add3A_553 = vector.broadcast %add3A_552 : f32 to vector<16xf32>
        %add3A_554 = arith.addf %add3A_553, %exp3A : vector<16xf32>
        %div3A_555 = arith.divf %exp3A, %add3A_554 : vector<16xf32>
        %mul3A_556 = arith.mulf %div3A_555, %div3A_555 : vector<16xf32>
        %mul3A_557 = arith.constant 0.111111112 : f32
        %mul3A_558 = vector.broadcast %mul3A_557 : f32 to vector<16xf32>
        %mul3A_559 = arith.mulf %mul3A_556, %mul3A_558 : vector<16xf32>
        %add3A_560 = arith.constant 0.142857149 : f32
        %add3A_561 = vector.broadcast %add3A_560 : f32 to vector<16xf32>
        %add3A_562 = arith.addf %add3A_561, %mul3A_559 : vector<16xf32>
        %mul3A_563 = arith.mulf %mul3A_556, %add3A_562 : vector<16xf32>
        %add3A_564 = arith.constant 2.000000e-01 : f32
        %add3A_565 = vector.broadcast %add3A_564 : f32 to vector<16xf32>
        %add3A_566 = arith.addf %add3A_565, %mul3A_563 : vector<16xf32>
        %mul3A_567 = arith.mulf %mul3A_556, %add3A_566 : vector<16xf32>
        %add3A_568 = arith.constant 0.333333343 : f32
        %add3A_569 = vector.broadcast %add3A_568 : f32 to vector<16xf32>
        %add3A_570 = arith.addf %add3A_569, %mul3A_567 : vector<16xf32>
        %mul3A_571 = arith.mulf %mul3A_556, %add3A_570 : vector<16xf32>
        %add3A_572 = arith.constant 1.000000e+00 : f32
        %add3A_573 = vector.broadcast %add3A_572 : f32 to vector<16xf32>
        %add3A_574 = arith.addf %add3A_573, %mul3A_571 : vector<16xf32>
        %mul3A_575 = arith.constant 2.000000e+00 : f32
        %mul3A_576 = vector.broadcast %mul3A_575 : f32 to vector<16xf32>
        %mul3A_577 = arith.mulf %mul3A_576, %div3A_555 : vector<16xf32>
        %mul3A_578 = arith.mulf %mul3A_577, %add3A_574 : vector<16xf32>
        %add3A_579 = arith.addf %max3A_549, %mul3A_578 : vector<16xf32>
        %add3A_580 = arith.addf %scan3A_538, %add3A_579 : vector<16xf32>
        scf.yield %add3A_580 : vector<16xf32>
      }
      %scan3A_531 = arith.constant 8 : i32
      %reduce_sum3A_532 = arith.constant true
      %reduce_sum3A_533 = vector.broadcast %reduce_sum3A_532 : i1 to vector<16xi1>
      %reduce_sum3A_534 = tpu.scan <sum>, %scan3A_530 masked %reduce_sum3A_533 : vector<16xf32>, vector<16xi1> -> vector<16xf32>
      %reduce_sum3A_535 = vector.extract %reduce_sum3A_534[15] : f32 from vector<16xf32>
      %add3A_536 = arith.addf %add3A_495, %reduce_sum3A_535 : f32
      scf.yield %add3A_536 : f32
    }
    %scan3A_142 = arith.constant 2 : i32
    %iota3A_143 = tpu.iota {dimensions = array<i32: 0>} : vector<16xi32>
    %mul3A_144 = arith.constant 2 : i32
    %mul3A_145 = arith.muli %add3A, %mul3A_144 : i32
    %add3A_146 = arith.constant 0 : i32
    %add3A_147 = arith.addi %mul3A_145, %add3A_146 : i32
    %jit3A_148 = arith.constant 4 : i32
    %div3A_149 = arith.divsi %add3A_147, %jit3A_148 : i32
    %sign3A_150 = arith.constant 0 : i32
    %sign3A_151 = arith.cmpi sgt, %add3A_147, %sign3A_150 : i32
    %sign3A_152 = arith.extui %sign3A_151 : i1 to i32
    %sign3A_153 = arith.constant 0 : i32
    %sign3A_154 = arith.cmpi slt, %add3A_147, %sign3A_153 : i32
    %sign3A_155 = arith.extui %sign3A_154 : i1 to i32
    %sign3A_156 = arith.subi %sign3A_152, %sign3A_155 : i32
    %sign3A_157 = arith.constant 0 : i32
    %sign3A_158 = arith.cmpi sgt, %jit3A_148, %sign3A_157 : i32
    %sign3A_159 = arith.extui %sign3A_158 : i1 to i32
    %sign3A_160 = arith.constant 0 : i32
    %sign3A_161 = arith.cmpi slt, %jit3A_148, %sign3A_160 : i32
    %sign3A_162 = arith.extui %sign3A_161 : i1 to i32
    %sign3A_163 = arith.subi %sign3A_159, %sign3A_162 : i32
    %ne3A_164 = arith.cmpi ne, %sign3A_156, %sign3A_163 : i32
    %rem3A_165 = arith.remsi %add3A_147, %jit3A_148 : i32
    %ne3A_166 = arith.constant 0 : i32
    %ne3A_167 = arith.cmpi ne, %rem3A_165, %ne3A_166 : i32
    %and3A_168 = arith.andi %ne3A_164, %ne3A_167 : i1
    %sub3A_169 = arith.constant 1 : i32
    %sub3A_170 = arith.subi %div3A_149, %sub3A_169 : i32
    %select_n3A_171 = arith.select %and3A_168, %sub3A_170, %div3A_149 : i32
    %jit3A_172 = arith.constant 4 : i32
    %eq3A_173 = arith.constant 0 : i32
    %eq3A_174 = arith.cmpi eq, %jit3A_172, %eq3A_173 : i32
    %jit3A_175 = arith.constant 1 : i32
    %select_n3A_176 = arith.select %eq3A_174, %jit3A_175, %jit3A_172 : i32
    %rem3A_177 = arith.remsi %add3A_147, %select_n3A_176 : i32
    %ne3A_178 = arith.constant 0 : i32
    %ne3A_179 = arith.cmpi ne, %rem3A_177, %ne3A_178 : i32
    %lt3A_180 = arith.constant 0 : i32
    %lt3A_181 = arith.cmpi slt, %rem3A_177, %lt3A_180 : i32
    %lt3A_182 = arith.constant 0 : i32
    %lt3A_183 = arith.cmpi slt, %select_n3A_176, %lt3A_182 : i32
    %ne3A_184 = arith.xori %lt3A_181, %lt3A_183 : i1
    %and3A_185 = arith.andi %ne3A_184, %ne3A_179 : i1
    %add3A_186 = arith.addi %rem3A_177, %select_n3A_176 : i32
    %select_n3A_187 = arith.select %and3A_185, %add3A_186, %rem3A_177 : i32
    %mul3A_188 = arith.constant 4 : i32
    %mul3A_189 = arith.muli %select_n3A_187, %mul3A_188 : i32
    %dma_start3A_190 = arith.constant 0 : i32
    %dma_start3A_191 = arith.constant 0 : i32
    %dma_start3A_192 = arith.constant 0 : i32
    %dma_start3A_193 = tpu.memref_slice %arg8[%dma_start3A_190, %dma_start3A_191, %dma_start3A_192] : memref<4x64x85xf32, #tpu.memory_space<vmem>> -> memref<4x16x85xf32, #tpu.memory_space<vmem>>
    %dma_start3A_194 = arith.constant 0 : i32
    %dma_start3A_195 = arith.constant 0 : i32
    %dma_start3A_196 = tpu.memref_slice %arg4[%select_n3A_171, %mul3A_189, %dma_start3A_194, %dma_start3A_195] : memref<16x16x16x85xf32, #tpu.memory_space<hbm>> -> memref<1x4x16x85xf32, #tpu.memory_space<hbm>>
    %dma_start3A_197 = tpu.memref_squeeze %dma_start3A_196 : memref<1x4x16x85xf32, #tpu.memory_space<hbm>> -> memref<4x16x85xf32, #tpu.memory_space<hbm>>
    %dma_start3A_198 = arith.constant 0 : i32
    %dma_start3A_199 = arith.constant 0 : i32
    %dma_start3A_200 = arith.constant 0 : i32
    %dma_start3A_201 = tpu.memref_slice %arg8[%dma_start3A_198, %dma_start3A_199, %dma_start3A_200] : memref<4x64x85xf32, #tpu.memory_space<vmem>> -> memref<4x16x85xf32, #tpu.memory_space<vmem>>
    %dma_start3A_202 = arith.constant 0 : i32
    %dma_start3A_203 = arith.constant 0 : i32
    %dma_start3A_204 = tpu.memref_slice %arg4[%select_n3A_171, %mul3A_189, %dma_start3A_202, %dma_start3A_203] : memref<16x16x16x85xf32, #tpu.memory_space<hbm>> -> memref<1x4x16x85xf32, #tpu.memory_space<hbm>>
    %dma_start3A_205 = tpu.memref_squeeze %dma_start3A_204 : memref<1x4x16x85xf32, #tpu.memory_space<hbm>> -> memref<4x16x85xf32, #tpu.memory_space<hbm>>
    tpu.enqueue_dma source(%dma_start3A_205 : memref<4x16x85xf32, #tpu.memory_space<hbm>>) target(%dma_start3A_201 : memref<4x16x85xf32, #tpu.memory_space<vmem>>) target_semaphore(%arg18 : memref<!tpu.dma_semaphore, #tpu.memory_space<semaphore_mem>>)
    %scan3A_206 = arith.constant 0.000000e+00 : f32
    %scan3A_207 = arith.constant 0 : i32
    %mul3A_208 = arith.constant 2 : i32
    %mul3A_209 = arith.muli %mul3A_208, %scan3A_207 : i32
    %add3A_210 = arith.constant 1 : i32
    %add3A_211 = arith.addi %mul3A_209, %add3A_210 : i32
    %mul3A_212 = arith.constant 2 : i32
    %mul3A_213 = arith.muli %add3A, %mul3A_212 : i32
    %add3A_214 = arith.addi %mul3A_213, %add3A_211 : i32
    %jit3A_215 = arith.constant 4 : i32
    %div3A_216 = arith.divsi %add3A_214, %jit3A_215 : i32
    %sign3A_217 = arith.constant 0 : i32
    %sign3A_218 = arith.cmpi sgt, %add3A_214, %sign3A_217 : i32
    %sign3A_219 = arith.extui %sign3A_218 : i1 to i32
    %sign3A_220 = arith.constant 0 : i32
    %sign3A_221 = arith.cmpi slt, %add3A_214, %sign3A_220 : i32
    %sign3A_222 = arith.extui %sign3A_221 : i1 to i32
    %sign3A_223 = arith.subi %sign3A_219, %sign3A_222 : i32
    %sign3A_224 = arith.constant 0 : i32
    %sign3A_225 = arith.cmpi sgt, %jit3A_215, %sign3A_224 : i32
    %sign3A_226 = arith.extui %sign3A_225 : i1 to i32
    %sign3A_227 = arith.constant 0 : i32
    %sign3A_228 = arith.cmpi slt, %jit3A_215, %sign3A_227 : i32
    %sign3A_229 = arith.extui %sign3A_228 : i1 to i32
    %sign3A_230 = arith.subi %sign3A_226, %sign3A_229 : i32
    %ne3A_231 = arith.cmpi ne, %sign3A_223, %sign3A_230 : i32
    %rem3A_232 = arith.remsi %add3A_214, %jit3A_215 : i32
    %ne3A_233 = arith.constant 0 : i32
    %ne3A_234 = arith.cmpi ne, %rem3A_232, %ne3A_233 : i32
    %and3A_235 = arith.andi %ne3A_231, %ne3A_234 : i1
    %sub3A_236 = arith.constant 1 : i32
    %sub3A_237 = arith.subi %div3A_216, %sub3A_236 : i32
    %select_n3A_238 = arith.select %and3A_235, %sub3A_237, %div3A_216 : i32
    %jit3A_239 = arith.constant 4 : i32
    %eq3A_240 = arith.constant 0 : i32
    %eq3A_241 = arith.cmpi eq, %jit3A_239, %eq3A_240 : i32
    %jit3A_242 = arith.constant 1 : i32
    %select_n3A_243 = arith.select %eq3A_241, %jit3A_242, %jit3A_239 : i32
    %rem3A_244 = arith.remsi %add3A_214, %select_n3A_243 : i32
    %ne3A_245 = arith.constant 0 : i32
    %ne3A_246 = arith.cmpi ne, %rem3A_244, %ne3A_245 : i32
    %lt3A_247 = arith.constant 0 : i32
    %lt3A_248 = arith.cmpi slt, %rem3A_244, %lt3A_247 : i32
    %lt3A_249 = arith.constant 0 : i32
    %lt3A_250 = arith.cmpi slt, %select_n3A_243, %lt3A_249 : i32
    %ne3A_251 = arith.xori %lt3A_248, %lt3A_250 : i1
    %and3A_252 = arith.andi %ne3A_251, %ne3A_246 : i1
    %add3A_253 = arith.addi %rem3A_244, %select_n3A_243 : i32
    %select_n3A_254 = arith.select %and3A_252, %add3A_253, %rem3A_244 : i32
    %mul3A_255 = arith.constant 4 : i32
    %mul3A_256 = arith.muli %select_n3A_254, %mul3A_255 : i32
    %dma_start3A_257 = arith.constant 0 : i32
    %dma_start3A_258 = arith.constant 0 : i32
    %dma_start3A_259 = arith.constant 0 : i32
    %dma_start3A_260 = tpu.memref_slice %arg9[%dma_start3A_257, %dma_start3A_258, %dma_start3A_259] : memref<4x64x85xf32, #tpu.memory_space<vmem>> -> memref<4x16x85xf32, #tpu.memory_space<vmem>>
    %dma_start3A_261 = arith.constant 0 : i32
    %dma_start3A_262 = arith.constant 0 : i32
    %dma_start3A_263 = tpu.memref_slice %arg4[%select_n3A_238, %mul3A_256, %dma_start3A_261, %dma_start3A_262] : memref<16x16x16x85xf32, #tpu.memory_space<hbm>> -> memref<1x4x16x85xf32, #tpu.memory_space<hbm>>
    %dma_start3A_264 = tpu.memref_squeeze %dma_start3A_263 : memref<1x4x16x85xf32, #tpu.memory_space<hbm>> -> memref<4x16x85xf32, #tpu.memory_space<hbm>>
    %dma_start3A_265 = arith.constant 0 : i32
    %dma_start3A_266 = arith.constant 0 : i32
    %dma_start3A_267 = arith.constant 0 : i32
    %dma_start3A_268 = tpu.memref_slice %arg9[%dma_start3A_265, %dma_start3A_266, %dma_start3A_267] : memref<4x64x85xf32, #tpu.memory_space<vmem>> -> memref<4x16x85xf32, #tpu.memory_space<vmem>>
    %dma_start3A_269 = arith.constant 0 : i32
    %dma_start3A_270 = arith.constant 0 : i32
    %dma_start3A_271 = tpu.memref_slice %arg4[%select_n3A_238, %mul3A_256, %dma_start3A_269, %dma_start3A_270] : memref<16x16x16x85xf32, #tpu.memory_space<hbm>> -> memref<1x4x16x85xf32, #tpu.memory_space<hbm>>
    %dma_start3A_272 = tpu.memref_squeeze %dma_start3A_271 : memref<1x4x16x85xf32, #tpu.memory_space<hbm>> -> memref<4x16x85xf32, #tpu.memory_space<hbm>>
    tpu.enqueue_dma source(%dma_start3A_272 : memref<4x16x85xf32, #tpu.memory_space<hbm>>) target(%dma_start3A_268 : memref<4x16x85xf32, #tpu.memory_space<vmem>>) target_semaphore(%arg19 : memref<!tpu.dma_semaphore, #tpu.memory_space<semaphore_mem>>)
    %dma_wait3A = arith.constant 0 : i32
    %dma_wait3A_273 = arith.constant 0 : i32
    %dma_wait3A_274 = arith.constant 0 : i32
    %dma_wait3A_275 = arith.constant 0 : i32
    %dma_wait3A_276 = tpu.memref_slice %arg8[%dma_wait3A_273, %dma_wait3A_274, %dma_wait3A_275] : memref<4x64x85xf32, #tpu.memory_space<vmem>> -> memref<4x16x85xf32, #tpu.memory_space<vmem>>
    %dma_wait3A_277 = arith.constant 0 : i32
    %dma_wait3A_278 = arith.constant 0 : i32
    %dma_wait3A_279 = arith.constant 0 : i32
    %dma_wait3A_280 = tpu.memref_slice %arg4[%dma_wait3A, %dma_wait3A_277, %dma_wait3A_278, %dma_wait3A_279] : memref<16x16x16x85xf32, #tpu.memory_space<hbm>> -> memref<1x4x16x85xf32, #tpu.memory_space<hbm>>
    %dma_wait3A_281 = tpu.memref_squeeze %dma_wait3A_280 : memref<1x4x16x85xf32, #tpu.memory_space<hbm>> -> memref<4x16x85xf32, #tpu.memory_space<hbm>>
    %dma_wait3A_282 = arith.constant 0 : i32
    %dma_wait3A_283 = arith.constant 0 : i32
    %dma_wait3A_284 = arith.constant 0 : i32
    %dma_wait3A_285 = tpu.memref_slice %arg8[%dma_wait3A_282, %dma_wait3A_283, %dma_wait3A_284] : memref<4x64x85xf32, #tpu.memory_space<vmem>> -> memref<4x16x85xf32, #tpu.memory_space<vmem>>
    %dma_wait3A_286 = arith.constant 0 : i32
    %dma_wait3A_287 = arith.constant 0 : i32
    %dma_wait3A_288 = arith.constant 0 : i32
    %dma_wait3A_289 = tpu.memref_slice %arg4[%dma_wait3A, %dma_wait3A_286, %dma_wait3A_287, %dma_wait3A_288] : memref<16x16x16x85xf32, #tpu.memory_space<hbm>> -> memref<1x4x16x85xf32, #tpu.memory_space<hbm>>
    %dma_wait3A_290 = tpu.memref_squeeze %dma_wait3A_289 : memref<1x4x16x85xf32, #tpu.memory_space<hbm>> -> memref<4x16x85xf32, #tpu.memory_space<hbm>>
    tpu.wait_dma2 semaphore(%arg18 : memref<!tpu.dma_semaphore, #tpu.memory_space<semaphore_mem>>) src(%dma_wait3A_290 : memref<4x16x85xf32, #tpu.memory_space<hbm>>) dst(%dma_wait3A_285 : memref<4x16x85xf32, #tpu.memory_space<vmem>>)
    %broadcast_in_dim3A = arith.constant 4 : i32
    %broadcast_in_dim3A_291 = vector.broadcast %broadcast_in_dim3A : i32 to vector<16xi32>
    %broadcast_in_dim3A_292 = arith.constant 0.000000e+00 : f32
    %broadcast_in_dim3A_293 = vector.broadcast %broadcast_in_dim3A_292 : f32 to vector<16xf32>
    %scan3A_294 = arith.constant 0 : i32
    %scan3A_295 = arith.constant 4 : i32
    %scan3A_296 = arith.addi %scan3A_294, %scan3A_295 : i32
    %scan3A_297 = arith.constant 1 : i32
    %scan3A_298 = scf.for %scan3A_395 = %scan3A_294 to %scan3A_296 step %scan3A_297 iter_args(%scan3A_396 = %broadcast_in_dim3A_293) -> (vector<16xf32>)  : i32 {
      %mul3A_397 = arith.constant 16 : i32
      %mul3A_398 = arith.muli %mul3A_397, %scan3A_395 : i32
      %add3A_399 = vector.broadcast %mul3A_398 : i32 to vector<16xi32>
      %add3A_400 = arith.addi %iota3A_143, %add3A_399 : vector<16xi32>
      %shift_right_logical3A = arith.constant 4 : i32
      %shift_right_logical3A_401 = vector.broadcast %shift_right_logical3A : i32 to vector<16xi32>
      %shift_right_logical3A_402 = arith.shrui %add3A_400, %shift_right_logical3A_401 : vector<16xi32>
      %and3A_403 = arith.constant 15 : i32
      %and3A_404 = vector.broadcast %and3A_403 : i32 to vector<16xi32>
      %and3A_405 = arith.andi %add3A_400, %and3A_404 : vector<16xi32>
      %gather3A = tpu.vector_load_idx %arg8[%shift_right_logical3A_402, %and3A_405, %broadcast_in_dim3A_291] : memref<4x64x85xf32, #tpu.memory_space<vmem>>[vector<16xi32>, vector<16xi32>, vector<16xi32>], vector<16xf32>,
      %max3A = arith.constant 0.000000e+00 : f32
      %max3A_406 = vector.broadcast %max3A : f32 to vector<16xf32>
      %max3A_407 = arith.maximumf %gather3A, %max3A_406 : vector<16xf32>
      %abs3A = math.absf %gather3A : vector<16xf32>
      %neg3A = arith.constant 0.000000e+00 : f32
      %neg3A_408 = vector.broadcast %neg3A : f32 to vector<16xf32>
      %neg3A_409 = arith.subf %neg3A_408, %abs3A : vector<16xf32>
      %exp3A = math.exp %neg3A_409 : vector<16xf32>
      %add3A_410 = arith.constant 2.000000e+00 : f32
      %add3A_411 = vector.broadcast %add3A_410 : f32 to vector<16xf32>
      %add3A_412 = arith.addf %add3A_411, %exp3A : vector<16xf32>
      %div3A_413 = arith.divf %exp3A, %add3A_412 : vector<16xf32>
      %mul3A_414 = arith.mulf %div3A_413, %div3A_413 : vector<16xf32>
      %mul3A_415 = arith.constant 0.111111112 : f32
      %mul3A_416 = vector.broadcast %mul3A_415 : f32 to vector<16xf32>
      %mul3A_417 = arith.mulf %mul3A_414, %mul3A_416 : vector<16xf32>
      %add3A_418 = arith.constant 0.142857149 : f32
      %add3A_419 = vector.broadcast %add3A_418 : f32 to vector<16xf32>
      %add3A_420 = arith.addf %add3A_419, %mul3A_417 : vector<16xf32>
      %mul3A_421 = arith.mulf %mul3A_414, %add3A_420 : vector<16xf32>
      %add3A_422 = arith.constant 2.000000e-01 : f32
      %add3A_423 = vector.broadcast %add3A_422 : f32 to vector<16xf32>
      %add3A_424 = arith.addf %add3A_423, %mul3A_421 : vector<16xf32>
      %mul3A_425 = arith.mulf %mul3A_414, %add3A_424 : vector<16xf32>
      %add3A_426 = arith.constant 0.333333343 : f32
      %add3A_427 = vector.broadcast %add3A_426 : f32 to vector<16xf32>
      %add3A_428 = arith.addf %add3A_427, %mul3A_425 : vector<16xf32>
      %mul3A_429 = arith.mulf %mul3A_414, %add3A_428 : vector<16xf32>
      %add3A_430 = arith.constant 1.000000e+00 : f32
      %add3A_431 = vector.broadcast %add3A_430 : f32 to vector<16xf32>
      %add3A_432 = arith.addf %add3A_431, %mul3A_429 : vector<16xf32>
      %mul3A_433 = arith.constant 2.000000e+00 : f32
      %mul3A_434 = vector.broadcast %mul3A_433 : f32 to vector<16xf32>
      %mul3A_435 = arith.mulf %mul3A_434, %div3A_413 : vector<16xf32>
      %mul3A_436 = arith.mulf %mul3A_435, %add3A_432 : vector<16xf32>
      %add3A_437 = arith.addf %max3A_407, %mul3A_436 : vector<16xf32>
      %add3A_438 = arith.addf %scan3A_396, %add3A_437 : vector<16xf32>
      scf.yield %add3A_438 : vector<16xf32>
    }
    %scan3A_299 = arith.constant 4 : i32
    %reduce_sum3A = arith.constant true
    %reduce_sum3A_300 = vector.broadcast %reduce_sum3A : i1 to vector<16xi1>
    %reduce_sum3A_301 = tpu.scan <sum>, %scan3A_298 masked %reduce_sum3A_300 : vector<16xf32>, vector<16xi1> -> vector<16xf32>
    %reduce_sum3A_302 = vector.extract %reduce_sum3A_301[15] : f32 from vector<16xf32>
    %add3A_303 = arith.addf %scan3A_206, %reduce_sum3A_302 : f32
    %add3A_304 = arith.constant 1 : i32
    %add3A_305 = arith.addi %scan3A_207, %add3A_304 : i32
    %lt3A_306 = arith.constant 1 : i32
    %lt3A_307 = arith.cmpi slt, %add3A_305, %lt3A_306 : i32
    %convert_element_type3A_308 = arith.extui %lt3A_307 : i1 to i32
    %cond3A_309 = arith.constant 0 : i32
    %cond3A_310 = arith.cmpi ne, %convert_element_type3A_308, %cond3A_309 : i32
    scf.if %cond3A_310 {
      %add3A_395 = arith.constant 2 : i32
      %add3A_396 = arith.addi %mul3A_209, %add3A_395 : i32
      %mul3A_397 = arith.constant 2 : i32
      %mul3A_398 = arith.muli %add3A, %mul3A_397 : i32
      %add3A_399 = arith.addi %mul3A_398, %add3A_396 : i32
      %jit3A_400 = arith.constant 4 : i32
      %div3A_401 = arith.divsi %add3A_399, %jit3A_400 : i32
      %sign3A_402 = arith.constant 0 : i32
      %sign3A_403 = arith.cmpi sgt, %add3A_399, %sign3A_402 : i32
      %sign3A_404 = arith.extui %sign3A_403 : i1 to i32
      %sign3A_405 = arith.constant 0 : i32
      %sign3A_406 = arith.cmpi slt, %add3A_399, %sign3A_405 : i32
      %sign3A_407 = arith.extui %sign3A_406 : i1 to i32
      %sign3A_408 = arith.subi %sign3A_404, %sign3A_407 : i32
      %sign3A_409 = arith.constant 0 : i32
      %sign3A_410 = arith.cmpi sgt, %jit3A_400, %sign3A_409 : i32
      %sign3A_411 = arith.extui %sign3A_410 : i1 to i32
      %sign3A_412 = arith.constant 0 : i32
      %sign3A_413 = arith.cmpi slt, %jit3A_400, %sign3A_412 : i32
      %sign3A_414 = arith.extui %sign3A_413 : i1 to i32
      %sign3A_415 = arith.subi %sign3A_411, %sign3A_414 : i32
      %ne3A_416 = arith.cmpi ne, %sign3A_408, %sign3A_415 : i32
      %rem3A_417 = arith.remsi %add3A_399, %jit3A_400 : i32
      %ne3A_418 = arith.constant 0 : i32
      %ne3A_419 = arith.cmpi ne, %rem3A_417, %ne3A_418 : i32
      %and3A_420 = arith.andi %ne3A_416, %ne3A_419 : i1
      %sub3A_421 = arith.constant 1 : i32
      %sub3A_422 = arith.subi %div3A_401, %sub3A_421 : i32
      %select_n3A_423 = arith.select %and3A_420, %sub3A_422, %div3A_401 : i32
      %jit3A_424 = arith.constant 4 : i32
      %eq3A_425 = arith.constant 0 : i32
      %eq3A_426 = arith.cmpi eq, %jit3A_424, %eq3A_425 : i32
      %jit3A_427 = arith.constant 1 : i32
      %select_n3A_428 = arith.select %eq3A_426, %jit3A_427, %jit3A_424 : i32
      %rem3A_429 = arith.remsi %add3A_399, %select_n3A_428 : i32
      %ne3A_430 = arith.constant 0 : i32
      %ne3A_431 = arith.cmpi ne, %rem3A_429, %ne3A_430 : i32
      %lt3A_432 = arith.constant 0 : i32
      %lt3A_433 = arith.cmpi slt, %rem3A_429, %lt3A_432 : i32
      %lt3A_434 = arith.constant 0 : i32
      %lt3A_435 = arith.cmpi slt, %select_n3A_428, %lt3A_434 : i32
      %ne3A_436 = arith.xori %lt3A_433, %lt3A_435 : i1
      %and3A_437 = arith.andi %ne3A_436, %ne3A_431 : i1
      %add3A_438 = arith.addi %rem3A_429, %select_n3A_428 : i32
      %select_n3A_439 = arith.select %and3A_437, %add3A_438, %rem3A_429 : i32
      %mul3A_440 = arith.constant 4 : i32
      %mul3A_441 = arith.muli %select_n3A_439, %mul3A_440 : i32
      %dma_start3A_442 = arith.constant 0 : i32
      %dma_start3A_443 = arith.constant 0 : i32
      %dma_start3A_444 = arith.constant 0 : i32
      %dma_start3A_445 = tpu.memref_slice %arg8[%dma_start3A_442, %dma_start3A_443, %dma_start3A_444] : memref<4x64x85xf32, #tpu.memory_space<vmem>> -> memref<4x16x85xf32, #tpu.memory_space<vmem>>
      %dma_start3A_446 = arith.constant 0 : i32
      %dma_start3A_447 = arith.constant 0 : i32
      %dma_start3A_448 = tpu.memref_slice %arg4[%select_n3A_423, %mul3A_441, %dma_start3A_446, %dma_start3A_447] : memref<16x16x16x85xf32, #tpu.memory_space<hbm>> -> memref<1x4x16x85xf32, #tpu.memory_space<hbm>>
      %dma_start3A_449 = tpu.memref_squeeze %dma_start3A_448 : memref<1x4x16x85xf32, #tpu.memory_space<hbm>> -> memref<4x16x85xf32, #tpu.memory_space<hbm>>
      %dma_start3A_450 = arith.constant 0 : i32
      %dma_start3A_451 = arith.constant 0 : i32
      %dma_start3A_452 = arith.constant 0 : i32
      %dma_start3A_453 = tpu.memref_slice %arg8[%dma_start3A_450, %dma_start3A_451, %dma_start3A_452] : memref<4x64x85xf32, #tpu.memory_space<vmem>> -> memref<4x16x85xf32, #tpu.memory_space<vmem>>
      %dma_start3A_454 = arith.constant 0 : i32
      %dma_start3A_455 = arith.constant 0 : i32
      %dma_start3A_456 = tpu.memref_slice %arg4[%select_n3A_423, %mul3A_441, %dma_start3A_454, %dma_start3A_455] : memref<16x16x16x85xf32, #tpu.memory_space<hbm>> -> memref<1x4x16x85xf32, #tpu.memory_space<hbm>>
      %dma_start3A_457 = tpu.memref_squeeze %dma_start3A_456 : memref<1x4x16x85xf32, #tpu.memory_space<hbm>> -> memref<4x16x85xf32, #tpu.memory_space<hbm>>
      tpu.enqueue_dma source(%dma_start3A_457 : memref<4x16x85xf32, #tpu.memory_space<hbm>>) target(%dma_start3A_453 : memref<4x16x85xf32, #tpu.memory_space<vmem>>) target_semaphore(%arg18 : memref<!tpu.dma_semaphore, #tpu.memory_space<semaphore_mem>>)
    } else {
    }
    %dma_wait3A_311 = arith.constant 0 : i32
    %dma_wait3A_312 = arith.constant 0 : i32
    %dma_wait3A_313 = arith.constant 0 : i32
    %dma_wait3A_314 = arith.constant 0 : i32
    %dma_wait3A_315 = tpu.memref_slice %arg9[%dma_wait3A_312, %dma_wait3A_313, %dma_wait3A_314] : memref<4x64x85xf32, #tpu.memory_space<vmem>> -> memref<4x16x85xf32, #tpu.memory_space<vmem>>
    %dma_wait3A_316 = arith.constant 0 : i32
    %dma_wait3A_317 = arith.constant 0 : i32
    %dma_wait3A_318 = arith.constant 0 : i32
    %dma_wait3A_319 = tpu.memref_slice %arg4[%dma_wait3A_311, %dma_wait3A_316, %dma_wait3A_317, %dma_wait3A_318] : memref<16x16x16x85xf32, #tpu.memory_space<hbm>> -> memref<1x4x16x85xf32, #tpu.memory_space<hbm>>
    %dma_wait3A_320 = tpu.memref_squeeze %dma_wait3A_319 : memref<1x4x16x85xf32, #tpu.memory_space<hbm>> -> memref<4x16x85xf32, #tpu.memory_space<hbm>>
    %dma_wait3A_321 = arith.constant 0 : i32
    %dma_wait3A_322 = arith.constant 0 : i32
    %dma_wait3A_323 = arith.constant 0 : i32
    %dma_wait3A_324 = tpu.memref_slice %arg9[%dma_wait3A_321, %dma_wait3A_322, %dma_wait3A_323] : memref<4x64x85xf32, #tpu.memory_space<vmem>> -> memref<4x16x85xf32, #tpu.memory_space<vmem>>
    %dma_wait3A_325 = arith.constant 0 : i32
    %dma_wait3A_326 = arith.constant 0 : i32
    %dma_wait3A_327 = arith.constant 0 : i32
    %dma_wait3A_328 = tpu.memref_slice %arg4[%dma_wait3A_311, %dma_wait3A_325, %dma_wait3A_326, %dma_wait3A_327] : memref<16x16x16x85xf32, #tpu.memory_space<hbm>> -> memref<1x4x16x85xf32, #tpu.memory_space<hbm>>
    %dma_wait3A_329 = tpu.memref_squeeze %dma_wait3A_328 : memref<1x4x16x85xf32, #tpu.memory_space<hbm>> -> memref<4x16x85xf32, #tpu.memory_space<hbm>>
    tpu.wait_dma2 semaphore(%arg19 : memref<!tpu.dma_semaphore, #tpu.memory_space<semaphore_mem>>) src(%dma_wait3A_329 : memref<4x16x85xf32, #tpu.memory_space<hbm>>) dst(%dma_wait3A_324 : memref<4x16x85xf32, #tpu.memory_space<vmem>>)
    %broadcast_in_dim3A_330 = arith.constant 4 : i32
    %broadcast_in_dim3A_331 = vector.broadcast %broadcast_in_dim3A_330 : i32 to vector<16xi32>
    %broadcast_in_dim3A_332 = arith.constant 0.000000e+00 : f32
    %broadcast_in_dim3A_333 = vector.broadcast %broadcast_in_dim3A_332 : f32 to vector<16xf32>
    %scan3A_334 = arith.constant 0 : i32
    %scan3A_335 = arith.constant 4 : i32
    %scan3A_336 = arith.addi %scan3A_334, %scan3A_335 : i32
    %scan3A_337 = arith.constant 1 : i32
    %scan3A_338 = scf.for %scan3A_395 = %scan3A_334 to %scan3A_336 step %scan3A_337 iter_args(%scan3A_396 = %broadcast_in_dim3A_333) -> (vector<16xf32>)  : i32 {
      %mul3A_397 = arith.constant 16 : i32
      %mul3A_398 = arith.muli %mul3A_397, %scan3A_395 : i32
      %add3A_399 = vector.broadcast %mul3A_398 : i32 to vector<16xi32>
      %add3A_400 = arith.addi %iota3A_143, %add3A_399 : vector<16xi32>
      %shift_right_logical3A = arith.constant 4 : i32
      %shift_right_logical3A_401 = vector.broadcast %shift_right_logical3A : i32 to vector<16xi32>
      %shift_right_logical3A_402 = arith.shrui %add3A_400, %shift_right_logical3A_401 : vector<16xi32>
      %and3A_403 = arith.constant 15 : i32
      %and3A_404 = vector.broadcast %and3A_403 : i32 to vector<16xi32>
      %and3A_405 = arith.andi %add3A_400, %and3A_404 : vector<16xi32>
      %gather3A = tpu.vector_load_idx %arg9[%shift_right_logical3A_402, %and3A_405, %broadcast_in_dim3A_331] : memref<4x64x85xf32, #tpu.memory_space<vmem>>[vector<16xi32>, vector<16xi32>, vector<16xi32>], vector<16xf32>,
      %max3A = arith.constant 0.000000e+00 : f32
      %max3A_406 = vector.broadcast %max3A : f32 to vector<16xf32>
      %max3A_407 = arith.maximumf %gather3A, %max3A_406 : vector<16xf32>
      %abs3A = math.absf %gather3A : vector<16xf32>
      %neg3A = arith.constant 0.000000e+00 : f32
      %neg3A_408 = vector.broadcast %neg3A : f32 to vector<16xf32>
      %neg3A_409 = arith.subf %neg3A_408, %abs3A : vector<16xf32>
      %exp3A = math.exp %neg3A_409 : vector<16xf32>
      %add3A_410 = arith.constant 2.000000e+00 : f32
      %add3A_411 = vector.broadcast %add3A_410 : f32 to vector<16xf32>
      %add3A_412 = arith.addf %add3A_411, %exp3A : vector<16xf32>
      %div3A_413 = arith.divf %exp3A, %add3A_412 : vector<16xf32>
      %mul3A_414 = arith.mulf %div3A_413, %div3A_413 : vector<16xf32>
      %mul3A_415 = arith.constant 0.111111112 : f32
      %mul3A_416 = vector.broadcast %mul3A_415 : f32 to vector<16xf32>
      %mul3A_417 = arith.mulf %mul3A_414, %mul3A_416 : vector<16xf32>
      %add3A_418 = arith.constant 0.142857149 : f32
      %add3A_419 = vector.broadcast %add3A_418 : f32 to vector<16xf32>
      %add3A_420 = arith.addf %add3A_419, %mul3A_417 : vector<16xf32>
      %mul3A_421 = arith.mulf %mul3A_414, %add3A_420 : vector<16xf32>
      %add3A_422 = arith.constant 2.000000e-01 : f32
      %add3A_423 = vector.broadcast %add3A_422 : f32 to vector<16xf32>
      %add3A_424 = arith.addf %add3A_423, %mul3A_421 : vector<16xf32>
      %mul3A_425 = arith.mulf %mul3A_414, %add3A_424 : vector<16xf32>
      %add3A_426 = arith.constant 0.333333343 : f32
      %add3A_427 = vector.broadcast %add3A_426 : f32 to vector<16xf32>
      %add3A_428 = arith.addf %add3A_427, %mul3A_425 : vector<16xf32>
      %mul3A_429 = arith.mulf %mul3A_414, %add3A_428 : vector<16xf32>
      %add3A_430 = arith.constant 1.000000e+00 : f32
      %add3A_431 = vector.broadcast %add3A_430 : f32 to vector<16xf32>
      %add3A_432 = arith.addf %add3A_431, %mul3A_429 : vector<16xf32>
      %mul3A_433 = arith.constant 2.000000e+00 : f32
      %mul3A_434 = vector.broadcast %mul3A_433 : f32 to vector<16xf32>
      %mul3A_435 = arith.mulf %mul3A_434, %div3A_413 : vector<16xf32>
      %mul3A_436 = arith.mulf %mul3A_435, %add3A_432 : vector<16xf32>
      %add3A_437 = arith.addf %max3A_407, %mul3A_436 : vector<16xf32>
      %add3A_438 = arith.addf %scan3A_396, %add3A_437 : vector<16xf32>
      scf.yield %add3A_438 : vector<16xf32>
    }
    %scan3A_339 = arith.constant 4 : i32
    %reduce_sum3A_340 = arith.constant true
    %reduce_sum3A_341 = vector.broadcast %reduce_sum3A_340 : i1 to vector<16xi1>
    %reduce_sum3A_342 = tpu.scan <sum>, %scan3A_338 masked %reduce_sum3A_341 : vector<16xf32>, vector<16xi1> -> vector<16xf32>
    %reduce_sum3A_343 = vector.extract %reduce_sum3A_342[15] : f32 from vector<16xf32>
    %add3A_344 = arith.addf %add3A_303, %reduce_sum3A_343 : f32
    %scan3A_345 = arith.constant 1 : i32
    %mul3A_346 = arith.constant 2.44140625E-4 : f32
    %mul3A_347 = arith.mulf %scan3A_71, %mul3A_346 : f32
    %mul3A_348 = arith.constant 9.765625E-4 : f32
    %mul3A_349 = arith.mulf %scan3A_141, %mul3A_348 : f32
    %add3A_350 = arith.addf %mul3A_347, %mul3A_349 : f32
    %mul3A_351 = arith.constant 3.906250e-03 : f32
    %mul3A_352 = arith.mulf %add3A_344, %mul3A_351 : f32
    %add3A_353 = arith.addf %add3A_350, %mul3A_352 : f32
    %mul3A_354 = arith.constant 3.125000e-02 : f32
    %mul3A_355 = arith.mulf %mul3A_354, %add3A_353 : f32
    %eq3A_356 = arith.constant 1 : i32
    %eq3A_357 = vector.broadcast %eq3A_356 : i32 to vector<16xi32>
    %eq3A_358 = arith.cmpi eq, %iota3A, %eq3A_357 : vector<16xi32>
    %jit3A_359 = arith.constant 0.000000e+00 : f32
    %broadcast_in_dim3A_360 = vector.broadcast %mul3A_355 : f32 to vector<16xf32>
    %broadcast_in_dim3A_361 = vector.broadcast %jit3A_359 : f32 to vector<16xf32>
    %select_n3A_362 = arith.select %eq3A_358, %broadcast_in_dim3A_360, %broadcast_in_dim3A_361 : vector<16xi1>, vector<16xf32>
    %lt3A_363 = arith.constant 16 : i32
    %lt3A_364 = arith.cmpi slt, %add3A, %lt3A_363 : i32
    %convert_element_type3A_365 = arith.extui %lt3A_364 : i1 to i32
    %cond3A_366 = arith.constant 0 : i32
    %cond3A_367 = arith.cmpi ne, %convert_element_type3A_365, %cond3A_366 : i32
    scf.if %cond3A_367 {
      %scan3A_395 = arith.constant 0 : i32
      %scan3A_396 = arith.constant 0 : i32
      %scan3A_397 = arith.constant 40 : i32
      %scan3A_398 = arith.addi %scan3A_396, %scan3A_397 : i32
      %scan3A_399 = arith.constant 1 : i32
      %scan3A_400 = scf.for %scan3A_1238 = %scan3A_396 to %scan3A_398 step %scan3A_399 iter_args(%scan3A_1239 = %scan3A_395) -> (i32)  : i32 {
        %dma_wait3A_1240 = arith.constant 0 : i32
        %dma_wait3A_1241 = arith.constant 0 : i32
        %dma_wait3A_1242 = arith.constant 0 : i32
        %dma_wait3A_1243 = arith.constant 0 : i32
        %dma_wait3A_1244 = tpu.memref_slice %arg10[%dma_wait3A_1242, %dma_wait3A_1243] : memref<40x85xf32, #tpu.memory_space<vmem>> -> memref<1x85xf32, #tpu.memory_space<vmem>>
        %dma_wait3A_1245 = arith.constant 0 : i32
        %dma_wait3A_1246 = arith.constant 0 : i32
        %dma_wait3A_1247 = tpu.memref_slice %arg2[%dma_wait3A_1240, %dma_wait3A_1241, %dma_wait3A_1245, %dma_wait3A_1246] : memref<16x64x64x85xf32, #tpu.memory_space<hbm>> -> memref<1x1x1x85xf32, #tpu.memory_space<hbm>>
        %dma_wait3A_1248 = tpu.memref_squeeze %dma_wait3A_1247 : memref<1x1x1x85xf32, #tpu.memory_space<hbm>> -> memref<1x85xf32, #tpu.memory_space<hbm>>
        %dma_wait3A_1249 = arith.constant 0 : i32
        %dma_wait3A_1250 = arith.constant 0 : i32
        %dma_wait3A_1251 = tpu.memref_slice %arg10[%dma_wait3A_1249, %dma_wait3A_1250] : memref<40x85xf32, #tpu.memory_space<vmem>> -> memref<1x85xf32, #tpu.memory_space<vmem>>
        %dma_wait3A_1252 = arith.constant 0 : i32
        %dma_wait3A_1253 = arith.constant 0 : i32
        %dma_wait3A_1254 = tpu.memref_slice %arg2[%dma_wait3A_1240, %dma_wait3A_1241, %dma_wait3A_1252, %dma_wait3A_1253] : memref<16x64x64x85xf32, #tpu.memory_space<hbm>> -> memref<1x1x1x85xf32, #tpu.memory_space<hbm>>
        %dma_wait3A_1255 = tpu.memref_squeeze %dma_wait3A_1254 : memref<1x1x1x85xf32, #tpu.memory_space<hbm>> -> memref<1x85xf32, #tpu.memory_space<hbm>>
        tpu.wait_dma2 semaphore(%arg17 : memref<!tpu.dma_semaphore, #tpu.memory_space<semaphore_mem>>) src(%dma_wait3A_1255 : memref<1x85xf32, #tpu.memory_space<hbm>>) dst(%dma_wait3A_1251 : memref<1x85xf32, #tpu.memory_space<vmem>>)
        %scan3A_1256 = arith.constant 0 : i32
        scf.yield %scan3A_1256 : i32
      }
      %scan3A_401 = arith.constant 40 : i32
      %iota3A_402 = tpu.iota {dimensions = array<i32: 0>} : vector<16xi32>
      %get3A_403 = arith.constant 0 : index
      %get3A_404 = tpu.vector_load %arg13[%get3A_403] {strides = array<i32>} : memref<64xi32, #tpu.memory_space<vmem>>, vector<16xi32>,
      %get3A_405 = arith.constant 16 : index
      %get3A_406 = tpu.vector_load %arg13[%get3A_405] {strides = array<i32>} : memref<64xi32, #tpu.memory_space<vmem>>, vector<16xi32>,
      %get3A_407 = arith.constant 0 : index
      %get3A_408 = tpu.vector_load %arg12[%get3A_407] {strides = array<i32>} : memref<32xi32, #tpu.memory_space<vmem>>, vector<16xi32>,
      %get3A_409 = arith.constant 16 : index
      %get3A_410 = tpu.vector_load %arg12[%get3A_409] {strides = array<i32>} : memref<32xi32, #tpu.memory_space<vmem>>, vector<16xi32>,
      %lt3A_411 = arith.constant 0 : i32
      %lt3A_412 = vector.broadcast %lt3A_411 : i32 to vector<16xi32>
      %lt3A_413 = arith.cmpi slt, %iota3A_402, %lt3A_412 : vector<16xi32>
      %scan3A_414 = arith.constant 1 : i32
      %scan3A_415 = arith.constant 19 : i32
      %scan3A_416 = arith.addi %scan3A_414, %scan3A_415 : i32
      %scan3A_417 = arith.constant 1 : i32
      %scan3A_418:4 = scf.for %scan3A_1238 = %scan3A_414 to %scan3A_416 step %scan3A_417 iter_args(%scan3A_1239 = %lt3A_413, %scan3A_1240 = %lt3A_413, %scan3A_1241 = %lt3A_413, %scan3A_1242 = %lt3A_413) -> (vector<16xi1>, vector<16xi1>, vector<16xi1>, vector<16xi1>)  : i32 {
        %add3A_1243 = arith.constant 0 : i32
        %add3A_1244 = arith.addi %add3A_1243, %scan3A_1238 : i32
        %broadcast_in_dim3A_1245 = vector.broadcast %add3A_1244 : i32 to vector<16xi32>
        %gather3A_1246 = tpu.vector_load_idx %arg13[%broadcast_in_dim3A_1245] : memref<64xi32, #tpu.memory_space<vmem>>[vector<16xi32>], vector<16xi32>,
        %broadcast_in_dim3A_1247 = vector.broadcast %scan3A_1238 : i32 to vector<16xi32>
        %gather3A_1248 = tpu.vector_load_idx %arg12[%broadcast_in_dim3A_1247] : memref<32xi32, #tpu.memory_space<vmem>>[vector<16xi32>], vector<16xi32>,
        %eq3A_1249 = arith.cmpi eq, %get3A_404, %gather3A_1246 : vector<16xi32>
        %lt3A_1250 = vector.broadcast %scan3A_1238 : i32 to vector<16xi32>
        %lt3A_1251 = arith.cmpi slt, %iota3A_402, %lt3A_1250 : vector<16xi32>
        %and3A_1252 = arith.andi %eq3A_1249, %lt3A_1251 : vector<16xi1>
        %eq3A_1253 = arith.cmpi eq, %get3A_406, %gather3A_1246 : vector<16xi32>
        %add3A_1254 = arith.constant 16 : i32
        %add3A_1255 = vector.broadcast %add3A_1254 : i32 to vector<16xi32>
        %add3A_1256 = arith.addi %iota3A_402, %add3A_1255 : vector<16xi32>
        %lt3A_1257 = vector.broadcast %scan3A_1238 : i32 to vector<16xi32>
        %lt3A_1258 = arith.cmpi slt, %add3A_1256, %lt3A_1257 : vector<16xi32>
        %and3A_1259 = arith.andi %eq3A_1253, %lt3A_1258 : vector<16xi1>
        %or3A = arith.ori %scan3A_1239, %and3A_1252 : vector<16xi1>
        %or3A_1260 = arith.ori %scan3A_1240, %and3A_1259 : vector<16xi1>
        %eq3A_1261 = arith.cmpi eq, %get3A_408, %gather3A_1248 : vector<16xi32>
        %and3A_1262 = arith.andi %and3A_1252, %eq3A_1261 : vector<16xi1>
        %or3A_1263 = arith.ori %scan3A_1241, %and3A_1262 : vector<16xi1>
        %eq3A_1264 = arith.cmpi eq, %get3A_410, %gather3A_1248 : vector<16xi32>
        %and3A_1265 = arith.andi %and3A_1259, %eq3A_1264 : vector<16xi1>
        %or3A_1266 = arith.ori %scan3A_1242, %and3A_1265 : vector<16xi1>
        scf.yield %or3A, %or3A_1260, %or3A_1263, %or3A_1266 : vector<16xi1>, vector<16xi1>, vector<16xi1>, vector<16xi1>
      }
      %scan3A_419 = arith.constant 19 : i32
      %lt3A_420 = arith.constant 20 : i32
      %lt3A_421 = vector.broadcast %lt3A_420 : i32 to vector<16xi32>
      %lt3A_422 = arith.cmpi slt, %iota3A_402, %lt3A_421 : vector<16xi32>
      %add3A_423 = arith.constant 16 : i32
      %add3A_424 = vector.broadcast %add3A_423 : i32 to vector<16xi32>
      %add3A_425 = arith.addi %iota3A_402, %add3A_424 : vector<16xi32>
      %lt3A_426 = arith.constant 20 : i32
      %lt3A_427 = vector.broadcast %lt3A_426 : i32 to vector<16xi32>
      %lt3A_428 = arith.cmpi slt, %add3A_425, %lt3A_427 : vector<16xi32>
      %not3A = arith.constant dense<true> : vector<16xi1>
      %not3A_429 = arith.xori %scan3A_418#0, %not3A : vector<16xi1>
      %and3A_430 = arith.andi %lt3A_422, %not3A_429 : vector<16xi1>
      %jit3A_431 = arith.constant 1.000000e+00 : f32
      %jit3A_432 = arith.constant 0.000000e+00 : f32
      %broadcast_in_dim3A_433 = vector.broadcast %jit3A_431 : f32 to vector<16xf32>
      %broadcast_in_dim3A_434 = vector.broadcast %jit3A_432 : f32 to vector<16xf32>
      %select_n3A_435 = arith.select %and3A_430, %broadcast_in_dim3A_433, %broadcast_in_dim3A_434 : vector<16xi1>, vector<16xf32>
      %swap3A_436 = arith.constant 0 : index
      %swap3A_437 = tpu.vector_load %arg14[%swap3A_436] {strides = array<i32>} : memref<32xf32, #tpu.memory_space<vmem>>, vector<16xf32>,
      tpu.vector_store %arg14[%swap3A_436], %select_n3A_435 {strides = array<i32>} : memref<32xf32, #tpu.memory_space<vmem>>, vector<16xf32>,
      %not3A_438 = arith.constant dense<true> : vector<16xi1>
      %not3A_439 = arith.xori %scan3A_418#1, %not3A_438 : vector<16xi1>
      %and3A_440 = arith.andi %lt3A_428, %not3A_439 : vector<16xi1>
      %jit3A_441 = arith.constant 1.000000e+00 : f32
      %jit3A_442 = arith.constant 0.000000e+00 : f32
      %broadcast_in_dim3A_443 = vector.broadcast %jit3A_441 : f32 to vector<16xf32>
      %broadcast_in_dim3A_444 = vector.broadcast %jit3A_442 : f32 to vector<16xf32>
      %select_n3A_445 = arith.select %and3A_440, %broadcast_in_dim3A_443, %broadcast_in_dim3A_444 : vector<16xi1>, vector<16xf32>
      %swap3A_446 = arith.constant 16 : index
      %swap3A_447 = tpu.vector_load %arg14[%swap3A_446] {strides = array<i32>} : memref<32xf32, #tpu.memory_space<vmem>>, vector<16xf32>,
      tpu.vector_store %arg14[%swap3A_446], %select_n3A_445 {strides = array<i32>} : memref<32xf32, #tpu.memory_space<vmem>>, vector<16xf32>,
      %not3A_448 = arith.constant dense<true> : vector<16xi1>
      %not3A_449 = arith.xori %scan3A_418#2, %not3A_448 : vector<16xi1>
      %and3A_450 = arith.andi %lt3A_422, %not3A_449 : vector<16xi1>
      %jit3A_451 = arith.constant 1.000000e+00 : f32
      %jit3A_452 = arith.constant 0.000000e+00 : f32
      %broadcast_in_dim3A_453 = vector.broadcast %jit3A_451 : f32 to vector<16xf32>
      %broadcast_in_dim3A_454 = vector.broadcast %jit3A_452 : f32 to vector<16xf32>
      %select_n3A_455 = arith.select %and3A_450, %broadcast_in_dim3A_453, %broadcast_in_dim3A_454 : vector<16xi1>, vector<16xf32>
      %swap3A_456 = arith.constant 0 : index
      %swap3A_457 = tpu.vector_load %arg15[%swap3A_456] {strides = array<i32>} : memref<32xf32, #tpu.memory_space<vmem>>, vector<16xf32>,
      tpu.vector_store %arg15[%swap3A_456], %select_n3A_455 {strides = array<i32>} : memref<32xf32, #tpu.memory_space<vmem>>, vector<16xf32>,
      %not3A_458 = arith.constant dense<true> : vector<16xi1>
      %not3A_459 = arith.xori %scan3A_418#3, %not3A_458 : vector<16xi1>
      %and3A_460 = arith.andi %lt3A_428, %not3A_459 : vector<16xi1>
      %jit3A_461 = arith.constant 1.000000e+00 : f32
      %jit3A_462 = arith.constant 0.000000e+00 : f32
      %broadcast_in_dim3A_463 = vector.broadcast %jit3A_461 : f32 to vector<16xf32>
      %broadcast_in_dim3A_464 = vector.broadcast %jit3A_462 : f32 to vector<16xf32>
      %select_n3A_465 = arith.select %and3A_460, %broadcast_in_dim3A_463, %broadcast_in_dim3A_464 : vector<16xi1>, vector<16xf32>
      %swap3A_466 = arith.constant 16 : index
      %swap3A_467 = tpu.vector_load %arg15[%swap3A_466] {strides = array<i32>} : memref<32xf32, #tpu.memory_space<vmem>>, vector<16xf32>,
      tpu.vector_store %arg15[%swap3A_466], %select_n3A_465 {strides = array<i32>} : memref<32xf32, #tpu.memory_space<vmem>>, vector<16xf32>,
      %broadcast_in_dim3A_468 = arith.constant 0.000000e+00 : f32
      %broadcast_in_dim3A_469 = vector.broadcast %broadcast_in_dim3A_468 : f32 to vector<16xf32>
      %add3A_470 = arith.constant 0 : i32
      %add3A_471 = vector.broadcast %add3A_470 : i32 to vector<16xi32>
      %add3A_472 = arith.addi %iota3A_402, %add3A_471 : vector<16xi32>
      %min3A = arith.constant 19 : i32
      %min3A_473 = vector.broadcast %min3A : i32 to vector<16xi32>
      %min3A_474 = arith.minsi %add3A_472, %min3A_473 : vector<16xi32>
      %get3A_475 = arith.constant 0 : index
      %get3A_476 = tpu.vector_load %arg14[%get3A_475] {strides = array<i32>} : memref<32xf32, #tpu.memory_space<vmem>>, vector<16xf32>,
      %get3A_477 = arith.constant 0 : index
      %get3A_478 = tpu.vector_load %arg15[%get3A_477] {strides = array<i32>} : memref<32xf32, #tpu.memory_space<vmem>>, vector<16xf32>,
      %add3A_479 = arith.constant 0 : i32
      %add3A_480 = vector.broadcast %add3A_479 : i32 to vector<16xi32>
      %add3A_481 = arith.addi %add3A_480, %min3A_474 : vector<16xi32>
      %broadcast_in_dim3A_482 = arith.constant 0 : i32
      %broadcast_in_dim3A_483 = vector.broadcast %broadcast_in_dim3A_482 : i32 to vector<16xi32>
      %gather3A = tpu.vector_load_idx %arg10[%add3A_481, %broadcast_in_dim3A_483] : memref<40x85xf32, #tpu.memory_space<vmem>>[vector<16xi32>, vector<16xi32>], vector<16xf32>,
      %mul3A_484 = arith.constant 4 : i32
      %mul3A_485 = vector.broadcast %mul3A_484 : i32 to vector<16xi32>
      %mul3A_486 = arith.muli %min3A_474, %mul3A_485 : vector<16xi32>
      %add3A_487 = arith.constant 0 : i32
      %add3A_488 = vector.broadcast %add3A_487 : i32 to vector<16xi32>
      %add3A_489 = arith.addi %mul3A_486, %add3A_488 : vector<16xi32>
      %gather3A_490 = tpu.vector_load_idx %arg11[%add3A_489] : memref<80xf32, #tpu.memory_space<vmem>>[vector<16xi32>], vector<16xf32>,
      %sub3A_491 = arith.subf %gather3A, %gather3A_490 : vector<16xf32>
      %mul3A_492 = arith.mulf %sub3A_491, %sub3A_491 : vector<16xf32>
      %add3A_493 = arith.addf %broadcast_in_dim3A_469, %mul3A_492 : vector<16xf32>
      %broadcast_in_dim3A_494 = arith.constant 1 : i32
      %broadcast_in_dim3A_495 = vector.broadcast %broadcast_in_dim3A_494 : i32 to vector<16xi32>
      %gather3A_496 = tpu.vector_load_idx %arg10[%add3A_481, %broadcast_in_dim3A_495] : memref<40x85xf32, #tpu.memory_space<vmem>>[vector<16xi32>, vector<16xi32>], vector<16xf32>,
      %mul3A_497 = arith.constant 4 : i32
      %mul3A_498 = vector.broadcast %mul3A_497 : i32 to vector<16xi32>
      %mul3A_499 = arith.muli %min3A_474, %mul3A_498 : vector<16xi32>
      %add3A_500 = arith.constant 1 : i32
      %add3A_501 = vector.broadcast %add3A_500 : i32 to vector<16xi32>
      %add3A_502 = arith.addi %mul3A_499, %add3A_501 : vector<16xi32>
      %gather3A_503 = tpu.vector_load_idx %arg11[%add3A_502] : memref<80xf32, #tpu.memory_space<vmem>>[vector<16xi32>], vector<16xf32>,
      %sub3A_504 = arith.subf %gather3A_496, %gather3A_503 : vector<16xf32>
      %mul3A_505 = arith.mulf %sub3A_504, %sub3A_504 : vector<16xf32>
      %add3A_506 = arith.addf %add3A_493, %mul3A_505 : vector<16xf32>
      %broadcast_in_dim3A_507 = arith.constant 2 : i32
      %broadcast_in_dim3A_508 = vector.broadcast %broadcast_in_dim3A_507 : i32 to vector<16xi32>
      %gather3A_509 = tpu.vector_load_idx %arg10[%add3A_481, %broadcast_in_dim3A_508] : memref<40x85xf32, #tpu.memory_space<vmem>>[vector<16xi32>, vector<16xi32>], vector<16xf32>,
      %mul3A_510 = arith.constant 4 : i32
      %mul3A_511 = vector.broadcast %mul3A_510 : i32 to vector<16xi32>
      %mul3A_512 = arith.muli %min3A_474, %mul3A_511 : vector<16xi32>
      %add3A_513 = arith.constant 2 : i32
      %add3A_514 = vector.broadcast %add3A_513 : i32 to vector<16xi32>
      %add3A_515 = arith.addi %mul3A_512, %add3A_514 : vector<16xi32>
      %gather3A_516 = tpu.vector_load_idx %arg11[%add3A_515] : memref<80xf32, #tpu.memory_space<vmem>>[vector<16xi32>], vector<16xf32>,
      %sub3A_517 = arith.subf %gather3A_509, %gather3A_516 : vector<16xf32>
      %mul3A_518 = arith.mulf %sub3A_517, %sub3A_517 : vector<16xf32>
      %add3A_519 = arith.addf %add3A_506, %mul3A_518 : vector<16xf32>
      %broadcast_in_dim3A_520 = arith.constant 3 : i32
      %broadcast_in_dim3A_521 = vector.broadcast %broadcast_in_dim3A_520 : i32 to vector<16xi32>
      %gather3A_522 = tpu.vector_load_idx %arg10[%add3A_481, %broadcast_in_dim3A_521] : memref<40x85xf32, #tpu.memory_space<vmem>>[vector<16xi32>, vector<16xi32>], vector<16xf32>,
      %mul3A_523 = arith.constant 4 : i32
      %mul3A_524 = vector.broadcast %mul3A_523 : i32 to vector<16xi32>
      %mul3A_525 = arith.muli %min3A_474, %mul3A_524 : vector<16xi32>
      %add3A_526 = arith.constant 3 : i32
      %add3A_527 = vector.broadcast %add3A_526 : i32 to vector<16xi32>
      %add3A_528 = arith.addi %mul3A_525, %add3A_527 : vector<16xi32>
      %gather3A_529 = tpu.vector_load_idx %arg11[%add3A_528] : memref<80xf32, #tpu.memory_space<vmem>>[vector<16xi32>], vector<16xf32>,
      %sub3A_530 = arith.subf %gather3A_522, %gather3A_529 : vector<16xf32>
      %mul3A_531 = arith.mulf %sub3A_530, %sub3A_530 : vector<16xf32>
      %add3A_532 = arith.addf %add3A_519, %mul3A_531 : vector<16xf32>
      %mul3A_533 = arith.mulf %get3A_476, %add3A_532 : vector<16xf32>
      %reduce_sum3A_534 = arith.constant true
      %reduce_sum3A_535 = vector.broadcast %reduce_sum3A_534 : i1 to vector<16xi1>
      %reduce_sum3A_536 = tpu.scan <sum>, %mul3A_533 masked %reduce_sum3A_535 : vector<16xf32>, vector<16xi1> -> vector<16xf32>
      %reduce_sum3A_537 = vector.extract %reduce_sum3A_536[15] : f32 from vector<16xf32>
      %add3A_538 = arith.constant 0.000000e+00 : f32
      %add3A_539 = arith.addf %add3A_538, %reduce_sum3A_537 : f32
      %broadcast_in_dim3A_540 = arith.constant 4 : i32
      %broadcast_in_dim3A_541 = vector.broadcast %broadcast_in_dim3A_540 : i32 to vector<16xi32>
      %gather3A_542 = tpu.vector_load_idx %arg10[%add3A_481, %broadcast_in_dim3A_541] : memref<40x85xf32, #tpu.memory_space<vmem>>[vector<16xi32>, vector<16xi32>], vector<16xf32>,
      %mul3A_543 = arith.mulf %get3A_476, %gather3A_542 : vector<16xf32>
      %reduce_sum3A_544 = arith.constant true
      %reduce_sum3A_545 = vector.broadcast %reduce_sum3A_544 : i1 to vector<16xi1>
      %reduce_sum3A_546 = tpu.scan <sum>, %mul3A_543 masked %reduce_sum3A_545 : vector<16xf32>, vector<16xi1> -> vector<16xf32>
      %reduce_sum3A_547 = vector.extract %reduce_sum3A_546[15] : f32 from vector<16xf32>
      %add3A_548 = arith.constant 0.000000e+00 : f32
      %add3A_549 = arith.addf %add3A_548, %reduce_sum3A_547 : f32
      %max3A = arith.constant 0.000000e+00 : f32
      %max3A_550 = vector.broadcast %max3A : f32 to vector<16xf32>
      %max3A_551 = arith.maximumf %gather3A_542, %max3A_550 : vector<16xf32>
      %abs3A = math.absf %gather3A_542 : vector<16xf32>
      %neg3A = arith.constant 0.000000e+00 : f32
      %neg3A_552 = vector.broadcast %neg3A : f32 to vector<16xf32>
      %neg3A_553 = arith.subf %neg3A_552, %abs3A : vector<16xf32>
      %exp3A = math.exp %neg3A_553 : vector<16xf32>
      %add3A_554 = arith.constant 2.000000e+00 : f32
      %add3A_555 = vector.broadcast %add3A_554 : f32 to vector<16xf32>
      %add3A_556 = arith.addf %add3A_555, %exp3A : vector<16xf32>
      %div3A_557 = arith.divf %exp3A, %add3A_556 : vector<16xf32>
      %mul3A_558 = arith.mulf %div3A_557, %div3A_557 : vector<16xf32>
      %mul3A_559 = arith.constant 0.111111112 : f32
      %mul3A_560 = vector.broadcast %mul3A_559 : f32 to vector<16xf32>
      %mul3A_561 = arith.mulf %mul3A_558, %mul3A_560 : vector<16xf32>
      %add3A_562 = arith.constant 0.142857149 : f32
      %add3A_563 = vector.broadcast %add3A_562 : f32 to vector<16xf32>
      %add3A_564 = arith.addf %add3A_563, %mul3A_561 : vector<16xf32>
      %mul3A_565 = arith.mulf %mul3A_558, %add3A_564 : vector<16xf32>
      %add3A_566 = arith.constant 2.000000e-01 : f32
      %add3A_567 = vector.broadcast %add3A_566 : f32 to vector<16xf32>
      %add3A_568 = arith.addf %add3A_567, %mul3A_565 : vector<16xf32>
      %mul3A_569 = arith.mulf %mul3A_558, %add3A_568 : vector<16xf32>
      %add3A_570 = arith.constant 0.333333343 : f32
      %add3A_571 = vector.broadcast %add3A_570 : f32 to vector<16xf32>
      %add3A_572 = arith.addf %add3A_571, %mul3A_569 : vector<16xf32>
      %mul3A_573 = arith.mulf %mul3A_558, %add3A_572 : vector<16xf32>
      %add3A_574 = arith.constant 1.000000e+00 : f32
      %add3A_575 = vector.broadcast %add3A_574 : f32 to vector<16xf32>
      %add3A_576 = arith.addf %add3A_575, %mul3A_573 : vector<16xf32>
      %mul3A_577 = arith.constant 2.000000e+00 : f32
      %mul3A_578 = vector.broadcast %mul3A_577 : f32 to vector<16xf32>
      %mul3A_579 = arith.mulf %mul3A_578, %div3A_557 : vector<16xf32>
      %mul3A_580 = arith.mulf %mul3A_579, %add3A_576 : vector<16xf32>
      %add3A_581 = arith.addf %max3A_551, %mul3A_580 : vector<16xf32>
      %mul3A_582 = arith.mulf %get3A_476, %add3A_581 : vector<16xf32>
      %reduce_sum3A_583 = arith.constant true
      %reduce_sum3A_584 = vector.broadcast %reduce_sum3A_583 : i1 to vector<16xi1>
      %reduce_sum3A_585 = tpu.scan <sum>, %mul3A_582 masked %reduce_sum3A_584 : vector<16xf32>, vector<16xi1> -> vector<16xf32>
      %reduce_sum3A_586 = vector.extract %reduce_sum3A_585[15] : f32 from vector<16xf32>
      %add3A_587 = arith.constant 0.000000e+00 : f32
      %add3A_588 = arith.addf %add3A_587, %reduce_sum3A_586 : f32
      %reduce_sum3A_589 = arith.constant true
      %reduce_sum3A_590 = vector.broadcast %reduce_sum3A_589 : i1 to vector<16xi1>
      %reduce_sum3A_591 = tpu.scan <sum>, %get3A_476 masked %reduce_sum3A_590 : vector<16xf32>, vector<16xi1> -> vector<16xf32>
      %reduce_sum3A_592 = vector.extract %reduce_sum3A_591[15] : f32 from vector<16xf32>
      %add3A_593 = arith.constant 0.000000e+00 : f32
      %add3A_594 = arith.addf %add3A_593, %reduce_sum3A_592 : f32
      %get3A_595 = arith.constant 0 : index
      %get3A_596 = tpu.vector_load %arg12[%get3A_595] {strides = array<i32>} : memref<32xi32, #tpu.memory_space<vmem>>, vector<16xi32>,
      %jit3A_597 = arith.constant 0 : i32
      %jit3A_598 = arith.constant 79 : i32
      %max3A_599 = vector.broadcast %jit3A_597 : i32 to vector<16xi32>
      %max3A_600 = arith.maxsi %max3A_599, %get3A_596 : vector<16xi32>
      %min3A_601 = vector.broadcast %jit3A_598 : i32 to vector<16xi32>
      %min3A_602 = arith.minsi %min3A_601, %max3A_600 : vector<16xi32>
      %add3A_603 = arith.constant 5 : i32
      %add3A_604 = vector.broadcast %add3A_603 : i32 to vector<16xi32>
      %add3A_605 = arith.addi %add3A_604, %min3A_602 : vector<16xi32>
      %gather3A_606 = tpu.vector_load_idx %arg10[%add3A_481, %add3A_605] : memref<40x85xf32, #tpu.memory_space<vmem>>[vector<16xi32>, vector<16xi32>], vector<16xf32>,
      %mul3A_607 = arith.mulf %get3A_478, %gather3A_606 : vector<16xf32>
      %reduce_sum3A_608 = arith.constant true
      %reduce_sum3A_609 = vector.broadcast %reduce_sum3A_608 : i1 to vector<16xi1>
      %reduce_sum3A_610 = tpu.scan <sum>, %mul3A_607 masked %reduce_sum3A_609 : vector<16xf32>, vector<16xi1> -> vector<16xf32>
      %reduce_sum3A_611 = vector.extract %reduce_sum3A_610[15] : f32 from vector<16xf32>
      %add3A_612 = arith.constant 0.000000e+00 : f32
      %add3A_613 = arith.addf %add3A_612, %reduce_sum3A_611 : f32
      %add3A_614 = arith.constant 16 : i32
      %add3A_615 = vector.broadcast %add3A_614 : i32 to vector<16xi32>
      %add3A_616 = arith.addi %iota3A_402, %add3A_615 : vector<16xi32>
      %min3A_617 = arith.constant 19 : i32
      %min3A_618 = vector.broadcast %min3A_617 : i32 to vector<16xi32>
      %min3A_619 = arith.minsi %add3A_616, %min3A_618 : vector<16xi32>
      %get3A_620 = arith.constant 16 : index
      %get3A_621 = tpu.vector_load %arg14[%get3A_620] {strides = array<i32>} : memref<32xf32, #tpu.memory_space<vmem>>, vector<16xf32>,
      %get3A_622 = arith.constant 16 : index
      %get3A_623 = tpu.vector_load %arg15[%get3A_622] {strides = array<i32>} : memref<32xf32, #tpu.memory_space<vmem>>, vector<16xf32>,
      %add3A_624 = arith.constant 0 : i32
      %add3A_625 = vector.broadcast %add3A_624 : i32 to vector<16xi32>
      %add3A_626 = arith.addi %add3A_625, %min3A_619 : vector<16xi32>
      %broadcast_in_dim3A_627 = arith.constant 0 : i32
      %broadcast_in_dim3A_628 = vector.broadcast %broadcast_in_dim3A_627 : i32 to vector<16xi32>
      %gather3A_629 = tpu.vector_load_idx %arg10[%add3A_626, %broadcast_in_dim3A_628] : memref<40x85xf32, #tpu.memory_space<vmem>>[vector<16xi32>, vector<16xi32>], vector<16xf32>,
      %mul3A_630 = arith.constant 4 : i32
      %mul3A_631 = vector.broadcast %mul3A_630 : i32 to vector<16xi32>
      %mul3A_632 = arith.muli %min3A_619, %mul3A_631 : vector<16xi32>
      %add3A_633 = arith.constant 0 : i32
      %add3A_634 = vector.broadcast %add3A_633 : i32 to vector<16xi32>
      %add3A_635 = arith.addi %mul3A_632, %add3A_634 : vector<16xi32>
      %gather3A_636 = tpu.vector_load_idx %arg11[%add3A_635] : memref<80xf32, #tpu.memory_space<vmem>>[vector<16xi32>], vector<16xf32>,
      %sub3A_637 = arith.subf %gather3A_629, %gather3A_636 : vector<16xf32>
      %mul3A_638 = arith.mulf %sub3A_637, %sub3A_637 : vector<16xf32>
      %add3A_639 = arith.addf %broadcast_in_dim3A_469, %mul3A_638 : vector<16xf32>
      %broadcast_in_dim3A_640 = arith.constant 1 : i32
      %broadcast_in_dim3A_641 = vector.broadcast %broadcast_in_dim3A_640 : i32 to vector<16xi32>
      %gather3A_642 = tpu.vector_load_idx %arg10[%add3A_626, %broadcast_in_dim3A_641] : memref<40x85xf32, #tpu.memory_space<vmem>>[vector<16xi32>, vector<16xi32>], vector<16xf32>,
      %mul3A_643 = arith.constant 4 : i32
      %mul3A_644 = vector.broadcast %mul3A_643 : i32 to vector<16xi32>
      %mul3A_645 = arith.muli %min3A_619, %mul3A_644 : vector<16xi32>
      %add3A_646 = arith.constant 1 : i32
      %add3A_647 = vector.broadcast %add3A_646 : i32 to vector<16xi32>
      %add3A_648 = arith.addi %mul3A_645, %add3A_647 : vector<16xi32>
      %gather3A_649 = tpu.vector_load_idx %arg11[%add3A_648] : memref<80xf32, #tpu.memory_space<vmem>>[vector<16xi32>], vector<16xf32>,
      %sub3A_650 = arith.subf %gather3A_642, %gather3A_649 : vector<16xf32>
      %mul3A_651 = arith.mulf %sub3A_650, %sub3A_650 : vector<16xf32>
      %add3A_652 = arith.addf %add3A_639, %mul3A_651 : vector<16xf32>
      %broadcast_in_dim3A_653 = arith.constant 2 : i32
      %broadcast_in_dim3A_654 = vector.broadcast %broadcast_in_dim3A_653 : i32 to vector<16xi32>
      %gather3A_655 = tpu.vector_load_idx %arg10[%add3A_626, %broadcast_in_dim3A_654] : memref<40x85xf32, #tpu.memory_space<vmem>>[vector<16xi32>, vector<16xi32>], vector<16xf32>,
      %mul3A_656 = arith.constant 4 : i32
      %mul3A_657 = vector.broadcast %mul3A_656 : i32 to vector<16xi32>
      %mul3A_658 = arith.muli %min3A_619, %mul3A_657 : vector<16xi32>
      %add3A_659 = arith.constant 2 : i32
      %add3A_660 = vector.broadcast %add3A_659 : i32 to vector<16xi32>
      %add3A_661 = arith.addi %mul3A_658, %add3A_660 : vector<16xi32>
      %gather3A_662 = tpu.vector_load_idx %arg11[%add3A_661] : memref<80xf32, #tpu.memory_space<vmem>>[vector<16xi32>], vector<16xf32>,
      %sub3A_663 = arith.subf %gather3A_655, %gather3A_662 : vector<16xf32>
      %mul3A_664 = arith.mulf %sub3A_663, %sub3A_663 : vector<16xf32>
      %add3A_665 = arith.addf %add3A_652, %mul3A_664 : vector<16xf32>
      %broadcast_in_dim3A_666 = arith.constant 3 : i32
      %broadcast_in_dim3A_667 = vector.broadcast %broadcast_in_dim3A_666 : i32 to vector<16xi32>
      %gather3A_668 = tpu.vector_load_idx %arg10[%add3A_626, %broadcast_in_dim3A_667] : memref<40x85xf32, #tpu.memory_space<vmem>>[vector<16xi32>, vector<16xi32>], vector<16xf32>,
      %mul3A_669 = arith.constant 4 : i32
      %mul3A_670 = vector.broadcast %mul3A_669 : i32 to vector<16xi32>
      %mul3A_671 = arith.muli %min3A_619, %mul3A_670 : vector<16xi32>
      %add3A_672 = arith.constant 3 : i32
      %add3A_673 = vector.broadcast %add3A_672 : i32 to vector<16xi32>
      %add3A_674 = arith.addi %mul3A_671, %add3A_673 : vector<16xi32>
      %gather3A_675 = tpu.vector_load_idx %arg11[%add3A_674] : memref<80xf32, #tpu.memory_space<vmem>>[vector<16xi32>], vector<16xf32>,
      %sub3A_676 = arith.subf %gather3A_668, %gather3A_675 : vector<16xf32>
      %mul3A_677 = arith.mulf %sub3A_676, %sub3A_676 : vector<16xf32>
      %add3A_678 = arith.addf %add3A_665, %mul3A_677 : vector<16xf32>
      %mul3A_679 = arith.mulf %get3A_621, %add3A_678 : vector<16xf32>
      %reduce_sum3A_680 = arith.constant true
      %reduce_sum3A_681 = vector.broadcast %reduce_sum3A_680 : i1 to vector<16xi1>
      %reduce_sum3A_682 = tpu.scan <sum>, %mul3A_679 masked %reduce_sum3A_681 : vector<16xf32>, vector<16xi1> -> vector<16xf32>
      %reduce_sum3A_683 = vector.extract %reduce_sum3A_682[15] : f32 from vector<16xf32>
      %add3A_684 = arith.addf %add3A_539, %reduce_sum3A_683 : f32
      %broadcast_in_dim3A_685 = arith.constant 4 : i32
      %broadcast_in_dim3A_686 = vector.broadcast %broadcast_in_dim3A_685 : i32 to vector<16xi32>
      %gather3A_687 = tpu.vector_load_idx %arg10[%add3A_626, %broadcast_in_dim3A_686] : memref<40x85xf32, #tpu.memory_space<vmem>>[vector<16xi32>, vector<16xi32>], vector<16xf32>,
      %mul3A_688 = arith.mulf %get3A_621, %gather3A_687 : vector<16xf32>
      %reduce_sum3A_689 = arith.constant true
      %reduce_sum3A_690 = vector.broadcast %reduce_sum3A_689 : i1 to vector<16xi1>
      %reduce_sum3A_691 = tpu.scan <sum>, %mul3A_688 masked %reduce_sum3A_690 : vector<16xf32>, vector<16xi1> -> vector<16xf32>
      %reduce_sum3A_692 = vector.extract %reduce_sum3A_691[15] : f32 from vector<16xf32>
      %add3A_693 = arith.addf %add3A_549, %reduce_sum3A_692 : f32
      %max3A_694 = arith.constant 0.000000e+00 : f32
      %max3A_695 = vector.broadcast %max3A_694 : f32 to vector<16xf32>
      %max3A_696 = arith.maximumf %gather3A_687, %max3A_695 : vector<16xf32>
      %abs3A_697 = math.absf %gather3A_687 : vector<16xf32>
      %neg3A_698 = arith.constant 0.000000e+00 : f32
      %neg3A_699 = vector.broadcast %neg3A_698 : f32 to vector<16xf32>
      %neg3A_700 = arith.subf %neg3A_699, %abs3A_697 : vector<16xf32>
      %exp3A_701 = math.exp %neg3A_700 : vector<16xf32>
      %add3A_702 = arith.constant 2.000000e+00 : f32
      %add3A_703 = vector.broadcast %add3A_702 : f32 to vector<16xf32>
      %add3A_704 = arith.addf %add3A_703, %exp3A_701 : vector<16xf32>
      %div3A_705 = arith.divf %exp3A_701, %add3A_704 : vector<16xf32>
      %mul3A_706 = arith.mulf %div3A_705, %div3A_705 : vector<16xf32>
      %mul3A_707 = arith.constant 0.111111112 : f32
      %mul3A_708 = vector.broadcast %mul3A_707 : f32 to vector<16xf32>
      %mul3A_709 = arith.mulf %mul3A_706, %mul3A_708 : vector<16xf32>
      %add3A_710 = arith.constant 0.142857149 : f32
      %add3A_711 = vector.broadcast %add3A_710 : f32 to vector<16xf32>
      %add3A_712 = arith.addf %add3A_711, %mul3A_709 : vector<16xf32>
      %mul3A_713 = arith.mulf %mul3A_706, %add3A_712 : vector<16xf32>
      %add3A_714 = arith.constant 2.000000e-01 : f32
      %add3A_715 = vector.broadcast %add3A_714 : f32 to vector<16xf32>
      %add3A_716 = arith.addf %add3A_715, %mul3A_713 : vector<16xf32>
      %mul3A_717 = arith.mulf %mul3A_706, %add3A_716 : vector<16xf32>
      %add3A_718 = arith.constant 0.333333343 : f32
      %add3A_719 = vector.broadcast %add3A_718 : f32 to vector<16xf32>
      %add3A_720 = arith.addf %add3A_719, %mul3A_717 : vector<16xf32>
      %mul3A_721 = arith.mulf %mul3A_706, %add3A_720 : vector<16xf32>
      %add3A_722 = arith.constant 1.000000e+00 : f32
      %add3A_723 = vector.broadcast %add3A_722 : f32 to vector<16xf32>
      %add3A_724 = arith.addf %add3A_723, %mul3A_721 : vector<16xf32>
      %mul3A_725 = arith.constant 2.000000e+00 : f32
      %mul3A_726 = vector.broadcast %mul3A_725 : f32 to vector<16xf32>
      %mul3A_727 = arith.mulf %mul3A_726, %div3A_705 : vector<16xf32>
      %mul3A_728 = arith.mulf %mul3A_727, %add3A_724 : vector<16xf32>
      %add3A_729 = arith.addf %max3A_696, %mul3A_728 : vector<16xf32>
      %mul3A_730 = arith.mulf %get3A_621, %add3A_729 : vector<16xf32>
      %reduce_sum3A_731 = arith.constant true
      %reduce_sum3A_732 = vector.broadcast %reduce_sum3A_731 : i1 to vector<16xi1>
      %reduce_sum3A_733 = tpu.scan <sum>, %mul3A_730 masked %reduce_sum3A_732 : vector<16xf32>, vector<16xi1> -> vector<16xf32>
      %reduce_sum3A_734 = vector.extract %reduce_sum3A_733[15] : f32 from vector<16xf32>
      %add3A_735 = arith.addf %add3A_588, %reduce_sum3A_734 : f32
      %reduce_sum3A_736 = arith.constant true
      %reduce_sum3A_737 = vector.broadcast %reduce_sum3A_736 : i1 to vector<16xi1>
      %reduce_sum3A_738 = tpu.scan <sum>, %get3A_621 masked %reduce_sum3A_737 : vector<16xf32>, vector<16xi1> -> vector<16xf32>
      %reduce_sum3A_739 = vector.extract %reduce_sum3A_738[15] : f32 from vector<16xf32>
      %add3A_740 = arith.addf %add3A_594, %reduce_sum3A_739 : f32
      %get3A_741 = arith.constant 16 : index
      %get3A_742 = tpu.vector_load %arg12[%get3A_741] {strides = array<i32>} : memref<32xi32, #tpu.memory_space<vmem>>, vector<16xi32>,
      %jit3A_743 = arith.constant 0 : i32
      %jit3A_744 = arith.constant 79 : i32
      %max3A_745 = vector.broadcast %jit3A_743 : i32 to vector<16xi32>
      %max3A_746 = arith.maxsi %max3A_745, %get3A_742 : vector<16xi32>
      %min3A_747 = vector.broadcast %jit3A_744 : i32 to vector<16xi32>
      %min3A_748 = arith.minsi %min3A_747, %max3A_746 : vector<16xi32>
      %add3A_749 = arith.constant 5 : i32
      %add3A_750 = vector.broadcast %add3A_749 : i32 to vector<16xi32>
      %add3A_751 = arith.addi %add3A_750, %min3A_748 : vector<16xi32>
      %gather3A_752 = tpu.vector_load_idx %arg10[%add3A_626, %add3A_751] : memref<40x85xf32, #tpu.memory_space<vmem>>[vector<16xi32>, vector<16xi32>], vector<16xf32>,
      %mul3A_753 = arith.mulf %get3A_623, %gather3A_752 : vector<16xf32>
      %reduce_sum3A_754 = arith.constant true
      %reduce_sum3A_755 = vector.broadcast %reduce_sum3A_754 : i1 to vector<16xi1>
      %reduce_sum3A_756 = tpu.scan <sum>, %mul3A_753 masked %reduce_sum3A_755 : vector<16xf32>, vector<16xi1> -> vector<16xf32>
      %reduce_sum3A_757 = vector.extract %reduce_sum3A_756[15] : f32 from vector<16xf32>
      %add3A_758 = arith.addf %add3A_613, %reduce_sum3A_757 : f32
      %scan3A_759 = arith.constant 0 : i32
      %scan3A_760 = arith.constant 80 : i32
      %scan3A_761 = arith.addi %scan3A_759, %scan3A_760 : i32
      %scan3A_762 = arith.constant 1 : i32
      %scan3A_763:2 = scf.for %scan3A_1238 = %scan3A_759 to %scan3A_761 step %scan3A_762 iter_args(%scan3A_1239 = %broadcast_in_dim3A_469, %scan3A_1240 = %broadcast_in_dim3A_469) -> (vector<16xf32>, vector<16xf32>)  : i32 {
        %add3A_1241 = arith.constant 0 : i32
        %add3A_1242 = vector.broadcast %add3A_1241 : i32 to vector<16xi32>
        %add3A_1243 = arith.addi %iota3A_402, %add3A_1242 : vector<16xi32>
        %min3A_1244 = arith.constant 19 : i32
        %min3A_1245 = vector.broadcast %min3A_1244 : i32 to vector<16xi32>
        %min3A_1246 = arith.minsi %add3A_1243, %min3A_1245 : vector<16xi32>
        %get3A_1247 = arith.constant 0 : index
        %get3A_1248 = tpu.vector_load %arg14[%get3A_1247] {strides = array<i32>} : memref<32xf32, #tpu.memory_space<vmem>>, vector<16xf32>,
        %add3A_1249 = arith.constant 0 : i32
        %add3A_1250 = vector.broadcast %add3A_1249 : i32 to vector<16xi32>
        %add3A_1251 = arith.addi %add3A_1250, %min3A_1246 : vector<16xi32>
        %broadcast_in_dim3A_1252 = arith.constant 5 : i32
        %broadcast_in_dim3A_1253 = vector.broadcast %broadcast_in_dim3A_1252 : i32 to vector<16xi32>
        %add3A_1254 = vector.broadcast %scan3A_1238 : i32 to vector<16xi32>
        %add3A_1255 = arith.addi %broadcast_in_dim3A_1253, %add3A_1254 : vector<16xi32>
        %gather3A_1256 = tpu.vector_load_idx %arg10[%add3A_1251, %add3A_1255] : memref<40x85xf32, #tpu.memory_space<vmem>>[vector<16xi32>, vector<16xi32>], vector<16xf32>,
        %max3A_1257 = arith.constant 0.000000e+00 : f32
        %max3A_1258 = vector.broadcast %max3A_1257 : f32 to vector<16xf32>
        %max3A_1259 = arith.maximumf %gather3A_1256, %max3A_1258 : vector<16xf32>
        %abs3A_1260 = math.absf %gather3A_1256 : vector<16xf32>
        %neg3A_1261 = arith.constant 0.000000e+00 : f32
        %neg3A_1262 = vector.broadcast %neg3A_1261 : f32 to vector<16xf32>
        %neg3A_1263 = arith.subf %neg3A_1262, %abs3A_1260 : vector<16xf32>
        %exp3A_1264 = math.exp %neg3A_1263 : vector<16xf32>
        %add3A_1265 = arith.constant 2.000000e+00 : f32
        %add3A_1266 = vector.broadcast %add3A_1265 : f32 to vector<16xf32>
        %add3A_1267 = arith.addf %add3A_1266, %exp3A_1264 : vector<16xf32>
        %div3A_1268 = arith.divf %exp3A_1264, %add3A_1267 : vector<16xf32>
        %mul3A_1269 = arith.mulf %div3A_1268, %div3A_1268 : vector<16xf32>
        %mul3A_1270 = arith.constant 0.111111112 : f32
        %mul3A_1271 = vector.broadcast %mul3A_1270 : f32 to vector<16xf32>
        %mul3A_1272 = arith.mulf %mul3A_1269, %mul3A_1271 : vector<16xf32>
        %add3A_1273 = arith.constant 0.142857149 : f32
        %add3A_1274 = vector.broadcast %add3A_1273 : f32 to vector<16xf32>
        %add3A_1275 = arith.addf %add3A_1274, %mul3A_1272 : vector<16xf32>
        %mul3A_1276 = arith.mulf %mul3A_1269, %add3A_1275 : vector<16xf32>
        %add3A_1277 = arith.constant 2.000000e-01 : f32
        %add3A_1278 = vector.broadcast %add3A_1277 : f32 to vector<16xf32>
        %add3A_1279 = arith.addf %add3A_1278, %mul3A_1276 : vector<16xf32>
        %mul3A_1280 = arith.mulf %mul3A_1269, %add3A_1279 : vector<16xf32>
        %add3A_1281 = arith.constant 0.333333343 : f32
        %add3A_1282 = vector.broadcast %add3A_1281 : f32 to vector<16xf32>
        %add3A_1283 = arith.addf %add3A_1282, %mul3A_1280 : vector<16xf32>
        %mul3A_1284 = arith.mulf %mul3A_1269, %add3A_1283 : vector<16xf32>
        %add3A_1285 = arith.constant 1.000000e+00 : f32
        %add3A_1286 = vector.broadcast %add3A_1285 : f32 to vector<16xf32>
        %add3A_1287 = arith.addf %add3A_1286, %mul3A_1284 : vector<16xf32>
        %mul3A_1288 = arith.constant 2.000000e+00 : f32
        %mul3A_1289 = vector.broadcast %mul3A_1288 : f32 to vector<16xf32>
        %mul3A_1290 = arith.mulf %mul3A_1289, %div3A_1268 : vector<16xf32>
        %mul3A_1291 = arith.mulf %mul3A_1290, %add3A_1287 : vector<16xf32>
        %add3A_1292 = arith.addf %max3A_1259, %mul3A_1291 : vector<16xf32>
        %mul3A_1293 = arith.mulf %get3A_1248, %add3A_1292 : vector<16xf32>
        %add3A_1294 = arith.addf %scan3A_1239, %mul3A_1293 : vector<16xf32>
        %add3A_1295 = arith.constant 16 : i32
        %add3A_1296 = vector.broadcast %add3A_1295 : i32 to vector<16xi32>
        %add3A_1297 = arith.addi %iota3A_402, %add3A_1296 : vector<16xi32>
        %min3A_1298 = arith.constant 19 : i32
        %min3A_1299 = vector.broadcast %min3A_1298 : i32 to vector<16xi32>
        %min3A_1300 = arith.minsi %add3A_1297, %min3A_1299 : vector<16xi32>
        %get3A_1301 = arith.constant 16 : index
        %get3A_1302 = tpu.vector_load %arg14[%get3A_1301] {strides = array<i32>} : memref<32xf32, #tpu.memory_space<vmem>>, vector<16xf32>,
        %add3A_1303 = arith.constant 0 : i32
        %add3A_1304 = vector.broadcast %add3A_1303 : i32 to vector<16xi32>
        %add3A_1305 = arith.addi %add3A_1304, %min3A_1300 : vector<16xi32>
        %broadcast_in_dim3A_1306 = arith.constant 5 : i32
        %broadcast_in_dim3A_1307 = vector.broadcast %broadcast_in_dim3A_1306 : i32 to vector<16xi32>
        %add3A_1308 = vector.broadcast %scan3A_1238 : i32 to vector<16xi32>
        %add3A_1309 = arith.addi %broadcast_in_dim3A_1307, %add3A_1308 : vector<16xi32>
        %gather3A_1310 = tpu.vector_load_idx %arg10[%add3A_1305, %add3A_1309] : memref<40x85xf32, #tpu.memory_space<vmem>>[vector<16xi32>, vector<16xi32>], vector<16xf32>,
        %max3A_1311 = arith.constant 0.000000e+00 : f32
        %max3A_1312 = vector.broadcast %max3A_1311 : f32 to vector<16xf32>
        %max3A_1313 = arith.maximumf %gather3A_1310, %max3A_1312 : vector<16xf32>
        %abs3A_1314 = math.absf %gather3A_1310 : vector<16xf32>
        %neg3A_1315 = arith.constant 0.000000e+00 : f32
        %neg3A_1316 = vector.broadcast %neg3A_1315 : f32 to vector<16xf32>
        %neg3A_1317 = arith.subf %neg3A_1316, %abs3A_1314 : vector<16xf32>
        %exp3A_1318 = math.exp %neg3A_1317 : vector<16xf32>
        %add3A_1319 = arith.constant 2.000000e+00 : f32
        %add3A_1320 = vector.broadcast %add3A_1319 : f32 to vector<16xf32>
        %add3A_1321 = arith.addf %add3A_1320, %exp3A_1318 : vector<16xf32>
        %div3A_1322 = arith.divf %exp3A_1318, %add3A_1321 : vector<16xf32>
        %mul3A_1323 = arith.mulf %div3A_1322, %div3A_1322 : vector<16xf32>
        %mul3A_1324 = arith.constant 0.111111112 : f32
        %mul3A_1325 = vector.broadcast %mul3A_1324 : f32 to vector<16xf32>
        %mul3A_1326 = arith.mulf %mul3A_1323, %mul3A_1325 : vector<16xf32>
        %add3A_1327 = arith.constant 0.142857149 : f32
        %add3A_1328 = vector.broadcast %add3A_1327 : f32 to vector<16xf32>
        %add3A_1329 = arith.addf %add3A_1328, %mul3A_1326 : vector<16xf32>
        %mul3A_1330 = arith.mulf %mul3A_1323, %add3A_1329 : vector<16xf32>
        %add3A_1331 = arith.constant 2.000000e-01 : f32
        %add3A_1332 = vector.broadcast %add3A_1331 : f32 to vector<16xf32>
        %add3A_1333 = arith.addf %add3A_1332, %mul3A_1330 : vector<16xf32>
        %mul3A_1334 = arith.mulf %mul3A_1323, %add3A_1333 : vector<16xf32>
        %add3A_1335 = arith.constant 0.333333343 : f32
        %add3A_1336 = vector.broadcast %add3A_1335 : f32 to vector<16xf32>
        %add3A_1337 = arith.addf %add3A_1336, %mul3A_1334 : vector<16xf32>
        %mul3A_1338 = arith.mulf %mul3A_1323, %add3A_1337 : vector<16xf32>
        %add3A_1339 = arith.constant 1.000000e+00 : f32
        %add3A_1340 = vector.broadcast %add3A_1339 : f32 to vector<16xf32>
        %add3A_1341 = arith.addf %add3A_1340, %mul3A_1338 : vector<16xf32>
        %mul3A_1342 = arith.constant 2.000000e+00 : f32
        %mul3A_1343 = vector.broadcast %mul3A_1342 : f32 to vector<16xf32>
        %mul3A_1344 = arith.mulf %mul3A_1343, %div3A_1322 : vector<16xf32>
        %mul3A_1345 = arith.mulf %mul3A_1344, %add3A_1341 : vector<16xf32>
        %add3A_1346 = arith.addf %max3A_1313, %mul3A_1345 : vector<16xf32>
        %mul3A_1347 = arith.mulf %get3A_1302, %add3A_1346 : vector<16xf32>
        %add3A_1348 = arith.addf %scan3A_1240, %mul3A_1347 : vector<16xf32>
        scf.yield %add3A_1294, %add3A_1348 : vector<16xf32>, vector<16xf32>
      }
      %scan3A_764 = arith.constant 80 : i32
      %add3A_765 = arith.addf %scan3A_763#0, %scan3A_763#1 : vector<16xf32>
      %reduce_sum3A_766 = arith.constant true
      %reduce_sum3A_767 = vector.broadcast %reduce_sum3A_766 : i1 to vector<16xi1>
      %reduce_sum3A_768 = tpu.scan <sum>, %add3A_765 masked %reduce_sum3A_767 : vector<16xf32>, vector<16xi1> -> vector<16xf32>
      %reduce_sum3A_769 = vector.extract %reduce_sum3A_768[15] : f32 from vector<16xf32>
      %mul3A_770 = arith.constant 8.000000e+01 : f32
      %mul3A_771 = arith.mulf %add3A_740, %mul3A_770 : f32
      %max3A_772 = arith.constant 1.000000e+00 : f32
      %max3A_773 = arith.maximumf %mul3A_771, %max3A_772 : f32
      %eq3A_774 = arith.constant 0 : i32
      %eq3A_775 = vector.broadcast %eq3A_774 : i32 to vector<16xi32>
      %eq3A_776 = arith.cmpi eq, %iota3A, %eq3A_775 : vector<16xi32>
      %mul3A_777 = arith.constant 5.000000e+00 : f32
      %mul3A_778 = arith.mulf %mul3A_777, %add3A_684 : f32
      %mul3A_779 = arith.constant 0.020833334 : f32
      %mul3A_780 = arith.mulf %mul3A_778, %mul3A_779 : f32
      %jit3A_781 = arith.constant 0.000000e+00 : f32
      %broadcast_in_dim3A_782 = vector.broadcast %mul3A_780 : f32 to vector<16xf32>
      %broadcast_in_dim3A_783 = vector.broadcast %jit3A_781 : f32 to vector<16xf32>
      %select_n3A_784 = arith.select %eq3A_776, %broadcast_in_dim3A_782, %broadcast_in_dim3A_783 : vector<16xi1>, vector<16xf32>
      %eq3A_785 = arith.constant 1 : i32
      %eq3A_786 = vector.broadcast %eq3A_785 : i32 to vector<16xi32>
      %eq3A_787 = arith.cmpi eq, %iota3A, %eq3A_786 : vector<16xi32>
      %mul3A_788 = arith.constant 5.000000e-01 : f32
      %mul3A_789 = arith.mulf %mul3A_788, %add3A_735 : f32
      %add3A_790 = arith.addf %add3A_693, %mul3A_789 : f32
      %mul3A_791 = arith.constant 5.08626317E-6 : f32
      %mul3A_792 = arith.mulf %add3A_790, %mul3A_791 : f32
      %jit3A_793 = arith.constant 0.000000e+00 : f32
      %broadcast_in_dim3A_794 = vector.broadcast %mul3A_792 : f32 to vector<16xf32>
      %broadcast_in_dim3A_795 = vector.broadcast %jit3A_793 : f32 to vector<16xf32>
      %select_n3A_796 = arith.select %eq3A_787, %broadcast_in_dim3A_794, %broadcast_in_dim3A_795 : vector<16xi1>, vector<16xf32>
      %sub3A_797 = arith.subf %select_n3A_784, %select_n3A_796 : vector<16xf32>
      %eq3A_798 = arith.constant 2 : i32
      %eq3A_799 = vector.broadcast %eq3A_798 : i32 to vector<16xi32>
      %eq3A_800 = arith.cmpi eq, %iota3A, %eq3A_799 : vector<16xi32>
      %gt3A = arith.constant 0.000000e+00 : f32
      %gt3A_801 = arith.cmpf ogt, %add3A_740, %gt3A : f32
      %and3A_802 = vector.broadcast %gt3A_801 : i1 to vector<16xi1>
      %and3A_803 = arith.andi %eq3A_800, %and3A_802 : vector<16xi1>
      %sub3A_804 = arith.subf %reduce_sum3A_769, %add3A_758 : f32
      %mul3A_805 = arith.constant 0.020833334 : f32
      %mul3A_806 = arith.mulf %sub3A_804, %mul3A_805 : f32
      %jit3A_807 = arith.constant 0.000000e+00 : f32
      %broadcast_in_dim3A_808 = vector.broadcast %mul3A_806 : f32 to vector<16xf32>
      %broadcast_in_dim3A_809 = vector.broadcast %jit3A_807 : f32 to vector<16xf32>
      %select_n3A_810 = arith.select %and3A_803, %broadcast_in_dim3A_808, %broadcast_in_dim3A_809 : vector<16xi1>, vector<16xf32>
      %div3A_811 = vector.broadcast %max3A_773 : f32 to vector<16xf32>
      %div3A_812 = arith.divf %select_n3A_810, %div3A_811 : vector<16xf32>
      %add3A_813 = arith.addf %sub3A_797, %div3A_812 : vector<16xf32>
      %iota3A_814 = tpu.iota {dimensions = array<i32: 0>} : vector<16xi32>
      %get3A_815 = arith.constant 32 : index
      %get3A_816 = tpu.vector_load %arg13[%get3A_815] {strides = array<i32>} : memref<64xi32, #tpu.memory_space<vmem>>, vector<16xi32>,
      %get3A_817 = arith.constant 48 : index
      %get3A_818 = tpu.vector_load %arg13[%get3A_817] {strides = array<i32>} : memref<64xi32, #tpu.memory_space<vmem>>, vector<16xi32>,
      %get3A_819 = arith.constant 0 : index
      %get3A_820 = tpu.vector_load %arg12[%get3A_819] {strides = array<i32>} : memref<32xi32, #tpu.memory_space<vmem>>, vector<16xi32>,
      %get3A_821 = arith.constant 16 : index
      %get3A_822 = tpu.vector_load %arg12[%get3A_821] {strides = array<i32>} : memref<32xi32, #tpu.memory_space<vmem>>, vector<16xi32>,
      %lt3A_823 = arith.constant 0 : i32
      %lt3A_824 = vector.broadcast %lt3A_823 : i32 to vector<16xi32>
      %lt3A_825 = arith.cmpi slt, %iota3A_814, %lt3A_824 : vector<16xi32>
      %scan3A_826 = arith.constant 1 : i32
      %scan3A_827 = arith.constant 19 : i32
      %scan3A_828 = arith.addi %scan3A_826, %scan3A_827 : i32
      %scan3A_829 = arith.constant 1 : i32
      %scan3A_830:4 = scf.for %scan3A_1238 = %scan3A_826 to %scan3A_828 step %scan3A_829 iter_args(%scan3A_1239 = %lt3A_825, %scan3A_1240 = %lt3A_825, %scan3A_1241 = %lt3A_825, %scan3A_1242 = %lt3A_825) -> (vector<16xi1>, vector<16xi1>, vector<16xi1>, vector<16xi1>)  : i32 {
        %add3A_1243 = arith.constant 32 : i32
        %add3A_1244 = arith.addi %add3A_1243, %scan3A_1238 : i32
        %broadcast_in_dim3A_1245 = vector.broadcast %add3A_1244 : i32 to vector<16xi32>
        %gather3A_1246 = tpu.vector_load_idx %arg13[%broadcast_in_dim3A_1245] : memref<64xi32, #tpu.memory_space<vmem>>[vector<16xi32>], vector<16xi32>,
        %broadcast_in_dim3A_1247 = vector.broadcast %scan3A_1238 : i32 to vector<16xi32>
        %gather3A_1248 = tpu.vector_load_idx %arg12[%broadcast_in_dim3A_1247] : memref<32xi32, #tpu.memory_space<vmem>>[vector<16xi32>], vector<16xi32>,
        %eq3A_1249 = arith.cmpi eq, %get3A_816, %gather3A_1246 : vector<16xi32>
        %lt3A_1250 = vector.broadcast %scan3A_1238 : i32 to vector<16xi32>
        %lt3A_1251 = arith.cmpi slt, %iota3A_814, %lt3A_1250 : vector<16xi32>
        %and3A_1252 = arith.andi %eq3A_1249, %lt3A_1251 : vector<16xi1>
        %eq3A_1253 = arith.cmpi eq, %get3A_818, %gather3A_1246 : vector<16xi32>
        %add3A_1254 = arith.constant 16 : i32
        %add3A_1255 = vector.broadcast %add3A_1254 : i32 to vector<16xi32>
        %add3A_1256 = arith.addi %iota3A_814, %add3A_1255 : vector<16xi32>
        %lt3A_1257 = vector.broadcast %scan3A_1238 : i32 to vector<16xi32>
        %lt3A_1258 = arith.cmpi slt, %add3A_1256, %lt3A_1257 : vector<16xi32>
        %and3A_1259 = arith.andi %eq3A_1253, %lt3A_1258 : vector<16xi1>
        %or3A = arith.ori %scan3A_1239, %and3A_1252 : vector<16xi1>
        %or3A_1260 = arith.ori %scan3A_1240, %and3A_1259 : vector<16xi1>
        %eq3A_1261 = arith.cmpi eq, %get3A_820, %gather3A_1248 : vector<16xi32>
        %and3A_1262 = arith.andi %and3A_1252, %eq3A_1261 : vector<16xi1>
        %or3A_1263 = arith.ori %scan3A_1241, %and3A_1262 : vector<16xi1>
        %eq3A_1264 = arith.cmpi eq, %get3A_822, %gather3A_1248 : vector<16xi32>
        %and3A_1265 = arith.andi %and3A_1259, %eq3A_1264 : vector<16xi1>
        %or3A_1266 = arith.ori %scan3A_1242, %and3A_1265 : vector<16xi1>
        scf.yield %or3A, %or3A_1260, %or3A_1263, %or3A_1266 : vector<16xi1>, vector<16xi1>, vector<16xi1>, vector<16xi1>
      }
      %scan3A_831 = arith.constant 19 : i32
      %lt3A_832 = arith.constant 20 : i32
      %lt3A_833 = vector.broadcast %lt3A_832 : i32 to vector<16xi32>
      %lt3A_834 = arith.cmpi slt, %iota3A_814, %lt3A_833 : vector<16xi32>
      %add3A_835 = arith.constant 16 : i32
      %add3A_836 = vector.broadcast %add3A_835 : i32 to vector<16xi32>
      %add3A_837 = arith.addi %iota3A_814, %add3A_836 : vector<16xi32>
      %lt3A_838 = arith.constant 20 : i32
      %lt3A_839 = vector.broadcast %lt3A_838 : i32 to vector<16xi32>
      %lt3A_840 = arith.cmpi slt, %add3A_837, %lt3A_839 : vector<16xi32>
      %not3A_841 = arith.constant dense<true> : vector<16xi1>
      %not3A_842 = arith.xori %scan3A_830#0, %not3A_841 : vector<16xi1>
      %and3A_843 = arith.andi %lt3A_834, %not3A_842 : vector<16xi1>
      %jit3A_844 = arith.constant 1.000000e+00 : f32
      %jit3A_845 = arith.constant 0.000000e+00 : f32
      %broadcast_in_dim3A_846 = vector.broadcast %jit3A_844 : f32 to vector<16xf32>
      %broadcast_in_dim3A_847 = vector.broadcast %jit3A_845 : f32 to vector<16xf32>
      %select_n3A_848 = arith.select %and3A_843, %broadcast_in_dim3A_846, %broadcast_in_dim3A_847 : vector<16xi1>, vector<16xf32>
      %swap3A_849 = arith.constant 0 : index
      %swap3A_850 = tpu.vector_load %arg14[%swap3A_849] {strides = array<i32>} : memref<32xf32, #tpu.memory_space<vmem>>, vector<16xf32>,
      tpu.vector_store %arg14[%swap3A_849], %select_n3A_848 {strides = array<i32>} : memref<32xf32, #tpu.memory_space<vmem>>, vector<16xf32>,
      %not3A_851 = arith.constant dense<true> : vector<16xi1>
      %not3A_852 = arith.xori %scan3A_830#1, %not3A_851 : vector<16xi1>
      %and3A_853 = arith.andi %lt3A_840, %not3A_852 : vector<16xi1>
      %jit3A_854 = arith.constant 1.000000e+00 : f32
      %jit3A_855 = arith.constant 0.000000e+00 : f32
      %broadcast_in_dim3A_856 = vector.broadcast %jit3A_854 : f32 to vector<16xf32>
      %broadcast_in_dim3A_857 = vector.broadcast %jit3A_855 : f32 to vector<16xf32>
      %select_n3A_858 = arith.select %and3A_853, %broadcast_in_dim3A_856, %broadcast_in_dim3A_857 : vector<16xi1>, vector<16xf32>
      %swap3A_859 = arith.constant 16 : index
      %swap3A_860 = tpu.vector_load %arg14[%swap3A_859] {strides = array<i32>} : memref<32xf32, #tpu.memory_space<vmem>>, vector<16xf32>,
      tpu.vector_store %arg14[%swap3A_859], %select_n3A_858 {strides = array<i32>} : memref<32xf32, #tpu.memory_space<vmem>>, vector<16xf32>,
      %not3A_861 = arith.constant dense<true> : vector<16xi1>
      %not3A_862 = arith.xori %scan3A_830#2, %not3A_861 : vector<16xi1>
      %and3A_863 = arith.andi %lt3A_834, %not3A_862 : vector<16xi1>
      %jit3A_864 = arith.constant 1.000000e+00 : f32
      %jit3A_865 = arith.constant 0.000000e+00 : f32
      %broadcast_in_dim3A_866 = vector.broadcast %jit3A_864 : f32 to vector<16xf32>
      %broadcast_in_dim3A_867 = vector.broadcast %jit3A_865 : f32 to vector<16xf32>
      %select_n3A_868 = arith.select %and3A_863, %broadcast_in_dim3A_866, %broadcast_in_dim3A_867 : vector<16xi1>, vector<16xf32>
      %swap3A_869 = arith.constant 0 : index
      %swap3A_870 = tpu.vector_load %arg15[%swap3A_869] {strides = array<i32>} : memref<32xf32, #tpu.memory_space<vmem>>, vector<16xf32>,
      tpu.vector_store %arg15[%swap3A_869], %select_n3A_868 {strides = array<i32>} : memref<32xf32, #tpu.memory_space<vmem>>, vector<16xf32>,
      %not3A_871 = arith.constant dense<true> : vector<16xi1>
      %not3A_872 = arith.xori %scan3A_830#3, %not3A_871 : vector<16xi1>
      %and3A_873 = arith.andi %lt3A_840, %not3A_872 : vector<16xi1>
      %jit3A_874 = arith.constant 1.000000e+00 : f32
      %jit3A_875 = arith.constant 0.000000e+00 : f32
      %broadcast_in_dim3A_876 = vector.broadcast %jit3A_874 : f32 to vector<16xf32>
      %broadcast_in_dim3A_877 = vector.broadcast %jit3A_875 : f32 to vector<16xf32>
      %select_n3A_878 = arith.select %and3A_873, %broadcast_in_dim3A_876, %broadcast_in_dim3A_877 : vector<16xi1>, vector<16xf32>
      %swap3A_879 = arith.constant 16 : index
      %swap3A_880 = tpu.vector_load %arg15[%swap3A_879] {strides = array<i32>} : memref<32xf32, #tpu.memory_space<vmem>>, vector<16xf32>,
      tpu.vector_store %arg15[%swap3A_879], %select_n3A_878 {strides = array<i32>} : memref<32xf32, #tpu.memory_space<vmem>>, vector<16xf32>,
      %broadcast_in_dim3A_881 = arith.constant 0.000000e+00 : f32
      %broadcast_in_dim3A_882 = vector.broadcast %broadcast_in_dim3A_881 : f32 to vector<16xf32>
      %add3A_883 = arith.constant 0 : i32
      %add3A_884 = vector.broadcast %add3A_883 : i32 to vector<16xi32>
      %add3A_885 = arith.addi %iota3A_814, %add3A_884 : vector<16xi32>
      %min3A_886 = arith.constant 19 : i32
      %min3A_887 = vector.broadcast %min3A_886 : i32 to vector<16xi32>
      %min3A_888 = arith.minsi %add3A_885, %min3A_887 : vector<16xi32>
      %get3A_889 = arith.constant 0 : index
      %get3A_890 = tpu.vector_load %arg14[%get3A_889] {strides = array<i32>} : memref<32xf32, #tpu.memory_space<vmem>>, vector<16xf32>,
      %get3A_891 = arith.constant 0 : index
      %get3A_892 = tpu.vector_load %arg15[%get3A_891] {strides = array<i32>} : memref<32xf32, #tpu.memory_space<vmem>>, vector<16xf32>,
      %add3A_893 = arith.constant 20 : i32
      %add3A_894 = vector.broadcast %add3A_893 : i32 to vector<16xi32>
      %add3A_895 = arith.addi %add3A_894, %min3A_888 : vector<16xi32>
      %broadcast_in_dim3A_896 = arith.constant 0 : i32
      %broadcast_in_dim3A_897 = vector.broadcast %broadcast_in_dim3A_896 : i32 to vector<16xi32>
      %gather3A_898 = tpu.vector_load_idx %arg10[%add3A_895, %broadcast_in_dim3A_897] : memref<40x85xf32, #tpu.memory_space<vmem>>[vector<16xi32>, vector<16xi32>], vector<16xf32>,
      %mul3A_899 = arith.constant 4 : i32
      %mul3A_900 = vector.broadcast %mul3A_899 : i32 to vector<16xi32>
      %mul3A_901 = arith.muli %min3A_888, %mul3A_900 : vector<16xi32>
      %add3A_902 = arith.constant 0 : i32
      %add3A_903 = vector.broadcast %add3A_902 : i32 to vector<16xi32>
      %add3A_904 = arith.addi %mul3A_901, %add3A_903 : vector<16xi32>
      %gather3A_905 = tpu.vector_load_idx %arg11[%add3A_904] : memref<80xf32, #tpu.memory_space<vmem>>[vector<16xi32>], vector<16xf32>,
      %sub3A_906 = arith.subf %gather3A_898, %gather3A_905 : vector<16xf32>
      %mul3A_907 = arith.mulf %sub3A_906, %sub3A_906 : vector<16xf32>
      %add3A_908 = arith.addf %broadcast_in_dim3A_882, %mul3A_907 : vector<16xf32>
      %broadcast_in_dim3A_909 = arith.constant 1 : i32
      %broadcast_in_dim3A_910 = vector.broadcast %broadcast_in_dim3A_909 : i32 to vector<16xi32>
      %gather3A_911 = tpu.vector_load_idx %arg10[%add3A_895, %broadcast_in_dim3A_910] : memref<40x85xf32, #tpu.memory_space<vmem>>[vector<16xi32>, vector<16xi32>], vector<16xf32>,
      %mul3A_912 = arith.constant 4 : i32
      %mul3A_913 = vector.broadcast %mul3A_912 : i32 to vector<16xi32>
      %mul3A_914 = arith.muli %min3A_888, %mul3A_913 : vector<16xi32>
      %add3A_915 = arith.constant 1 : i32
      %add3A_916 = vector.broadcast %add3A_915 : i32 to vector<16xi32>
      %add3A_917 = arith.addi %mul3A_914, %add3A_916 : vector<16xi32>
      %gather3A_918 = tpu.vector_load_idx %arg11[%add3A_917] : memref<80xf32, #tpu.memory_space<vmem>>[vector<16xi32>], vector<16xf32>,
      %sub3A_919 = arith.subf %gather3A_911, %gather3A_918 : vector<16xf32>
      %mul3A_920 = arith.mulf %sub3A_919, %sub3A_919 : vector<16xf32>
      %add3A_921 = arith.addf %add3A_908, %mul3A_920 : vector<16xf32>
      %broadcast_in_dim3A_922 = arith.constant 2 : i32
      %broadcast_in_dim3A_923 = vector.broadcast %broadcast_in_dim3A_922 : i32 to vector<16xi32>
      %gather3A_924 = tpu.vector_load_idx %arg10[%add3A_895, %broadcast_in_dim3A_923] : memref<40x85xf32, #tpu.memory_space<vmem>>[vector<16xi32>, vector<16xi32>], vector<16xf32>,
      %mul3A_925 = arith.constant 4 : i32
      %mul3A_926 = vector.broadcast %mul3A_925 : i32 to vector<16xi32>
      %mul3A_927 = arith.muli %min3A_888, %mul3A_926 : vector<16xi32>
      %add3A_928 = arith.constant 2 : i32
      %add3A_929 = vector.broadcast %add3A_928 : i32 to vector<16xi32>
      %add3A_930 = arith.addi %mul3A_927, %add3A_929 : vector<16xi32>
      %gather3A_931 = tpu.vector_load_idx %arg11[%add3A_930] : memref<80xf32, #tpu.memory_space<vmem>>[vector<16xi32>], vector<16xf32>,
      %sub3A_932 = arith.subf %gather3A_924, %gather3A_931 : vector<16xf32>
      %mul3A_933 = arith.mulf %sub3A_932, %sub3A_932 : vector<16xf32>
      %add3A_934 = arith.addf %add3A_921, %mul3A_933 : vector<16xf32>
      %broadcast_in_dim3A_935 = arith.constant 3 : i32
      %broadcast_in_dim3A_936 = vector.broadcast %broadcast_in_dim3A_935 : i32 to vector<16xi32>
      %gather3A_937 = tpu.vector_load_idx %arg10[%add3A_895, %broadcast_in_dim3A_936] : memref<40x85xf32, #tpu.memory_space<vmem>>[vector<16xi32>, vector<16xi32>], vector<16xf32>,
      %mul3A_938 = arith.constant 4 : i32
      %mul3A_939 = vector.broadcast %mul3A_938 : i32 to vector<16xi32>
      %mul3A_940 = arith.muli %min3A_888, %mul3A_939 : vector<16xi32>
      %add3A_941 = arith.constant 3 : i32
      %add3A_942 = vector.broadcast %add3A_941 : i32 to vector<16xi32>
      %add3A_943 = arith.addi %mul3A_940, %add3A_942 : vector<16xi32>
      %gather3A_944 = tpu.vector_load_idx %arg11[%add3A_943] : memref<80xf32, #tpu.memory_space<vmem>>[vector<16xi32>], vector<16xf32>,
      %sub3A_945 = arith.subf %gather3A_937, %gather3A_944 : vector<16xf32>
      %mul3A_946 = arith.mulf %sub3A_945, %sub3A_945 : vector<16xf32>
      %add3A_947 = arith.addf %add3A_934, %mul3A_946 : vector<16xf32>
      %mul3A_948 = arith.mulf %get3A_890, %add3A_947 : vector<16xf32>
      %reduce_sum3A_949 = arith.constant true
      %reduce_sum3A_950 = vector.broadcast %reduce_sum3A_949 : i1 to vector<16xi1>
      %reduce_sum3A_951 = tpu.scan <sum>, %mul3A_948 masked %reduce_sum3A_950 : vector<16xf32>, vector<16xi1> -> vector<16xf32>
      %reduce_sum3A_952 = vector.extract %reduce_sum3A_951[15] : f32 from vector<16xf32>
      %add3A_953 = arith.constant 0.000000e+00 : f32
      %add3A_954 = arith.addf %add3A_953, %reduce_sum3A_952 : f32
      %broadcast_in_dim3A_955 = arith.constant 4 : i32
      %broadcast_in_dim3A_956 = vector.broadcast %broadcast_in_dim3A_955 : i32 to vector<16xi32>
      %gather3A_957 = tpu.vector_load_idx %arg10[%add3A_895, %broadcast_in_dim3A_956] : memref<40x85xf32, #tpu.memory_space<vmem>>[vector<16xi32>, vector<16xi32>], vector<16xf32>,
      %mul3A_958 = arith.mulf %get3A_890, %gather3A_957 : vector<16xf32>
      %reduce_sum3A_959 = arith.constant true
      %reduce_sum3A_960 = vector.broadcast %reduce_sum3A_959 : i1 to vector<16xi1>
      %reduce_sum3A_961 = tpu.scan <sum>, %mul3A_958 masked %reduce_sum3A_960 : vector<16xf32>, vector<16xi1> -> vector<16xf32>
      %reduce_sum3A_962 = vector.extract %reduce_sum3A_961[15] : f32 from vector<16xf32>
      %add3A_963 = arith.constant 0.000000e+00 : f32
      %add3A_964 = arith.addf %add3A_963, %reduce_sum3A_962 : f32
      %max3A_965 = arith.constant 0.000000e+00 : f32
      %max3A_966 = vector.broadcast %max3A_965 : f32 to vector<16xf32>
      %max3A_967 = arith.maximumf %gather3A_957, %max3A_966 : vector<16xf32>
      %abs3A_968 = math.absf %gather3A_957 : vector<16xf32>
      %neg3A_969 = arith.constant 0.000000e+00 : f32
      %neg3A_970 = vector.broadcast %neg3A_969 : f32 to vector<16xf32>
      %neg3A_971 = arith.subf %neg3A_970, %abs3A_968 : vector<16xf32>
      %exp3A_972 = math.exp %neg3A_971 : vector<16xf32>
      %add3A_973 = arith.constant 2.000000e+00 : f32
      %add3A_974 = vector.broadcast %add3A_973 : f32 to vector<16xf32>
      %add3A_975 = arith.addf %add3A_974, %exp3A_972 : vector<16xf32>
      %div3A_976 = arith.divf %exp3A_972, %add3A_975 : vector<16xf32>
      %mul3A_977 = arith.mulf %div3A_976, %div3A_976 : vector<16xf32>
      %mul3A_978 = arith.constant 0.111111112 : f32
      %mul3A_979 = vector.broadcast %mul3A_978 : f32 to vector<16xf32>
      %mul3A_980 = arith.mulf %mul3A_977, %mul3A_979 : vector<16xf32>
      %add3A_981 = arith.constant 0.142857149 : f32
      %add3A_982 = vector.broadcast %add3A_981 : f32 to vector<16xf32>
      %add3A_983 = arith.addf %add3A_982, %mul3A_980 : vector<16xf32>
      %mul3A_984 = arith.mulf %mul3A_977, %add3A_983 : vector<16xf32>
      %add3A_985 = arith.constant 2.000000e-01 : f32
      %add3A_986 = vector.broadcast %add3A_985 : f32 to vector<16xf32>
      %add3A_987 = arith.addf %add3A_986, %mul3A_984 : vector<16xf32>
      %mul3A_988 = arith.mulf %mul3A_977, %add3A_987 : vector<16xf32>
      %add3A_989 = arith.constant 0.333333343 : f32
      %add3A_990 = vector.broadcast %add3A_989 : f32 to vector<16xf32>
      %add3A_991 = arith.addf %add3A_990, %mul3A_988 : vector<16xf32>
      %mul3A_992 = arith.mulf %mul3A_977, %add3A_991 : vector<16xf32>
      %add3A_993 = arith.constant 1.000000e+00 : f32
      %add3A_994 = vector.broadcast %add3A_993 : f32 to vector<16xf32>
      %add3A_995 = arith.addf %add3A_994, %mul3A_992 : vector<16xf32>
      %mul3A_996 = arith.constant 2.000000e+00 : f32
      %mul3A_997 = vector.broadcast %mul3A_996 : f32 to vector<16xf32>
      %mul3A_998 = arith.mulf %mul3A_997, %div3A_976 : vector<16xf32>
      %mul3A_999 = arith.mulf %mul3A_998, %add3A_995 : vector<16xf32>
      %add3A_1000 = arith.addf %max3A_967, %mul3A_999 : vector<16xf32>
      %mul3A_1001 = arith.mulf %get3A_890, %add3A_1000 : vector<16xf32>
      %reduce_sum3A_1002 = arith.constant true
      %reduce_sum3A_1003 = vector.broadcast %reduce_sum3A_1002 : i1 to vector<16xi1>
      %reduce_sum3A_1004 = tpu.scan <sum>, %mul3A_1001 masked %reduce_sum3A_1003 : vector<16xf32>, vector<16xi1> -> vector<16xf32>
      %reduce_sum3A_1005 = vector.extract %reduce_sum3A_1004[15] : f32 from vector<16xf32>
      %add3A_1006 = arith.constant 0.000000e+00 : f32
      %add3A_1007 = arith.addf %add3A_1006, %reduce_sum3A_1005 : f32
      %reduce_sum3A_1008 = arith.constant true
      %reduce_sum3A_1009 = vector.broadcast %reduce_sum3A_1008 : i1 to vector<16xi1>
      %reduce_sum3A_1010 = tpu.scan <sum>, %get3A_890 masked %reduce_sum3A_1009 : vector<16xf32>, vector<16xi1> -> vector<16xf32>
      %reduce_sum3A_1011 = vector.extract %reduce_sum3A_1010[15] : f32 from vector<16xf32>
      %add3A_1012 = arith.constant 0.000000e+00 : f32
      %add3A_1013 = arith.addf %add3A_1012, %reduce_sum3A_1011 : f32
      %get3A_1014 = arith.constant 0 : index
      %get3A_1015 = tpu.vector_load %arg12[%get3A_1014] {strides = array<i32>} : memref<32xi32, #tpu.memory_space<vmem>>, vector<16xi32>,
      %jit3A_1016 = arith.constant 0 : i32
      %jit3A_1017 = arith.constant 79 : i32
      %max3A_1018 = vector.broadcast %jit3A_1016 : i32 to vector<16xi32>
      %max3A_1019 = arith.maxsi %max3A_1018, %get3A_1015 : vector<16xi32>
      %min3A_1020 = vector.broadcast %jit3A_1017 : i32 to vector<16xi32>
      %min3A_1021 = arith.minsi %min3A_1020, %max3A_1019 : vector<16xi32>
      %add3A_1022 = arith.constant 5 : i32
      %add3A_1023 = vector.broadcast %add3A_1022 : i32 to vector<16xi32>
      %add3A_1024 = arith.addi %add3A_1023, %min3A_1021 : vector<16xi32>
      %gather3A_1025 = tpu.vector_load_idx %arg10[%add3A_895, %add3A_1024] : memref<40x85xf32, #tpu.memory_space<vmem>>[vector<16xi32>, vector<16xi32>], vector<16xf32>,
      %mul3A_1026 = arith.mulf %get3A_892, %gather3A_1025 : vector<16xf32>
      %reduce_sum3A_1027 = arith.constant true
      %reduce_sum3A_1028 = vector.broadcast %reduce_sum3A_1027 : i1 to vector<16xi1>
      %reduce_sum3A_1029 = tpu.scan <sum>, %mul3A_1026 masked %reduce_sum3A_1028 : vector<16xf32>, vector<16xi1> -> vector<16xf32>
      %reduce_sum3A_1030 = vector.extract %reduce_sum3A_1029[15] : f32 from vector<16xf32>
      %add3A_1031 = arith.constant 0.000000e+00 : f32
      %add3A_1032 = arith.addf %add3A_1031, %reduce_sum3A_1030 : f32
      %add3A_1033 = arith.constant 16 : i32
      %add3A_1034 = vector.broadcast %add3A_1033 : i32 to vector<16xi32>
      %add3A_1035 = arith.addi %iota3A_814, %add3A_1034 : vector<16xi32>
      %min3A_1036 = arith.constant 19 : i32
      %min3A_1037 = vector.broadcast %min3A_1036 : i32 to vector<16xi32>
      %min3A_1038 = arith.minsi %add3A_1035, %min3A_1037 : vector<16xi32>
      %get3A_1039 = arith.constant 16 : index
      %get3A_1040 = tpu.vector_load %arg14[%get3A_1039] {strides = array<i32>} : memref<32xf32, #tpu.memory_space<vmem>>, vector<16xf32>,
      %get3A_1041 = arith.constant 16 : index
      %get3A_1042 = tpu.vector_load %arg15[%get3A_1041] {strides = array<i32>} : memref<32xf32, #tpu.memory_space<vmem>>, vector<16xf32>,
      %add3A_1043 = arith.constant 20 : i32
      %add3A_1044 = vector.broadcast %add3A_1043 : i32 to vector<16xi32>
      %add3A_1045 = arith.addi %add3A_1044, %min3A_1038 : vector<16xi32>
      %broadcast_in_dim3A_1046 = arith.constant 0 : i32
      %broadcast_in_dim3A_1047 = vector.broadcast %broadcast_in_dim3A_1046 : i32 to vector<16xi32>
      %gather3A_1048 = tpu.vector_load_idx %arg10[%add3A_1045, %broadcast_in_dim3A_1047] : memref<40x85xf32, #tpu.memory_space<vmem>>[vector<16xi32>, vector<16xi32>], vector<16xf32>,
      %mul3A_1049 = arith.constant 4 : i32
      %mul3A_1050 = vector.broadcast %mul3A_1049 : i32 to vector<16xi32>
      %mul3A_1051 = arith.muli %min3A_1038, %mul3A_1050 : vector<16xi32>
      %add3A_1052 = arith.constant 0 : i32
      %add3A_1053 = vector.broadcast %add3A_1052 : i32 to vector<16xi32>
      %add3A_1054 = arith.addi %mul3A_1051, %add3A_1053 : vector<16xi32>
      %gather3A_1055 = tpu.vector_load_idx %arg11[%add3A_1054] : memref<80xf32, #tpu.memory_space<vmem>>[vector<16xi32>], vector<16xf32>,
      %sub3A_1056 = arith.subf %gather3A_1048, %gather3A_1055 : vector<16xf32>
      %mul3A_1057 = arith.mulf %sub3A_1056, %sub3A_1056 : vector<16xf32>
      %add3A_1058 = arith.addf %broadcast_in_dim3A_882, %mul3A_1057 : vector<16xf32>
      %broadcast_in_dim3A_1059 = arith.constant 1 : i32
      %broadcast_in_dim3A_1060 = vector.broadcast %broadcast_in_dim3A_1059 : i32 to vector<16xi32>
      %gather3A_1061 = tpu.vector_load_idx %arg10[%add3A_1045, %broadcast_in_dim3A_1060] : memref<40x85xf32, #tpu.memory_space<vmem>>[vector<16xi32>, vector<16xi32>], vector<16xf32>,
      %mul3A_1062 = arith.constant 4 : i32
      %mul3A_1063 = vector.broadcast %mul3A_1062 : i32 to vector<16xi32>
      %mul3A_1064 = arith.muli %min3A_1038, %mul3A_1063 : vector<16xi32>
      %add3A_1065 = arith.constant 1 : i32
      %add3A_1066 = vector.broadcast %add3A_1065 : i32 to vector<16xi32>
      %add3A_1067 = arith.addi %mul3A_1064, %add3A_1066 : vector<16xi32>
      %gather3A_1068 = tpu.vector_load_idx %arg11[%add3A_1067] : memref<80xf32, #tpu.memory_space<vmem>>[vector<16xi32>], vector<16xf32>,
      %sub3A_1069 = arith.subf %gather3A_1061, %gather3A_1068 : vector<16xf32>
      %mul3A_1070 = arith.mulf %sub3A_1069, %sub3A_1069 : vector<16xf32>
      %add3A_1071 = arith.addf %add3A_1058, %mul3A_1070 : vector<16xf32>
      %broadcast_in_dim3A_1072 = arith.constant 2 : i32
      %broadcast_in_dim3A_1073 = vector.broadcast %broadcast_in_dim3A_1072 : i32 to vector<16xi32>
      %gather3A_1074 = tpu.vector_load_idx %arg10[%add3A_1045, %broadcast_in_dim3A_1073] : memref<40x85xf32, #tpu.memory_space<vmem>>[vector<16xi32>, vector<16xi32>], vector<16xf32>,
      %mul3A_1075 = arith.constant 4 : i32
      %mul3A_1076 = vector.broadcast %mul3A_1075 : i32 to vector<16xi32>
      %mul3A_1077 = arith.muli %min3A_1038, %mul3A_1076 : vector<16xi32>
      %add3A_1078 = arith.constant 2 : i32
      %add3A_1079 = vector.broadcast %add3A_1078 : i32 to vector<16xi32>
      %add3A_1080 = arith.addi %mul3A_1077, %add3A_1079 : vector<16xi32>
      %gather3A_1081 = tpu.vector_load_idx %arg11[%add3A_1080] : memref<80xf32, #tpu.memory_space<vmem>>[vector<16xi32>], vector<16xf32>,
      %sub3A_1082 = arith.subf %gather3A_1074, %gather3A_1081 : vector<16xf32>
      %mul3A_1083 = arith.mulf %sub3A_1082, %sub3A_1082 : vector<16xf32>
      %add3A_1084 = arith.addf %add3A_1071, %mul3A_1083 : vector<16xf32>
      %broadcast_in_dim3A_1085 = arith.constant 3 : i32
      %broadcast_in_dim3A_1086 = vector.broadcast %broadcast_in_dim3A_1085 : i32 to vector<16xi32>
      %gather3A_1087 = tpu.vector_load_idx %arg10[%add3A_1045, %broadcast_in_dim3A_1086] : memref<40x85xf32, #tpu.memory_space<vmem>>[vector<16xi32>, vector<16xi32>], vector<16xf32>,
      %mul3A_1088 = arith.constant 4 : i32
      %mul3A_1089 = vector.broadcast %mul3A_1088 : i32 to vector<16xi32>
      %mul3A_1090 = arith.muli %min3A_1038, %mul3A_1089 : vector<16xi32>
      %add3A_1091 = arith.constant 3 : i32
      %add3A_1092 = vector.broadcast %add3A_1091 : i32 to vector<16xi32>
      %add3A_1093 = arith.addi %mul3A_1090, %add3A_1092 : vector<16xi32>
      %gather3A_1094 = tpu.vector_load_idx %arg11[%add3A_1093] : memref<80xf32, #tpu.memory_space<vmem>>[vector<16xi32>], vector<16xf32>,
      %sub3A_1095 = arith.subf %gather3A_1087, %gather3A_1094 : vector<16xf32>
      %mul3A_1096 = arith.mulf %sub3A_1095, %sub3A_1095 : vector<16xf32>
      %add3A_1097 = arith.addf %add3A_1084, %mul3A_1096 : vector<16xf32>
      %mul3A_1098 = arith.mulf %get3A_1040, %add3A_1097 : vector<16xf32>
      %reduce_sum3A_1099 = arith.constant true
      %reduce_sum3A_1100 = vector.broadcast %reduce_sum3A_1099 : i1 to vector<16xi1>
      %reduce_sum3A_1101 = tpu.scan <sum>, %mul3A_1098 masked %reduce_sum3A_1100 : vector<16xf32>, vector<16xi1> -> vector<16xf32>
      %reduce_sum3A_1102 = vector.extract %reduce_sum3A_1101[15] : f32 from vector<16xf32>
      %add3A_1103 = arith.addf %add3A_954, %reduce_sum3A_1102 : f32
      %broadcast_in_dim3A_1104 = arith.constant 4 : i32
      %broadcast_in_dim3A_1105 = vector.broadcast %broadcast_in_dim3A_1104 : i32 to vector<16xi32>
      %gather3A_1106 = tpu.vector_load_idx %arg10[%add3A_1045, %broadcast_in_dim3A_1105] : memref<40x85xf32, #tpu.memory_space<vmem>>[vector<16xi32>, vector<16xi32>], vector<16xf32>,
      %mul3A_1107 = arith.mulf %get3A_1040, %gather3A_1106 : vector<16xf32>
      %reduce_sum3A_1108 = arith.constant true
      %reduce_sum3A_1109 = vector.broadcast %reduce_sum3A_1108 : i1 to vector<16xi1>
      %reduce_sum3A_1110 = tpu.scan <sum>, %mul3A_1107 masked %reduce_sum3A_1109 : vector<16xf32>, vector<16xi1> -> vector<16xf32>
      %reduce_sum3A_1111 = vector.extract %reduce_sum3A_1110[15] : f32 from vector<16xf32>
      %add3A_1112 = arith.addf %add3A_964, %reduce_sum3A_1111 : f32
      %max3A_1113 = arith.constant 0.000000e+00 : f32
      %max3A_1114 = vector.broadcast %max3A_1113 : f32 to vector<16xf32>
      %max3A_1115 = arith.maximumf %gather3A_1106, %max3A_1114 : vector<16xf32>
      %abs3A_1116 = math.absf %gather3A_1106 : vector<16xf32>
      %neg3A_1117 = arith.constant 0.000000e+00 : f32
      %neg3A_1118 = vector.broadcast %neg3A_1117 : f32 to vector<16xf32>
      %neg3A_1119 = arith.subf %neg3A_1118, %abs3A_1116 : vector<16xf32>
      %exp3A_1120 = math.exp %neg3A_1119 : vector<16xf32>
      %add3A_1121 = arith.constant 2.000000e+00 : f32
      %add3A_1122 = vector.broadcast %add3A_1121 : f32 to vector<16xf32>
      %add3A_1123 = arith.addf %add3A_1122, %exp3A_1120 : vector<16xf32>
      %div3A_1124 = arith.divf %exp3A_1120, %add3A_1123 : vector<16xf32>
      %mul3A_1125 = arith.mulf %div3A_1124, %div3A_1124 : vector<16xf32>
      %mul3A_1126 = arith.constant 0.111111112 : f32
      %mul3A_1127 = vector.broadcast %mul3A_1126 : f32 to vector<16xf32>
      %mul3A_1128 = arith.mulf %mul3A_1125, %mul3A_1127 : vector<16xf32>
      %add3A_1129 = arith.constant 0.142857149 : f32
      %add3A_1130 = vector.broadcast %add3A_1129 : f32 to vector<16xf32>
      %add3A_1131 = arith.addf %add3A_1130, %mul3A_1128 : vector<16xf32>
      %mul3A_1132 = arith.mulf %mul3A_1125, %add3A_1131 : vector<16xf32>
      %add3A_1133 = arith.constant 2.000000e-01 : f32
      %add3A_1134 = vector.broadcast %add3A_1133 : f32 to vector<16xf32>
      %add3A_1135 = arith.addf %add3A_1134, %mul3A_1132 : vector<16xf32>
      %mul3A_1136 = arith.mulf %mul3A_1125, %add3A_1135 : vector<16xf32>
      %add3A_1137 = arith.constant 0.333333343 : f32
      %add3A_1138 = vector.broadcast %add3A_1137 : f32 to vector<16xf32>
      %add3A_1139 = arith.addf %add3A_1138, %mul3A_1136 : vector<16xf32>
      %mul3A_1140 = arith.mulf %mul3A_1125, %add3A_1139 : vector<16xf32>
      %add3A_1141 = arith.constant 1.000000e+00 : f32
      %add3A_1142 = vector.broadcast %add3A_1141 : f32 to vector<16xf32>
      %add3A_1143 = arith.addf %add3A_1142, %mul3A_1140 : vector<16xf32>
      %mul3A_1144 = arith.constant 2.000000e+00 : f32
      %mul3A_1145 = vector.broadcast %mul3A_1144 : f32 to vector<16xf32>
      %mul3A_1146 = arith.mulf %mul3A_1145, %div3A_1124 : vector<16xf32>
      %mul3A_1147 = arith.mulf %mul3A_1146, %add3A_1143 : vector<16xf32>
      %add3A_1148 = arith.addf %max3A_1115, %mul3A_1147 : vector<16xf32>
      %mul3A_1149 = arith.mulf %get3A_1040, %add3A_1148 : vector<16xf32>
      %reduce_sum3A_1150 = arith.constant true
      %reduce_sum3A_1151 = vector.broadcast %reduce_sum3A_1150 : i1 to vector<16xi1>
      %reduce_sum3A_1152 = tpu.scan <sum>, %mul3A_1149 masked %reduce_sum3A_1151 : vector<16xf32>, vector<16xi1> -> vector<16xf32>
      %reduce_sum3A_1153 = vector.extract %reduce_sum3A_1152[15] : f32 from vector<16xf32>
      %add3A_1154 = arith.addf %add3A_1007, %reduce_sum3A_1153 : f32
      %reduce_sum3A_1155 = arith.constant true
      %reduce_sum3A_1156 = vector.broadcast %reduce_sum3A_1155 : i1 to vector<16xi1>
      %reduce_sum3A_1157 = tpu.scan <sum>, %get3A_1040 masked %reduce_sum3A_1156 : vector<16xf32>, vector<16xi1> -> vector<16xf32>
      %reduce_sum3A_1158 = vector.extract %reduce_sum3A_1157[15] : f32 from vector<16xf32>
      %add3A_1159 = arith.addf %add3A_1013, %reduce_sum3A_1158 : f32
      %get3A_1160 = arith.constant 16 : index
      %get3A_1161 = tpu.vector_load %arg12[%get3A_1160] {strides = array<i32>} : memref<32xi32, #tpu.memory_space<vmem>>, vector<16xi32>,
      %jit3A_1162 = arith.constant 0 : i32
      %jit3A_1163 = arith.constant 79 : i32
      %max3A_1164 = vector.broadcast %jit3A_1162 : i32 to vector<16xi32>
      %max3A_1165 = arith.maxsi %max3A_1164, %get3A_1161 : vector<16xi32>
      %min3A_1166 = vector.broadcast %jit3A_1163 : i32 to vector<16xi32>
      %min3A_1167 = arith.minsi %min3A_1166, %max3A_1165 : vector<16xi32>
      %add3A_1168 = arith.constant 5 : i32
      %add3A_1169 = vector.broadcast %add3A_1168 : i32 to vector<16xi32>
      %add3A_1170 = arith.addi %add3A_1169, %min3A_1167 : vector<16xi32>
      %gather3A_1171 = tpu.vector_load_idx %arg10[%add3A_1045, %add3A_1170] : memref<40x85xf32, #tpu.memory_space<vmem>>[vector<16xi32>, vector<16xi32>], vector<16xf32>,
      %mul3A_1172 = arith.mulf %get3A_1042, %gather3A_1171 : vector<16xf32>
      %reduce_sum3A_1173 = arith.constant true
      %reduce_sum3A_1174 = vector.broadcast %reduce_sum3A_1173 : i1 to vector<16xi1>
      %reduce_sum3A_1175 = tpu.scan <sum>, %mul3A_1172 masked %reduce_sum3A_1174 : vector<16xf32>, vector<16xi1> -> vector<16xf32>
      %reduce_sum3A_1176 = vector.extract %reduce_sum3A_1175[15] : f32 from vector<16xf32>
      %add3A_1177 = arith.addf %add3A_1032, %reduce_sum3A_1176 : f32
      %scan3A_1178 = arith.constant 0 : i32
      %scan3A_1179 = arith.constant 80 : i32
      %scan3A_1180 = arith.addi %scan3A_1178, %scan3A_1179 : i32
      %scan3A_1181 = arith.constant 1 : i32
      %scan3A_1182:2 = scf.for %scan3A_1238 = %scan3A_1178 to %scan3A_1180 step %scan3A_1181 iter_args(%scan3A_1239 = %broadcast_in_dim3A_882, %scan3A_1240 = %broadcast_in_dim3A_882) -> (vector<16xf32>, vector<16xf32>)  : i32 {
        %add3A_1241 = arith.constant 0 : i32
        %add3A_1242 = vector.broadcast %add3A_1241 : i32 to vector<16xi32>
        %add3A_1243 = arith.addi %iota3A_814, %add3A_1242 : vector<16xi32>
        %min3A_1244 = arith.constant 19 : i32
        %min3A_1245 = vector.broadcast %min3A_1244 : i32 to vector<16xi32>
        %min3A_1246 = arith.minsi %add3A_1243, %min3A_1245 : vector<16xi32>
        %get3A_1247 = arith.constant 0 : index
        %get3A_1248 = tpu.vector_load %arg14[%get3A_1247] {strides = array<i32>} : memref<32xf32, #tpu.memory_space<vmem>>, vector<16xf32>,
        %add3A_1249 = arith.constant 20 : i32
        %add3A_1250 = vector.broadcast %add3A_1249 : i32 to vector<16xi32>
        %add3A_1251 = arith.addi %add3A_1250, %min3A_1246 : vector<16xi32>
        %broadcast_in_dim3A_1252 = arith.constant 5 : i32
        %broadcast_in_dim3A_1253 = vector.broadcast %broadcast_in_dim3A_1252 : i32 to vector<16xi32>
        %add3A_1254 = vector.broadcast %scan3A_1238 : i32 to vector<16xi32>
        %add3A_1255 = arith.addi %broadcast_in_dim3A_1253, %add3A_1254 : vector<16xi32>
        %gather3A_1256 = tpu.vector_load_idx %arg10[%add3A_1251, %add3A_1255] : memref<40x85xf32, #tpu.memory_space<vmem>>[vector<16xi32>, vector<16xi32>], vector<16xf32>,
        %max3A_1257 = arith.constant 0.000000e+00 : f32
        %max3A_1258 = vector.broadcast %max3A_1257 : f32 to vector<16xf32>
        %max3A_1259 = arith.maximumf %gather3A_1256, %max3A_1258 : vector<16xf32>
        %abs3A_1260 = math.absf %gather3A_1256 : vector<16xf32>
        %neg3A_1261 = arith.constant 0.000000e+00 : f32
        %neg3A_1262 = vector.broadcast %neg3A_1261 : f32 to vector<16xf32>
        %neg3A_1263 = arith.subf %neg3A_1262, %abs3A_1260 : vector<16xf32>
        %exp3A_1264 = math.exp %neg3A_1263 : vector<16xf32>
        %add3A_1265 = arith.constant 2.000000e+00 : f32
        %add3A_1266 = vector.broadcast %add3A_1265 : f32 to vector<16xf32>
        %add3A_1267 = arith.addf %add3A_1266, %exp3A_1264 : vector<16xf32>
        %div3A_1268 = arith.divf %exp3A_1264, %add3A_1267 : vector<16xf32>
        %mul3A_1269 = arith.mulf %div3A_1268, %div3A_1268 : vector<16xf32>
        %mul3A_1270 = arith.constant 0.111111112 : f32
        %mul3A_1271 = vector.broadcast %mul3A_1270 : f32 to vector<16xf32>
        %mul3A_1272 = arith.mulf %mul3A_1269, %mul3A_1271 : vector<16xf32>
        %add3A_1273 = arith.constant 0.142857149 : f32
        %add3A_1274 = vector.broadcast %add3A_1273 : f32 to vector<16xf32>
        %add3A_1275 = arith.addf %add3A_1274, %mul3A_1272 : vector<16xf32>
        %mul3A_1276 = arith.mulf %mul3A_1269, %add3A_1275 : vector<16xf32>
        %add3A_1277 = arith.constant 2.000000e-01 : f32
        %add3A_1278 = vector.broadcast %add3A_1277 : f32 to vector<16xf32>
        %add3A_1279 = arith.addf %add3A_1278, %mul3A_1276 : vector<16xf32>
        %mul3A_1280 = arith.mulf %mul3A_1269, %add3A_1279 : vector<16xf32>
        %add3A_1281 = arith.constant 0.333333343 : f32
        %add3A_1282 = vector.broadcast %add3A_1281 : f32 to vector<16xf32>
        %add3A_1283 = arith.addf %add3A_1282, %mul3A_1280 : vector<16xf32>
        %mul3A_1284 = arith.mulf %mul3A_1269, %add3A_1283 : vector<16xf32>
        %add3A_1285 = arith.constant 1.000000e+00 : f32
        %add3A_1286 = vector.broadcast %add3A_1285 : f32 to vector<16xf32>
        %add3A_1287 = arith.addf %add3A_1286, %mul3A_1284 : vector<16xf32>
        %mul3A_1288 = arith.constant 2.000000e+00 : f32
        %mul3A_1289 = vector.broadcast %mul3A_1288 : f32 to vector<16xf32>
        %mul3A_1290 = arith.mulf %mul3A_1289, %div3A_1268 : vector<16xf32>
        %mul3A_1291 = arith.mulf %mul3A_1290, %add3A_1287 : vector<16xf32>
        %add3A_1292 = arith.addf %max3A_1259, %mul3A_1291 : vector<16xf32>
        %mul3A_1293 = arith.mulf %get3A_1248, %add3A_1292 : vector<16xf32>
        %add3A_1294 = arith.addf %scan3A_1239, %mul3A_1293 : vector<16xf32>
        %add3A_1295 = arith.constant 16 : i32
        %add3A_1296 = vector.broadcast %add3A_1295 : i32 to vector<16xi32>
        %add3A_1297 = arith.addi %iota3A_814, %add3A_1296 : vector<16xi32>
        %min3A_1298 = arith.constant 19 : i32
        %min3A_1299 = vector.broadcast %min3A_1298 : i32 to vector<16xi32>
        %min3A_1300 = arith.minsi %add3A_1297, %min3A_1299 : vector<16xi32>
        %get3A_1301 = arith.constant 16 : index
        %get3A_1302 = tpu.vector_load %arg14[%get3A_1301] {strides = array<i32>} : memref<32xf32, #tpu.memory_space<vmem>>, vector<16xf32>,
        %add3A_1303 = arith.constant 20 : i32
        %add3A_1304 = vector.broadcast %add3A_1303 : i32 to vector<16xi32>
        %add3A_1305 = arith.addi %add3A_1304, %min3A_1300 : vector<16xi32>
        %broadcast_in_dim3A_1306 = arith.constant 5 : i32
        %broadcast_in_dim3A_1307 = vector.broadcast %broadcast_in_dim3A_1306 : i32 to vector<16xi32>
        %add3A_1308 = vector.broadcast %scan3A_1238 : i32 to vector<16xi32>
        %add3A_1309 = arith.addi %broadcast_in_dim3A_1307, %add3A_1308 : vector<16xi32>
        %gather3A_1310 = tpu.vector_load_idx %arg10[%add3A_1305, %add3A_1309] : memref<40x85xf32, #tpu.memory_space<vmem>>[vector<16xi32>, vector<16xi32>], vector<16xf32>,
        %max3A_1311 = arith.constant 0.000000e+00 : f32
        %max3A_1312 = vector.broadcast %max3A_1311 : f32 to vector<16xf32>
        %max3A_1313 = arith.maximumf %gather3A_1310, %max3A_1312 : vector<16xf32>
        %abs3A_1314 = math.absf %gather3A_1310 : vector<16xf32>
        %neg3A_1315 = arith.constant 0.000000e+00 : f32
        %neg3A_1316 = vector.broadcast %neg3A_1315 : f32 to vector<16xf32>
        %neg3A_1317 = arith.subf %neg3A_1316, %abs3A_1314 : vector<16xf32>
        %exp3A_1318 = math.exp %neg3A_1317 : vector<16xf32>
        %add3A_1319 = arith.constant 2.000000e+00 : f32
        %add3A_1320 = vector.broadcast %add3A_1319 : f32 to vector<16xf32>
        %add3A_1321 = arith.addf %add3A_1320, %exp3A_1318 : vector<16xf32>
        %div3A_1322 = arith.divf %exp3A_1318, %add3A_1321 : vector<16xf32>
        %mul3A_1323 = arith.mulf %div3A_1322, %div3A_1322 : vector<16xf32>
        %mul3A_1324 = arith.constant 0.111111112 : f32
        %mul3A_1325 = vector.broadcast %mul3A_1324 : f32 to vector<16xf32>
        %mul3A_1326 = arith.mulf %mul3A_1323, %mul3A_1325 : vector<16xf32>
        %add3A_1327 = arith.constant 0.142857149 : f32
        %add3A_1328 = vector.broadcast %add3A_1327 : f32 to vector<16xf32>
        %add3A_1329 = arith.addf %add3A_1328, %mul3A_1326 : vector<16xf32>
        %mul3A_1330 = arith.mulf %mul3A_1323, %add3A_1329 : vector<16xf32>
        %add3A_1331 = arith.constant 2.000000e-01 : f32
        %add3A_1332 = vector.broadcast %add3A_1331 : f32 to vector<16xf32>
        %add3A_1333 = arith.addf %add3A_1332, %mul3A_1330 : vector<16xf32>
        %mul3A_1334 = arith.mulf %mul3A_1323, %add3A_1333 : vector<16xf32>
        %add3A_1335 = arith.constant 0.333333343 : f32
        %add3A_1336 = vector.broadcast %add3A_1335 : f32 to vector<16xf32>
        %add3A_1337 = arith.addf %add3A_1336, %mul3A_1334 : vector<16xf32>
        %mul3A_1338 = arith.mulf %mul3A_1323, %add3A_1337 : vector<16xf32>
        %add3A_1339 = arith.constant 1.000000e+00 : f32
        %add3A_1340 = vector.broadcast %add3A_1339 : f32 to vector<16xf32>
        %add3A_1341 = arith.addf %add3A_1340, %mul3A_1338 : vector<16xf32>
        %mul3A_1342 = arith.constant 2.000000e+00 : f32
        %mul3A_1343 = vector.broadcast %mul3A_1342 : f32 to vector<16xf32>
        %mul3A_1344 = arith.mulf %mul3A_1343, %div3A_1322 : vector<16xf32>
        %mul3A_1345 = arith.mulf %mul3A_1344, %add3A_1341 : vector<16xf32>
        %add3A_1346 = arith.addf %max3A_1313, %mul3A_1345 : vector<16xf32>
        %mul3A_1347 = arith.mulf %get3A_1302, %add3A_1346 : vector<16xf32>
        %add3A_1348 = arith.addf %scan3A_1240, %mul3A_1347 : vector<16xf32>
        scf.yield %add3A_1294, %add3A_1348 : vector<16xf32>, vector<16xf32>
      }
      %scan3A_1183 = arith.constant 80 : i32
      %add3A_1184 = arith.addf %scan3A_1182#0, %scan3A_1182#1 : vector<16xf32>
      %reduce_sum3A_1185 = arith.constant true
      %reduce_sum3A_1186 = vector.broadcast %reduce_sum3A_1185 : i1 to vector<16xi1>
      %reduce_sum3A_1187 = tpu.scan <sum>, %add3A_1184 masked %reduce_sum3A_1186 : vector<16xf32>, vector<16xi1> -> vector<16xf32>
      %reduce_sum3A_1188 = vector.extract %reduce_sum3A_1187[15] : f32 from vector<16xf32>
      %add3A_1189 = arith.addf %select_n3A_362, %add3A_813 : vector<16xf32>
      %mul3A_1190 = arith.constant 8.000000e+01 : f32
      %mul3A_1191 = arith.mulf %add3A_1159, %mul3A_1190 : f32
      %max3A_1192 = arith.constant 1.000000e+00 : f32
      %max3A_1193 = arith.maximumf %mul3A_1191, %max3A_1192 : f32
      %eq3A_1194 = arith.constant 0 : i32
      %eq3A_1195 = vector.broadcast %eq3A_1194 : i32 to vector<16xi32>
      %eq3A_1196 = arith.cmpi eq, %iota3A, %eq3A_1195 : vector<16xi32>
      %mul3A_1197 = arith.constant 5.000000e+00 : f32
      %mul3A_1198 = arith.mulf %mul3A_1197, %add3A_1103 : f32
      %mul3A_1199 = arith.constant 0.020833334 : f32
      %mul3A_1200 = arith.mulf %mul3A_1198, %mul3A_1199 : f32
      %jit3A_1201 = arith.constant 0.000000e+00 : f32
      %broadcast_in_dim3A_1202 = vector.broadcast %mul3A_1200 : f32 to vector<16xf32>
      %broadcast_in_dim3A_1203 = vector.broadcast %jit3A_1201 : f32 to vector<16xf32>
      %select_n3A_1204 = arith.select %eq3A_1196, %broadcast_in_dim3A_1202, %broadcast_in_dim3A_1203 : vector<16xi1>, vector<16xf32>
      %eq3A_1205 = arith.constant 1 : i32
      %eq3A_1206 = vector.broadcast %eq3A_1205 : i32 to vector<16xi32>
      %eq3A_1207 = arith.cmpi eq, %iota3A, %eq3A_1206 : vector<16xi32>
      %mul3A_1208 = arith.constant 5.000000e-01 : f32
      %mul3A_1209 = arith.mulf %mul3A_1208, %add3A_1154 : f32
      %add3A_1210 = arith.addf %add3A_1112, %mul3A_1209 : f32
      %mul3A_1211 = arith.constant 8.13802107E-5 : f32
      %mul3A_1212 = arith.mulf %add3A_1210, %mul3A_1211 : f32
      %jit3A_1213 = arith.constant 0.000000e+00 : f32
      %broadcast_in_dim3A_1214 = vector.broadcast %mul3A_1212 : f32 to vector<16xf32>
      %broadcast_in_dim3A_1215 = vector.broadcast %jit3A_1213 : f32 to vector<16xf32>
      %select_n3A_1216 = arith.select %eq3A_1207, %broadcast_in_dim3A_1214, %broadcast_in_dim3A_1215 : vector<16xi1>, vector<16xf32>
      %sub3A_1217 = arith.subf %select_n3A_1204, %select_n3A_1216 : vector<16xf32>
      %eq3A_1218 = arith.constant 2 : i32
      %eq3A_1219 = vector.broadcast %eq3A_1218 : i32 to vector<16xi32>
      %eq3A_1220 = arith.cmpi eq, %iota3A, %eq3A_1219 : vector<16xi32>
      %gt3A_1221 = arith.constant 0.000000e+00 : f32
      %gt3A_1222 = arith.cmpf ogt, %add3A_1159, %gt3A_1221 : f32
      %and3A_1223 = vector.broadcast %gt3A_1222 : i1 to vector<16xi1>
      %and3A_1224 = arith.andi %eq3A_1220, %and3A_1223 : vector<16xi1>
      %sub3A_1225 = arith.subf %reduce_sum3A_1188, %add3A_1177 : f32
      %mul3A_1226 = arith.constant 0.020833334 : f32
      %mul3A_1227 = arith.mulf %sub3A_1225, %mul3A_1226 : f32
      %jit3A_1228 = arith.constant 0.000000e+00 : f32
      %broadcast_in_dim3A_1229 = vector.broadcast %mul3A_1227 : f32 to vector<16xf32>
      %broadcast_in_dim3A_1230 = vector.broadcast %jit3A_1228 : f32 to vector<16xf32>
      %select_n3A_1231 = arith.select %and3A_1224, %broadcast_in_dim3A_1229, %broadcast_in_dim3A_1230 : vector<16xi1>, vector<16xf32>
      %div3A_1232 = vector.broadcast %max3A_1193 : f32 to vector<16xf32>
      %div3A_1233 = arith.divf %select_n3A_1231, %div3A_1232 : vector<16xf32>
      %add3A_1234 = arith.addf %sub3A_1217, %div3A_1233 : vector<16xf32>
      %add3A_1235 = arith.addf %add3A_1189, %add3A_1234 : vector<16xf32>
      %swap3A_1236 = arith.constant 0 : index
      %swap3A_1237 = tpu.vector_load %arg16[%swap3A_1236] {strides = array<i32>} : memref<16xf32, #tpu.memory_space<vmem>>, vector<16xf32>,
      tpu.vector_store %arg16[%swap3A_1236], %add3A_1235 {strides = array<i32>} : memref<16xf32, #tpu.memory_space<vmem>>, vector<16xf32>,
    } else {
    }
    %ge3A_368 = arith.constant 16 : i32
    %ge3A_369 = arith.cmpi sge, %add3A, %ge3A_368 : i32
    %convert_element_type3A_370 = arith.extui %ge3A_369 : i1 to i32
    %cond3A_371 = arith.constant 0 : i32
    %cond3A_372 = arith.cmpi ne, %convert_element_type3A_370, %cond3A_371 : i32
    scf.if %cond3A_372 {
      %scan3A_395 = arith.constant 0 : i32
      %scan3A_396 = arith.constant 0 : i32
      %scan3A_397 = arith.constant 20 : i32
      %scan3A_398 = arith.addi %scan3A_396, %scan3A_397 : i32
      %scan3A_399 = arith.constant 1 : i32
      %scan3A_400 = scf.for %scan3A_817 = %scan3A_396 to %scan3A_398 step %scan3A_399 iter_args(%scan3A_818 = %scan3A_395) -> (i32)  : i32 {
        %dma_wait3A_819 = arith.constant 0 : i32
        %dma_wait3A_820 = arith.constant 0 : i32
        %dma_wait3A_821 = arith.constant 0 : i32
        %dma_wait3A_822 = arith.constant 0 : i32
        %dma_wait3A_823 = tpu.memref_slice %arg10[%dma_wait3A_821, %dma_wait3A_822] : memref<40x85xf32, #tpu.memory_space<vmem>> -> memref<1x85xf32, #tpu.memory_space<vmem>>
        %dma_wait3A_824 = arith.constant 0 : i32
        %dma_wait3A_825 = arith.constant 0 : i32
        %dma_wait3A_826 = tpu.memref_slice %arg3[%dma_wait3A_819, %dma_wait3A_820, %dma_wait3A_824, %dma_wait3A_825] : memref<16x32x32x85xf32, #tpu.memory_space<hbm>> -> memref<1x1x1x85xf32, #tpu.memory_space<hbm>>
        %dma_wait3A_827 = tpu.memref_squeeze %dma_wait3A_826 : memref<1x1x1x85xf32, #tpu.memory_space<hbm>> -> memref<1x85xf32, #tpu.memory_space<hbm>>
        %dma_wait3A_828 = arith.constant 0 : i32
        %dma_wait3A_829 = arith.constant 0 : i32
        %dma_wait3A_830 = tpu.memref_slice %arg10[%dma_wait3A_828, %dma_wait3A_829] : memref<40x85xf32, #tpu.memory_space<vmem>> -> memref<1x85xf32, #tpu.memory_space<vmem>>
        %dma_wait3A_831 = arith.constant 0 : i32
        %dma_wait3A_832 = arith.constant 0 : i32
        %dma_wait3A_833 = tpu.memref_slice %arg3[%dma_wait3A_819, %dma_wait3A_820, %dma_wait3A_831, %dma_wait3A_832] : memref<16x32x32x85xf32, #tpu.memory_space<hbm>> -> memref<1x1x1x85xf32, #tpu.memory_space<hbm>>
        %dma_wait3A_834 = tpu.memref_squeeze %dma_wait3A_833 : memref<1x1x1x85xf32, #tpu.memory_space<hbm>> -> memref<1x85xf32, #tpu.memory_space<hbm>>
        tpu.wait_dma2 semaphore(%arg17 : memref<!tpu.dma_semaphore, #tpu.memory_space<semaphore_mem>>) src(%dma_wait3A_834 : memref<1x85xf32, #tpu.memory_space<hbm>>) dst(%dma_wait3A_830 : memref<1x85xf32, #tpu.memory_space<vmem>>)
        %scan3A_835 = arith.constant 0 : i32
        scf.yield %scan3A_835 : i32
      }
      %scan3A_401 = arith.constant 20 : i32
      %iota3A_402 = tpu.iota {dimensions = array<i32: 0>} : vector<16xi32>
      %get3A_403 = arith.constant 0 : index
      %get3A_404 = tpu.vector_load %arg13[%get3A_403] {strides = array<i32>} : memref<64xi32, #tpu.memory_space<vmem>>, vector<16xi32>,
      %get3A_405 = arith.constant 16 : index
      %get3A_406 = tpu.vector_load %arg13[%get3A_405] {strides = array<i32>} : memref<64xi32, #tpu.memory_space<vmem>>, vector<16xi32>,
      %get3A_407 = arith.constant 0 : index
      %get3A_408 = tpu.vector_load %arg12[%get3A_407] {strides = array<i32>} : memref<32xi32, #tpu.memory_space<vmem>>, vector<16xi32>,
      %get3A_409 = arith.constant 16 : index
      %get3A_410 = tpu.vector_load %arg12[%get3A_409] {strides = array<i32>} : memref<32xi32, #tpu.memory_space<vmem>>, vector<16xi32>,
      %lt3A_411 = arith.constant 0 : i32
      %lt3A_412 = vector.broadcast %lt3A_411 : i32 to vector<16xi32>
      %lt3A_413 = arith.cmpi slt, %iota3A_402, %lt3A_412 : vector<16xi32>
      %scan3A_414 = arith.constant 1 : i32
      %scan3A_415 = arith.constant 19 : i32
      %scan3A_416 = arith.addi %scan3A_414, %scan3A_415 : i32
      %scan3A_417 = arith.constant 1 : i32
      %scan3A_418:4 = scf.for %scan3A_817 = %scan3A_414 to %scan3A_416 step %scan3A_417 iter_args(%scan3A_818 = %lt3A_413, %scan3A_819 = %lt3A_413, %scan3A_820 = %lt3A_413, %scan3A_821 = %lt3A_413) -> (vector<16xi1>, vector<16xi1>, vector<16xi1>, vector<16xi1>)  : i32 {
        %add3A_822 = arith.constant 0 : i32
        %add3A_823 = arith.addi %add3A_822, %scan3A_817 : i32
        %broadcast_in_dim3A_824 = vector.broadcast %add3A_823 : i32 to vector<16xi32>
        %gather3A_825 = tpu.vector_load_idx %arg13[%broadcast_in_dim3A_824] : memref<64xi32, #tpu.memory_space<vmem>>[vector<16xi32>], vector<16xi32>,
        %broadcast_in_dim3A_826 = vector.broadcast %scan3A_817 : i32 to vector<16xi32>
        %gather3A_827 = tpu.vector_load_idx %arg12[%broadcast_in_dim3A_826] : memref<32xi32, #tpu.memory_space<vmem>>[vector<16xi32>], vector<16xi32>,
        %eq3A_828 = arith.cmpi eq, %get3A_404, %gather3A_825 : vector<16xi32>
        %lt3A_829 = vector.broadcast %scan3A_817 : i32 to vector<16xi32>
        %lt3A_830 = arith.cmpi slt, %iota3A_402, %lt3A_829 : vector<16xi32>
        %and3A_831 = arith.andi %eq3A_828, %lt3A_830 : vector<16xi1>
        %eq3A_832 = arith.cmpi eq, %get3A_406, %gather3A_825 : vector<16xi32>
        %add3A_833 = arith.constant 16 : i32
        %add3A_834 = vector.broadcast %add3A_833 : i32 to vector<16xi32>
        %add3A_835 = arith.addi %iota3A_402, %add3A_834 : vector<16xi32>
        %lt3A_836 = vector.broadcast %scan3A_817 : i32 to vector<16xi32>
        %lt3A_837 = arith.cmpi slt, %add3A_835, %lt3A_836 : vector<16xi32>
        %and3A_838 = arith.andi %eq3A_832, %lt3A_837 : vector<16xi1>
        %or3A = arith.ori %scan3A_818, %and3A_831 : vector<16xi1>
        %or3A_839 = arith.ori %scan3A_819, %and3A_838 : vector<16xi1>
        %eq3A_840 = arith.cmpi eq, %get3A_408, %gather3A_827 : vector<16xi32>
        %and3A_841 = arith.andi %and3A_831, %eq3A_840 : vector<16xi1>
        %or3A_842 = arith.ori %scan3A_820, %and3A_841 : vector<16xi1>
        %eq3A_843 = arith.cmpi eq, %get3A_410, %gather3A_827 : vector<16xi32>
        %and3A_844 = arith.andi %and3A_838, %eq3A_843 : vector<16xi1>
        %or3A_845 = arith.ori %scan3A_821, %and3A_844 : vector<16xi1>
        scf.yield %or3A, %or3A_839, %or3A_842, %or3A_845 : vector<16xi1>, vector<16xi1>, vector<16xi1>, vector<16xi1>
      }
      %scan3A_419 = arith.constant 19 : i32
      %lt3A_420 = arith.constant 20 : i32
      %lt3A_421 = vector.broadcast %lt3A_420 : i32 to vector<16xi32>
      %lt3A_422 = arith.cmpi slt, %iota3A_402, %lt3A_421 : vector<16xi32>
      %add3A_423 = arith.constant 16 : i32
      %add3A_424 = vector.broadcast %add3A_423 : i32 to vector<16xi32>
      %add3A_425 = arith.addi %iota3A_402, %add3A_424 : vector<16xi32>
      %lt3A_426 = arith.constant 20 : i32
      %lt3A_427 = vector.broadcast %lt3A_426 : i32 to vector<16xi32>
      %lt3A_428 = arith.cmpi slt, %add3A_425, %lt3A_427 : vector<16xi32>
      %not3A = arith.constant dense<true> : vector<16xi1>
      %not3A_429 = arith.xori %scan3A_418#0, %not3A : vector<16xi1>
      %and3A_430 = arith.andi %lt3A_422, %not3A_429 : vector<16xi1>
      %jit3A_431 = arith.constant 1.000000e+00 : f32
      %jit3A_432 = arith.constant 0.000000e+00 : f32
      %broadcast_in_dim3A_433 = vector.broadcast %jit3A_431 : f32 to vector<16xf32>
      %broadcast_in_dim3A_434 = vector.broadcast %jit3A_432 : f32 to vector<16xf32>
      %select_n3A_435 = arith.select %and3A_430, %broadcast_in_dim3A_433, %broadcast_in_dim3A_434 : vector<16xi1>, vector<16xf32>
      %swap3A_436 = arith.constant 0 : index
      %swap3A_437 = tpu.vector_load %arg14[%swap3A_436] {strides = array<i32>} : memref<32xf32, #tpu.memory_space<vmem>>, vector<16xf32>,
      tpu.vector_store %arg14[%swap3A_436], %select_n3A_435 {strides = array<i32>} : memref<32xf32, #tpu.memory_space<vmem>>, vector<16xf32>,
      %not3A_438 = arith.constant dense<true> : vector<16xi1>
      %not3A_439 = arith.xori %scan3A_418#1, %not3A_438 : vector<16xi1>
      %and3A_440 = arith.andi %lt3A_428, %not3A_439 : vector<16xi1>
      %jit3A_441 = arith.constant 1.000000e+00 : f32
      %jit3A_442 = arith.constant 0.000000e+00 : f32
      %broadcast_in_dim3A_443 = vector.broadcast %jit3A_441 : f32 to vector<16xf32>
      %broadcast_in_dim3A_444 = vector.broadcast %jit3A_442 : f32 to vector<16xf32>
      %select_n3A_445 = arith.select %and3A_440, %broadcast_in_dim3A_443, %broadcast_in_dim3A_444 : vector<16xi1>, vector<16xf32>
      %swap3A_446 = arith.constant 16 : index
      %swap3A_447 = tpu.vector_load %arg14[%swap3A_446] {strides = array<i32>} : memref<32xf32, #tpu.memory_space<vmem>>, vector<16xf32>,
      tpu.vector_store %arg14[%swap3A_446], %select_n3A_445 {strides = array<i32>} : memref<32xf32, #tpu.memory_space<vmem>>, vector<16xf32>,
      %not3A_448 = arith.constant dense<true> : vector<16xi1>
      %not3A_449 = arith.xori %scan3A_418#2, %not3A_448 : vector<16xi1>
      %and3A_450 = arith.andi %lt3A_422, %not3A_449 : vector<16xi1>
      %jit3A_451 = arith.constant 1.000000e+00 : f32
      %jit3A_452 = arith.constant 0.000000e+00 : f32
      %broadcast_in_dim3A_453 = vector.broadcast %jit3A_451 : f32 to vector<16xf32>
      %broadcast_in_dim3A_454 = vector.broadcast %jit3A_452 : f32 to vector<16xf32>
      %select_n3A_455 = arith.select %and3A_450, %broadcast_in_dim3A_453, %broadcast_in_dim3A_454 : vector<16xi1>, vector<16xf32>
      %swap3A_456 = arith.constant 0 : index
      %swap3A_457 = tpu.vector_load %arg15[%swap3A_456] {strides = array<i32>} : memref<32xf32, #tpu.memory_space<vmem>>, vector<16xf32>,
      tpu.vector_store %arg15[%swap3A_456], %select_n3A_455 {strides = array<i32>} : memref<32xf32, #tpu.memory_space<vmem>>, vector<16xf32>,
      %not3A_458 = arith.constant dense<true> : vector<16xi1>
      %not3A_459 = arith.xori %scan3A_418#3, %not3A_458 : vector<16xi1>
      %and3A_460 = arith.andi %lt3A_428, %not3A_459 : vector<16xi1>
      %jit3A_461 = arith.constant 1.000000e+00 : f32
      %jit3A_462 = arith.constant 0.000000e+00 : f32
      %broadcast_in_dim3A_463 = vector.broadcast %jit3A_461 : f32 to vector<16xf32>
      %broadcast_in_dim3A_464 = vector.broadcast %jit3A_462 : f32 to vector<16xf32>
      %select_n3A_465 = arith.select %and3A_460, %broadcast_in_dim3A_463, %broadcast_in_dim3A_464 : vector<16xi1>, vector<16xf32>
      %swap3A_466 = arith.constant 16 : index
      %swap3A_467 = tpu.vector_load %arg15[%swap3A_466] {strides = array<i32>} : memref<32xf32, #tpu.memory_space<vmem>>, vector<16xf32>,
      tpu.vector_store %arg15[%swap3A_466], %select_n3A_465 {strides = array<i32>} : memref<32xf32, #tpu.memory_space<vmem>>, vector<16xf32>,
      %broadcast_in_dim3A_468 = arith.constant 0.000000e+00 : f32
      %broadcast_in_dim3A_469 = vector.broadcast %broadcast_in_dim3A_468 : f32 to vector<16xf32>
      %add3A_470 = arith.constant 0 : i32
      %add3A_471 = vector.broadcast %add3A_470 : i32 to vector<16xi32>
      %add3A_472 = arith.addi %iota3A_402, %add3A_471 : vector<16xi32>
      %min3A = arith.constant 19 : i32
      %min3A_473 = vector.broadcast %min3A : i32 to vector<16xi32>
      %min3A_474 = arith.minsi %add3A_472, %min3A_473 : vector<16xi32>
      %get3A_475 = arith.constant 0 : index
      %get3A_476 = tpu.vector_load %arg14[%get3A_475] {strides = array<i32>} : memref<32xf32, #tpu.memory_space<vmem>>, vector<16xf32>,
      %get3A_477 = arith.constant 0 : index
      %get3A_478 = tpu.vector_load %arg15[%get3A_477] {strides = array<i32>} : memref<32xf32, #tpu.memory_space<vmem>>, vector<16xf32>,
      %add3A_479 = arith.constant 0 : i32
      %add3A_480 = vector.broadcast %add3A_479 : i32 to vector<16xi32>
      %add3A_481 = arith.addi %add3A_480, %min3A_474 : vector<16xi32>
      %broadcast_in_dim3A_482 = arith.constant 0 : i32
      %broadcast_in_dim3A_483 = vector.broadcast %broadcast_in_dim3A_482 : i32 to vector<16xi32>
      %gather3A = tpu.vector_load_idx %arg10[%add3A_481, %broadcast_in_dim3A_483] : memref<40x85xf32, #tpu.memory_space<vmem>>[vector<16xi32>, vector<16xi32>], vector<16xf32>,
      %mul3A_484 = arith.constant 4 : i32
      %mul3A_485 = vector.broadcast %mul3A_484 : i32 to vector<16xi32>
      %mul3A_486 = arith.muli %min3A_474, %mul3A_485 : vector<16xi32>
      %add3A_487 = arith.constant 0 : i32
      %add3A_488 = vector.broadcast %add3A_487 : i32 to vector<16xi32>
      %add3A_489 = arith.addi %mul3A_486, %add3A_488 : vector<16xi32>
      %gather3A_490 = tpu.vector_load_idx %arg11[%add3A_489] : memref<80xf32, #tpu.memory_space<vmem>>[vector<16xi32>], vector<16xf32>,
      %sub3A_491 = arith.subf %gather3A, %gather3A_490 : vector<16xf32>
      %mul3A_492 = arith.mulf %sub3A_491, %sub3A_491 : vector<16xf32>
      %add3A_493 = arith.addf %broadcast_in_dim3A_469, %mul3A_492 : vector<16xf32>
      %broadcast_in_dim3A_494 = arith.constant 1 : i32
      %broadcast_in_dim3A_495 = vector.broadcast %broadcast_in_dim3A_494 : i32 to vector<16xi32>
      %gather3A_496 = tpu.vector_load_idx %arg10[%add3A_481, %broadcast_in_dim3A_495] : memref<40x85xf32, #tpu.memory_space<vmem>>[vector<16xi32>, vector<16xi32>], vector<16xf32>,
      %mul3A_497 = arith.constant 4 : i32
      %mul3A_498 = vector.broadcast %mul3A_497 : i32 to vector<16xi32>
      %mul3A_499 = arith.muli %min3A_474, %mul3A_498 : vector<16xi32>
      %add3A_500 = arith.constant 1 : i32
      %add3A_501 = vector.broadcast %add3A_500 : i32 to vector<16xi32>
      %add3A_502 = arith.addi %mul3A_499, %add3A_501 : vector<16xi32>
      %gather3A_503 = tpu.vector_load_idx %arg11[%add3A_502] : memref<80xf32, #tpu.memory_space<vmem>>[vector<16xi32>], vector<16xf32>,
      %sub3A_504 = arith.subf %gather3A_496, %gather3A_503 : vector<16xf32>
      %mul3A_505 = arith.mulf %sub3A_504, %sub3A_504 : vector<16xf32>
      %add3A_506 = arith.addf %add3A_493, %mul3A_505 : vector<16xf32>
      %broadcast_in_dim3A_507 = arith.constant 2 : i32
      %broadcast_in_dim3A_508 = vector.broadcast %broadcast_in_dim3A_507 : i32 to vector<16xi32>
      %gather3A_509 = tpu.vector_load_idx %arg10[%add3A_481, %broadcast_in_dim3A_508] : memref<40x85xf32, #tpu.memory_space<vmem>>[vector<16xi32>, vector<16xi32>], vector<16xf32>,
      %mul3A_510 = arith.constant 4 : i32
      %mul3A_511 = vector.broadcast %mul3A_510 : i32 to vector<16xi32>
      %mul3A_512 = arith.muli %min3A_474, %mul3A_511 : vector<16xi32>
      %add3A_513 = arith.constant 2 : i32
      %add3A_514 = vector.broadcast %add3A_513 : i32 to vector<16xi32>
      %add3A_515 = arith.addi %mul3A_512, %add3A_514 : vector<16xi32>
      %gather3A_516 = tpu.vector_load_idx %arg11[%add3A_515] : memref<80xf32, #tpu.memory_space<vmem>>[vector<16xi32>], vector<16xf32>,
      %sub3A_517 = arith.subf %gather3A_509, %gather3A_516 : vector<16xf32>
      %mul3A_518 = arith.mulf %sub3A_517, %sub3A_517 : vector<16xf32>
      %add3A_519 = arith.addf %add3A_506, %mul3A_518 : vector<16xf32>
      %broadcast_in_dim3A_520 = arith.constant 3 : i32
      %broadcast_in_dim3A_521 = vector.broadcast %broadcast_in_dim3A_520 : i32 to vector<16xi32>
      %gather3A_522 = tpu.vector_load_idx %arg10[%add3A_481, %broadcast_in_dim3A_521] : memref<40x85xf32, #tpu.memory_space<vmem>>[vector<16xi32>, vector<16xi32>], vector<16xf32>,
      %mul3A_523 = arith.constant 4 : i32
      %mul3A_524 = vector.broadcast %mul3A_523 : i32 to vector<16xi32>
      %mul3A_525 = arith.muli %min3A_474, %mul3A_524 : vector<16xi32>
      %add3A_526 = arith.constant 3 : i32
      %add3A_527 = vector.broadcast %add3A_526 : i32 to vector<16xi32>
      %add3A_528 = arith.addi %mul3A_525, %add3A_527 : vector<16xi32>
      %gather3A_529 = tpu.vector_load_idx %arg11[%add3A_528] : memref<80xf32, #tpu.memory_space<vmem>>[vector<16xi32>], vector<16xf32>,
      %sub3A_530 = arith.subf %gather3A_522, %gather3A_529 : vector<16xf32>
      %mul3A_531 = arith.mulf %sub3A_530, %sub3A_530 : vector<16xf32>
      %add3A_532 = arith.addf %add3A_519, %mul3A_531 : vector<16xf32>
      %mul3A_533 = arith.mulf %get3A_476, %add3A_532 : vector<16xf32>
      %reduce_sum3A_534 = arith.constant true
      %reduce_sum3A_535 = vector.broadcast %reduce_sum3A_534 : i1 to vector<16xi1>
      %reduce_sum3A_536 = tpu.scan <sum>, %mul3A_533 masked %reduce_sum3A_535 : vector<16xf32>, vector<16xi1> -> vector<16xf32>
      %reduce_sum3A_537 = vector.extract %reduce_sum3A_536[15] : f32 from vector<16xf32>
      %add3A_538 = arith.constant 0.000000e+00 : f32
      %add3A_539 = arith.addf %add3A_538, %reduce_sum3A_537 : f32
      %broadcast_in_dim3A_540 = arith.constant 4 : i32
      %broadcast_in_dim3A_541 = vector.broadcast %broadcast_in_dim3A_540 : i32 to vector<16xi32>
      %gather3A_542 = tpu.vector_load_idx %arg10[%add3A_481, %broadcast_in_dim3A_541] : memref<40x85xf32, #tpu.memory_space<vmem>>[vector<16xi32>, vector<16xi32>], vector<16xf32>,
      %mul3A_543 = arith.mulf %get3A_476, %gather3A_542 : vector<16xf32>
      %reduce_sum3A_544 = arith.constant true
      %reduce_sum3A_545 = vector.broadcast %reduce_sum3A_544 : i1 to vector<16xi1>
      %reduce_sum3A_546 = tpu.scan <sum>, %mul3A_543 masked %reduce_sum3A_545 : vector<16xf32>, vector<16xi1> -> vector<16xf32>
      %reduce_sum3A_547 = vector.extract %reduce_sum3A_546[15] : f32 from vector<16xf32>
      %add3A_548 = arith.constant 0.000000e+00 : f32
      %add3A_549 = arith.addf %add3A_548, %reduce_sum3A_547 : f32
      %max3A = arith.constant 0.000000e+00 : f32
      %max3A_550 = vector.broadcast %max3A : f32 to vector<16xf32>
      %max3A_551 = arith.maximumf %gather3A_542, %max3A_550 : vector<16xf32>
      %abs3A = math.absf %gather3A_542 : vector<16xf32>
      %neg3A = arith.constant 0.000000e+00 : f32
      %neg3A_552 = vector.broadcast %neg3A : f32 to vector<16xf32>
      %neg3A_553 = arith.subf %neg3A_552, %abs3A : vector<16xf32>
      %exp3A = math.exp %neg3A_553 : vector<16xf32>
      %add3A_554 = arith.constant 2.000000e+00 : f32
      %add3A_555 = vector.broadcast %add3A_554 : f32 to vector<16xf32>
      %add3A_556 = arith.addf %add3A_555, %exp3A : vector<16xf32>
      %div3A_557 = arith.divf %exp3A, %add3A_556 : vector<16xf32>
      %mul3A_558 = arith.mulf %div3A_557, %div3A_557 : vector<16xf32>
      %mul3A_559 = arith.constant 0.111111112 : f32
      %mul3A_560 = vector.broadcast %mul3A_559 : f32 to vector<16xf32>
      %mul3A_561 = arith.mulf %mul3A_558, %mul3A_560 : vector<16xf32>
      %add3A_562 = arith.constant 0.142857149 : f32
      %add3A_563 = vector.broadcast %add3A_562 : f32 to vector<16xf32>
      %add3A_564 = arith.addf %add3A_563, %mul3A_561 : vector<16xf32>
      %mul3A_565 = arith.mulf %mul3A_558, %add3A_564 : vector<16xf32>
      %add3A_566 = arith.constant 2.000000e-01 : f32
      %add3A_567 = vector.broadcast %add3A_566 : f32 to vector<16xf32>
      %add3A_568 = arith.addf %add3A_567, %mul3A_565 : vector<16xf32>
      %mul3A_569 = arith.mulf %mul3A_558, %add3A_568 : vector<16xf32>
      %add3A_570 = arith.constant 0.333333343 : f32
      %add3A_571 = vector.broadcast %add3A_570 : f32 to vector<16xf32>
      %add3A_572 = arith.addf %add3A_571, %mul3A_569 : vector<16xf32>
      %mul3A_573 = arith.mulf %mul3A_558, %add3A_572 : vector<16xf32>
      %add3A_574 = arith.constant 1.000000e+00 : f32
      %add3A_575 = vector.broadcast %add3A_574 : f32 to vector<16xf32>
      %add3A_576 = arith.addf %add3A_575, %mul3A_573 : vector<16xf32>
      %mul3A_577 = arith.constant 2.000000e+00 : f32
      %mul3A_578 = vector.broadcast %mul3A_577 : f32 to vector<16xf32>
      %mul3A_579 = arith.mulf %mul3A_578, %div3A_557 : vector<16xf32>
      %mul3A_580 = arith.mulf %mul3A_579, %add3A_576 : vector<16xf32>
      %add3A_581 = arith.addf %max3A_551, %mul3A_580 : vector<16xf32>
      %mul3A_582 = arith.mulf %get3A_476, %add3A_581 : vector<16xf32>
      %reduce_sum3A_583 = arith.constant true
      %reduce_sum3A_584 = vector.broadcast %reduce_sum3A_583 : i1 to vector<16xi1>
      %reduce_sum3A_585 = tpu.scan <sum>, %mul3A_582 masked %reduce_sum3A_584 : vector<16xf32>, vector<16xi1> -> vector<16xf32>
      %reduce_sum3A_586 = vector.extract %reduce_sum3A_585[15] : f32 from vector<16xf32>
      %add3A_587 = arith.constant 0.000000e+00 : f32
      %add3A_588 = arith.addf %add3A_587, %reduce_sum3A_586 : f32
      %reduce_sum3A_589 = arith.constant true
      %reduce_sum3A_590 = vector.broadcast %reduce_sum3A_589 : i1 to vector<16xi1>
      %reduce_sum3A_591 = tpu.scan <sum>, %get3A_476 masked %reduce_sum3A_590 : vector<16xf32>, vector<16xi1> -> vector<16xf32>
      %reduce_sum3A_592 = vector.extract %reduce_sum3A_591[15] : f32 from vector<16xf32>
      %add3A_593 = arith.constant 0.000000e+00 : f32
      %add3A_594 = arith.addf %add3A_593, %reduce_sum3A_592 : f32
      %get3A_595 = arith.constant 0 : index
      %get3A_596 = tpu.vector_load %arg12[%get3A_595] {strides = array<i32>} : memref<32xi32, #tpu.memory_space<vmem>>, vector<16xi32>,
      %jit3A_597 = arith.constant 0 : i32
      %jit3A_598 = arith.constant 79 : i32
      %max3A_599 = vector.broadcast %jit3A_597 : i32 to vector<16xi32>
      %max3A_600 = arith.maxsi %max3A_599, %get3A_596 : vector<16xi32>
      %min3A_601 = vector.broadcast %jit3A_598 : i32 to vector<16xi32>
      %min3A_602 = arith.minsi %min3A_601, %max3A_600 : vector<16xi32>
      %add3A_603 = arith.constant 5 : i32
      %add3A_604 = vector.broadcast %add3A_603 : i32 to vector<16xi32>
      %add3A_605 = arith.addi %add3A_604, %min3A_602 : vector<16xi32>
      %gather3A_606 = tpu.vector_load_idx %arg10[%add3A_481, %add3A_605] : memref<40x85xf32, #tpu.memory_space<vmem>>[vector<16xi32>, vector<16xi32>], vector<16xf32>,
      %mul3A_607 = arith.mulf %get3A_478, %gather3A_606 : vector<16xf32>
      %reduce_sum3A_608 = arith.constant true
      %reduce_sum3A_609 = vector.broadcast %reduce_sum3A_608 : i1 to vector<16xi1>
      %reduce_sum3A_610 = tpu.scan <sum>, %mul3A_607 masked %reduce_sum3A_609 : vector<16xf32>, vector<16xi1> -> vector<16xf32>
      %reduce_sum3A_611 = vector.extract %reduce_sum3A_610[15] : f32 from vector<16xf32>
      %add3A_612 = arith.constant 0.000000e+00 : f32
      %add3A_613 = arith.addf %add3A_612, %reduce_sum3A_611 : f32
      %add3A_614 = arith.constant 16 : i32
      %add3A_615 = vector.broadcast %add3A_614 : i32 to vector<16xi32>
      %add3A_616 = arith.addi %iota3A_402, %add3A_615 : vector<16xi32>
      %min3A_617 = arith.constant 19 : i32
      %min3A_618 = vector.broadcast %min3A_617 : i32 to vector<16xi32>
      %min3A_619 = arith.minsi %add3A_616, %min3A_618 : vector<16xi32>
      %get3A_620 = arith.constant 16 : index
      %get3A_621 = tpu.vector_load %arg14[%get3A_620] {strides = array<i32>} : memref<32xf32, #tpu.memory_space<vmem>>, vector<16xf32>,
      %get3A_622 = arith.constant 16 : index
      %get3A_623 = tpu.vector_load %arg15[%get3A_622] {strides = array<i32>} : memref<32xf32, #tpu.memory_space<vmem>>, vector<16xf32>,
      %add3A_624 = arith.constant 0 : i32
      %add3A_625 = vector.broadcast %add3A_624 : i32 to vector<16xi32>
      %add3A_626 = arith.addi %add3A_625, %min3A_619 : vector<16xi32>
      %broadcast_in_dim3A_627 = arith.constant 0 : i32
      %broadcast_in_dim3A_628 = vector.broadcast %broadcast_in_dim3A_627 : i32 to vector<16xi32>
      %gather3A_629 = tpu.vector_load_idx %arg10[%add3A_626, %broadcast_in_dim3A_628] : memref<40x85xf32, #tpu.memory_space<vmem>>[vector<16xi32>, vector<16xi32>], vector<16xf32>,
      %mul3A_630 = arith.constant 4 : i32
      %mul3A_631 = vector.broadcast %mul3A_630 : i32 to vector<16xi32>
      %mul3A_632 = arith.muli %min3A_619, %mul3A_631 : vector<16xi32>
      %add3A_633 = arith.constant 0 : i32
      %add3A_634 = vector.broadcast %add3A_633 : i32 to vector<16xi32>
      %add3A_635 = arith.addi %mul3A_632, %add3A_634 : vector<16xi32>
      %gather3A_636 = tpu.vector_load_idx %arg11[%add3A_635] : memref<80xf32, #tpu.memory_space<vmem>>[vector<16xi32>], vector<16xf32>,
      %sub3A_637 = arith.subf %gather3A_629, %gather3A_636 : vector<16xf32>
      %mul3A_638 = arith.mulf %sub3A_637, %sub3A_637 : vector<16xf32>
      %add3A_639 = arith.addf %broadcast_in_dim3A_469, %mul3A_638 : vector<16xf32>
      %broadcast_in_dim3A_640 = arith.constant 1 : i32
      %broadcast_in_dim3A_641 = vector.broadcast %broadcast_in_dim3A_640 : i32 to vector<16xi32>
      %gather3A_642 = tpu.vector_load_idx %arg10[%add3A_626, %broadcast_in_dim3A_641] : memref<40x85xf32, #tpu.memory_space<vmem>>[vector<16xi32>, vector<16xi32>], vector<16xf32>,
      %mul3A_643 = arith.constant 4 : i32
      %mul3A_644 = vector.broadcast %mul3A_643 : i32 to vector<16xi32>
      %mul3A_645 = arith.muli %min3A_619, %mul3A_644 : vector<16xi32>
      %add3A_646 = arith.constant 1 : i32
      %add3A_647 = vector.broadcast %add3A_646 : i32 to vector<16xi32>
      %add3A_648 = arith.addi %mul3A_645, %add3A_647 : vector<16xi32>
      %gather3A_649 = tpu.vector_load_idx %arg11[%add3A_648] : memref<80xf32, #tpu.memory_space<vmem>>[vector<16xi32>], vector<16xf32>,
      %sub3A_650 = arith.subf %gather3A_642, %gather3A_649 : vector<16xf32>
      %mul3A_651 = arith.mulf %sub3A_650, %sub3A_650 : vector<16xf32>
      %add3A_652 = arith.addf %add3A_639, %mul3A_651 : vector<16xf32>
      %broadcast_in_dim3A_653 = arith.constant 2 : i32
      %broadcast_in_dim3A_654 = vector.broadcast %broadcast_in_dim3A_653 : i32 to vector<16xi32>
      %gather3A_655 = tpu.vector_load_idx %arg10[%add3A_626, %broadcast_in_dim3A_654] : memref<40x85xf32, #tpu.memory_space<vmem>>[vector<16xi32>, vector<16xi32>], vector<16xf32>,
      %mul3A_656 = arith.constant 4 : i32
      %mul3A_657 = vector.broadcast %mul3A_656 : i32 to vector<16xi32>
      %mul3A_658 = arith.muli %min3A_619, %mul3A_657 : vector<16xi32>
      %add3A_659 = arith.constant 2 : i32
      %add3A_660 = vector.broadcast %add3A_659 : i32 to vector<16xi32>
      %add3A_661 = arith.addi %mul3A_658, %add3A_660 : vector<16xi32>
      %gather3A_662 = tpu.vector_load_idx %arg11[%add3A_661] : memref<80xf32, #tpu.memory_space<vmem>>[vector<16xi32>], vector<16xf32>,
      %sub3A_663 = arith.subf %gather3A_655, %gather3A_662 : vector<16xf32>
      %mul3A_664 = arith.mulf %sub3A_663, %sub3A_663 : vector<16xf32>
      %add3A_665 = arith.addf %add3A_652, %mul3A_664 : vector<16xf32>
      %broadcast_in_dim3A_666 = arith.constant 3 : i32
      %broadcast_in_dim3A_667 = vector.broadcast %broadcast_in_dim3A_666 : i32 to vector<16xi32>
      %gather3A_668 = tpu.vector_load_idx %arg10[%add3A_626, %broadcast_in_dim3A_667] : memref<40x85xf32, #tpu.memory_space<vmem>>[vector<16xi32>, vector<16xi32>], vector<16xf32>,
      %mul3A_669 = arith.constant 4 : i32
      %mul3A_670 = vector.broadcast %mul3A_669 : i32 to vector<16xi32>
      %mul3A_671 = arith.muli %min3A_619, %mul3A_670 : vector<16xi32>
      %add3A_672 = arith.constant 3 : i32
      %add3A_673 = vector.broadcast %add3A_672 : i32 to vector<16xi32>
      %add3A_674 = arith.addi %mul3A_671, %add3A_673 : vector<16xi32>
      %gather3A_675 = tpu.vector_load_idx %arg11[%add3A_674] : memref<80xf32, #tpu.memory_space<vmem>>[vector<16xi32>], vector<16xf32>,
      %sub3A_676 = arith.subf %gather3A_668, %gather3A_675 : vector<16xf32>
      %mul3A_677 = arith.mulf %sub3A_676, %sub3A_676 : vector<16xf32>
      %add3A_678 = arith.addf %add3A_665, %mul3A_677 : vector<16xf32>
      %mul3A_679 = arith.mulf %get3A_621, %add3A_678 : vector<16xf32>
      %reduce_sum3A_680 = arith.constant true
      %reduce_sum3A_681 = vector.broadcast %reduce_sum3A_680 : i1 to vector<16xi1>
      %reduce_sum3A_682 = tpu.scan <sum>, %mul3A_679 masked %reduce_sum3A_681 : vector<16xf32>, vector<16xi1> -> vector<16xf32>
      %reduce_sum3A_683 = vector.extract %reduce_sum3A_682[15] : f32 from vector<16xf32>
      %add3A_684 = arith.addf %add3A_539, %reduce_sum3A_683 : f32
      %broadcast_in_dim3A_685 = arith.constant 4 : i32
      %broadcast_in_dim3A_686 = vector.broadcast %broadcast_in_dim3A_685 : i32 to vector<16xi32>
      %gather3A_687 = tpu.vector_load_idx %arg10[%add3A_626, %broadcast_in_dim3A_686] : memref<40x85xf32, #tpu.memory_space<vmem>>[vector<16xi32>, vector<16xi32>], vector<16xf32>,
      %mul3A_688 = arith.mulf %get3A_621, %gather3A_687 : vector<16xf32>
      %reduce_sum3A_689 = arith.constant true
      %reduce_sum3A_690 = vector.broadcast %reduce_sum3A_689 : i1 to vector<16xi1>
      %reduce_sum3A_691 = tpu.scan <sum>, %mul3A_688 masked %reduce_sum3A_690 : vector<16xf32>, vector<16xi1> -> vector<16xf32>
      %reduce_sum3A_692 = vector.extract %reduce_sum3A_691[15] : f32 from vector<16xf32>
      %add3A_693 = arith.addf %add3A_549, %reduce_sum3A_692 : f32
      %max3A_694 = arith.constant 0.000000e+00 : f32
      %max3A_695 = vector.broadcast %max3A_694 : f32 to vector<16xf32>
      %max3A_696 = arith.maximumf %gather3A_687, %max3A_695 : vector<16xf32>
      %abs3A_697 = math.absf %gather3A_687 : vector<16xf32>
      %neg3A_698 = arith.constant 0.000000e+00 : f32
      %neg3A_699 = vector.broadcast %neg3A_698 : f32 to vector<16xf32>
      %neg3A_700 = arith.subf %neg3A_699, %abs3A_697 : vector<16xf32>
      %exp3A_701 = math.exp %neg3A_700 : vector<16xf32>
      %add3A_702 = arith.constant 2.000000e+00 : f32
      %add3A_703 = vector.broadcast %add3A_702 : f32 to vector<16xf32>
      %add3A_704 = arith.addf %add3A_703, %exp3A_701 : vector<16xf32>
      %div3A_705 = arith.divf %exp3A_701, %add3A_704 : vector<16xf32>
      %mul3A_706 = arith.mulf %div3A_705, %div3A_705 : vector<16xf32>
      %mul3A_707 = arith.constant 0.111111112 : f32
      %mul3A_708 = vector.broadcast %mul3A_707 : f32 to vector<16xf32>
      %mul3A_709 = arith.mulf %mul3A_706, %mul3A_708 : vector<16xf32>
      %add3A_710 = arith.constant 0.142857149 : f32
      %add3A_711 = vector.broadcast %add3A_710 : f32 to vector<16xf32>
      %add3A_712 = arith.addf %add3A_711, %mul3A_709 : vector<16xf32>
      %mul3A_713 = arith.mulf %mul3A_706, %add3A_712 : vector<16xf32>
      %add3A_714 = arith.constant 2.000000e-01 : f32
      %add3A_715 = vector.broadcast %add3A_714 : f32 to vector<16xf32>
      %add3A_716 = arith.addf %add3A_715, %mul3A_713 : vector<16xf32>
      %mul3A_717 = arith.mulf %mul3A_706, %add3A_716 : vector<16xf32>
      %add3A_718 = arith.constant 0.333333343 : f32
      %add3A_719 = vector.broadcast %add3A_718 : f32 to vector<16xf32>
      %add3A_720 = arith.addf %add3A_719, %mul3A_717 : vector<16xf32>
      %mul3A_721 = arith.mulf %mul3A_706, %add3A_720 : vector<16xf32>
      %add3A_722 = arith.constant 1.000000e+00 : f32
      %add3A_723 = vector.broadcast %add3A_722 : f32 to vector<16xf32>
      %add3A_724 = arith.addf %add3A_723, %mul3A_721 : vector<16xf32>
      %mul3A_725 = arith.constant 2.000000e+00 : f32
      %mul3A_726 = vector.broadcast %mul3A_725 : f32 to vector<16xf32>
      %mul3A_727 = arith.mulf %mul3A_726, %div3A_705 : vector<16xf32>
      %mul3A_728 = arith.mulf %mul3A_727, %add3A_724 : vector<16xf32>
      %add3A_729 = arith.addf %max3A_696, %mul3A_728 : vector<16xf32>
      %mul3A_730 = arith.mulf %get3A_621, %add3A_729 : vector<16xf32>
      %reduce_sum3A_731 = arith.constant true
      %reduce_sum3A_732 = vector.broadcast %reduce_sum3A_731 : i1 to vector<16xi1>
      %reduce_sum3A_733 = tpu.scan <sum>, %mul3A_730 masked %reduce_sum3A_732 : vector<16xf32>, vector<16xi1> -> vector<16xf32>
      %reduce_sum3A_734 = vector.extract %reduce_sum3A_733[15] : f32 from vector<16xf32>
      %add3A_735 = arith.addf %add3A_588, %reduce_sum3A_734 : f32
      %reduce_sum3A_736 = arith.constant true
      %reduce_sum3A_737 = vector.broadcast %reduce_sum3A_736 : i1 to vector<16xi1>
      %reduce_sum3A_738 = tpu.scan <sum>, %get3A_621 masked %reduce_sum3A_737 : vector<16xf32>, vector<16xi1> -> vector<16xf32>
      %reduce_sum3A_739 = vector.extract %reduce_sum3A_738[15] : f32 from vector<16xf32>
      %add3A_740 = arith.addf %add3A_594, %reduce_sum3A_739 : f32
      %get3A_741 = arith.constant 16 : index
      %get3A_742 = tpu.vector_load %arg12[%get3A_741] {strides = array<i32>} : memref<32xi32, #tpu.memory_space<vmem>>, vector<16xi32>,
      %jit3A_743 = arith.constant 0 : i32
      %jit3A_744 = arith.constant 79 : i32
      %max3A_745 = vector.broadcast %jit3A_743 : i32 to vector<16xi32>
      %max3A_746 = arith.maxsi %max3A_745, %get3A_742 : vector<16xi32>
      %min3A_747 = vector.broadcast %jit3A_744 : i32 to vector<16xi32>
      %min3A_748 = arith.minsi %min3A_747, %max3A_746 : vector<16xi32>
      %add3A_749 = arith.constant 5 : i32
      %add3A_750 = vector.broadcast %add3A_749 : i32 to vector<16xi32>
      %add3A_751 = arith.addi %add3A_750, %min3A_748 : vector<16xi32>
      %gather3A_752 = tpu.vector_load_idx %arg10[%add3A_626, %add3A_751] : memref<40x85xf32, #tpu.memory_space<vmem>>[vector<16xi32>, vector<16xi32>], vector<16xf32>,
      %mul3A_753 = arith.mulf %get3A_623, %gather3A_752 : vector<16xf32>
      %reduce_sum3A_754 = arith.constant true
      %reduce_sum3A_755 = vector.broadcast %reduce_sum3A_754 : i1 to vector<16xi1>
      %reduce_sum3A_756 = tpu.scan <sum>, %mul3A_753 masked %reduce_sum3A_755 : vector<16xf32>, vector<16xi1> -> vector<16xf32>
      %reduce_sum3A_757 = vector.extract %reduce_sum3A_756[15] : f32 from vector<16xf32>
      %add3A_758 = arith.addf %add3A_613, %reduce_sum3A_757 : f32
      %scan3A_759 = arith.constant 0 : i32
      %scan3A_760 = arith.constant 80 : i32
      %scan3A_761 = arith.addi %scan3A_759, %scan3A_760 : i32
      %scan3A_762 = arith.constant 1 : i32
      %scan3A_763:2 = scf.for %scan3A_817 = %scan3A_759 to %scan3A_761 step %scan3A_762 iter_args(%scan3A_818 = %broadcast_in_dim3A_469, %scan3A_819 = %broadcast_in_dim3A_469) -> (vector<16xf32>, vector<16xf32>)  : i32 {
        %add3A_820 = arith.constant 0 : i32
        %add3A_821 = vector.broadcast %add3A_820 : i32 to vector<16xi32>
        %add3A_822 = arith.addi %iota3A_402, %add3A_821 : vector<16xi32>
        %min3A_823 = arith.constant 19 : i32
        %min3A_824 = vector.broadcast %min3A_823 : i32 to vector<16xi32>
        %min3A_825 = arith.minsi %add3A_822, %min3A_824 : vector<16xi32>
        %get3A_826 = arith.constant 0 : index
        %get3A_827 = tpu.vector_load %arg14[%get3A_826] {strides = array<i32>} : memref<32xf32, #tpu.memory_space<vmem>>, vector<16xf32>,
        %add3A_828 = arith.constant 0 : i32
        %add3A_829 = vector.broadcast %add3A_828 : i32 to vector<16xi32>
        %add3A_830 = arith.addi %add3A_829, %min3A_825 : vector<16xi32>
        %broadcast_in_dim3A_831 = arith.constant 5 : i32
        %broadcast_in_dim3A_832 = vector.broadcast %broadcast_in_dim3A_831 : i32 to vector<16xi32>
        %add3A_833 = vector.broadcast %scan3A_817 : i32 to vector<16xi32>
        %add3A_834 = arith.addi %broadcast_in_dim3A_832, %add3A_833 : vector<16xi32>
        %gather3A_835 = tpu.vector_load_idx %arg10[%add3A_830, %add3A_834] : memref<40x85xf32, #tpu.memory_space<vmem>>[vector<16xi32>, vector<16xi32>], vector<16xf32>,
        %max3A_836 = arith.constant 0.000000e+00 : f32
        %max3A_837 = vector.broadcast %max3A_836 : f32 to vector<16xf32>
        %max3A_838 = arith.maximumf %gather3A_835, %max3A_837 : vector<16xf32>
        %abs3A_839 = math.absf %gather3A_835 : vector<16xf32>
        %neg3A_840 = arith.constant 0.000000e+00 : f32
        %neg3A_841 = vector.broadcast %neg3A_840 : f32 to vector<16xf32>
        %neg3A_842 = arith.subf %neg3A_841, %abs3A_839 : vector<16xf32>
        %exp3A_843 = math.exp %neg3A_842 : vector<16xf32>
        %add3A_844 = arith.constant 2.000000e+00 : f32
        %add3A_845 = vector.broadcast %add3A_844 : f32 to vector<16xf32>
        %add3A_846 = arith.addf %add3A_845, %exp3A_843 : vector<16xf32>
        %div3A_847 = arith.divf %exp3A_843, %add3A_846 : vector<16xf32>
        %mul3A_848 = arith.mulf %div3A_847, %div3A_847 : vector<16xf32>
        %mul3A_849 = arith.constant 0.111111112 : f32
        %mul3A_850 = vector.broadcast %mul3A_849 : f32 to vector<16xf32>
        %mul3A_851 = arith.mulf %mul3A_848, %mul3A_850 : vector<16xf32>
        %add3A_852 = arith.constant 0.142857149 : f32
        %add3A_853 = vector.broadcast %add3A_852 : f32 to vector<16xf32>
        %add3A_854 = arith.addf %add3A_853, %mul3A_851 : vector<16xf32>
        %mul3A_855 = arith.mulf %mul3A_848, %add3A_854 : vector<16xf32>
        %add3A_856 = arith.constant 2.000000e-01 : f32
        %add3A_857 = vector.broadcast %add3A_856 : f32 to vector<16xf32>
        %add3A_858 = arith.addf %add3A_857, %mul3A_855 : vector<16xf32>
        %mul3A_859 = arith.mulf %mul3A_848, %add3A_858 : vector<16xf32>
        %add3A_860 = arith.constant 0.333333343 : f32
        %add3A_861 = vector.broadcast %add3A_860 : f32 to vector<16xf32>
        %add3A_862 = arith.addf %add3A_861, %mul3A_859 : vector<16xf32>
        %mul3A_863 = arith.mulf %mul3A_848, %add3A_862 : vector<16xf32>
        %add3A_864 = arith.constant 1.000000e+00 : f32
        %add3A_865 = vector.broadcast %add3A_864 : f32 to vector<16xf32>
        %add3A_866 = arith.addf %add3A_865, %mul3A_863 : vector<16xf32>
        %mul3A_867 = arith.constant 2.000000e+00 : f32
        %mul3A_868 = vector.broadcast %mul3A_867 : f32 to vector<16xf32>
        %mul3A_869 = arith.mulf %mul3A_868, %div3A_847 : vector<16xf32>
        %mul3A_870 = arith.mulf %mul3A_869, %add3A_866 : vector<16xf32>
        %add3A_871 = arith.addf %max3A_838, %mul3A_870 : vector<16xf32>
        %mul3A_872 = arith.mulf %get3A_827, %add3A_871 : vector<16xf32>
        %add3A_873 = arith.addf %scan3A_818, %mul3A_872 : vector<16xf32>
        %add3A_874 = arith.constant 16 : i32
        %add3A_875 = vector.broadcast %add3A_874 : i32 to vector<16xi32>
        %add3A_876 = arith.addi %iota3A_402, %add3A_875 : vector<16xi32>
        %min3A_877 = arith.constant 19 : i32
        %min3A_878 = vector.broadcast %min3A_877 : i32 to vector<16xi32>
        %min3A_879 = arith.minsi %add3A_876, %min3A_878 : vector<16xi32>
        %get3A_880 = arith.constant 16 : index
        %get3A_881 = tpu.vector_load %arg14[%get3A_880] {strides = array<i32>} : memref<32xf32, #tpu.memory_space<vmem>>, vector<16xf32>,
        %add3A_882 = arith.constant 0 : i32
        %add3A_883 = vector.broadcast %add3A_882 : i32 to vector<16xi32>
        %add3A_884 = arith.addi %add3A_883, %min3A_879 : vector<16xi32>
        %broadcast_in_dim3A_885 = arith.constant 5 : i32
        %broadcast_in_dim3A_886 = vector.broadcast %broadcast_in_dim3A_885 : i32 to vector<16xi32>
        %add3A_887 = vector.broadcast %scan3A_817 : i32 to vector<16xi32>
        %add3A_888 = arith.addi %broadcast_in_dim3A_886, %add3A_887 : vector<16xi32>
        %gather3A_889 = tpu.vector_load_idx %arg10[%add3A_884, %add3A_888] : memref<40x85xf32, #tpu.memory_space<vmem>>[vector<16xi32>, vector<16xi32>], vector<16xf32>,
        %max3A_890 = arith.constant 0.000000e+00 : f32
        %max3A_891 = vector.broadcast %max3A_890 : f32 to vector<16xf32>
        %max3A_892 = arith.maximumf %gather3A_889, %max3A_891 : vector<16xf32>
        %abs3A_893 = math.absf %gather3A_889 : vector<16xf32>
        %neg3A_894 = arith.constant 0.000000e+00 : f32
        %neg3A_895 = vector.broadcast %neg3A_894 : f32 to vector<16xf32>
        %neg3A_896 = arith.subf %neg3A_895, %abs3A_893 : vector<16xf32>
        %exp3A_897 = math.exp %neg3A_896 : vector<16xf32>
        %add3A_898 = arith.constant 2.000000e+00 : f32
        %add3A_899 = vector.broadcast %add3A_898 : f32 to vector<16xf32>
        %add3A_900 = arith.addf %add3A_899, %exp3A_897 : vector<16xf32>
        %div3A_901 = arith.divf %exp3A_897, %add3A_900 : vector<16xf32>
        %mul3A_902 = arith.mulf %div3A_901, %div3A_901 : vector<16xf32>
        %mul3A_903 = arith.constant 0.111111112 : f32
        %mul3A_904 = vector.broadcast %mul3A_903 : f32 to vector<16xf32>
        %mul3A_905 = arith.mulf %mul3A_902, %mul3A_904 : vector<16xf32>
        %add3A_906 = arith.constant 0.142857149 : f32
        %add3A_907 = vector.broadcast %add3A_906 : f32 to vector<16xf32>
        %add3A_908 = arith.addf %add3A_907, %mul3A_905 : vector<16xf32>
        %mul3A_909 = arith.mulf %mul3A_902, %add3A_908 : vector<16xf32>
        %add3A_910 = arith.constant 2.000000e-01 : f32
        %add3A_911 = vector.broadcast %add3A_910 : f32 to vector<16xf32>
        %add3A_912 = arith.addf %add3A_911, %mul3A_909 : vector<16xf32>
        %mul3A_913 = arith.mulf %mul3A_902, %add3A_912 : vector<16xf32>
        %add3A_914 = arith.constant 0.333333343 : f32
        %add3A_915 = vector.broadcast %add3A_914 : f32 to vector<16xf32>
        %add3A_916 = arith.addf %add3A_915, %mul3A_913 : vector<16xf32>
        %mul3A_917 = arith.mulf %mul3A_902, %add3A_916 : vector<16xf32>
        %add3A_918 = arith.constant 1.000000e+00 : f32
        %add3A_919 = vector.broadcast %add3A_918 : f32 to vector<16xf32>
        %add3A_920 = arith.addf %add3A_919, %mul3A_917 : vector<16xf32>
        %mul3A_921 = arith.constant 2.000000e+00 : f32
        %mul3A_922 = vector.broadcast %mul3A_921 : f32 to vector<16xf32>
        %mul3A_923 = arith.mulf %mul3A_922, %div3A_901 : vector<16xf32>
        %mul3A_924 = arith.mulf %mul3A_923, %add3A_920 : vector<16xf32>
        %add3A_925 = arith.addf %max3A_892, %mul3A_924 : vector<16xf32>
        %mul3A_926 = arith.mulf %get3A_881, %add3A_925 : vector<16xf32>
        %add3A_927 = arith.addf %scan3A_819, %mul3A_926 : vector<16xf32>
        scf.yield %add3A_873, %add3A_927 : vector<16xf32>, vector<16xf32>
      }
      %scan3A_764 = arith.constant 80 : i32
      %add3A_765 = arith.addf %scan3A_763#0, %scan3A_763#1 : vector<16xf32>
      %reduce_sum3A_766 = arith.constant true
      %reduce_sum3A_767 = vector.broadcast %reduce_sum3A_766 : i1 to vector<16xi1>
      %reduce_sum3A_768 = tpu.scan <sum>, %add3A_765 masked %reduce_sum3A_767 : vector<16xf32>, vector<16xi1> -> vector<16xf32>
      %reduce_sum3A_769 = vector.extract %reduce_sum3A_768[15] : f32 from vector<16xf32>
      %mul3A_770 = arith.constant 8.000000e+01 : f32
      %mul3A_771 = arith.mulf %add3A_740, %mul3A_770 : f32
      %max3A_772 = arith.constant 1.000000e+00 : f32
      %max3A_773 = arith.maximumf %mul3A_771, %max3A_772 : f32
      %eq3A_774 = arith.constant 0 : i32
      %eq3A_775 = vector.broadcast %eq3A_774 : i32 to vector<16xi32>
      %eq3A_776 = arith.cmpi eq, %iota3A, %eq3A_775 : vector<16xi32>
      %mul3A_777 = arith.constant 5.000000e+00 : f32
      %mul3A_778 = arith.mulf %mul3A_777, %add3A_684 : f32
      %mul3A_779 = arith.constant 0.020833334 : f32
      %mul3A_780 = arith.mulf %mul3A_778, %mul3A_779 : f32
      %jit3A_781 = arith.constant 0.000000e+00 : f32
      %broadcast_in_dim3A_782 = vector.broadcast %mul3A_780 : f32 to vector<16xf32>
      %broadcast_in_dim3A_783 = vector.broadcast %jit3A_781 : f32 to vector<16xf32>
      %select_n3A_784 = arith.select %eq3A_776, %broadcast_in_dim3A_782, %broadcast_in_dim3A_783 : vector<16xi1>, vector<16xf32>
      %eq3A_785 = arith.constant 1 : i32
      %eq3A_786 = vector.broadcast %eq3A_785 : i32 to vector<16xi32>
      %eq3A_787 = arith.cmpi eq, %iota3A, %eq3A_786 : vector<16xi32>
      %mul3A_788 = arith.constant 5.000000e-01 : f32
      %mul3A_789 = arith.mulf %mul3A_788, %add3A_735 : f32
      %add3A_790 = arith.addf %add3A_693, %mul3A_789 : f32
      %mul3A_791 = arith.constant 2.03450527E-5 : f32
      %mul3A_792 = arith.mulf %add3A_790, %mul3A_791 : f32
      %jit3A_793 = arith.constant 0.000000e+00 : f32
      %broadcast_in_dim3A_794 = vector.broadcast %mul3A_792 : f32 to vector<16xf32>
      %broadcast_in_dim3A_795 = vector.broadcast %jit3A_793 : f32 to vector<16xf32>
      %select_n3A_796 = arith.select %eq3A_787, %broadcast_in_dim3A_794, %broadcast_in_dim3A_795 : vector<16xi1>, vector<16xf32>
      %sub3A_797 = arith.subf %select_n3A_784, %select_n3A_796 : vector<16xf32>
      %eq3A_798 = arith.constant 2 : i32
      %eq3A_799 = vector.broadcast %eq3A_798 : i32 to vector<16xi32>
      %eq3A_800 = arith.cmpi eq, %iota3A, %eq3A_799 : vector<16xi32>
      %gt3A = arith.constant 0.000000e+00 : f32
      %gt3A_801 = arith.cmpf ogt, %add3A_740, %gt3A : f32
      %and3A_802 = vector.broadcast %gt3A_801 : i1 to vector<16xi1>
      %and3A_803 = arith.andi %eq3A_800, %and3A_802 : vector<16xi1>
      %sub3A_804 = arith.subf %reduce_sum3A_769, %add3A_758 : f32
      %mul3A_805 = arith.constant 0.020833334 : f32
      %mul3A_806 = arith.mulf %sub3A_804, %mul3A_805 : f32
      %jit3A_807 = arith.constant 0.000000e+00 : f32
      %broadcast_in_dim3A_808 = vector.broadcast %mul3A_806 : f32 to vector<16xf32>
      %broadcast_in_dim3A_809 = vector.broadcast %jit3A_807 : f32 to vector<16xf32>
      %select_n3A_810 = arith.select %and3A_803, %broadcast_in_dim3A_808, %broadcast_in_dim3A_809 : vector<16xi1>, vector<16xf32>
      %div3A_811 = vector.broadcast %max3A_773 : f32 to vector<16xf32>
      %div3A_812 = arith.divf %select_n3A_810, %div3A_811 : vector<16xf32>
      %add3A_813 = arith.addf %sub3A_797, %div3A_812 : vector<16xf32>
      %add3A_814 = arith.addf %select_n3A_362, %add3A_813 : vector<16xf32>
      %swap3A_815 = arith.constant 0 : index
      %swap3A_816 = tpu.vector_load %arg16[%swap3A_815] {strides = array<i32>} : memref<16xf32, #tpu.memory_space<vmem>>, vector<16xf32>,
      tpu.vector_store %arg16[%swap3A_815], %add3A_814 {strides = array<i32>} : memref<16xf32, #tpu.memory_space<vmem>>, vector<16xf32>,
    } else {
    }
    %get3A = arith.constant 0 : index
    %get3A_373 = tpu.vector_load %arg16[%get3A] {strides = array<i32>} : memref<16xf32, #tpu.memory_space<vmem>>, vector<16xf32>,
    %lt3A_374 = arith.constant 3 : i32
    %lt3A_375 = vector.broadcast %lt3A_374 : i32 to vector<16xi32>
    %lt3A_376 = arith.cmpi slt, %iota3A, %lt3A_375 : vector<16xi32>
    %jit3A_377 = arith.constant 0.000000e+00 : f32
    %broadcast_in_dim3A_378 = vector.broadcast %jit3A_377 : f32 to vector<16xf32>
    %select_n3A_379 = arith.select %lt3A_376, %get3A_373, %broadcast_in_dim3A_378 : vector<16xi1>, vector<16xf32>
    %reduce_sum3A_380 = arith.constant true
    %reduce_sum3A_381 = vector.broadcast %reduce_sum3A_380 : i1 to vector<16xi1>
    %reduce_sum3A_382 = tpu.scan <sum>, %select_n3A_379 masked %reduce_sum3A_381 : vector<16xf32>, vector<16xi1> -> vector<16xf32>
    %reduce_sum3A_383 = vector.extract %reduce_sum3A_382[15] : f32 from vector<16xf32>
    %eq3A_384 = arith.constant 3 : i32
    %eq3A_385 = vector.broadcast %eq3A_384 : i32 to vector<16xi32>
    %eq3A_386 = arith.cmpi eq, %iota3A, %eq3A_385 : vector<16xi32>
    %jit3A_387 = arith.constant 0.000000e+00 : f32
    %broadcast_in_dim3A_388 = vector.broadcast %reduce_sum3A_383 : f32 to vector<16xf32>
    %broadcast_in_dim3A_389 = vector.broadcast %jit3A_387 : f32 to vector<16xf32>
    %select_n3A_390 = arith.select %eq3A_386, %broadcast_in_dim3A_388, %broadcast_in_dim3A_389 : vector<16xi1>, vector<16xf32>
    %add3A_391 = arith.addf %get3A_373, %select_n3A_390 : vector<16xf32>
    %swap3A = arith.constant 0 : index
    %swap3A_392 = tpu.vector_load %arg16[%swap3A] {strides = array<i32>} : memref<16xf32, #tpu.memory_space<vmem>>, vector<16xf32>,
    tpu.vector_store %arg16[%swap3A], %add3A_391 {strides = array<i32>} : memref<16xf32, #tpu.memory_space<vmem>>, vector<16xf32>,
    %mul3A_393 = arith.constant 16 : i32
    %mul3A_394 = arith.muli %add3A, %mul3A_393 : i32
    "tpu.region"() ({
      %run_scoped3A = tpu.sem_alloc : memref<!tpu.dma_semaphore, #tpu.memory_space<semaphore_mem>>
      %dma_start3A_395 = tpu.memref_slice %arg7[%mul3A_394] : memref<512xf32, #tpu.memory_space<hbm>> -> memref<16xf32, #tpu.memory_space<hbm>>
      %dma_start3A_396 = tpu.memref_slice %arg7[%mul3A_394] : memref<512xf32, #tpu.memory_space<hbm>> -> memref<16xf32, #tpu.memory_space<hbm>>
      tpu.enqueue_dma source(%arg16 : memref<16xf32, #tpu.memory_space<vmem>>) target(%dma_start3A_396 : memref<16xf32, #tpu.memory_space<hbm>>) target_semaphore(%run_scoped3A : memref<!tpu.dma_semaphore, #tpu.memory_space<semaphore_mem>>)
      %dma_wait3A_397 = tpu.memref_slice %arg7[%mul3A_394] : memref<512xf32, #tpu.memory_space<hbm>> -> memref<16xf32, #tpu.memory_space<hbm>>
      %dma_wait3A_398 = tpu.memref_slice %arg7[%mul3A_394] : memref<512xf32, #tpu.memory_space<hbm>> -> memref<16xf32, #tpu.memory_space<hbm>>
      tpu.wait_dma2 semaphore(%run_scoped3A : memref<!tpu.dma_semaphore, #tpu.memory_space<semaphore_mem>>) src(%arg16 : memref<16xf32, #tpu.memory_space<vmem>>) dst(%dma_wait3A_398 : memref<16xf32, #tpu.memory_space<hbm>>)
      tpu.yield
    }) : () -> ()
    return
  }
}

</mosaic_0001>

<sc_bundles>
// kernel: kernel.3.cloned.1.call-start
scs
__scs_entry_jumppad:
0x0: {  	(pc) =	sbr.rel $0x88, $3  }
0x1: {  	(tag) =	ssettag $0x0;
	lr =	simm.s32 $0x1  }
0x2: {  	[smem:$0x3F9C] =	sst lr;
	_ =	strace $0xD0000000  }
0x3: {  	_ = 	snop  }
0x4: {  	_ = 	snop  }
0x5: {  	_ = 	snop  }
0x6: {  	_ = 	snop  }
0x7: {  	_ = 	snop  }
__scs_overlays_trampoline_lowered:
0x8: {  	[smem:$0x3FAB] =	sst s0  }
0x9: {  	[smem:$0x3FAC] =	sst s1  }
0xa: {  	[smem:$0x3FAD] =	sst s2  }
0xb: {  	[smem:$0x3FAE] =	sst s3  }
0xc: {  	[smem:$0x3FAF] =	sst s4  }
0xd: {  	[smem:$0x3FB0] =	sst s5  }
0xe: {  	[smem:$0x3FB1] =	sst s6  }
0xf: {  	[smem:$0x3FB2] =	sst s7  }
0x10: {  	[smem:$0x3FB3] =	sst s8  }
0x11: {  	[smem:$0x3FB4] =	sst s9;
	s0 =	simm.s32 @!p0 $0x0  }
0x12: {  	s1 =	sld [smem:$0x3F9A];
	s0 =	simm.s32 @p0 $0x1  }
0x13: {  	[smem:$0x3FB5] =	sst s0;
	s0 =	simm.s32 @!p1 $0x0  }
0x14: {  	s2 =	sld [smem:$0x3F99];
	s0 =	simm.s32 @p1 $0x1  }
0x15: {  	[smem:$0x3FB6] =	sst s0;
	s0 =	simm.s32 @!p2 $0x0  }
0x16: {  	s3 =	sld [smem:$0x3FDB];
	s0 =	simm.s32 @p2 $0x1  }
0x17: {  	s4 =	simm.s32 $0x1BF5;
	[smem:$0x3FB8] =	sst s0  }
0x18: {  	s0 =	sld [smem:$0x3F9B];
	_ =	swait.ge [sflag:s4], $0x0  }
0x19: {  	s7 =	sld [smem:$0x3F9C]  }
0x1a: {  	s8 =	sadd.s32 $0xFFFFE003, lr  }
0x1b: {  	s9 =	sadd.s32 $0xFFFFFEF7, lr;
	s5 =	simm.s32 $0xFFFFFFFF;
	p2 =	slt.u32 s8, $0xFFFFF086  }
0x1c: {  	p1 =	slt.u32 s9, $0xF7A;
	s5 =	simm.s32 @!p2 $0x0  }
0x1d: {  	s5 =	simm.s32 @p1 $0x1;
	p0 =	seq.s32 s7, s2  }
0x1e: {  	s7 =	smul.u32 @!p0 $0xF7A, s2;
	p2 =	seq.s32 @!p0 s5, $0x0  }
0x1f: {  	s9 =	smul.u32 $0xF7A, s1;
	s8 =	simm.s32 @!p0 $0x1BF5;
	p2 =	por !p2, p0  }
0x20: {  	[sflag:s8] =	ssyncset.s32 @!p0 $0xFFFFF086;
	s6 =	sadd.s32 @!p0 s3, s7;
	s7 =	simm.s32 @!p0 $0x108  }
0x21: {  	s3 =	sadd.s32 s3, s9;
	s6 =	sadd.s32 @!p0 $0x88, s6;
	s7 =	simm.s32 @p2 $0x1082  }
0x22: {  	[simem:s7], [sflag:s8] =	dma.local @!p0 [hbm:s6], $0xF7A  }
0x23: {  	s9 =	sor.u32 $0xD0000000, s2;
	s6 =	simm.s32 $0x108;
	_ =	swait.ge @!p0 [sflag:s8], $0x0  }
0x24: {  	s3 =	sadd.s32 $0x88, s3;
	s6 =	simm.s32 @!p1 $0x1082;
	[sflag:s4] =	ssyncset.s32 $0xFFFFF086  }
0x25: {  	[simem:s6], [sflag:s4] =	dma.local [hbm:s3], $0xF7A  }
0x26: {  	[smem:$0x3F9C] =	sst s1;
	(tag) =	ssettag s2;
	_ =	strace s9  }
0x27: {  	s1 =	sld [smem:$0x3FAC]  }
0x28: {  	s2 =	sld [smem:$0x3FAD]  }
0x29: {  	s4 =	sld [smem:$0x3FAF]  }
0x2a: {  	p0 =	seq.s32 s5, $0x0;
	s5 =	sld [smem:$0x3FB0]  }
0x2b: {  	s6 =	sld [smem:$0x3FB1]  }
0x2c: {  	s7 =	sld [smem:$0x3FB2]  }
0x2d: {  	s3 =	simm.s32 $0x108;
	s8 =	sld [smem:$0x3FB3]  }
0x2e: {  	s3 =	simm.s32 @!p0 $0x1082;
	s9 =	sld [smem:$0x3FB4]  }
0x2f: {  	lr =	sadd.s32 s0, s3;
	s0 =	sld [smem:$0x3FAB]  }
0x30: {  	s3 =	sld [smem:$0x3FAE]  }
0x31: {  	[smem:$0x3FB7] =	sst s10  }
0x32: {  	s10 =	sld [smem:$0x3FB5];
	_ =	sdelay $0x3  }
0x33: {  	p0 =	seq.s32 s10, $0x1;
	s10 =	sld [smem:$0x3FB7];
	_ =	sdelay $0x3  }
0x34: {  	[smem:$0x3FB7] =	sst s10  }
0x35: {  	s10 =	sld [smem:$0x3FB6];
	_ =	sdelay $0x3  }
0x36: {  	p1 =	seq.s32 s10, $0x1;
	s10 =	sld [smem:$0x3FB7];
	_ =	sdelay $0x3  }
0x37: {  	[smem:$0x3FB7] =	sst s10  }
0x38: {  	s10 =	sld [smem:$0x3FB8]  }
0x39: {  	_ = 	snop;
	(pc) =	sbr.ind lr, $3  }
0x3a: {  	_ = 	snop  }
0x3b: {  	_ = 	snop  }
0x3c: {  	p2 =	seq.s32 s10, $0x1;
	s10 =	sld [smem:$0x3FB7]  }
0x3d: {  	_ =	shalt  }
0x3e: {  	_ =	shalt  }
0x3f: {  	_ =	shalt  }
0x40: {  	_ =	shalt  }
0x41: {  	_ =	shalt  }
0x42: {  	_ =	shalt  }
0x43: {  	_ =	shalt  }
0x44: {  	_ =	shalt  }
0x45: {  	_ =	shalt  }
0x46: {  	_ =	shalt  }
0x47: {  	_ =	shalt  }
0x48: {  	_ =	shalt  }
0x49: {  	_ =	shalt  }
0x4a: {  	_ =	shalt  }
0x4b: {  	_ =	shalt  }
0x4c: {  	_ =	shalt  }
0x4d: {  	_ =	shalt  }
0x4e: {  	_ =	shalt  }
0x4f: {  	_ =	shalt  }
0x50: {  	_ =	shalt  }
0x51: {  	_ =	shalt  }
0x52: {  	_ =	shalt  }
0x53: {  	_ =	shalt  }
0x54: {  	_ =	shalt  }
0x55: {  	_ =	shalt  }
0x56: {  	_ =	shalt  }
0x57: {  	_ =	shalt  }
0x58: {  	_ =	shalt  }
0x59: {  	_ =	shalt  }
0x5a: {  	_ =	shalt  }
0x5b: {  	_ =	shalt  }
0x5c: {  	_ =	shalt  }
0x5d: {  	_ =	shalt  }
0x5e: {  	_ =	shalt  }
0x5f: {  	_ =	shalt  }
0x60: {  	_ =	shalt  }
0x61: {  	_ =	shalt  }
0x62: {  	_ =	shalt  }
0x63: {  	_ =	shalt  }
0x64: {  	_ =	shalt  }
0x65: {  	_ =	shalt  }
0x66: {  	_ =	shalt  }
0x67: {  	_ =	shalt  }
0x68: {  	_ =	shalt  }
0x69: {  	_ =	shalt  }
0x6a: {  	_ =	shalt  }
0x6b: {  	_ =	shalt  }
0x6c: {  	_ =	shalt  }
0x6d: {  	_ =	shalt  }
0x6e: {  	_ =	shalt  }
0x6f: {  	_ =	shalt  }
0x70: {  	_ =	shalt  }
0x71: {  	_ =	shalt  }
0x72: {  	_ =	shalt  }
0x73: {  	_ =	shalt  }
0x74: {  	_ =	shalt  }
0x75: {  	_ =	shalt  }
0x76: {  	_ =	shalt  }
0x77: {  	_ =	shalt  }
0x78: {  	_ =	shalt  }
0x79: {  	_ =	shalt  }
0x7a: {  	_ =	shalt  }
0x7b: {  	_ =	shalt  }
0x7c: {  	_ =	shalt  }
0x7d: {  	_ =	shalt  }
0x7e: {  	_ =	shalt  }
0x7f: {  	_ =	shalt  }
0x80: {  	_ =	shalt  }
0x81: {  	_ =	shalt  }
0x82: {  	_ =	shalt  }
0x83: {  	_ =	shalt  }
0x84: {  	_ =	shalt  }
0x85: {  	_ =	shalt  }
0x86: {  	_ =	shalt  }
0x87: {  	_ =	shalt  }
.Lfunc_end0:
.L_simem_size_0:
called_computation_lowered:
.L_overlay_start_0:
0x88: {  	s2 =	sld [smem:$0x3FD9]  }
0x89: {  	s3 =	sld [smem:$0x3FFE];
	_ =	sdelay $0x1  }
0x8a: {  	s1 =	srdreg.scid  }
0x8b: {  	s0 =	sand.u32 $0x1, s1  }
0x8c: {  	s17 =	sshll.u32 s0, $0xA;
	s2 =	sadd.s32 s3, s2  }
0x8d: {  	s2 =	sadd.s32 s2, s17  }
0x8e: {  	[smem:$0x3FC3] =	sst s2  }
0x8f: {  	_ = 	snop  }
0x90: {  	s2 =	sld [smem:$0x3FC9]  }
0x91: {  	s18 =	sld [smem:$0x3FC8]  }
0x92: {  	s4 =	sld [smem:$0x3FC7];
	(tm) =	ssettm $0x1  }
0x93: {  	s5 =	sld [smem:$0x3FFB];
	_ =	sdelay $0x3  }
0x94: {  	_ =	strace s5  }
0x95: {  	s5 =	sld [smem:$0x3FFC];
	_ =	sdelay $0x3  }
0x96: {  	_ =	strace s5  }
0x97: {  	s5 =	sld [smem:$0x3FFD];
	_ =	sdelay $0x3  }
0x98: {  	_ =	strace s5  }
0x99: {  	_ =	strace $0x8FFFFFFF  }
0x9a: {  	s19 =	sld [smem:$0x3FDB];
	_ =	sdelay $0x1  }
0x9b: {  	s6 =	simm.s32 $_scs_section_size  }
0x9c: {  	s7 =	simm.s32 $_size__tile_overlayer_lowered;
	s8 =	simm.s32 $_tile_overlayer_lowered  }
0x9d: {  	s22 =	simm.s32 $0x1BFF;
	s21 =	sshll.u32 s8, $0x1;
	s5 =	sadd.s32 s6, s19  }
0x9e: {  	s9 =	simm.s32 $0x0;
	s20 =	sshll.u32 s7, $0x1;
	s7 =	sadd.s32 s21, s5  }
0x9f: {  	[timem:s9], [sflag:s22] =	dma.local [hbm:s7], s20  }
0xa0: {  	_ =	swait.ge [sflag:s22], s20  }
0xa1: {  	s6 =	ssub.s32 $0x0, s20;
	[sflag:s22] =	ssyncset.done $0x0  }
0xa2: {  	[sflag:s22] =	ssyncadd.s32 s6;
	_ =	sdelay $0x1  }
0xa3: {  	s23 =	simm.s32 $0x1B8B  }
0xa4: {  	_ =	swait.ge [sflag:s23], $0x1  }
0xa5: {  	[sflag:s23] =	ssyncset.done $0x0  }
0xa6: {  	s25 =	simm.s32 $0x1B8E;
	s24 =	sld [smem:$0x3FFE];
	[sflag:s23] =	ssyncadd.s32 $0xFFFFFFFF  }
0xa7: {  	s26 =	simm.s32 $execute0_lowered;
	[smem:$0x3FD2] =	sst s25  }
0xa8: {  	s7 =	sshll.u32 s26, $0x1;
	_ =	strace $0x80000046;
	[dreg:$0x1] =	wrdreg $0xFFFFFFFF  }
0xa9: {  	s28 =	simm.s32 $_size_execute0_lowered;
	s5 =	sadd.s32 s5, s7;
	[dreg:$0x0] =	wrdreg $0x0  }
0xaa: {  	s7 =	sshll.u32 s28, $0x1;
	[dreg:$0x2] =	wrdreg s5  }
0xab: {  	[dreg:$0x3] =	wrdreg s7  }
0xac: {  	[dreg:$0x4] =	wrdreg $0xC0  }
0xad: {  	_ =	task [dreg:s9], $0x5FFFF  }
0xae: {  	[dreg:$0x1] =	wrdreg $0xFFFFFFFF  }
0xaf: {  	[dreg:$0x0] =	wrdreg $0x60  }
0xb0: {  	[dreg:$0x2] =	wrdreg s2  }
0xb1: {  	[dreg:$0x3] =	wrdreg s18  }
0xb2: {  	[dreg:$0x4] =	wrdreg s4  }
0xb3: {  	[dreg:$0x5] =	wrdreg s24  }
0xb4: {  	[dreg:$0x6] =	wrdreg $0x9  }
0xb5: {  	_ =	task.clear_ibuf [dreg:s9], $0x7FFFF;
	_ =	strace $0x90000046  }
0xb6: {  	s29 =	simm.s32 $0x9;
	_ =	strace $0x80000048  }
0xb7: {  	_ =	swait.ge [sflag:s29], $0x1  }
0xb8: {  	[sflag:s29] =	ssyncadd.s32 $0xFFFFFFFF  }
0xb9: {  	_ =	strace $0x90000048  }
0xba: {  	_ =	sfence  }
0xbb: {  	s30 =	sld [smem:$0x0];
	_ =	sdelay $0x2  }
0xbc: {  	s31 =	sshll.u32 s1, $0xD;
	s1 =	sshrl.u32 s1, $0x2  }
0xbd: {  	s3 =	sand.u32 $0x4000, s31;
	s1 =	sadd.s32 s1, s30  }
0xbe: {  	s0 =	sor.u32 s3, s0;
	s1 =	sshll.u32 s1, $0x11  }
0xbf: {  	s0 =	sor.u32 s1, s0  }
0xc0: {  	s0 =	sadd.s32 $0x8F2B, s0  }
0xc1: {  	[sflag:s0] =	ssyncadd.remote.s32 $0x1  }
0xc2: {  	_ =	sfence.sel $0xFFFF  }
0xc3: {  	[dreg:$0x0] =	wrdreg $0xFFFFFFFF;
	(pc) =	sbr.abs _section_cstart, $3  }
0xc4: {  	[dreg:$0x1] =	wrdreg $0xFFFFFFFF  }
0xc5: {  	_ =	task.clear_ibuf [dreg:s9], $0x2FFFF;
	_ =	strace $0x9FFFFFFF  }
0xc6: {  	(tm) =	ssettm $0x7FFFFFFF  }
0xc7: {  	_ =	shalt  }
tec
execute0_lowered:
.L_overlay_start_1:
0x0: {  	(tag) =	ssettag $0x1  }
0x1: {  	s0 =	rddreg [dreg:$0x0];
	v0 =	vlaneseq.u32;
	v1 =	vimm.s32 $0x4C484440  }
0x2: {  	v2 =	vimm.s32 $0x4D494541;
	s3 =	srdreg.scid;
	s16 =	stileid.u32;
	vm0 =	vcmask $0xF00;
	v1 =	vunpack.c.0.s8.s32 v1  }
0x3: {  	s1 =	rddreg [dreg:$0x1];
	vm2 =	vcmask $0x704;
	v2 =	vunpack.c.0.s8.s32 v2;
	s3 =	sand.u32 $0x1, s3;
	s5 =	sshll.u32 s16, $0x1;
	v3 =	vmul.u32 $0x80, v0  }
0x4: {  	s2 =	rddreg [dreg:$0x2];
	vm4 =	vcmask $0x300;
	s6 =	sor.u32 s3, s5;
	s5 =	simm.s32 $0x0;
	v45 =	vnsel vm0, $0x4C, v1;
	v1 =	vimm.s32 $0x980  }
0x5: {  	v48 =	vnsel vm0, $0x4D, v2;
	[smem:$0x7FF] =	sst s5;
	v2 =	vor.u32 $0x1, v3;
	v1 =	vsel vm4, $0x800, v1  }
0x6: {  	s4 =	rddreg [dreg:$0x3];
	vm5 =	vcmask $0xB08;
	_ =	strace $0x80000047;
	[tilespmem:$0x1FEF0] =	vst v2;
	v2 =	vimm.s32 $0x981;
	v1 =	vsel vm2, $0x880, v1  }
0x7: {  	v10 =	vsel vm5, $0x900, v1;
	v1 =	vsel vm4, $0x801, v2;
	v2 =	vimm.s32 $0x982  }
0x8: {  	v4 =	vimm.s32 $0x4E4A4642;
	v1 =	vsel vm2, $0x881, v1;
	v2 =	vsel vm4, $0x802, v2  }
0x9: {  	s28 =	simm.s32 $0x3;
	s29 =	simm.s32 $0xE000;
	v4 =	vunpack.c.0.s8.s32 v4;
	v2 =	vsel vm2, $0x882, v2;
	v1 =	vsel vm5, $0x901, v1  }
0xa: {  	v5 =	vimm.s32 $0x983;
	s30 =	simm.s32 $0x11500;
	s31 =	simm.s32 $0x1;
	p0 =	sgt.u32 s16, $0x7;
	[tilespmem:$0x1FF00] =	vst v1;
	v1 =	vsel vm5, $0x902, v2  }
0xb: {  	s14 =	sshll.u32 s16, $0x10;
	s20 =	sshll.u32 s16, $0xE;
	s24 =	sshll.u32 s16, $0xC;
	v2 =	vnsel vm0, $0x4E, v4;
	[tilespmem:$0x1FF10] =	vst v1;
	v1 =	vsel vm4, $0x803, v5  }
0xc: {  	s10 =	ssub.s32 $0x2, s3;
	s12 =	sshll.u32 s3, $0xF;
	s19 =	sshll.u32 s3, $0xD;
	[tilespmem:$0x1FF20] =	vst v2;
	v2 =	vimm.s32 $0x4F4B4743;
	v1 =	vsel vm2, $0x883, v1  }
0xd: {  	s3 =	sshll.u32 s3, $0xB;
	s7 =	sadd.s32 $0xFFFFFFF0, s6;
	s8 =	smov.u32 s6;
	v4 =	vimm.s32 $0x984;
	v2 =	vunpack.c.0.s8.s32 v2;
	v1 =	vsel vm5, $0x903, v1  }
0xe: {  	s9 =	sshll.u32 s6, $0x1;
	s11 =	sshrl.u32 s10, $0x1;
	s12 =	sadd.s32 s0, s12;
	v5 =	vimm.s32 $0x985;
	[tilespmem:$0x1FF30] =	vst v1;
	v1 =	vsel vm4, $0x804, v4  }
0xf: {  	s6 =	sshll.u32 s6, $0x3;
	s21 =	sadd.s32 s1, s19;
	s3 =	sadd.s32 s2, s3;
	v4 =	vsel vm4, $0x805, v5;
	v2 =	vnsel vm0, $0x4F, v2;
	v1 =	vsel vm2, $0x884, v1  }
0x10: {  	s8 =	smov.u32 @p0 s7;
	s9 =	sadd.s32 s9, s4;
	s15 =	ssub.s32 s10, s11;
	[tilespmem:$0x1FF40] =	vst v2;
	v2 =	vsel vm2, $0x885, v4;
	v1 =	vsel vm5, $0x904, v1  }
0x11: {  	s22 =	sadd.s32 s14, s12;
	s3 =	sadd.s32 s24, s3;
	s24 =	simm.s32 $0x11480;
	[tilespmem:$0x1FF50] =	vst v1;
	v1 =	vsel vm5, $0x905, v2  }
0x12: {  	v39 =	vmul.u32 $0x4, v0;
	s7 =	sshll.u32 s8, $0x2;
	s13 =	smul.u32 $0x50, s8;
	s10 =	sshll.u32 s8, $0x11;
	v2 =	vimm.s32 $0x1381;
	[tilespmem:$0x1FF60] =	vst v1;
	v1 =	vimm.s32 $0x1380  }
0x13: {  	s11 =	sshll.u32 s8, $0x13;
	s12 =	sshll.u32 s8, $0xF;
	[dreg:$0x9] =	wrdreg s3;
	v4 =	vimm.s32 $0x1382;
	v2 =	vsel vm4, $0x1201, v2;
	v1 =	vsel vm4, $0x1200, v1  }
0x14: {  	s3 =	sadd.s32 $0x400, s3;
	s25 =	sadd.s32 $0x400, s9;
	[dreg:$0x5] =	wrdreg s22;
	v4 =	vsel vm4, $0x1202, v4;
	v2 =	vsel vm2, $0x1281, v2;
	v1 =	vsel vm2, $0x1280, v1  }
0x15: {  	[tilespmem:$0x1FFC0] =	vst v39;
	s26 =	smax.u32 s15, $0x1;
	s8 =	simm.s32 $0x4;
	[dreg:$0xa] =	wrdreg s3;
	v4 =	vsel vm2, $0x1282, v4;
	v18 =	vsel vm5, $0x1300, v1;
	v1 =	vsel vm5, $0x1301, v2  }
0x16: {  	s15 =	simm.s32 $0x0;
	s7 =	sand.u32 $0x1FFFFFFC, s7;
	[dreg:$0xb] =	wrdreg s25;
	[tilespmem:$0x1FF70] =	vst v1;
	v1 =	vsel vm5, $0x1302, v4  }
0x17: {  	v43 =	vor.u32 $0x1, v39;
	[dreg:$0xc] =	wrdreg s26;
	s25 =	simm.s32 $0x8000;
	s26 =	simm.s32 $0x2;
	[tilespmem:$0x1FF80] =	vst v1;
	v1 =	vimm.s32 $0x1383  }
0x18: {  	[tilespmem:$0x1FFD0] =	vst v43;
	s3 =	simm.s32 $0xC000;
	s7 =	sadd.s32 s7, s4;
	s17 =	sshrl.u32 s13, $0x3;
	v2 =	vimm.s32 $0x1384;
	v1 =	vsel vm4, $0x1203, v1  }
.Ltmp0:
0x19: {  	[tilespmem:$0x1FFE0] =	vst v45;
	s13 =	sadd.s32 s0, s14;
	s14 =	sor.u32 $0x2, s6;
	v4 =	vimm.s32 $0x1385;
	v2 =	vsel vm4, $0x1204, v2;
	v1 =	vsel vm2, $0x1283, v1;
	(pc) =	sbr.rel .LBB2_1-.Ltmp0, $4  }
0x1a: {  	[tilespmem:$0x1FFF0] =	vst v48;
	s23 =	sadd.s32 s4, s17;
	s18 =	sadd.s32 $0x200, s7;
	s17 =	sadd.s32 s20, s21;
	v4 =	vsel vm4, $0x1205, v4;
	v2 =	vsel vm2, $0x1284, v2;
	v1 =	vsel vm5, $0x1303, v1  }
0x1b: {  	s7 =	sadd.s32 s1, s20;
	s20 =	simm.s32 $0x11400;
	[dreg:$0x7] =	wrdreg s18;
	v4 =	vsel vm2, $0x1285, v4;
	[tilespmem:$0x1FF90] =	vst v1;
	v1 =	vsel vm5, $0x1304, v2  }
0x1c: {  	vm1 =	vmmov $0xf;
	[dreg:$0x8] =	wrdreg s17;
	s16 =	sadd.s32 $0x800, s17;
	s4 =	sadd.s32 s19, s7;
	[tilespmem:$0x1FFA0] =	vst v1;
	v1 =	vsel vm5, $0x1305, v4  }
0x1d: {  	vm3 =	vmxor vm3, vm3;
	v7 =	vor.u32 $0x10, v0;
	v6 =	vor.u32 $0x4, v3;
	s7 =	simm.s32 $0x10000;
	[dreg:$0x6] =	wrdreg s23;
	s18 =	sadd.s32 $0x1000, s4;
	[tilespmem:$0x1FFB0] =	vst v1  }
.LBB2_43:
0x1e: {  	v2 =	vmov s8  }
0x1f: {  	(erf) = vrcp.f32 v2;
	_ =	sdelay $0x5  }
0x20: {  	s4 =	smul.f32 $2.083333400e-02, s9;
	_ =	sdelay $0x1  }
0x21: {  	vm6 =	vmand vm7, vm5;
	v2 =	vmov s4  }
0x22: {  	v2 =	vnsel vm6, $0x0, v2;
	v4 =	vpop (erf)  }
0x23: {  	v2 =	vmul.f32 v2, v4;
	_ =	sdelay $0x1  }
0x24: {  	v1 =	vadd.f32 v2, v1;
	_ =	sdelay $0x1  }
0x25: {  	v1 =	vadd.f32 v1, v5  }
0x26: {  	vm6 =	vmmov $0x7  }
0x27: {  	v2 =	vnsel vm6, $0x0, v1  }
0x28: {  	(xrf2) =	vadd.scan.msk.f32 $0xffff, v2;
	_ =	sdelay $0x9  }
0x29: {  	v2, _, _ =	vpop (xrf2)  }
0x2a: {  	v2 =	vbroadcast v2, $0xF  }
0x2b: {  	vm6 =	vcmask $0xF0C  }
0x2c: {  	v2 =	vnsel vm6, $0x0, v2  }
0x2d: {  	v1 =	vadd.f32 v2, v1;
	_ =	sdelay $0x1  }
0x2e: {  	s19 =	rddreg [dreg:$0xb];
	s20 =	simm.s32 $0x11680;
	s8 =	simm.s32 $0x4;
	[tilespmem:$0x11680] =	vst v1  }
0x2f: {  	[hbm4b:s19+s5] =	stream.linear.scatter [tilespmem:s20], [sflag:$0x4], $0x10, $0x38;
	[tilespmem:$0x11700] =	vst v63  }
0x30: {  	_ =	swait.ge [sflag:s8], $0x10  }
0x31: {  	s15 =	sadd.s32 $0x1, s15;
	s21 =	rddreg [dreg:$0xc]  }
0x32: {  	p1 =	sne.s32 s15, s21  }
.Ltmp1:
0x33: {  	_ = 	snop;
	(pc) =	sbr.rel @!p1 .LBB2_44-.Ltmp1, $4  }
0x34: {  	v39 =	vld [tilespmem:$0x1FFC0]  }
0x35: {  	v43 =	vld [tilespmem:$0x1FFD0]  }
0x36: {  	[sflag:s8] =	ssyncset.done $0x0;
	v45 =	vld [tilespmem:$0x1FFE0]  }
0x37: {  	s20 =	simm.s32 $0x11400;
	v48 =	vld [tilespmem:$0x1FFF0];
	[sflag:s8] =	ssyncadd.s32 $0xFFFFFFF0  }
.LBB2_1:
0x38: {  	[tilespmem:s5], [sflag:$0x2] =	stream.linear.gather [hbm4b:s22+s5], $0x8000, $0x38;
	[tilespmem:$0x11700] =	vst v63  }
0x39: {  	[dreg:$0xd] =	wrdreg s15  }
0x3a: {  	[tilespmem:s20], [sflag:$0x4] =	stream.linear.gather [hbm4b:s23+s5], $0x50, $0x38;
	[tilespmem:$0x11700] =	vst v63  }
0x3b: {  	_ =	swait.ge [sflag:s8], $0x50  }
0x3c: {  	[sflag:s8] =	ssyncset.done $0x0  }
0x3d: {  	s4 =	rddreg [dreg:$0x7];
	[sflag:s8] =	ssyncadd.s32 $0xFFFFFFB0  }
0x3e: {  	[tilespmem:s24], [sflag:$0x4] =	stream.linear.gather [hbm4b:s4+s5], $0x20, $0x38;
	[tilespmem:$0x11700] =	vst v63  }
.Ltmp2:
0x3f: {  	_ =	swait.ge [sflag:s8], $0x20;
	(pc) =	sbr.rel @!p0 .LBB2_2-.Ltmp2, $4  }
0x40: {  	[sflag:s8] =	ssyncset.done $0x0  }
0x41: {  	[sflag:s8] =	ssyncadd.s32 $0xFFFFFFE0  }
0x42: {  	v1 =	vld.idx.msk [tilespmem:v39+s20+$0x0], $0xffff  }
0x43: {  	v2 =	vld.idx.msk [tilespmem:v43+s20+$0x0], $0xffff  }
0x44: {  	_ =	sdelay $0x3  }
0x45: {  	v2 =	vmul.f32 $3.200000000e+01, v2  }
0x46: {  	v1 =	vmul.f32 $3.200000000e+01, v1  }
0x47: {  	v2 =	vtrunc.f32 v2  }
0x48: {  	v1 =	vtrunc.f32 v1;
	v2 =	vcvt.f32.s32 v2  }
0x49: {  	v1 =	vcvt.f32.s32 v1  }
0x4a: {  	vm7 =	vgt.s32 v2, $0x0  }
0x4b: {  	v2 =	vnsel vm7, $0x0, v2;
	vm7 =	vgt.s32 v1, $0x0  }
0x4c: {  	v1 =	vnsel vm7, $0x0, v1;
	v2 =	vmin.u32 v2, $0x1F  }
0x4d: {  	v1 =	vmin.u32 v1, $0x1F;
	v2 =	vshll.u32 v2, $0x5  }
0x4e: {  	v1 =	vor.u32 v1, v2  }
0x4f: {  	[tilespmem:$0x11500] =	vst v1  }
0x50: {  	v2 =	vld.idx.msk [tilespmem:v48+s20+$0x0], $0xffff  }
0x51: {  	v4 =	vld.idx.msk [tilespmem:v45+s20+$0x0], $0xffff;
	_ =	sdelay $0x3  }
0x52: {  	v2 =	vmul.f32 $3.200000000e+01, v2  }
0x53: {  	v4 =	vmul.f32 $3.200000000e+01, v4  }
0x54: {  	v2 =	vtrunc.f32 v2  }
0x55: {  	v4 =	vtrunc.f32 v4;
	v2 =	vcvt.f32.s32 v2  }
0x56: {  	v4 =	vcvt.f32.s32 v4  }
0x57: {  	vm7 =	vgt.s32 v2, $0x0  }
0x58: {  	v2 =	vnsel vm7, $0x0, v2;
	vm7 =	vgt.s32 v4, $0x0  }
0x59: {  	v4 =	vnsel vm7, $0x0, v4;
	v2 =	vmin.u32 v2, $0x1F  }
0x5a: {  	s8 =	simm.s32 $0x0;
	v4 =	vmin.u32 v4, $0x1F;
	v2 =	vshll.u32 v2, $0x5  }
0x5b: {  	s8 =	sand.u32 $0xF, s8;
	v2 =	vor.u32 v4, v2  }
0x5c: {  	p1 =	por $0x1, $0x1;
	v4 =	vmov s8;
	v2 =	vnsel vm1, $0xFFFFFFFF, v2  }
0x5d: {  	vm7 =	veq.s32 v4, v0;
	v4 =	vpsel p1, v1, v2  }
0x5e: {  	s19 =	simm.s32 $0x1;
	v4 =	vnsel vm7, $0x0, v4  }
0x5f: {  	s8 =	sand.u32 $0xF, s19;
	(xrf0) =	vadd.scan.msk.s32 $0xffff, v4  }
0x60: {  	p2 =	por $0x1, $0x1;
	v4 =	vmov s8  }
0x61: {  	vm7 =	veq.s32 v4, v0;
	v4 =	vpsel p2, v1, v2  }
0x62: {  	v4 =	vnsel vm7, $0x0, v4  }
0x63: {  	(xrf0) =	vadd.scan.msk.s32 $0xffff, v4;
	_ =	sdelay $0x1  }
0x64: {  	v5, _, _ =	vpop (xrf0)  }
0x65: {  	(v2sf) =	vpush v5, $0xF;
	_ =	sdelay $0x1  }
0x66: {  	s20 =	simm.s32 $0x2  }
0x67: {  	s8 =	sand.u32 $0xF, s20;
	v4, _, _ =	vpop (xrf0)  }
0x68: {  	p3 =	por $0x1, $0x1;
	(v2sf) =	vpush v4, $0xF;
	v4 =	vmov s8  }
0x69: {  	s21 =	simm.s32 $0x3;
	vm7 =	veq.s32 v4, v0;
	v4 =	vpsel p3, v1, v2  }
0x6a: {  	s8 =	sand.u32 $0xF, s21;
	v4 =	vnsel vm7, $0x0, v4  }
0x6b: {  	p4 =	por $0x1, $0x1;
	v5 =	vmov s8;
	(xrf0) =	vadd.scan.msk.s32 $0xffff, v4  }
0x6c: {  	vm7 =	veq.s32 v5, v0;
	v5 =	vpsel p4, v1, v2  }
0x6d: {  	s9 =	simm.s32 $0x4;
	p5 =	por $0x1, $0x1;
	v4 =	vnsel vm7, $0x0, v5  }
0x6e: {  	s4 =	sand.u32 $0xF, s9;
	v5 =	vpsel p5, v1, v2;
	(xrf0) =	vadd.scan.msk.s32 $0xffff, v4  }
0x6f: {  	v8 =	vmov s4  }
0x70: {  	vm7 =	veq.s32 v8, v0  }
0x71: {  	v4 =	vnsel vm7, $0x0, v5;
	v5, _, _ =	vpop (xrf0)  }
0x72: {  	(v2sf) =	vpush v5, $0xF  }
0x73: {  	s9 =	spop (v2sf)  }
0x74: {  	v5, _, _ =	vpop (xrf0);
	s8 =	sshll.u32 s9, $0x7  }
0x75: {  	(v2sf) =	vpush v5, $0xF;
	s15 =	sand.u32 $0xFFFFF000, s8  }
0x76: {  	s9 =	sadd.s32 s10, s15;
	s15 =	simm.s32 $0x5  }
0x77: {  	(xrf0) =	vadd.scan.msk.s32 $0xffff, v4;
	s17 =	sand.u32 $0xF, s15  }
0x78: {  	p6 =	por $0x1, $0x1;
	s8 =	sand.u32 $0xF80, s8;
	v4 =	vmov s17  }
0x79: {  	s8 =	sor.u32 s8, s9;
	vm7 =	veq.s32 v4, v0;
	v4 =	vpsel p6, v1, v2  }
0x7a: {  	s19 =	sshrl.u32 s8, $0x3;
	v4 =	vnsel vm7, $0x0, v4  }
0x7b: {  	[tilespmem:$0x11510] =	vst v2;
	s21 =	spop (v2sf);
	s8 =	simm.s32 $0x10000;
	s20 =	sadd.s32 s1, s19  }
0x7c: {  	[tilespmem:s8], [sflag:$0x1] =	stream.linear.gather [hbm4b:s20+s5], $0x80, $0x38;
	[tilespmem:$0x11700] =	vst v63  }
0x7d: {  	s9 =	simm.s32 $0x6;
	s15 =	sshll.u32 s21, $0x7;
	(xrf0) =	vadd.scan.msk.s32 $0xffff, v4;
	v4, _, _ =	vpop (xrf0)  }
.LBB2_8:
0x7e: {  	p2 =	slt.u32 s9, $0x10;
	(v2sf) =	vpush v4, $0xF;
	s17 =	sand.u32 $0xFFFFF000, s15;
	s19 =	sand.u32 $0xF, s9  }
0x7f: {  	s15 =	sand.u32 $0xF80, s15;
	p1 =	sne.s32 s9, $0x13;
	s17 =	sadd.s32 s10, s17  }
.Ltmp3:
0x80: {  	s9 =	sadd.s32 $0x1, s9;
	v4 =	vmov s19;
	s15 =	sor.u32 s15, s17;
	(pc) =	sbr.rel @p1 .LBB2_8-.Ltmp3, $4  }
0x81: {  	v8 =	vpsel p2, v1, v2;
	vm7 =	veq.s32 v4, v0;
	s17 =	spop (v2sf);
	s19 =	sshrl.u32 s15, $0x3  }
0x82: {  	s8 =	sadd.s32 $0x80, s8;
	v5 =	vnsel vm7, $0x0, v8;
	s15 =	sshll.u32 s17, $0x7;
	s17 =	sadd.s32 s1, s19  }
0x83: {  	(xrf0) =	vadd.scan.msk.s32 $0xffff, v5  }
0x84: {  	v4, _, _ =	vpop (xrf0);
	[tilespmem:s8], [sflag:$0x1] =	stream.linear.gather [hbm4b:s17+s5], $0x80, $0x38;
	[tilespmem:$0x11700] =	vst v63  }
0x85: {  	(v2sf) =	vpush v4, $0xF;
	s9 =	sand.u32 $0xFFFFF000, s15  }
0x86: {  	s17 =	sand.u32 $0xF80, s15;
	s9 =	sadd.s32 s10, s9  }
0x87: {  	s19 =	spop (v2sf);
	s9 =	sor.u32 s17, s9  }
0x88: {  	s15 =	sshll.u32 s19, $0x7;
	s9 =	sshrl.u32 s9, $0x3  }
0x89: {  	s8 =	sadd.s32 $0x80, s8;
	s20 =	sand.u32 $0xFFFFF000, s15;
	s9 =	sadd.s32 s1, s9  }
0x8a: {  	v1, _, _ =	vpop (xrf0);
	[tilespmem:s8], [sflag:$0x1] =	stream.linear.gather [hbm4b:s9+s5], $0x80, $0x38;
	[tilespmem:$0x11700] =	vst v63  }
0x8b: {  	s15 =	sand.u32 $0xF80, s15;
	(v2sf) =	vpush v1, $0xF;
	s9 =	sadd.s32 s10, s20  }
0x8c: {  	s9 =	sor.u32 s15, s9  }
0x8d: {  	s9 =	sshrl.u32 s9, $0x3;
	s21 =	spop (v2sf)  }
0x8e: {  	s8 =	sadd.s32 $0x80, s8;
	s9 =	sadd.s32 s1, s9;
	s15 =	sshll.u32 s21, $0x7  }
0x8f: {  	[tilespmem:s8], [sflag:$0x1] =	stream.linear.gather [hbm4b:s9+s5], $0x80, $0x38;
	[tilespmem:$0x11700] =	vst v63  }
0x90: {  	s4 =	sand.u32 $0xFFFFF000, s15  }
0x91: {  	s15 =	sand.u32 $0xF80, s15;
	s9 =	sadd.s32 s10, s4  }
0x92: {  	s9 =	sor.u32 s15, s9  }
0x93: {  	s9 =	sshrl.u32 s9, $0x3  }
0x94: {  	s8 =	sadd.s32 $0x80, s8;
	s9 =	sadd.s32 s1, s9;
	s17 =	spop (v2sf)  }
0x95: {  	[tilespmem:s8], [sflag:$0x1] =	stream.linear.gather [hbm4b:s9+s5], $0x80, $0x38;
	[tilespmem:$0x11700] =	vst v63  }
0x96: {  	s15 =	sshll.u32 s17, $0x7  }
0x97: {  	s19 =	sand.u32 $0xFFFFF000, s15  }
0x98: {  	s15 =	sand.u32 $0xF80, s15;
	s9 =	sadd.s32 s10, s19  }
0x99: {  	s9 =	sor.u32 s15, s9  }
0x9a: {  	s20 =	spop (v2sf);
	s9 =	sshrl.u32 s9, $0x3  }
0x9b: {  	s8 =	sadd.s32 $0x80, s8;
	s15 =	sshll.u32 s20, $0x7;
	s9 =	sadd.s32 s1, s9  }
0x9c: {  	[tilespmem:s8], [sflag:$0x1] =	stream.linear.gather [hbm4b:s9+s5], $0x80, $0x38;
	[tilespmem:$0x11700] =	vst v63  }
0x9d: {  	s21 =	sand.u32 $0xFFFFF000, s15  }
.Ltmp4:
0x9e: {  	s15 =	sand.u32 $0xF80, s15;
	s9 =	sadd.s32 s10, s21;
	(pc) =	sbr.rel .LBB2_10-.Ltmp4, $4  }
0x9f: {  	s9 =	sor.u32 s15, s9  }
0xa0: {  	s9 =	sshrl.u32 s9, $0x3  }
0xa1: {  	s8 =	sadd.s32 $0x80, s8;
	s9 =	sadd.s32 s1, s9  }
0xa2: {  	[tilespmem:s8], [sflag:$0x1] =	stream.linear.gather [hbm4b:s9+s5], $0x80, $0x38;
	[tilespmem:$0x11700] =	vst v63  }
.LBB2_2:
0xa3: {  	_ =	sdelay $0x3  }
0xa4: {  	v2 =	vmul.f32 $6.400000000e+01, v2  }
0xa5: {  	v1 =	vmul.f32 $6.400000000e+01, v1  }
0xa6: {  	v2 =	vtrunc.f32 v2  }
0xa7: {  	v1 =	vtrunc.f32 v1;
	v2 =	vcvt.f32.s32 v2  }
0xa8: {  	v1 =	vcvt.f32.s32 v1  }
0xa9: {  	vm7 =	vgt.s32 v2, $0x0  }
0xaa: {  	v2 =	vnsel vm7, $0x0, v2;
	vm7 =	vgt.s32 v1, $0x0  }
0xab: {  	v1 =	vnsel vm7, $0x0, v1;
	v2 =	vmin.u32 v2, $0x3F  }
0xac: {  	v1 =	vmin.u32 v1, $0x3F;
	v2 =	vshll.u32 v2, $0x6  }
0xad: {  	v1 =	vor.u32 v1, v2  }
0xae: {  	[tilespmem:$0x11500] =	vst v1  }
0xaf: {  	v2 =	vld.idx.msk [tilespmem:v48+s20+$0x0], $0xffff  }
0xb0: {  	v4 =	vld.idx.msk [tilespmem:v45+s20+$0x0], $0xffff;
	_ =	sdelay $0x3  }
0xb1: {  	v2 =	vmul.f32 $6.400000000e+01, v2  }
0xb2: {  	v4 =	vmul.f32 $6.400000000e+01, v4  }
0xb3: {  	v2 =	vtrunc.f32 v2  }
0xb4: {  	v4 =	vtrunc.f32 v4;
	v2 =	vcvt.f32.s32 v2  }
0xb5: {  	v4 =	vcvt.f32.s32 v4  }
0xb6: {  	vm7 =	vgt.s32 v2, $0x0  }
0xb7: {  	v2 =	vnsel vm7, $0x0, v2;
	vm7 =	vgt.s32 v4, $0x0  }
0xb8: {  	v4 =	vnsel vm7, $0x0, v4;
	v2 =	vmin.u32 v2, $0x3F  }
0xb9: {  	s8 =	simm.s32 $0x0;
	v4 =	vmin.u32 v4, $0x3F;
	v2 =	vshll.u32 v2, $0x6  }
0xba: {  	s8 =	sand.u32 $0xF, s8;
	v2 =	vor.u32 v4, v2  }
0xbb: {  	p1 =	por $0x1, $0x1;
	v4 =	vmov s8;
	v2 =	vnsel vm1, $0xFFFFFFFF, v2  }
0xbc: {  	s9 =	simm.s32 $0x1;
	vm7 =	veq.s32 v4, v0;
	v4 =	vpsel p1, v1, v2  }
0xbd: {  	s8 =	sand.u32 $0xF, s9;
	v4 =	vnsel vm7, $0x0, v4  }
0xbe: {  	p2 =	por $0x1, $0x1;
	(xrf0) =	vadd.scan.msk.s32 $0xffff, v4;
	v4 =	vmov s8  }
0xbf: {  	vm7 =	veq.s32 v4, v0;
	v4 =	vpsel p2, v1, v2  }
0xc0: {  	v4 =	vnsel vm7, $0x0, v4  }
0xc1: {  	(xrf0) =	vadd.scan.msk.s32 $0xffff, v4;
	_ =	sdelay $0x3  }
0xc2: {  	v5, _, _ =	vpop (xrf0)  }
0xc3: {  	s15 =	simm.s32 $0x2;
	(v2sf) =	vpush v5, $0xF  }
0xc4: {  	s8 =	sand.u32 $0xF, s15;
	v4, _, _ =	vpop (xrf0)  }
0xc5: {  	p3 =	por $0x1, $0x1;
	(v2sf) =	vpush v4, $0xF;
	v4 =	vmov s8  }
0xc6: {  	s17 =	simm.s32 $0x3;
	vm7 =	veq.s32 v4, v0;
	v4 =	vpsel p3, v1, v2  }
0xc7: {  	s8 =	sand.u32 $0xF, s17;
	v4 =	vnsel vm7, $0x0, v4  }
0xc8: {  	p4 =	por $0x1, $0x1;
	v5 =	vmov s8;
	(xrf0) =	vadd.scan.msk.s32 $0xffff, v4  }
0xc9: {  	vm7 =	veq.s32 v5, v0;
	v5 =	vpsel p4, v1, v2  }
0xca: {  	p5 =	por $0x1, $0x1;
	s9 =	simm.s32 $0x4;
	v4 =	vnsel vm7, $0x0, v5  }
0xcb: {  	s19 =	sand.u32 $0xF, s9;
	v5 =	vpsel p5, v1, v2;
	(xrf0) =	vadd.scan.msk.s32 $0xffff, v4  }
0xcc: {  	v8 =	vmov s19  }
0xcd: {  	vm7 =	veq.s32 v8, v0  }
0xce: {  	v4 =	vnsel vm7, $0x0, v5;
	v5, _, _ =	vpop (xrf0)  }
0xcf: {  	(v2sf) =	vpush v5, $0xF;
	_ =	sdelay $0x1  }
0xd0: {  	v5, _, _ =	vpop (xrf0)  }
0xd1: {  	s21 =	spop (v2sf);
	(v2sf) =	vpush v5, $0xF  }
0xd2: {  	s15 =	simm.s32 $0x5  }
0xd3: {  	s15 =	sand.u32 $0xF, s15;
	(xrf0) =	vadd.scan.msk.s32 $0xffff, v4;
	s8 =	sshll.u32 s21, $0x7  }
0xd4: {  	p6 =	por $0x1, $0x1;
	v4 =	vmov s15;
	s4 =	sand.u32 $0xFFFFE000, s8  }
0xd5: {  	vm7 =	veq.s32 v4, v0;
	v4 =	vpsel p6, v1, v2;
	s8 =	sand.u32 $0x1F80, s8;
	s9 =	sadd.s32 s11, s4  }
0xd6: {  	v4 =	vnsel vm7, $0x0, v4;
	s8 =	sor.u32 s8, s9  }
0xd7: {  	s21 =	spop (v2sf);
	s9 =	simm.s32 $0x6;
	s17 =	sshrl.u32 s8, $0x3  }
0xd8: {  	[tilespmem:$0x11510] =	vst v2;
	(xrf0) =	vadd.scan.msk.s32 $0xffff, v4;
	s15 =	sshll.u32 s21, $0x7;
	s8 =	simm.s32 $0x10000;
	s19 =	sadd.s32 s0, s17  }
0xd9: {  	v4, _, _ =	vpop (xrf0);
	[tilespmem:s8], [sflag:$0x1] =	stream.linear.gather [hbm4b:s19+s5], $0x80, $0x38;
	[tilespmem:$0x11700] =	vst v63  }
.LBB2_3:
0xda: {  	p2 =	slt.u32 s9, $0x10;
	(v2sf) =	vpush v4, $0xF;
	s17 =	sand.u32 $0xFFFFE000, s15;
	s19 =	sand.u32 $0xF, s9  }
0xdb: {  	s15 =	sand.u32 $0x1F80, s15;
	p1 =	sne.s32 s9, $0x13;
	s17 =	sadd.s32 s11, s17  }
.Ltmp5:
0xdc: {  	s9 =	sadd.s32 $0x1, s9;
	v4 =	vmov s19;
	s15 =	sor.u32 s15, s17;
	(pc) =	sbr.rel @p1 .LBB2_3-.Ltmp5, $4  }
0xdd: {  	v8 =	vpsel p2, v1, v2;
	vm7 =	veq.s32 v4, v0;
	s17 =	spop (v2sf);
	s19 =	sshrl.u32 s15, $0x3  }
0xde: {  	s8 =	sadd.s32 $0x80, s8;
	v5 =	vnsel vm7, $0x0, v8;
	s15 =	sshll.u32 s17, $0x7;
	s17 =	sadd.s32 s0, s19  }
0xdf: {  	(xrf0) =	vadd.scan.msk.s32 $0xffff, v5  }
0xe0: {  	v4, _, _ =	vpop (xrf0);
	[tilespmem:s8], [sflag:$0x1] =	stream.linear.gather [hbm4b:s17+s5], $0x80, $0x38;
	[tilespmem:$0x11700] =	vst v63  }
0xe1: {  	(v2sf) =	vpush v4, $0xF;
	s9 =	sand.u32 $0xFFFFE000, s15  }
0xe2: {  	s19 =	sand.u32 $0x1F80, s15;
	s9 =	sadd.s32 s11, s9  }
0xe3: {  	s21 =	spop (v2sf);
	s9 =	sor.u32 s19, s9  }
0xe4: {  	s15 =	sshll.u32 s21, $0x7;
	s9 =	sshrl.u32 s9, $0x3  }
0xe5: {  	s8 =	sadd.s32 $0x80, s8;
	s4 =	sand.u32 $0xFFFFE000, s15;
	s9 =	sadd.s32 s0, s9  }
0xe6: {  	v1, _, _ =	vpop (xrf0);
	[tilespmem:s8], [sflag:$0x1] =	stream.linear.gather [hbm4b:s9+s5], $0x80, $0x38;
	[tilespmem:$0x11700] =	vst v63  }
0xe7: {  	s15 =	sand.u32 $0x1F80, s15;
	(v2sf) =	vpush v1, $0xF;
	s9 =	sadd.s32 s11, s4  }
0xe8: {  	s9 =	sor.u32 s15, s9  }
0xe9: {  	s9 =	sshrl.u32 s9, $0x3;
	s17 =	spop (v2sf)  }
0xea: {  	s8 =	sadd.s32 $0x80, s8;
	s9 =	sadd.s32 s0, s9;
	s15 =	sshll.u32 s17, $0x7  }
0xeb: {  	[tilespmem:s8], [sflag:$0x1] =	stream.linear.gather [hbm4b:s9+s5], $0x80, $0x38;
	[tilespmem:$0x11700] =	vst v63  }
0xec: {  	s19 =	sand.u32 $0xFFFFE000, s15  }
0xed: {  	s15 =	sand.u32 $0x1F80, s15;
	s9 =	sadd.s32 s11, s19  }
0xee: {  	s9 =	sor.u32 s15, s9  }
0xef: {  	s9 =	sshrl.u32 s9, $0x3  }
0xf0: {  	s8 =	sadd.s32 $0x80, s8;
	s9 =	sadd.s32 s0, s9;
	s21 =	spop (v2sf)  }
0xf1: {  	[tilespmem:s8], [sflag:$0x1] =	stream.linear.gather [hbm4b:s9+s5], $0x80, $0x38;
	[tilespmem:$0x11700] =	vst v63  }
0xf2: {  	s15 =	sshll.u32 s21, $0x7  }
0xf3: {  	s4 =	sand.u32 $0xFFFFE000, s15  }
0xf4: {  	s15 =	sand.u32 $0x1F80, s15;
	s9 =	sadd.s32 s11, s4  }
0xf5: {  	s9 =	sor.u32 s15, s9  }
0xf6: {  	s17 =	spop (v2sf);
	s9 =	sshrl.u32 s9, $0x3  }
0xf7: {  	s8 =	sadd.s32 $0x80, s8;
	s15 =	sshll.u32 s17, $0x7;
	s9 =	sadd.s32 s0, s9  }
0xf8: {  	[tilespmem:s8], [sflag:$0x1] =	stream.linear.gather [hbm4b:s9+s5], $0x80, $0x38;
	[tilespmem:$0x11700] =	vst v63  }
0xf9: {  	s19 =	sand.u32 $0xFFFFE000, s15  }
0xfa: {  	s15 =	sand.u32 $0x1F80, s15;
	s9 =	sadd.s32 s11, s19  }
0xfb: {  	s9 =	sor.u32 s15, s9  }
0xfc: {  	s9 =	sshrl.u32 s9, $0x3  }
0xfd: {  	s8 =	sadd.s32 $0x80, s8;
	s9 =	sadd.s32 s0, s9  }
0xfe: {  	[tilespmem:s8], [sflag:$0x1] =	stream.linear.gather [hbm4b:s9+s5], $0x80, $0x38;
	[tilespmem:$0x11700] =	vst v63  }
0xff: {  	v1 =	vld.idx.msk [tilespmem:v43+s20+$0x0], $0xffff  }
0x100: {  	v2 =	vld.idx.msk [tilespmem:v39+s20+$0x0], $0xffff;
	_ =	sdelay $0x3  }
0x101: {  	v1 =	vmul.f32 $1.600000000e+01, v1  }
0x102: {  	v2 =	vmul.f32 $1.600000000e+01, v2  }
0x103: {  	v1 =	vtrunc.f32 v1  }
0x104: {  	v2 =	vtrunc.f32 v2;
	v1 =	vcvt.f32.s32 v1  }
0x105: {  	v2 =	vcvt.f32.s32 v2  }
0x106: {  	vm7 =	vgt.s32 v1, $0x0  }
0x107: {  	v1 =	vnsel vm7, $0x0, v1;
	vm7 =	vgt.s32 v2, $0x0  }
0x108: {  	v2 =	vnsel vm7, $0x0, v2;
	v1 =	vmin.u32 v1, $0xF  }
0x109: {  	v2 =	vmin.u32 v2, $0xF;
	v1 =	vshll.u32 v1, $0x4  }
0x10a: {  	v1 =	vor.u32 v2, v1  }
0x10b: {  	[tilespmem:$0x11520] =	vst v1  }
0x10c: {  	v2 =	vld.idx.msk [tilespmem:v48+s20+$0x0], $0xffff  }
0x10d: {  	v4 =	vld.idx.msk [tilespmem:v45+s20+$0x0], $0xffff;
	_ =	sdelay $0x3  }
0x10e: {  	v2 =	vmul.f32 $1.600000000e+01, v2  }
0x10f: {  	v4 =	vmul.f32 $1.600000000e+01, v4  }
0x110: {  	v2 =	vtrunc.f32 v2  }
0x111: {  	v4 =	vtrunc.f32 v4;
	v2 =	vcvt.f32.s32 v2  }
0x112: {  	v4 =	vcvt.f32.s32 v4  }
0x113: {  	vm7 =	vgt.s32 v2, $0x0  }
0x114: {  	v2 =	vnsel vm7, $0x0, v2;
	vm7 =	vgt.s32 v4, $0x0  }
0x115: {  	v4 =	vnsel vm7, $0x0, v4;
	v2 =	vmin.u32 v2, $0xF  }
0x116: {  	s21 =	simm.s32 $0x0;
	v4 =	vmin.u32 v4, $0xF;
	v2 =	vshll.u32 v2, $0x4  }
0x117: {  	s8 =	sand.u32 $0xF, s21;
	v2 =	vor.u32 v4, v2  }
0x118: {  	p1 =	por $0x1, $0x1;
	v4 =	vmov s8;
	v2 =	vnsel vm1, $0xFFFFFFFF, v2  }
0x119: {  	vm7 =	veq.s32 v4, v0;
	v4 =	vpsel p1, v1, v2  }
0x11a: {  	v4 =	vnsel vm7, $0x0, v4  }
0x11b: {  	s4 =	simm.s32 $0x1;
	(xrf0) =	vadd.scan.msk.s32 $0xffff, v4  }
0x11c: {  	s8 =	sand.u32 $0xF, s4  }
0x11d: {  	p2 =	por $0x1, $0x1;
	v4 =	vmov s8  }
0x11e: {  	vm7 =	veq.s32 v4, v0;
	v4 =	vpsel p2, v1, v2  }
0x11f: {  	v4 =	vnsel vm7, $0x0, v4  }
0x120: {  	(xrf0) =	vadd.scan.msk.s32 $0xffff, v4  }
0x121: {  	v5, _, _ =	vpop (xrf0)  }
0x122: {  	(v2sf) =	vpush v5, $0xF;
	_ =	sdelay $0x2  }
0x123: {  	s9 =	simm.s32 $0x2  }
0x124: {  	s8 =	sand.u32 $0xF, s9;
	v4, _, _ =	vpop (xrf0)  }
0x125: {  	p3 =	por $0x1, $0x1;
	(v2sf) =	vpush v4, $0xF;
	v4 =	vmov s8  }
0x126: {  	s15 =	simm.s32 $0x3;
	vm7 =	veq.s32 v4, v0;
	v4 =	vpsel p3, v1, v2  }
0x127: {  	s8 =	sand.u32 $0xF, s15;
	v4 =	vnsel vm7, $0x0, v4  }
0x128: {  	p4 =	por $0x1, $0x1;
	v5 =	vmov s8;
	(xrf0) =	vadd.scan.msk.s32 $0xffff, v4  }
0x129: {  	vm7 =	veq.s32 v5, v0;
	v5 =	vpsel p4, v1, v2  }
0x12a: {  	p5 =	por $0x1, $0x1;
	s17 =	simm.s32 $0x4;
	v4 =	vnsel vm7, $0x0, v5  }
0x12b: {  	s19 =	sand.u32 $0xF, s17;
	v5 =	vpsel p5, v1, v2;
	(xrf0) =	vadd.scan.msk.s32 $0xffff, v4  }
0x12c: {  	v8 =	vmov s19  }
0x12d: {  	vm7 =	veq.s32 v8, v0  }
0x12e: {  	v4 =	vnsel vm7, $0x0, v5;
	v5, _, _ =	vpop (xrf0)  }
0x12f: {  	s20 =	spop (v2sf);
	(v2sf) =	vpush v5, $0xF;
	_ =	sdelay $0x1  }
0x130: {  	v5, _, _ =	vpop (xrf0)  }
0x131: {  	(v2sf) =	vpush v5, $0xF  }
0x132: {  	s4 =	simm.s32 $0x5  }
0x133: {  	s17 =	sand.u32 $0xF, s4;
	(xrf0) =	vadd.scan.msk.s32 $0xffff, v4;
	s8 =	sshll.u32 s20, $0x7  }
0x134: {  	p6 =	por $0x1, $0x1;
	v4 =	vmov s17;
	s21 =	sand.u32 $0xFFFFF800, s8  }
0x135: {  	vm7 =	veq.s32 v4, v0;
	v4 =	vpsel p6, v1, v2;
	s8 =	sand.u32 $0x780, s8;
	s9 =	sadd.s32 s12, s21  }
0x136: {  	v4 =	vnsel vm7, $0x0, v4;
	s8 =	sor.u32 s8, s9  }
0x137: {  	s21 =	spop (v2sf);
	s9 =	simm.s32 $0x6;
	s19 =	sshrl.u32 s8, $0x3  }
0x138: {  	[tilespmem:$0x11530] =	vst v2;
	(xrf0) =	vadd.scan.msk.s32 $0xffff, v4;
	s15 =	sshll.u32 s21, $0x7;
	s8 =	simm.s32 $0x10A00;
	s20 =	sadd.s32 s2, s19  }
0x139: {  	v4, _, _ =	vpop (xrf0);
	[tilespmem:s8], [sflag:$0x1] =	stream.linear.gather [hbm4b:s20+s5], $0x80, $0x38;
	[tilespmem:$0x11700] =	vst v63  }
.LBB2_5:
0x13a: {  	p2 =	slt.u32 s9, $0x10;
	(v2sf) =	vpush v4, $0xF;
	s17 =	sand.u32 $0xFFFFF800, s15;
	s19 =	sand.u32 $0xF, s9  }
0x13b: {  	s15 =	sand.u32 $0x780, s15;
	p1 =	seq.s32 s9, $0x13;
	s17 =	sadd.s32 s12, s17  }
.Ltmp6:
0x13c: {  	s9 =	sadd.s32 $0x1, s9;
	v4 =	vmov s19;
	s15 =	sor.u32 s15, s17;
	(pc) =	sbr.rel @!p1 .LBB2_5-.Ltmp6, $4  }
0x13d: {  	v8 =	vpsel p2, v1, v2;
	vm7 =	veq.s32 v4, v0;
	s17 =	spop (v2sf);
	s19 =	sshrl.u32 s15, $0x3  }
0x13e: {  	s8 =	sadd.s32 $0x80, s8;
	v5 =	vnsel vm7, $0x0, v8;
	s15 =	sshll.u32 s17, $0x7;
	s17 =	sadd.s32 s2, s19  }
0x13f: {  	(xrf0) =	vadd.scan.msk.s32 $0xffff, v5  }
0x140: {  	v4, _, _ =	vpop (xrf0);
	[tilespmem:s8], [sflag:$0x1] =	stream.linear.gather [hbm4b:s17+s5], $0x80, $0x38;
	[tilespmem:$0x11700] =	vst v63  }
0x141: {  	(v2sf) =	vpush v4, $0xF;
	s9 =	sand.u32 $0xFFFFF800, s15  }
0x142: {  	s17 =	sand.u32 $0x780, s15;
	s9 =	sadd.s32 s12, s9  }
0x143: {  	s19 =	spop (v2sf);
	s9 =	sor.u32 s17, s9  }
0x144: {  	s15 =	sshll.u32 s19, $0x7;
	s9 =	sshrl.u32 s9, $0x3  }
0x145: {  	s8 =	sadd.s32 $0x80, s8;
	s20 =	sand.u32 $0xFFFFF800, s15;
	s9 =	sadd.s32 s2, s9  }
0x146: {  	v1, _, _ =	vpop (xrf0);
	[tilespmem:s8], [sflag:$0x1] =	stream.linear.gather [hbm4b:s9+s5], $0x80, $0x38;
	[tilespmem:$0x11700] =	vst v63  }
0x147: {  	s15 =	sand.u32 $0x780, s15;
	(v2sf) =	vpush v1, $0xF;
	s9 =	sadd.s32 s12, s20  }
0x148: {  	s9 =	sor.u32 s15, s9  }
0x149: {  	s9 =	sshrl.u32 s9, $0x3;
	s21 =	spop (v2sf)  }
0x14a: {  	s8 =	sadd.s32 $0x80, s8;
	s9 =	sadd.s32 s2, s9;
	s15 =	sshll.u32 s21, $0x7  }
0x14b: {  	[tilespmem:s8], [sflag:$0x1] =	stream.linear.gather [hbm4b:s9+s5], $0x80, $0x38;
	[tilespmem:$0x11700] =	vst v63  }
0x14c: {  	s4 =	sand.u32 $0xFFFFF800, s15  }
0x14d: {  	s15 =	sand.u32 $0x780, s15;
	s9 =	sadd.s32 s12, s4  }
0x14e: {  	s9 =	sor.u32 s15, s9  }
0x14f: {  	s9 =	sshrl.u32 s9, $0x3  }
0x150: {  	s8 =	sadd.s32 $0x80, s8;
	s9 =	sadd.s32 s2, s9;
	s17 =	spop (v2sf)  }
0x151: {  	[tilespmem:s8], [sflag:$0x1] =	stream.linear.gather [hbm4b:s9+s5], $0x80, $0x38;
	[tilespmem:$0x11700] =	vst v63  }
0x152: {  	s15 =	sshll.u32 s17, $0x7  }
0x153: {  	s19 =	sand.u32 $0xFFFFF800, s15  }
0x154: {  	s15 =	sand.u32 $0x780, s15;
	s9 =	sadd.s32 s12, s19  }
0x155: {  	s9 =	sor.u32 s15, s9  }
0x156: {  	s20 =	spop (v2sf);
	s9 =	sshrl.u32 s9, $0x3  }
0x157: {  	s8 =	sadd.s32 $0x80, s8;
	s15 =	sshll.u32 s20, $0x7;
	s9 =	sadd.s32 s2, s9  }
0x158: {  	[tilespmem:s8], [sflag:$0x1] =	stream.linear.gather [hbm4b:s9+s5], $0x80, $0x38;
	[tilespmem:$0x11700] =	vst v63  }
0x159: {  	s21 =	sand.u32 $0xFFFFF800, s15  }
0x15a: {  	s15 =	sand.u32 $0x780, s15;
	s9 =	sadd.s32 s12, s21  }
0x15b: {  	s9 =	sor.u32 s15, s9  }
0x15c: {  	s9 =	sshrl.u32 s9, $0x3  }
0x15d: {  	s8 =	sadd.s32 $0x80, s8;
	s9 =	sadd.s32 s2, s9  }
0x15e: {  	[tilespmem:s8], [sflag:$0x1] =	stream.linear.gather [hbm4b:s9+s5], $0x80, $0x38;
	[tilespmem:$0x11700] =	vst v63  }
.LBB2_10:
0x15f: {  	s20 =	simm.s32 $0x0;
	s9 =	simm.f32 $0.0e+00;
	s21 =	simm.s32 $0x0  }
.LBB2_11:
0x160: {  	s19 =	sshll.u32 s21, $0x1;
	v1 =	vmov s20  }
0x161: {  	s8 =	sadd.s32 s19, s6;
	v1 =	vshll.u32 v1, $0x7  }
0x162: {  	s8 =	sshll.u32 s8, $0xC;
	v2 =	vor.u32 v3, v1  }
0x163: {  	v1 =	vand.u32 $0x6000, v1;
	s8 =	sadd.s32 $0x1000, s8;
	v2 =	vand.u32 $0x1F80, v2  }
0x164: {  	s8 =	sand.u32 $0xF000, s8;
	v1 =	vor.u32 v2, v1  }
0x165: {  	s8 =	sadd.s32 s8, s13;
	v1 =	vor.u32 $0x4, v1  }
0x166: {  	[tilespmem:s25], [sflag:$0x3] =	stream.linear.gather [hbm4b:s8+s20], $0x8000, $0x38;
	[tilespmem:$0x11700] =	vst v63  }
0x167: {  	_ =	swait.ge [sflag:s26], $0x8000  }
0x168: {  	s4 =	simm.s32 $0x10;
	[sflag:s26] =	ssyncset.done $0x0  }
0x169: {  	v2 =	vmov s4;
	[sflag:s26] =	ssyncadd.s32 $0xFFFF8000  }
0x16a: {  	v5 =	vld.idx.msk [tilespmem:v1+s5+$0x0], $0xffff;
	v1 =	vshll.u32 v2, $0x7  }
0x16b: {  	v2 =	vor.u32 v3, v1  }
0x16c: {  	v1 =	vand.u32 $0x6000, v1;
	v2 =	vand.u32 $0x1F80, v2  }
0x16d: {  	v1 =	vor.u32 v2, v1  }
0x16e: {  	v1 =	vor.u32 $0x4, v1  }
0x16f: {  	v2 =	vand.u32 $0x7FFFFFFF, v5  }
0x170: {  	v2 =	vsub.f32 $0.0e+00, v2;
	_ =	sdelay $0x1  }
0x171: {  	s15 =	simm.s32 $0x20;
	v4 =	vmul.f32 $1.442695020e+00, v2  }
0x172: {  	v2 =	vld.idx.msk [tilespmem:v1+s5+$0x0], $0xffff;
	v1 =	vmov s15  }
0x173: {  	(erf) = vpow2.f32 v4;
	v1 =	vshll.u32 v1, $0x7  }
0x174: {  	v4 =	vor.u32 v3, v1  }
0x175: {  	v1 =	vand.u32 $0x6000, v1;
	v4 =	vand.u32 $0x1F80, v4  }
0x176: {  	v1 =	vor.u32 v4, v1  }
0x177: {  	v4 =	vand.u32 $0x7FFFFFFF, v2;
	v1 =	vor.u32 $0x4, v1  }
0x178: {  	v4 =	vsub.f32 $0.0e+00, v4;
	_ =	sdelay $0x1  }
0x179: {  	v4 =	vmul.f32 $1.442695020e+00, v4  }
0x17a: {  	s17 =	simm.s32 $0x30  }
0x17b: {  	v8 =	vmov s17;
	v9 =	vpop (erf);
	(erf) = vpow2.f32 v4;
	v4 =	vld.idx.msk [tilespmem:v1+s5+$0x0], $0xffff  }
0x17c: {  	v8 =	vshll.u32 v8, $0x7;
	v11 =	vadd.f32 $2.000000000e+00, v9  }
0x17d: {  	v12 =	vor.u32 v3, v8  }
0x17e: {  	v1 =	vand.u32 $0x6000, v8;
	v8 =	vand.u32 $0x1F80, v12;
	(erf) = vrcp.f32 v11  }
0x17f: {  	v1 =	vor.u32 v8, v1  }
0x180: {  	v1 =	vor.u32 $0x4, v1;
	v8 =	vand.u32 $0x7FFFFFFF, v4  }
0x181: {  	v8 =	vsub.f32 $0.0e+00, v8;
	_ =	sdelay $0x1  }
0x182: {  	v8 =	vmul.f32 $1.442695020e+00, v8  }
0x183: {  	s4 =	simm.s32 $0x40  }
0x184: {  	v11 =	vmov s4;
	v1 =	vld.idx.msk [tilespmem:v1+s5+$0x0], $0xffff;
	v13 =	vpop (erf)  }
0x185: {  	v11 =	vshll.u32 v11, $0x7;
	v12 =	vadd.f32 $2.000000000e+00, v13;
	(erf) = vpow2.f32 v8  }
0x186: {  	v14 =	vand.u32 $0x6000, v11;
	v8 =	vpop (erf)  }
0x187: {  	v11 =	vor.u32 v3, v11;
	(erf) = vrcp.f32 v12;
	v12 =	vmul.f32 v8, v9  }
0x188: {  	v11 =	vand.u32 $0x1F80, v11  }
0x189: {  	v8 =	vor.u32 v11, v14;
	v9 =	vand.u32 $0x7FFFFFFF, v1;
	v17 =	vmul.f32 v12, v12  }
0x18a: {  	v8 =	vor.u32 $0x4, v8;
	v9 =	vsub.f32 $0.0e+00, v9  }
0x18b: {  	v11 =	vmul.f32 $1.111111120e-01, v17  }
0x18c: {  	s15 =	simm.s32 $0x50;
	v9 =	vmul.f32 $1.442695020e+00, v9  }
0x18d: {  	v14 =	vmov s15;
	v11 =	vadd.f32 $1.428571490e-01, v11  }
0x18e: {  	v14 =	vshll.u32 v14, $0x7;
	(erf) = vpow2.f32 v9;
	v15 =	vpop (erf)  }
0x18f: {  	v9 =	vor.u32 v3, v14;
	v8 =	vld.idx.msk [tilespmem:v8+s5+$0x0], $0xffff;
	v19 =	vadd.f32 $2.000000000e+00, v15;
	v11 =	vmul.f32 v11, v17  }
0x190: {  	v14 =	vand.u32 $0x6000, v14;
	v9 =	vand.u32 $0x1F80, v9;
	v16 =	vpop (erf)  }
0x191: {  	v13 =	vmul.f32 v16, v13;
	(erf) = vrcp.f32 v19;
	v16 =	vadd.f32 $2.000000030e-01, v11  }
0x192: {  	s17 =	simm.s32 $0x60;
	v9 =	vor.u32 v9, v14  }
0x193: {  	v9 =	vor.u32 $0x4, v9;
	v19 =	vmov s17;
	v16 =	vmul.f32 v16, v17  }
0x194: {  	v19 =	vshll.u32 v19, $0x7;
	v20 =	vand.u32 $0x7FFFFFFF, v8;
	v14 =	vmul.f32 v13, v13  }
0x195: {  	v20 =	vsub.f32 $0.0e+00, v20;
	v22 =	vadd.f32 $3.333333430e-01, v16;
	v16 =	vor.u32 v3, v19  }
0x196: {  	v21 =	vmul.f32 $1.111111120e-01, v14  }
0x197: {  	v11 =	vimm.f32 $0.0e+00;
	v23 =	vand.u32 $0x6000, v19;
	v20 =	vmul.f32 $1.442695020e+00, v20  }
0x198: {  	v9 =	vld.idx.msk [tilespmem:v9+s5+$0x0], $0xffff;
	v24 =	vand.u32 $0x1F80, v16;
	v19 =	vadd.f32 $1.428571490e-01, v21;
	v17 =	vmul.f32 v22, v17;
	v16 =	vpop (erf)  }
0x199: {  	s8 =	simm.s32 $0x70;
	v21 =	vor.u32 v24, v23;
	(erf) = vpow2.f32 v20;
	v20 =	vadd.f32 $2.000000000e+00, v16  }
.LBB2_12:
0x19a: {  	p1 =	sne.s32 s8, $0xF0;
	v22 =	vpop (erf);
	v19 =	vmul.f32 v19, v14;
	v17 =	vadd.f32 $1.000000000e+00, v17;
	v23 =	vadd.f32 v12, v12  }
0x19b: {  	v21 =	vor.u32 $0x4, v21;
	v12 =	vmov v13;
	(erf) = vrcp.f32 v20  }
0x19c: {  	v13 =	vmul.f32 v22, v15;
	v15 =	vmovc v16;
	v19 =	vadd.f32 $2.000000030e-01, v19;
	v17 =	vmul.f32 v17, v23  }
0x19d: {  	v16 =	vmov s8;
	v22 =	vmax.f32 v5, $0.0e+00;
	v5 =	vmovc v2;
	v2 =	vmovc v4;
	v20 =	vand.u32 $0x7FFFFFFF, v9  }
0x19e: {  	v4 =	vmovc v1;
	v23 =	vmul.f32 v13, v13;
	v19 =	vmul.f32 v19, v14;
	v17 =	vadd.f32 v17, v22  }
.Ltmp7:
0x19f: {  	v1 =	vmovc v8;
	v16 =	vshll.u32 v16, $0x7;
	v8 =	vmov v9;
	v20 =	vsub.f32 $0.0e+00, v20;
	(pc) =	sbr.rel @p1 .LBB2_12-.Ltmp7, $4  }
0x1a0: {  	v22 =	vmul.f32 $1.111111120e-01, v23;
	v24 =	vadd.f32 $3.333333430e-01, v19;
	v11 =	vadd.f32 v17, v11  }
0x1a1: {  	v25 =	vand.u32 $0x6000, v16;
	v20 =	vmul.f32 $1.442695020e+00, v20;
	v17 =	vor.u32 v3, v16;
	v9 =	vld.idx.msk [tilespmem:v21+s5+$0x0], $0xffff  }
0x1a2: {  	v21 =	vand.u32 $0x1F80, v17;
	v19 =	vadd.f32 $1.428571490e-01, v22;
	v16 =	vpop (erf);
	v17 =	vmul.f32 v24, v14  }
0x1a3: {  	s8 =	sadd.s32 $0x10, s8;
	v21 =	vor.u32 v21, v25;
	v14 =	vmovc v23;
	(erf) = vpow2.f32 v20;
	v20 =	vadd.f32 $2.000000000e+00, v16  }
0x1a4: {  	v21 =	vor.u32 $0x4, v21;
	_ =	sdelay $0x4  }
0x1a5: {  	v21 =	vld.idx.msk [tilespmem:v21+s5+$0x0], $0xffff;
	_ =	sdelay $0x2  }
0x1a6: {  	v22 =	vand.u32 $0x7FFFFFFF, v9  }
0x1a7: {  	v22 =	vsub.f32 $0.0e+00, v22  }
0x1a8: {  	v23 =	vpop (erf);
	v24 =	vand.u32 $0x7FFFFFFF, v21  }
0x1a9: {  	v22 =	vmul.f32 $1.442695020e+00, v22;
	v25 =	vpop (erf);
	v24 =	vsub.f32 $0.0e+00, v24  }
0x1aa: {  	(erf) = vrcp.f32 v20;
	v20 =	vadd.f32 $2.000000000e+00, v25  }
0x1ab: {  	(erf) = vpow2.f32 v22;
	v22 =	vmul.f32 $1.442695020e+00, v24  }
0x1ac: {  	(erf) = vrcp.f32 v20  }
0x1ad: {  	(erf) = vpow2.f32 v22;
	_ =	sdelay $0x5  }
0x1ae: {  	v15 =	vmul.f32 v23, v15;
	v20 =	vpop (erf)  }
0x1af: {  	v19 =	vmul.f32 v19, v14;
	v22 =	vpop (erf)  }
0x1b0: {  	v23 =	vmul.f32 v15, v15;
	v54 =	vadd.f32 $2.000000000e+00, v22;
	v26 =	vpop (erf)  }
0x1b1: {  	v19 =	vadd.f32 $2.000000030e-01, v19;
	v27 =	vpop (erf)  }
0x1b2: {  	v28 =	vmul.f32 $1.111111120e-01, v23;
	(erf) = vrcp.f32 v54;
	v55 =	vadd.f32 $2.000000000e+00, v27;
	_ =	sdelay $0x1  }
0x1b3: {  	v19 =	vmul.f32 v19, v14;
	v56 =	vadd.f32 $1.428571490e-01, v28;
	(erf) = vrcp.f32 v55  }
0x1b4: {  	v17 =	vadd.f32 $1.000000000e+00, v17  }
0x1b5: {  	v12 =	vadd.f32 v12, v12;
	v19 =	vadd.f32 $3.333333430e-01, v19;
	v24 =	vmul.f32 v56, v23  }
0x1b6: {  	v16 =	vmul.f32 v20, v16  }
0x1b7: {  	v12 =	vmul.f32 v17, v12;
	v14 =	vmul.f32 v19, v14;
	v17 =	vadd.f32 $2.000000030e-01, v24  }
0x1b8: {  	v19 =	vmul.f32 v16, v16;
	v20 =	vmul.f32 v26, v25  }
0x1b9: {  	v13 =	vadd.f32 v13, v13;
	v14 =	vadd.f32 $1.000000000e+00, v14;
	v17 =	vmul.f32 v17, v23  }
0x1ba: {  	v57 =	vmul.f32 $1.111111120e-01, v19;
	v25 =	vmul.f32 v20, v20;
	v58 =	vpop (erf)  }
0x1bb: {  	v5 =	vmax.f32 v5, $0.0e+00;
	v13 =	vmul.f32 v14, v13;
	v14 =	vmul.f32 v58, v22  }
0x1bc: {  	v17 =	vadd.f32 $3.333333430e-01, v17;
	v59 =	vmul.f32 $1.111111120e-01, v25;
	v22 =	vadd.f32 $1.428571490e-01, v57;
	v60 =	vpop (erf)  }
0x1bd: {  	v5 =	vadd.f32 v12, v5;
	v61 =	vmul.f32 v14, v14;
	v12 =	vmul.f32 v60, v27  }
0x1be: {  	v17 =	vmul.f32 v17, v23;
	v23 =	vadd.f32 $1.428571490e-01, v59;
	v22 =	vmul.f32 v22, v19  }
0x1bf: {  	v5 =	vadd.f32 v5, v11;
	v11 =	vmul.f32 $1.111111120e-01, v61;
	v62 =	vmul.f32 v12, v12  }
0x1c0: {  	v2 =	vmax.f32 v2, $0.0e+00;
	v23 =	vmul.f32 v23, v25;
	v22 =	vadd.f32 $2.000000030e-01, v22  }
0x1c1: {  	v2 =	vadd.f32 v13, v2;
	v11 =	vadd.f32 $1.428571490e-01, v11;
	v13 =	vmul.f32 $1.111111120e-01, v62  }
0x1c2: {  	v15 =	vadd.f32 v15, v15;
	v23 =	vadd.f32 $2.000000030e-01, v23;
	v22 =	vmul.f32 v22, v19  }
0x1c3: {  	v17 =	vadd.f32 $1.000000000e+00, v17;
	v11 =	vmul.f32 v11, v61;
	v13 =	vadd.f32 $1.428571490e-01, v13  }
0x1c4: {  	v2 =	vadd.f32 v2, v5;
	v5 =	vadd.f32 $3.333333430e-01, v22;
	v22 =	vmul.f32 v23, v25  }
0x1c5: {  	v15 =	vmul.f32 v17, v15;
	v11 =	vadd.f32 $2.000000030e-01, v11;
	v13 =	vmul.f32 v13, v62  }
0x1c6: {  	v4 =	vmax.f32 v4, $0.0e+00;
	v5 =	vmul.f32 v5, v19;
	v17 =	vadd.f32 $3.333333430e-01, v22  }
0x1c7: {  	v4 =	vadd.f32 v15, v4;
	v11 =	vmul.f32 v11, v61;
	v13 =	vadd.f32 $2.000000030e-01, v13  }
0x1c8: {  	v15 =	vadd.f32 v16, v16;
	v5 =	vadd.f32 $1.000000000e+00, v5;
	v16 =	vmul.f32 v17, v25  }
0x1c9: {  	v2 =	vadd.f32 v4, v2;
	v4 =	vadd.f32 $3.333333430e-01, v11;
	v11 =	vmul.f32 v13, v62  }
0x1ca: {  	v5 =	vmul.f32 v5, v15;
	v15 =	vadd.f32 v20, v20;
	v13 =	vadd.f32 $1.000000000e+00, v16  }
0x1cb: {  	v1 =	vmax.f32 v1, $0.0e+00;
	v4 =	vmul.f32 v4, v61;
	v11 =	vadd.f32 $3.333333430e-01, v11  }
0x1cc: {  	v8 =	vmax.f32 v8, $0.0e+00;
	v1 =	vadd.f32 v5, v1;
	v5 =	vmul.f32 v13, v15  }
0x1cd: {  	v4 =	vadd.f32 $1.000000000e+00, v4;
	v13 =	vadd.f32 v14, v14;
	v11 =	vmul.f32 v11, v62  }
0x1ce: {  	v1 =	vadd.f32 v1, v2;
	v2 =	vadd.f32 v5, v8  }
0x1cf: {  	v4 =	vmul.f32 v4, v13;
	v8 =	vadd.f32 v12, v12;
	v5 =	vadd.f32 $1.000000000e+00, v11  }
0x1d0: {  	v9 =	vmax.f32 v9, $0.0e+00  }
0x1d1: {  	v1 =	vadd.f32 v2, v1;
	v2 =	vadd.f32 v4, v9;
	v4 =	vmul.f32 v5, v8  }
0x1d2: {  	v5 =	vmax.f32 v21, $0.0e+00  }
0x1d3: {  	v1 =	vadd.f32 v2, v1;
	v2 =	vadd.f32 v4, v5;
	_ =	sdelay $0x1  }
0x1d4: {  	v1 =	vadd.f32 v2, v1;
	_ =	sdelay $0x1  }
0x1d5: {  	(xrf2) =	vadd.scan.msk.f32 $0xffff, v1;
	_ =	sdelay $0x9  }
0x1d6: {  	v1, _, _ =	vpop (xrf2)  }
0x1d7: {  	(v2sf) =	vpush v1, $0xF;
	_ =	sdelay $0x7  }
0x1d8: {  	s8 =	simm.s32 $0x0  }
0x1d9: {  	p1 =	seq.s32 s21, $0x3;
	v1 =	vmov s8  }
0x1da: {  	s8 =	sadd.s32 @!p1 s19, s14;
	v1 =	vshll.u32 v1, $0x7  }
0x1db: {  	s8 =	sshll.u32 @!p1 s8, $0xC;
	v2 =	vor.u32 v3, v1  }
0x1dc: {  	s8 =	sand.u32 @!p1 $0xFFFE000, s8;
	v1 =	vand.u32 $0x6000, v1;
	v2 =	vand.u32 $0x1F80, v2  }
0x1dd: {  	s15 =	simm.s32 @!p1 $0x0;
	s8 =	sadd.s32 @!p1 s0, s8;
	v1 =	vor.u32 v2, v1  }
0x1de: {  	[tilespmem:s15], [sflag:$0x2] =	stream.linear.gather @!p1 [hbm4b:s8+s15], $0x8000, $0x38;
	v1 =	vor.u32 $0x4, v1;
	[tilespmem:$0x11700] =	vst v63  }
0x1df: {  	s8 =	spop (v2sf)  }
0x1e0: {  	_ =	swait.ge [sflag:s28], $0x8000  }
0x1e1: {  	s4 =	simm.s32 $0x10;
	[sflag:s28] =	ssyncset.done $0x0  }
0x1e2: {  	v2 =	vmov s4;
	[sflag:s28] =	ssyncadd.s32 $0xFFFF8000  }
0x1e3: {  	v5 =	vld.idx.msk [tilespmem:v1+s25+$0x0], $0xffff;
	v1 =	vshll.u32 v2, $0x7  }
0x1e4: {  	v2 =	vor.u32 v3, v1  }
0x1e5: {  	v1 =	vand.u32 $0x6000, v1;
	v2 =	vand.u32 $0x1F80, v2  }
0x1e6: {  	v1 =	vor.u32 v2, v1  }
0x1e7: {  	v1 =	vor.u32 $0x4, v1  }
0x1e8: {  	v2 =	vand.u32 $0x7FFFFFFF, v5  }
0x1e9: {  	v2 =	vsub.f32 $0.0e+00, v2;
	_ =	sdelay $0x1  }
0x1ea: {  	s17 =	simm.s32 $0x20;
	v4 =	vmul.f32 $1.442695020e+00, v2  }
0x1eb: {  	v2 =	vld.idx.msk [tilespmem:v1+s25+$0x0], $0xffff;
	v1 =	vmov s17  }
0x1ec: {  	(erf) = vpow2.f32 v4;
	v1 =	vshll.u32 v1, $0x7  }
0x1ed: {  	v4 =	vor.u32 v3, v1  }
0x1ee: {  	v1 =	vand.u32 $0x6000, v1;
	v4 =	vand.u32 $0x1F80, v4  }
0x1ef: {  	v1 =	vor.u32 v4, v1  }
0x1f0: {  	v4 =	vand.u32 $0x7FFFFFFF, v2;
	v1 =	vor.u32 $0x4, v1  }
0x1f1: {  	v4 =	vsub.f32 $0.0e+00, v4;
	_ =	sdelay $0x1  }
0x1f2: {  	v4 =	vmul.f32 $1.442695020e+00, v4  }
0x1f3: {  	s19 =	simm.s32 $0x30  }
0x1f4: {  	v8 =	vmov s19;
	v9 =	vpop (erf);
	(erf) = vpow2.f32 v4;
	v4 =	vld.idx.msk [tilespmem:v1+s25+$0x0], $0xffff  }
0x1f5: {  	v8 =	vshll.u32 v8, $0x7;
	v11 =	vadd.f32 $2.000000000e+00, v9  }
0x1f6: {  	v12 =	vor.u32 v3, v8  }
0x1f7: {  	v1 =	vand.u32 $0x6000, v8;
	v8 =	vand.u32 $0x1F80, v12;
	(erf) = vrcp.f32 v11  }
0x1f8: {  	v1 =	vor.u32 v8, v1  }
0x1f9: {  	v1 =	vor.u32 $0x4, v1;
	v8 =	vand.u32 $0x7FFFFFFF, v4  }
0x1fa: {  	v8 =	vsub.f32 $0.0e+00, v8;
	_ =	sdelay $0x1  }
0x1fb: {  	v8 =	vmul.f32 $1.442695020e+00, v8  }
0x1fc: {  	s4 =	simm.s32 $0x40  }
0x1fd: {  	v11 =	vmov s4;
	v1 =	vld.idx.msk [tilespmem:v1+s25+$0x0], $0xffff;
	v13 =	vpop (erf)  }
0x1fe: {  	v11 =	vshll.u32 v11, $0x7;
	v12 =	vadd.f32 $2.000000000e+00, v13;
	(erf) = vpow2.f32 v8  }
0x1ff: {  	v14 =	vand.u32 $0x6000, v11;
	v8 =	vpop (erf)  }
0x200: {  	v11 =	vor.u32 v3, v11;
	(erf) = vrcp.f32 v12;
	v12 =	vmul.f32 v8, v9  }
0x201: {  	v11 =	vand.u32 $0x1F80, v11  }
0x202: {  	v8 =	vor.u32 v11, v14;
	v9 =	vand.u32 $0x7FFFFFFF, v1;
	v17 =	vmul.f32 v12, v12  }
0x203: {  	v8 =	vor.u32 $0x4, v8;
	v9 =	vsub.f32 $0.0e+00, v9  }
0x204: {  	v11 =	vmul.f32 $1.111111120e-01, v17  }
0x205: {  	s17 =	simm.s32 $0x50;
	v9 =	vmul.f32 $1.442695020e+00, v9  }
0x206: {  	v14 =	vmov s17;
	v11 =	vadd.f32 $1.428571490e-01, v11  }
0x207: {  	v14 =	vshll.u32 v14, $0x7;
	(erf) = vpow2.f32 v9;
	v15 =	vpop (erf)  }
0x208: {  	v9 =	vor.u32 v3, v14;
	v8 =	vld.idx.msk [tilespmem:v8+s25+$0x0], $0xffff;
	v19 =	vadd.f32 $2.000000000e+00, v15;
	v11 =	vmul.f32 v11, v17  }
0x209: {  	v14 =	vand.u32 $0x6000, v14;
	v9 =	vand.u32 $0x1F80, v9;
	v16 =	vpop (erf)  }
0x20a: {  	v13 =	vmul.f32 v16, v13;
	(erf) = vrcp.f32 v19;
	v16 =	vadd.f32 $2.000000030e-01, v11  }
0x20b: {  	s19 =	simm.s32 $0x60;
	v9 =	vor.u32 v9, v14  }
0x20c: {  	v9 =	vor.u32 $0x4, v9;
	v19 =	vmov s19;
	v16 =	vmul.f32 v16, v17  }
0x20d: {  	v19 =	vshll.u32 v19, $0x7;
	v20 =	vand.u32 $0x7FFFFFFF, v8;
	v14 =	vmul.f32 v13, v13  }
0x20e: {  	v20 =	vsub.f32 $0.0e+00, v20;
	v22 =	vadd.f32 $3.333333430e-01, v16;
	v16 =	vor.u32 v3, v19  }
0x20f: {  	v21 =	vmul.f32 $1.111111120e-01, v14  }
0x210: {  	v11 =	vimm.f32 $0.0e+00;
	v23 =	vand.u32 $0x6000, v19;
	v20 =	vmul.f32 $1.442695020e+00, v20  }
0x211: {  	v9 =	vld.idx.msk [tilespmem:v9+s25+$0x0], $0xffff;
	v63 =	vand.u32 $0x1F80, v16;
	v19 =	vadd.f32 $1.428571490e-01, v21;
	v17 =	vmul.f32 v22, v17;
	v16 =	vpop (erf)  }
0x212: {  	s21 =	sadd.s32 $0x1, s21;
	s8 =	sadd.f32 s8, s9;
	s9 =	simm.s32 $0x70;
	v21 =	vor.u32 v63, v23;
	(erf) = vpow2.f32 v20;
	v20 =	vadd.f32 $2.000000000e+00, v16  }
.LBB2_14:
0x213: {  	p1 =	sne.s32 s9, $0xF0;
	v22 =	vpop (erf);
	v19 =	vmul.f32 v19, v14;
	v17 =	vadd.f32 $1.000000000e+00, v17;
	v23 =	vadd.f32 v12, v12  }
0x214: {  	v21 =	vor.u32 $0x4, v21;
	v12 =	vmov v13;
	(erf) = vrcp.f32 v20  }
0x215: {  	v13 =	vmul.f32 v22, v15;
	v15 =	vmovc v16;
	v19 =	vadd.f32 $2.000000030e-01, v19;
	v17 =	vmul.f32 v17, v23  }
0x216: {  	v16 =	vmov s9;
	v22 =	vmax.f32 v5, $0.0e+00;
	v5 =	vmovc v2;
	v2 =	vmovc v4;
	v20 =	vand.u32 $0x7FFFFFFF, v9  }
0x217: {  	v4 =	vmovc v1;
	v23 =	vmul.f32 v13, v13;
	v19 =	vmul.f32 v19, v14;
	v17 =	vadd.f32 v17, v22  }
.Ltmp8:
0x218: {  	v1 =	vmovc v8;
	v16 =	vshll.u32 v16, $0x7;
	v8 =	vmov v9;
	v20 =	vsub.f32 $0.0e+00, v20;
	(pc) =	sbr.rel @p1 .LBB2_14-.Ltmp8, $4  }
0x219: {  	v22 =	vmul.f32 $1.111111120e-01, v23;
	v24 =	vadd.f32 $3.333333430e-01, v19;
	v11 =	vadd.f32 v17, v11  }
0x21a: {  	v25 =	vand.u32 $0x6000, v16;
	v20 =	vmul.f32 $1.442695020e+00, v20;
	v17 =	vor.u32 v3, v16;
	v9 =	vld.idx.msk [tilespmem:v21+s25+$0x0], $0xffff  }
0x21b: {  	v21 =	vand.u32 $0x1F80, v17;
	v19 =	vadd.f32 $1.428571490e-01, v22;
	v16 =	vpop (erf);
	v17 =	vmul.f32 v24, v14  }
0x21c: {  	s9 =	sadd.s32 $0x10, s9;
	v21 =	vor.u32 v21, v25;
	v14 =	vmovc v23;
	(erf) = vpow2.f32 v20;
	v20 =	vadd.f32 $2.000000000e+00, v16  }
0x21d: {  	v21 =	vor.u32 $0x4, v21;
	_ =	sdelay $0x4  }
0x21e: {  	v21 =	vld.idx.msk [tilespmem:v21+s25+$0x0], $0xffff;
	_ =	sdelay $0x2  }
0x21f: {  	v22 =	vand.u32 $0x7FFFFFFF, v9  }
0x220: {  	v22 =	vsub.f32 $0.0e+00, v22  }
0x221: {  	v23 =	vpop (erf);
	v24 =	vand.u32 $0x7FFFFFFF, v21  }
0x222: {  	v22 =	vmul.f32 $1.442695020e+00, v22;
	v25 =	vpop (erf);
	v24 =	vsub.f32 $0.0e+00, v24  }
0x223: {  	(erf) = vrcp.f32 v20;
	v20 =	vadd.f32 $2.000000000e+00, v25  }
0x224: {  	(erf) = vpow2.f32 v22;
	v38 =	vmul.f32 $1.442695020e+00, v24  }
0x225: {  	(erf) = vrcp.f32 v20  }
0x226: {  	(erf) = vpow2.f32 v38;
	_ =	sdelay $0x5  }
0x227: {  	v20 =	vpop (erf)  }
0x228: {  	v19 =	vmul.f32 v19, v14;
	v40 =	vpop (erf)  }
0x229: {  	v15 =	vmul.f32 v23, v15;
	v41 =	vadd.f32 $2.000000000e+00, v40;
	v26 =	vpop (erf)  }
0x22a: {  	v19 =	vadd.f32 $2.000000030e-01, v19;
	v27 =	vpop (erf)  }
0x22b: {  	v23 =	vmul.f32 v15, v15;
	(erf) = vrcp.f32 v41;
	v42 =	vadd.f32 $2.000000000e+00, v27  }
0x22c: {  	v19 =	vmul.f32 v19, v14  }
0x22d: {  	v28 =	vmul.f32 $1.111111120e-01, v23;
	(erf) = vrcp.f32 v42;
	_ =	sdelay $0x1  }
0x22e: {  	v19 =	vadd.f32 $3.333333430e-01, v19;
	v44 =	vadd.f32 $1.428571490e-01, v28  }
0x22f: {  	v17 =	vadd.f32 $1.000000000e+00, v17;
	v16 =	vmul.f32 v20, v16  }
0x230: {  	v12 =	vadd.f32 v12, v12;
	v46 =	vmul.f32 v19, v14;
	v24 =	vmul.f32 v44, v23  }
0x231: {  	v13 =	vadd.f32 v13, v13;
	v19 =	vmul.f32 v16, v16;
	v20 =	vmul.f32 v26, v25  }
0x232: {  	v5 =	vmax.f32 v5, $0.0e+00;
	v12 =	vmul.f32 v17, v12;
	v14 =	vadd.f32 $1.000000000e+00, v46  }
0x233: {  	v17 =	vadd.f32 $2.000000030e-01, v24;
	v47 =	vmul.f32 $1.111111120e-01, v19;
	v25 =	vmul.f32 v20, v20;
	v49 =	vpop (erf)  }
0x234: {  	v2 =	vmax.f32 v2, $0.0e+00;
	v13 =	vmul.f32 v14, v13;
	v50 =	vmul.f32 v49, v40  }
0x235: {  	v17 =	vmul.f32 v17, v23;
	v51 =	vadd.f32 $1.428571490e-01, v47;
	v52 =	vmul.f32 $1.111111120e-01, v25;
	v53 =	vpop (erf)  }
0x236: {  	v5 =	vadd.f32 v12, v5;
	v55 =	vmul.f32 v50, v50;
	v54 =	vmul.f32 v53, v27  }
0x237: {  	v17 =	vadd.f32 $3.333333430e-01, v17;
	v22 =	vmul.f32 v51, v19;
	v56 =	vadd.f32 $1.428571490e-01, v52  }
0x238: {  	v5 =	vadd.f32 v5, v11;
	v11 =	vmul.f32 $1.111111120e-01, v55;
	v57 =	vmul.f32 v54, v54  }
0x239: {  	v17 =	vmul.f32 v17, v23;
	v22 =	vadd.f32 $2.000000030e-01, v22;
	v23 =	vmul.f32 v56, v25  }
0x23a: {  	v15 =	vadd.f32 v15, v15;
	v11 =	vadd.f32 $1.428571490e-01, v11;
	v58 =	vmul.f32 $1.111111120e-01, v57  }
0x23b: {  	v2 =	vadd.f32 v13, v2;
	v22 =	vmul.f32 v22, v19;
	v23 =	vadd.f32 $2.000000030e-01, v23  }
0x23c: {  	v17 =	vadd.f32 $1.000000000e+00, v17;
	v11 =	vmul.f32 v11, v55;
	v13 =	vadd.f32 $1.428571490e-01, v58  }
0x23d: {  	v2 =	vadd.f32 v2, v5;
	v5 =	vadd.f32 $3.333333430e-01, v22;
	v59 =	vmul.f32 v23, v25  }
0x23e: {  	v15 =	vmul.f32 v17, v15;
	v11 =	vadd.f32 $2.000000030e-01, v11;
	v13 =	vmul.f32 v13, v57  }
0x23f: {  	v4 =	vmax.f32 v4, $0.0e+00;
	v5 =	vmul.f32 v5, v19;
	v17 =	vadd.f32 $3.333333430e-01, v59  }
0x240: {  	v4 =	vadd.f32 v15, v4;
	v11 =	vmul.f32 v11, v55;
	v13 =	vadd.f32 $2.000000030e-01, v13  }
0x241: {  	v60 =	vadd.f32 v16, v16;
	v5 =	vadd.f32 $1.000000000e+00, v5;
	v16 =	vmul.f32 v17, v25  }
0x242: {  	v2 =	vadd.f32 v4, v2;
	v4 =	vadd.f32 $3.333333430e-01, v11;
	v11 =	vmul.f32 v13, v57  }
0x243: {  	v62 =	vadd.f32 v20, v20;
	v5 =	vmul.f32 v5, v60;
	v61 =	vadd.f32 $1.000000000e+00, v16  }
0x244: {  	v1 =	vmax.f32 v1, $0.0e+00;
	v4 =	vmul.f32 v4, v55;
	v11 =	vadd.f32 $3.333333430e-01, v11  }
0x245: {  	v8 =	vmax.f32 v8, $0.0e+00;
	v1 =	vadd.f32 v5, v1;
	v5 =	vmul.f32 v61, v62  }
0x246: {  	v63 =	vadd.f32 v50, v50;
	v4 =	vadd.f32 $1.000000000e+00, v4;
	v11 =	vmul.f32 v11, v57  }
0x247: {  	v1 =	vadd.f32 v1, v2;
	v2 =	vadd.f32 v5, v8  }
0x248: {  	v8 =	vadd.f32 v54, v54;
	v4 =	vmul.f32 v4, v63;
	v5 =	vadd.f32 $1.000000000e+00, v11  }
0x249: {  	v9 =	vmax.f32 v9, $0.0e+00  }
0x24a: {  	v1 =	vadd.f32 v2, v1;
	v2 =	vadd.f32 v4, v9;
	v4 =	vmul.f32 v5, v8  }
0x24b: {  	v5 =	vmax.f32 v21, $0.0e+00  }
0x24c: {  	v1 =	vadd.f32 v2, v1;
	v2 =	vadd.f32 v4, v5;
	_ =	sdelay $0x1  }
0x24d: {  	v1 =	vadd.f32 v2, v1;
	_ =	sdelay $0x1  }
0x24e: {  	(xrf2) =	vadd.scan.msk.f32 $0xffff, v1;
	_ =	sdelay $0x9  }
0x24f: {  	v1, _, _ =	vpop (xrf2)  }
0x250: {  	(v2sf) =	vpush v1, $0xF;
	_ =	sdelay $0xa  }
0x251: {  	p1 =	sne.s32 s21, $0x4  }
.Ltmp9:
0x252: {  	_ = 	snop;
	(pc) =	sbr.rel @p1 .LBB2_11-.Ltmp9, $3  }
0x253: {  	_ =	sdelay $0x1  }
0x254: {  	s9 =	spop (v2sf)  }
0x255: {  	s9 =	sadd.f32 s9, s8  }
0x256: {  	s21 =	simm.s32 $0x0;
	s4 =	rddreg [dreg:$0x8]  }
0x257: {  	[tilespmem:s21], [sflag:$0x2] =	stream.linear.gather [hbm4b:s4+s21], $0x1000, $0x38;
	[tilespmem:$0x11700] =	vst v63  }
0x258: {  	s15 =	simm.s32 $0x2000;
	s8 =	sadd.s32 $0x200, s4  }
0x259: {  	[tilespmem:s15], [sflag:$0x2] =	stream.linear.gather [hbm4b:s8+s21], $0x1000, $0x38;
	[tilespmem:$0x11700] =	vst v63  }
0x25a: {  	s17 =	simm.s32 $0x4000;
	s15 =	sadd.s32 $0x400, s4  }
0x25b: {  	[tilespmem:s17], [sflag:$0x2] =	stream.linear.gather [hbm4b:s15+s21], $0x1000, $0x38;
	[tilespmem:$0x11700] =	vst v63  }
0x25c: {  	s20 =	simm.s32 $0x6000;
	p2 =	por $0x1, $0x1;
	s19 =	sadd.s32 $0x600, s4  }
0x25d: {  	[tilespmem:s20], [sflag:$0x2] =	stream.linear.gather [hbm4b:s19+s21], $0x1000, $0x38;
	[tilespmem:$0x11700] =	vst v63  }
0x25e: {  	s8 =	simm.s32 $0x0;
	s20 =	simm.f32 $0.0e+00;
	s19 =	simm.s32 $0xA000  }
.LBB2_17:
0x25f: {  	s8 =	sadd.s32 s8, s16  }
0x260: {  	v1 =	vmov s21;
	[tilespmem:s25], [sflag:$0x3] =	stream.linear.gather [hbm4b:s8+s21], $0x1000, $0x38;
	[tilespmem:$0x11700] =	vst v63  }
0x261: {  	s15 =	sadd.s32 $0x200, s8;
	v2 =	vshll.u32 v1, $0x7  }
0x262: {  	v1 =	vshll.u32 v1, $0x8;
	v2 =	vor.u32 v3, v2;
	[tilespmem:s19], [sflag:$0x3] =	stream.linear.gather [hbm4b:s15+s21], $0x1000, $0x38;
	[tilespmem:$0x11700] =	vst v63  }
0x263: {  	s4 =	sadd.s32 $0x400, s8;
	v1 =	vand.u32 $0x6000, v1;
	v2 =	vand.u32 $0xF80, v2  }
0x264: {  	v1 =	vor.u32 v2, v1;
	[tilespmem:s3], [sflag:$0x3] =	stream.linear.gather [hbm4b:s4+s21], $0x1000, $0x38;
	[tilespmem:$0x11700] =	vst v63  }
0x265: {  	s8 =	sadd.s32 $0x600, s8;
	v1 =	vor.u32 $0x4, v1  }
0x266: {  	[tilespmem:s29], [sflag:$0x3] =	stream.linear.gather [hbm4b:s8+s21], $0x1000, $0x38;
	[tilespmem:$0x11700] =	vst v63  }
0x267: {  	_ =	swait.ge [sflag:s26], $0x4000  }
0x268: {  	[sflag:s26] =	ssyncset.done $0x0  }
0x269: {  	[sflag:s26] =	ssyncadd.s32 $0xFFFFC000  }
0x26a: {  	s15 =	simm.s32 $0x10;
	v4 =	vld.idx.msk [tilespmem:v1+s5+$0x0], $0xffff  }
0x26b: {  	v1 =	vmov s15  }
0x26c: {  	v2 =	vshll.u32 v1, $0x7  }
0x26d: {  	v1 =	vshll.u32 v1, $0x8;
	v2 =	vor.u32 v3, v2  }
0x26e: {  	v1 =	vand.u32 $0x6000, v1;
	v2 =	vand.u32 $0xF80, v2  }
0x26f: {  	v1 =	vor.u32 v2, v1;
	v2 =	vand.u32 $0x7FFFFFFF, v4  }
0x270: {  	v1 =	vor.u32 $0x4, v1;
	v2 =	vsub.f32 $0.0e+00, v2;
	_ =	sdelay $0x1  }
0x271: {  	v2 =	vmul.f32 $1.442695020e+00, v2;
	_ =	sdelay $0x1  }
0x272: {  	(erf) = vpow2.f32 v2  }
0x273: {  	s17 =	simm.s32 $0x20;
	v1 =	vld.idx.msk [tilespmem:v1+s5+$0x0], $0xffff  }
0x274: {  	v2 =	vmov s17  }
0x275: {  	v5 =	vshll.u32 v2, $0x7  }
0x276: {  	v2 =	vshll.u32 v2, $0x8;
	v5 =	vor.u32 v3, v5  }
0x277: {  	v2 =	vand.u32 $0x6000, v2;
	v5 =	vand.u32 $0xF80, v5  }
0x278: {  	v2 =	vor.u32 v5, v2;
	v8 =	vand.u32 $0x7FFFFFFF, v1  }
0x279: {  	v2 =	vor.u32 $0x4, v2;
	v5 =	vsub.f32 $0.0e+00, v8;
	_ =	sdelay $0x1  }
0x27a: {  	v5 =	vmul.f32 $1.442695020e+00, v5;
	v8 =	vpop (erf)  }
0x27b: {  	v9 =	vadd.f32 $2.000000000e+00, v8  }
0x27c: {  	(erf) = vpow2.f32 v5  }
0x27d: {  	s4 =	simm.s32 $0x30;
	v2 =	vld.idx.msk [tilespmem:v2+s5+$0x0], $0xffff;
	(erf) = vrcp.f32 v9  }
0x27e: {  	v5 =	vmov s4  }
0x27f: {  	v9 =	vshll.u32 v5, $0x7  }
0x280: {  	v5 =	vshll.u32 v5, $0x8;
	v9 =	vor.u32 v3, v9  }
0x281: {  	v5 =	vand.u32 $0x6000, v5;
	v9 =	vand.u32 $0xF80, v9  }
0x282: {  	v11 =	vand.u32 $0x7FFFFFFF, v2;
	v5 =	vor.u32 v9, v5  }
0x283: {  	v5 =	vor.u32 $0x4, v5  }
0x284: {  	v9 =	vsub.f32 $0.0e+00, v11  }
0x285: {  	v11 =	vpop (erf)  }
0x286: {  	v9 =	vmul.f32 $1.442695020e+00, v9;
	v12 =	vpop (erf)  }
0x287: {  	v13 =	vadd.f32 $2.000000000e+00, v11;
	v15 =	vmul.f32 v12, v8  }
0x288: {  	(erf) = vpow2.f32 v9;
	v5 =	vld.idx.msk [tilespmem:v5+s5+$0x0], $0xffff  }
0x289: {  	(erf) = vrcp.f32 v13;
	v8 =	vmul.f32 v15, v15;
	_ =	sdelay $0x1  }
0x28a: {  	s15 =	simm.s32 $0x40;
	v9 =	vmul.f32 $1.111111120e-01, v8  }
0x28b: {  	v12 =	vmov s15  }
0x28c: {  	v13 =	vshll.u32 v12, $0x7;
	v14 =	vand.u32 $0x7FFFFFFF, v5;
	v9 =	vadd.f32 $1.428571490e-01, v9  }
0x28d: {  	v13 =	vor.u32 v3, v13;
	v14 =	vsub.f32 $0.0e+00, v14  }
0x28e: {  	v12 =	vshll.u32 v12, $0x8;
	v9 =	vmul.f32 v9, v8  }
0x28f: {  	v12 =	vand.u32 $0x6000, v12;
	v16 =	vand.u32 $0xF80, v13  }
0x290: {  	v13 =	vpop (erf);
	v17 =	vadd.f32 $2.000000030e-01, v9;
	v9 =	vor.u32 v16, v12  }
0x291: {  	v12 =	vmul.f32 $1.442695020e+00, v14;
	v14 =	vpop (erf);
	v19 =	vor.u32 $0x4, v9  }
0x292: {  	v9 =	vmul.f32 v14, v11;
	v11 =	vmul.f32 v17, v8  }
0x293: {  	v14 =	vadd.f32 $2.000000000e+00, v13  }
0x294: {  	(erf) = vpow2.f32 v12;
	v17 =	vadd.f32 $3.333333430e-01, v11  }
0x295: {  	s17 =	simm.s32 $0x50;
	v12 =	vmul.f32 v9, v9;
	(erf) = vrcp.f32 v14  }
0x296: {  	v15 =	vadd.f32 v15, v15;
	v16 =	vmov s17;
	v14 =	vmul.f32 v17, v8;
	v8 =	vld.idx.msk [tilespmem:v19+s5+$0x0], $0xffff  }
0x297: {  	v20 =	vshll.u32 v16, $0x8;
	v21 =	vshll.u32 v16, $0x7;
	v16 =	vmul.f32 $1.111111120e-01, v12  }
0x298: {  	p1 =	por p2, p2;
	s8 =	simm.s32 $0x60;
	v11 =	vimm.f32 $0.0e+00;
	v17 =	vand.u32 $0x6000, v20;
	v19 =	vor.u32 v3, v21  }
.LBB2_18:
0x299: {  	p2 =	sne.s32 s8, $0x70;
	v19 =	vand.u32 $0xF80, v19;
	v16 =	vadd.f32 $1.428571490e-01, v16;
	v14 =	vadd.f32 $1.000000000e+00, v14  }
0x29a: {  	v17 =	vor.u32 v19, v17  }
0x29b: {  	v19 =	vand.u32 $0x7FFFFFFF, v8;
	v16 =	vmul.f32 v16, v12;
	v14 =	vmul.f32 v14, v15  }
0x29c: {  	v15 =	vor.u32 $0x4, v17;
	v17 =	vsub.f32 $0.0e+00, v19;
	v19 =	vmax.f32 v4, $0.0e+00;
	v4 =	vmovc v1;
	v1 =	vmovc v2  }
0x29d: {  	v2 =	vmov v5;
	v20 =	vpop (erf);
	v16 =	vadd.f32 $2.000000030e-01, v16;
	v14 =	vadd.f32 v14, v19  }
0x29e: {  	v5 =	vmov v8;
	v17 =	vmul.f32 $1.442695020e+00, v17;
	v19 =	vadd.f32 $2.000000000e+00, v20;
	v21 =	vpop (erf)  }
0x29f: {  	v21 =	vmul.f32 v21, v13;
	v16 =	vmul.f32 v16, v12;
	v11 =	vadd.f32 v14, v11;
	v13 =	vmovc v20  }
.Ltmp10:
0x2a0: {  	v14 =	vmov s8;
	(erf) = vpow2.f32 v17;
	(pc) =	sbr.rel @p2 .LBB2_18-.Ltmp10, $4  }
0x2a1: {  	v8 =	vld.idx.msk [tilespmem:v15+s5+$0x0], $0xffff;
	(erf) = vrcp.f32 v19;
	v15 =	vmul.f32 v21, v21;
	v17 =	vadd.f32 $3.333333430e-01, v16  }
0x2a2: {  	v19 =	vshll.u32 v14, $0x8  }
0x2a3: {  	v20 =	vshll.u32 v14, $0x7;
	v16 =	vmul.f32 $1.111111120e-01, v15;
	v14 =	vmul.f32 v17, v12;
	v12 =	vmovc v15  }
0x2a4: {  	s8 =	sadd.s32 $0x10, s8;
	v17 =	vand.u32 $0x6000, v19;
	v19 =	vor.u32 v3, v20;
	v15 =	vadd.f32 v9, v9;
	v9 =	vmovc v21  }
0x2a5: {  	v19 =	vand.u32 $0xF80, v19  }
0x2a6: {  	v17 =	vor.u32 v19, v17  }
0x2a7: {  	v17 =	vor.u32 $0x4, v17;
	_ =	sdelay $0x4  }
0x2a8: {  	v17 =	vld.idx.msk [tilespmem:v17+s5+$0x0], $0xffff;
	_ =	sdelay $0x2  }
0x2a9: {  	v19 =	vand.u32 $0x7FFFFFFF, v8  }
0x2aa: {  	v19 =	vsub.f32 $0.0e+00, v19  }
0x2ab: {  	v20 =	vand.u32 $0x7FFFFFFF, v17  }
0x2ac: {  	v21 =	vpop (erf);
	v19 =	vmul.f32 $1.442695020e+00, v19;
	v20 =	vsub.f32 $0.0e+00, v20  }
0x2ad: {  	v22 =	vadd.f32 $2.000000000e+00, v21  }
0x2ae: {  	(erf) = vpow2.f32 v19;
	v19 =	vmul.f32 $1.442695020e+00, v20  }
0x2af: {  	(erf) = vrcp.f32 v22  }
0x2b0: {  	(erf) = vpow2.f32 v19;
	_ =	sdelay $0x5  }
0x2b1: {  	v19 =	vpop (erf)  }
0x2b2: {  	v20 =	vpop (erf)  }
0x2b3: {  	v56 =	vadd.f32 $2.000000000e+00, v20;
	v23 =	vpop (erf)  }
0x2b4: {  	v24 =	vpop (erf)  }
0x2b5: {  	(erf) = vrcp.f32 v56;
	v57 =	vadd.f32 $2.000000000e+00, v24;
	_ =	sdelay $0x1  }
0x2b6: {  	(erf) = vrcp.f32 v57;
	_ =	sdelay $0x1  }
0x2b7: {  	v16 =	vadd.f32 $1.428571490e-01, v16  }
0x2b8: {  	v13 =	vmul.f32 v19, v13  }
0x2b9: {  	v16 =	vmul.f32 v16, v12  }
0x2ba: {  	v19 =	vmul.f32 v13, v13;
	v21 =	vmul.f32 v23, v21  }
0x2bb: {  	v14 =	vadd.f32 $1.000000000e+00, v14  }
0x2bc: {  	v16 =	vadd.f32 $2.000000030e-01, v16;
	v58 =	vmul.f32 $1.111111120e-01, v19;
	v23 =	vmul.f32 v21, v21;
	v25 =	vpop (erf)  }
0x2bd: {  	v14 =	vmul.f32 v14, v15;
	v15 =	vmul.f32 v25, v20  }
0x2be: {  	v16 =	vmul.f32 v16, v12;
	v59 =	vmul.f32 $1.111111120e-01, v23;
	v20 =	vadd.f32 $1.428571490e-01, v58;
	v60 =	vpop (erf)  }
0x2bf: {  	v26 =	vmul.f32 v15, v15;
	v24 =	vmul.f32 v60, v24  }
0x2c0: {  	v4 =	vmax.f32 v4, $0.0e+00;
	v22 =	vadd.f32 $1.428571490e-01, v59;
	v20 =	vmul.f32 v20, v19  }
0x2c1: {  	v16 =	vadd.f32 $3.333333430e-01, v16;
	v61 =	vmul.f32 $1.111111120e-01, v26;
	v27 =	vmul.f32 v24, v24  }
0x2c2: {  	v4 =	vadd.f32 v14, v4;
	v14 =	vadd.f32 $2.000000030e-01, v20;
	v20 =	vmul.f32 v22, v23  }
0x2c3: {  	v12 =	vmul.f32 v16, v12;
	v16 =	vadd.f32 $1.428571490e-01, v61;
	v62 =	vmul.f32 $1.111111120e-01, v27  }
0x2c4: {  	v9 =	vadd.f32 v9, v9;
	v14 =	vmul.f32 v14, v19;
	v20 =	vadd.f32 $2.000000030e-01, v20  }
0x2c5: {  	v12 =	vadd.f32 $1.000000000e+00, v12;
	v16 =	vmul.f32 v16, v26;
	v22 =	vadd.f32 $1.428571490e-01, v62  }
0x2c6: {  	v4 =	vadd.f32 v4, v11;
	v11 =	vadd.f32 $3.333333430e-01, v14;
	v14 =	vmul.f32 v20, v23  }
0x2c7: {  	v9 =	vmul.f32 v12, v9;
	v12 =	vadd.f32 $2.000000030e-01, v16;
	v16 =	vmul.f32 v22, v27  }
0x2c8: {  	v1 =	vmax.f32 v1, $0.0e+00;
	v11 =	vmul.f32 v11, v19;
	v14 =	vadd.f32 $3.333333430e-01, v14  }
0x2c9: {  	v1 =	vadd.f32 v9, v1;
	v9 =	vmul.f32 v12, v26;
	v12 =	vadd.f32 $2.000000030e-01, v16  }
0x2ca: {  	v13 =	vadd.f32 v13, v13;
	v14 =	vmul.f32 v14, v23;
	v11 =	vadd.f32 $1.000000000e+00, v11  }
0x2cb: {  	v1 =	vadd.f32 v1, v4;
	v4 =	vadd.f32 $3.333333430e-01, v9;
	v9 =	vmul.f32 v12, v27  }
0x2cc: {  	v11 =	vmul.f32 v11, v13;
	v13 =	vadd.f32 $1.000000000e+00, v14;
	v12 =	vadd.f32 v21, v21  }
0x2cd: {  	v2 =	vmax.f32 v2, $0.0e+00;
	v4 =	vmul.f32 v4, v26;
	v9 =	vadd.f32 $3.333333430e-01, v9  }
0x2ce: {  	v5 =	vmax.f32 v5, $0.0e+00;
	v2 =	vadd.f32 v11, v2;
	v11 =	vmul.f32 v13, v12  }
0x2cf: {  	v4 =	vadd.f32 $1.000000000e+00, v4;
	v12 =	vadd.f32 v15, v15;
	v9 =	vmul.f32 v9, v27  }
0x2d0: {  	v1 =	vadd.f32 v2, v1;
	v2 =	vadd.f32 v11, v5  }
0x2d1: {  	v4 =	vmul.f32 v4, v12;
	v5 =	vadd.f32 v24, v24;
	v9 =	vadd.f32 $1.000000000e+00, v9  }
0x2d2: {  	v8 =	vmax.f32 v8, $0.0e+00  }
0x2d3: {  	v1 =	vadd.f32 v2, v1;
	v2 =	vadd.f32 v4, v8;
	v4 =	vmul.f32 v9, v5  }
0x2d4: {  	v5 =	vmax.f32 v17, $0.0e+00  }
0x2d5: {  	v1 =	vadd.f32 v2, v1;
	v2 =	vadd.f32 v4, v5;
	_ =	sdelay $0x1  }
0x2d6: {  	v1 =	vadd.f32 v2, v1;
	_ =	sdelay $0x1  }
0x2d7: {  	(xrf2) =	vadd.scan.msk.f32 $0xffff, v1;
	_ =	sdelay $0x9  }
0x2d8: {  	v1, _, _ =	vpop (xrf2)  }
0x2d9: {  	(v2sf) =	vpush v1, $0xF;
	_ =	sdelay $0x6  }
0x2da: {  	s8 =	simm.s32 @p1 $0x0;
	s15 =	simm.s32 $0x0  }
0x2db: {  	[tilespmem:s8], [sflag:$0x2] =	stream.linear.gather @p1 [hbm4b:s18+s8], $0x1000, $0x38;
	[tilespmem:$0x11700] =	vst v63  }
0x2dc: {  	s17 =	sadd.s32 @p1 $0x200, s18;
	v1 =	vmov s15;
	s15 =	simm.s32 @p1 $0x2000  }
0x2dd: {  	[tilespmem:s15], [sflag:$0x2] =	stream.linear.gather @p1 [hbm4b:s17+s8], $0x1000, $0x38;
	v2 =	vshll.u32 v1, $0x7;
	[tilespmem:$0x11700] =	vst v63  }
0x2de: {  	s15 =	sadd.s32 @p1 $0x400, s18;
	s17 =	simm.s32 @p1 $0x4000;
	v1 =	vshll.u32 v1, $0x8;
	v2 =	vor.u32 v3, v2  }
0x2df: {  	v1 =	vand.u32 $0x6000, v1;
	[tilespmem:s17], [sflag:$0x2] =	stream.linear.gather @p1 [hbm4b:s15+s8], $0x1000, $0x38;
	v2 =	vand.u32 $0xF80, v2;
	[tilespmem:$0x11700] =	vst v63  }
0x2e0: {  	s15 =	sadd.s32 @p1 $0x600, s18;
	s17 =	simm.s32 @p1 $0x6000;
	v1 =	vor.u32 v2, v1  }
0x2e1: {  	[tilespmem:s17], [sflag:$0x2] =	stream.linear.gather @p1 [hbm4b:s15+s8], $0x1000, $0x38;
	v1 =	vor.u32 $0x4, v1;
	[tilespmem:$0x11700] =	vst v63  }
0x2e2: {  	s8 =	spop (v2sf)  }
0x2e3: {  	_ =	swait.ge [sflag:s28], $0x4000  }
0x2e4: {  	[sflag:s28] =	ssyncset.done $0x0  }
0x2e5: {  	[sflag:s28] =	ssyncadd.s32 $0xFFFFC000  }
0x2e6: {  	s17 =	simm.s32 $0x10;
	v4 =	vld.idx.msk [tilespmem:v1+s25+$0x0], $0xffff  }
0x2e7: {  	v1 =	vmov s17  }
0x2e8: {  	v2 =	vshll.u32 v1, $0x7  }
0x2e9: {  	v1 =	vshll.u32 v1, $0x8;
	v2 =	vor.u32 v3, v2  }
0x2ea: {  	v1 =	vand.u32 $0x6000, v1;
	v2 =	vand.u32 $0xF80, v2  }
0x2eb: {  	v1 =	vor.u32 v2, v1;
	v2 =	vand.u32 $0x7FFFFFFF, v4  }
0x2ec: {  	v1 =	vor.u32 $0x4, v1;
	v2 =	vsub.f32 $0.0e+00, v2;
	_ =	sdelay $0x1  }
0x2ed: {  	v2 =	vmul.f32 $1.442695020e+00, v2;
	_ =	sdelay $0x1  }
0x2ee: {  	(erf) = vpow2.f32 v2  }
0x2ef: {  	s4 =	simm.s32 $0x20;
	v1 =	vld.idx.msk [tilespmem:v1+s25+$0x0], $0xffff  }
0x2f0: {  	v2 =	vmov s4  }
0x2f1: {  	v5 =	vshll.u32 v2, $0x7  }
0x2f2: {  	v2 =	vshll.u32 v2, $0x8;
	v5 =	vor.u32 v3, v5  }
0x2f3: {  	v2 =	vand.u32 $0x6000, v2;
	v5 =	vand.u32 $0xF80, v5  }
0x2f4: {  	v2 =	vor.u32 v5, v2;
	v8 =	vand.u32 $0x7FFFFFFF, v1  }
0x2f5: {  	v2 =	vor.u32 $0x4, v2;
	v5 =	vsub.f32 $0.0e+00, v8;
	_ =	sdelay $0x1  }
0x2f6: {  	v5 =	vmul.f32 $1.442695020e+00, v5;
	v8 =	vpop (erf)  }
0x2f7: {  	v9 =	vadd.f32 $2.000000000e+00, v8  }
0x2f8: {  	(erf) = vpow2.f32 v5  }
0x2f9: {  	s17 =	simm.s32 $0x30;
	v2 =	vld.idx.msk [tilespmem:v2+s25+$0x0], $0xffff;
	(erf) = vrcp.f32 v9  }
0x2fa: {  	v5 =	vmov s17  }
0x2fb: {  	v9 =	vshll.u32 v5, $0x7  }
0x2fc: {  	v5 =	vshll.u32 v5, $0x8;
	v9 =	vor.u32 v3, v9  }
0x2fd: {  	v5 =	vand.u32 $0x6000, v5;
	v9 =	vand.u32 $0xF80, v9  }
0x2fe: {  	v11 =	vand.u32 $0x7FFFFFFF, v2;
	v5 =	vor.u32 v9, v5  }
0x2ff: {  	v5 =	vor.u32 $0x4, v5  }
0x300: {  	v9 =	vsub.f32 $0.0e+00, v11  }
0x301: {  	v11 =	vpop (erf)  }
0x302: {  	v9 =	vmul.f32 $1.442695020e+00, v9;
	v12 =	vpop (erf)  }
0x303: {  	v13 =	vadd.f32 $2.000000000e+00, v11;
	v15 =	vmul.f32 v12, v8  }
0x304: {  	(erf) = vpow2.f32 v9;
	v5 =	vld.idx.msk [tilespmem:v5+s25+$0x0], $0xffff  }
0x305: {  	(erf) = vrcp.f32 v13;
	v8 =	vmul.f32 v15, v15;
	_ =	sdelay $0x1  }
0x306: {  	s4 =	simm.s32 $0x40;
	v9 =	vmul.f32 $1.111111120e-01, v8  }
0x307: {  	v12 =	vmov s4  }
0x308: {  	v13 =	vshll.u32 v12, $0x7;
	v14 =	vand.u32 $0x7FFFFFFF, v5;
	v9 =	vadd.f32 $1.428571490e-01, v9  }
0x309: {  	v13 =	vor.u32 v3, v13;
	v14 =	vsub.f32 $0.0e+00, v14  }
0x30a: {  	v12 =	vshll.u32 v12, $0x8;
	v9 =	vmul.f32 v9, v8  }
0x30b: {  	v12 =	vand.u32 $0x6000, v12;
	v16 =	vand.u32 $0xF80, v13  }
0x30c: {  	v13 =	vpop (erf);
	v17 =	vadd.f32 $2.000000030e-01, v9;
	v9 =	vor.u32 v16, v12  }
0x30d: {  	v12 =	vmul.f32 $1.442695020e+00, v14;
	v14 =	vpop (erf);
	v19 =	vor.u32 $0x4, v9  }
0x30e: {  	v9 =	vmul.f32 v14, v11;
	v11 =	vmul.f32 v17, v8  }
0x30f: {  	v14 =	vadd.f32 $2.000000000e+00, v13  }
0x310: {  	(erf) = vpow2.f32 v12;
	v17 =	vadd.f32 $3.333333430e-01, v11  }
0x311: {  	s17 =	simm.s32 $0x50;
	v12 =	vmul.f32 v9, v9;
	(erf) = vrcp.f32 v14  }
0x312: {  	v15 =	vadd.f32 v15, v15;
	v16 =	vmov s17;
	v14 =	vmul.f32 v17, v8;
	v8 =	vld.idx.msk [tilespmem:v19+s25+$0x0], $0xffff  }
0x313: {  	v20 =	vshll.u32 v16, $0x8;
	v63 =	vshll.u32 v16, $0x7;
	v16 =	vmul.f32 $1.111111120e-01, v12  }
0x314: {  	s15 =	simm.s32 $0x60;
	s8 =	sadd.f32 s8, s20;
	v11 =	vimm.f32 $0.0e+00;
	v17 =	vand.u32 $0x6000, v20;
	v19 =	vor.u32 v3, v63  }
.LBB2_20:
0x315: {  	p2 =	sne.s32 s15, $0x70;
	v19 =	vand.u32 $0xF80, v19;
	v16 =	vadd.f32 $1.428571490e-01, v16;
	v14 =	vadd.f32 $1.000000000e+00, v14  }
0x316: {  	v17 =	vor.u32 v19, v17  }
0x317: {  	v19 =	vand.u32 $0x7FFFFFFF, v8;
	v16 =	vmul.f32 v16, v12;
	v14 =	vmul.f32 v14, v15  }
0x318: {  	v15 =	vor.u32 $0x4, v17;
	v17 =	vsub.f32 $0.0e+00, v19;
	v19 =	vmax.f32 v4, $0.0e+00;
	v4 =	vmovc v1;
	v1 =	vmovc v2  }
0x319: {  	v2 =	vmov v5;
	v20 =	vpop (erf);
	v16 =	vadd.f32 $2.000000030e-01, v16;
	v14 =	vadd.f32 v14, v19  }
0x31a: {  	v5 =	vmov v8;
	v17 =	vmul.f32 $1.442695020e+00, v17;
	v19 =	vadd.f32 $2.000000000e+00, v20;
	v21 =	vpop (erf)  }
0x31b: {  	v21 =	vmul.f32 v21, v13;
	v16 =	vmul.f32 v16, v12;
	v11 =	vadd.f32 v14, v11;
	v13 =	vmovc v20  }
.Ltmp11:
0x31c: {  	v14 =	vmov s15;
	(erf) = vpow2.f32 v17;
	(pc) =	sbr.rel @p2 .LBB2_20-.Ltmp11, $4  }
0x31d: {  	v8 =	vld.idx.msk [tilespmem:v15+s25+$0x0], $0xffff;
	(erf) = vrcp.f32 v19;
	v15 =	vmul.f32 v21, v21;
	v17 =	vadd.f32 $3.333333430e-01, v16  }
0x31e: {  	v19 =	vshll.u32 v14, $0x8  }
0x31f: {  	v20 =	vshll.u32 v14, $0x7;
	v16 =	vmul.f32 $1.111111120e-01, v15;
	v14 =	vmul.f32 v17, v12;
	v12 =	vmovc v15  }
0x320: {  	s15 =	sadd.s32 $0x10, s15;
	v17 =	vand.u32 $0x6000, v19;
	v19 =	vor.u32 v3, v20;
	v15 =	vadd.f32 v9, v9;
	v9 =	vmovc v21  }
0x321: {  	v19 =	vand.u32 $0xF80, v19  }
0x322: {  	v17 =	vor.u32 v19, v17  }
0x323: {  	v17 =	vor.u32 $0x4, v17;
	_ =	sdelay $0x4  }
0x324: {  	v17 =	vld.idx.msk [tilespmem:v17+s25+$0x0], $0xffff;
	_ =	sdelay $0x2  }
0x325: {  	v19 =	vand.u32 $0x7FFFFFFF, v8  }
0x326: {  	v19 =	vsub.f32 $0.0e+00, v19  }
0x327: {  	v20 =	vand.u32 $0x7FFFFFFF, v17  }
0x328: {  	v21 =	vpop (erf);
	v19 =	vmul.f32 $1.442695020e+00, v19;
	v20 =	vsub.f32 $0.0e+00, v20  }
0x329: {  	v22 =	vadd.f32 $2.000000000e+00, v21  }
0x32a: {  	(erf) = vpow2.f32 v19;
	v19 =	vmul.f32 $1.442695020e+00, v20  }
0x32b: {  	(erf) = vrcp.f32 v22  }
0x32c: {  	(erf) = vpow2.f32 v19;
	_ =	sdelay $0x5  }
0x32d: {  	v19 =	vpop (erf)  }
0x32e: {  	v20 =	vpop (erf)  }
0x32f: {  	v47 =	vadd.f32 $2.000000000e+00, v20;
	v23 =	vpop (erf)  }
0x330: {  	v24 =	vpop (erf)  }
0x331: {  	(erf) = vrcp.f32 v47;
	v49 =	vadd.f32 $2.000000000e+00, v24;
	_ =	sdelay $0x1  }
0x332: {  	(erf) = vrcp.f32 v49;
	_ =	sdelay $0x1  }
0x333: {  	v16 =	vadd.f32 $1.428571490e-01, v16  }
0x334: {  	v13 =	vmul.f32 v19, v13  }
0x335: {  	v16 =	vmul.f32 v16, v12  }
0x336: {  	v19 =	vmul.f32 v13, v13;
	v21 =	vmul.f32 v23, v21;
	_ =	sdelay $0x1  }
0x337: {  	v16 =	vadd.f32 $2.000000030e-01, v16;
	v50 =	vmul.f32 $1.111111120e-01, v19;
	v23 =	vmul.f32 v21, v21;
	v25 =	vpop (erf)  }
0x338: {  	v14 =	vadd.f32 $1.000000000e+00, v14;
	v51 =	vmul.f32 v25, v20  }
0x339: {  	v16 =	vmul.f32 v16, v12;
	v52 =	vmul.f32 $1.111111120e-01, v23;
	v20 =	vadd.f32 $1.428571490e-01, v50;
	v53 =	vpop (erf)  }
0x33a: {  	v4 =	vmax.f32 v4, $0.0e+00;
	v26 =	vmul.f32 v51, v51;
	v24 =	vmul.f32 v53, v24  }
0x33b: {  	v9 =	vadd.f32 v9, v9;
	v22 =	vadd.f32 $1.428571490e-01, v52;
	v20 =	vmul.f32 v20, v19  }
0x33c: {  	v16 =	vadd.f32 $3.333333430e-01, v16;
	v54 =	vmul.f32 $1.111111120e-01, v26;
	v27 =	vmul.f32 v24, v24  }
0x33d: {  	v14 =	vmul.f32 v14, v15;
	v55 =	vadd.f32 $2.000000030e-01, v20;
	v20 =	vmul.f32 v22, v23  }
0x33e: {  	v56 =	vmul.f32 v16, v12;
	v16 =	vadd.f32 $1.428571490e-01, v54;
	v57 =	vmul.f32 $1.111111120e-01, v27  }
0x33f: {  	v4 =	vadd.f32 v14, v4;
	v14 =	vmul.f32 v55, v19;
	v20 =	vadd.f32 $2.000000030e-01, v20  }
0x340: {  	v12 =	vadd.f32 $1.000000000e+00, v56;
	v16 =	vmul.f32 v16, v26;
	v22 =	vadd.f32 $1.428571490e-01, v57  }
0x341: {  	v4 =	vadd.f32 v4, v11;
	v11 =	vadd.f32 $3.333333430e-01, v14;
	v58 =	vmul.f32 v20, v23  }
0x342: {  	v9 =	vmul.f32 v12, v9;
	v59 =	vadd.f32 $2.000000030e-01, v16;
	v16 =	vmul.f32 v22, v27  }
0x343: {  	v1 =	vmax.f32 v1, $0.0e+00;
	v11 =	vmul.f32 v11, v19;
	v14 =	vadd.f32 $3.333333430e-01, v58  }
0x344: {  	v1 =	vadd.f32 v9, v1;
	v9 =	vmul.f32 v59, v26;
	v60 =	vadd.f32 $2.000000030e-01, v16  }
0x345: {  	v13 =	vadd.f32 v13, v13;
	v14 =	vmul.f32 v14, v23;
	v11 =	vadd.f32 $1.000000000e+00, v11  }
0x346: {  	v1 =	vadd.f32 v1, v4;
	v4 =	vadd.f32 $3.333333430e-01, v9;
	v9 =	vmul.f32 v60, v27  }
0x347: {  	v61 =	vadd.f32 v21, v21;
	v11 =	vmul.f32 v11, v13;
	v62 =	vadd.f32 $1.000000000e+00, v14  }
0x348: {  	v2 =	vmax.f32 v2, $0.0e+00;
	v4 =	vmul.f32 v4, v26;
	v9 =	vadd.f32 $3.333333430e-01, v9  }
0x349: {  	v5 =	vmax.f32 v5, $0.0e+00;
	v2 =	vadd.f32 v11, v2;
	v11 =	vmul.f32 v62, v61  }
0x34a: {  	v63 =	vadd.f32 v51, v51;
	v4 =	vadd.f32 $1.000000000e+00, v4;
	v9 =	vmul.f32 v9, v27  }
0x34b: {  	v1 =	vadd.f32 v2, v1;
	v2 =	vadd.f32 v11, v5  }
0x34c: {  	v5 =	vadd.f32 v24, v24;
	v4 =	vmul.f32 v4, v63;
	v9 =	vadd.f32 $1.000000000e+00, v9  }
0x34d: {  	v8 =	vmax.f32 v8, $0.0e+00  }
0x34e: {  	v1 =	vadd.f32 v2, v1;
	v2 =	vadd.f32 v4, v8;
	v4 =	vmul.f32 v9, v5  }
0x34f: {  	v5 =	vmax.f32 v17, $0.0e+00  }
0x350: {  	v1 =	vadd.f32 v2, v1;
	v2 =	vadd.f32 v4, v5;
	_ =	sdelay $0x1  }
0x351: {  	v1 =	vadd.f32 v2, v1;
	_ =	sdelay $0x1  }
0x352: {  	(xrf2) =	vadd.scan.msk.f32 $0xffff, v1;
	_ =	sdelay $0x9  }
0x353: {  	v1, _, _ =	vpop (xrf2)  }
0x354: {  	(v2sf) =	vpush v1, $0xF;
	_ =	sdelay $0xb  }
.Ltmp12:
0x355: {  	_ = 	snop;
	(pc) =	sbr.rel @p1 .LBB2_17-.Ltmp12, $3  }
0x356: {  	_ =	sdelay $0x1  }
0x357: {  	s15 =	spop (v2sf)  }
0x358: {  	p2 =	por $0x0, $0x0;
	s20 =	sadd.f32 s15, s8;
	s8 =	simm.s32 $0x1000  }
0x359: {  	s8 =	simm.s32 $0x0;
	s4 =	rddreg [dreg:$0x9]  }
0x35a: {  	[tilespmem:s8], [sflag:$0x2] =	stream.linear.gather [hbm4b:s4+s8], $0x800, $0x38;
	[tilespmem:$0x11700] =	vst v63  }
0x35b: {  	s17 =	simm.s32 $0x2000;
	s15 =	sadd.s32 $0x100, s4  }
0x35c: {  	[tilespmem:s17], [sflag:$0x2] =	stream.linear.gather [hbm4b:s15+s8], $0x800, $0x38;
	[tilespmem:$0x11700] =	vst v63  }
0x35d: {  	s21 =	simm.s32 $0x4000;
	s17 =	sadd.s32 $0x200, s4  }
0x35e: {  	[tilespmem:s21], [sflag:$0x2] =	stream.linear.gather [hbm4b:s17+s8], $0x800, $0x38;
	[tilespmem:$0x11700] =	vst v63  }
0x35f: {  	s4 =	sadd.s32 $0x300, s4;
	s17 =	simm.s32 $0x6000  }
0x360: {  	[tilespmem:s17], [sflag:$0x2] =	stream.linear.gather [hbm4b:s4+s8], $0x800, $0x38;
	[tilespmem:$0x11700] =	vst v63  }
0x361: {  	s4 =	rddreg [dreg:$0xa]  }
0x362: {  	v1 =	vmov s8;
	[tilespmem:s25], [sflag:$0x3] =	stream.linear.gather [hbm4b:s4+s8], $0x800, $0x38;
	[tilespmem:$0x11700] =	vst v63  }
0x363: {  	v1 =	vshrl.u32 v1, $0x4;
	s21 =	sadd.s32 $0x100, s4  }
0x364: {  	v1 =	vshll.u32 v1, $0xD;
	[tilespmem:s19], [sflag:$0x3] =	stream.linear.gather [hbm4b:s21+s8], $0x800, $0x38;
	[tilespmem:$0x11700] =	vst v63  }
0x365: {  	v1 =	vbroadcast v1, $0x0;
	s17 =	sadd.s32 $0x200, s4  }
0x366: {  	[tilespmem:s3], [sflag:$0x3] =	stream.linear.gather [hbm4b:s17+s8], $0x800, $0x38;
	[tilespmem:$0x11700] =	vst v63  }
0x367: {  	v1 =	vor.u32 v6, v1;
	s19 =	sadd.s32 $0x300, s4  }
0x368: {  	[tilespmem:s29], [sflag:$0x3] =	stream.linear.gather [hbm4b:s19+s8], $0x800, $0x38;
	[tilespmem:$0x11700] =	vst v63  }
0x369: {  	_ =	swait.ge [sflag:s26], $0x2000  }
0x36a: {  	[sflag:s26] =	ssyncset.done $0x0  }
0x36b: {  	[sflag:s26] =	ssyncadd.s32 $0xFFFFE000  }
0x36c: {  	v2 =	vld.idx.msk [tilespmem:v1+s5+$0x0], $0xffff;
	_ =	sdelay $0x4  }
0x36d: {  	v1 =	vand.u32 $0x7FFFFFFF, v2  }
0x36e: {  	v1 =	vsub.f32 $0.0e+00, v1;
	_ =	sdelay $0x1  }
0x36f: {  	v1 =	vmul.f32 $1.442695020e+00, v1;
	_ =	sdelay $0x1  }
0x370: {  	(erf) = vpow2.f32 v1;
	_ =	sdelay $0x8  }
0x371: {  	v1 =	vpop (erf)  }
0x372: {  	v5 =	vadd.f32 $2.000000000e+00, v1;
	_ =	sdelay $0x1  }
0x373: {  	s21 =	simm.s32 $0x10;
	(erf) = vrcp.f32 v5  }
0x374: {  	v4 =	vimm.f32 $0.0e+00;
	s8 =	simm.s32 $0x20;
	v5 =	vmov s21  }
.LBB2_23:
0x375: {  	p1 =	sne.s32 s8, $0x30;
	v5 =	vshrl.u32 v5, $0x4  }
0x376: {  	v5 =	vshll.u32 v5, $0xD  }
0x377: {  	v5 =	vbroadcast v5, $0x0;
	_ =	sdelay $0x1  }
0x378: {  	v5 =	vor.u32 v6, v5;
	_ =	sdelay $0x2  }
0x379: {  	v8 =	vpop (erf)  }
0x37a: {  	v1 =	vmul.f32 v8, v1  }
0x37b: {  	v5 =	vld.idx.msk [tilespmem:v5+s5+$0x0], $0xffff  }
0x37c: {  	v8 =	vmul.f32 v1, v1;
	_ =	sdelay $0x1  }
0x37d: {  	v9 =	vmul.f32 $1.111111120e-01, v8;
	_ =	sdelay $0x1  }
0x37e: {  	v9 =	vadd.f32 $1.428571490e-01, v9  }
0x37f: {  	v11 =	vand.u32 $0x7FFFFFFF, v5  }
0x380: {  	v11 =	vsub.f32 $0.0e+00, v11;
	v9 =	vmul.f32 v9, v8;
	_ =	sdelay $0x1  }
0x381: {  	v11 =	vmul.f32 $1.442695020e+00, v11;
	v9 =	vadd.f32 $2.000000030e-01, v9;
	_ =	sdelay $0x1  }
0x382: {  	(erf) = vpow2.f32 v11;
	v9 =	vmul.f32 v9, v8;
	_ =	sdelay $0x1  }
0x383: {  	v9 =	vadd.f32 $3.333333430e-01, v9;
	_ =	sdelay $0x1  }
0x384: {  	v8 =	vmul.f32 v9, v8;
	_ =	sdelay $0x1  }
0x385: {  	v9 =	vadd.f32 v1, v1;
	v8 =	vadd.f32 $1.000000000e+00, v8;
	_ =	sdelay $0x1  }
0x386: {  	v8 =	vmul.f32 v8, v9  }
.Ltmp13:
0x387: {  	v9 =	vmax.f32 v2, $0.0e+00;
	v2 =	vmov v5;
	v1 =	vpop (erf);
	(pc) =	sbr.rel @p1 .LBB2_23-.Ltmp13, $3  }
0x388: {  	v5 =	vadd.f32 $2.000000000e+00, v1;
	v8 =	vadd.f32 v8, v9;
	_ =	sdelay $0x1  }
0x389: {  	(erf) = vrcp.f32 v5;
	v4 =	vadd.f32 v8, v4  }
0x38a: {  	v5 =	vmov s8;
	s8 =	sadd.s32 $0x10, s8  }
0x38b: {  	v5 =	vshrl.u32 v5, $0x4  }
0x38c: {  	v5 =	vshll.u32 v5, $0xD  }
0x38d: {  	v5 =	vbroadcast v5, $0x0;
	_ =	sdelay $0x1  }
0x38e: {  	v5 =	vor.u32 v6, v5;
	_ =	sdelay $0x4  }
0x38f: {  	v5 =	vld.idx.msk [tilespmem:v5+s5+$0x0], $0xffff;
	_ =	sdelay $0x4  }
0x390: {  	v8 =	vand.u32 $0x7FFFFFFF, v5  }
0x391: {  	v8 =	vsub.f32 $0.0e+00, v8;
	_ =	sdelay $0x1  }
0x392: {  	v8 =	vmul.f32 $1.442695020e+00, v8;
	_ =	sdelay $0x1  }
0x393: {  	(erf) = vpow2.f32 v8;
	_ =	sdelay $0x7  }
0x394: {  	v8 =	vpop (erf)  }
0x395: {  	v9 =	vpop (erf)  }
0x396: {  	v11 =	vadd.f32 $2.000000000e+00, v9;
	_ =	sdelay $0x1  }
0x397: {  	(erf) = vrcp.f32 v11  }
0x398: {  	s8 =	simm.s32 $0x0  }
0x399: {  	v11 =	vmov s8  }
0x39a: {  	v11 =	vshrl.u32 v11, $0x4  }
0x39b: {  	v11 =	vshll.u32 v11, $0xD  }
0x39c: {  	v11 =	vbroadcast v11, $0x0;
	_ =	sdelay $0x2  }
0x39d: {  	v8 =	vmul.f32 v8, v1;
	v1 =	vor.u32 v6, v11  }
0x39e: {  	v11 =	vpop (erf)  }
0x39f: {  	v12 =	vmul.f32 v8, v8;
	v9 =	vmul.f32 v11, v9;
	_ =	swait.ge [sflag:s28], $0x2000  }
0x3a0: {  	[sflag:s28] =	ssyncset.done $0x0  }
0x3a1: {  	v11 =	vmul.f32 $1.111111120e-01, v12;
	v13 =	vmul.f32 v9, v9;
	[sflag:s28] =	ssyncadd.s32 $0xFFFFE000  }
0x3a2: {  	v1 =	vld.idx.msk [tilespmem:v1+s25+$0x0], $0xffff  }
0x3a3: {  	v11 =	vadd.f32 $1.428571490e-01, v11;
	v14 =	vmul.f32 $1.111111120e-01, v13;
	_ =	sdelay $0x1  }
0x3a4: {  	v11 =	vmul.f32 v11, v12;
	v14 =	vadd.f32 $1.428571490e-01, v14;
	_ =	sdelay $0x1  }
0x3a5: {  	v11 =	vadd.f32 $2.000000030e-01, v11;
	v14 =	vmul.f32 v14, v13;
	v15 =	vand.u32 $0x7FFFFFFF, v1  }
0x3a6: {  	v15 =	vsub.f32 $0.0e+00, v15  }
0x3a7: {  	v11 =	vmul.f32 v11, v12;
	v14 =	vadd.f32 $2.000000030e-01, v14  }
0x3a8: {  	v15 =	vmul.f32 $1.442695020e+00, v15  }
0x3a9: {  	v11 =	vadd.f32 $3.333333430e-01, v11;
	v14 =	vmul.f32 v14, v13  }
0x3aa: {  	(erf) = vpow2.f32 v15  }
0x3ab: {  	v11 =	vmul.f32 v11, v12;
	v63 =	vadd.f32 $3.333333430e-01, v14;
	_ =	sdelay $0x1  }
0x3ac: {  	v8 =	vadd.f32 v8, v8;
	v11 =	vadd.f32 $1.000000000e+00, v11;
	v12 =	vmul.f32 v63, v13;
	_ =	sdelay $0x1  }
0x3ad: {  	v9 =	vadd.f32 v9, v9;
	v8 =	vmul.f32 v11, v8;
	v11 =	vadd.f32 $1.000000000e+00, v12  }
0x3ae: {  	v2 =	vmax.f32 v2, $0.0e+00;
	v5 =	vmax.f32 v5, $0.0e+00  }
0x3af: {  	v2 =	vadd.f32 v8, v2;
	v8 =	vmul.f32 v11, v9;
	_ =	sdelay $0x1  }
0x3b0: {  	v2 =	vadd.f32 v2, v4;
	v4 =	vadd.f32 v8, v5;
	v5 =	vpop (erf)  }
0x3b1: {  	v8 =	vadd.f32 $2.000000000e+00, v5;
	_ =	sdelay $0x1  }
0x3b2: {  	s21 =	simm.s32 $0x10;
	(erf) = vrcp.f32 v8  }
0x3b3: {  	s8 =	simm.s32 $0x20;
	v2 =	vadd.f32 v4, v2;
	v4 =	vimm.f32 $0.0e+00;
	v8 =	vmov s21  }
.LBB2_25:
0x3b4: {  	p1 =	sne.s32 s8, $0x30;
	v8 =	vshrl.u32 v8, $0x4  }
0x3b5: {  	v8 =	vshll.u32 v8, $0xD  }
0x3b6: {  	v8 =	vbroadcast v8, $0x0;
	_ =	sdelay $0x1  }
0x3b7: {  	v8 =	vor.u32 v6, v8;
	_ =	sdelay $0x2  }
0x3b8: {  	v9 =	vpop (erf)  }
0x3b9: {  	v5 =	vmul.f32 v9, v5  }
0x3ba: {  	v8 =	vld.idx.msk [tilespmem:v8+s25+$0x0], $0xffff  }
0x3bb: {  	v9 =	vmul.f32 v5, v5;
	_ =	sdelay $0x1  }
0x3bc: {  	v11 =	vmul.f32 $1.111111120e-01, v9;
	_ =	sdelay $0x1  }
0x3bd: {  	v11 =	vadd.f32 $1.428571490e-01, v11  }
0x3be: {  	v12 =	vand.u32 $0x7FFFFFFF, v8  }
0x3bf: {  	v12 =	vsub.f32 $0.0e+00, v12;
	v11 =	vmul.f32 v11, v9;
	_ =	sdelay $0x1  }
0x3c0: {  	v12 =	vmul.f32 $1.442695020e+00, v12;
	v11 =	vadd.f32 $2.000000030e-01, v11;
	_ =	sdelay $0x1  }
0x3c1: {  	(erf) = vpow2.f32 v12;
	v11 =	vmul.f32 v11, v9;
	_ =	sdelay $0x1  }
0x3c2: {  	v11 =	vadd.f32 $3.333333430e-01, v11;
	_ =	sdelay $0x1  }
0x3c3: {  	v9 =	vmul.f32 v11, v9;
	_ =	sdelay $0x1  }
0x3c4: {  	v11 =	vadd.f32 v5, v5;
	v9 =	vadd.f32 $1.000000000e+00, v9;
	_ =	sdelay $0x1  }
0x3c5: {  	v9 =	vmul.f32 v9, v11  }
.Ltmp14:
0x3c6: {  	v11 =	vmax.f32 v1, $0.0e+00;
	v1 =	vmov v8;
	v5 =	vpop (erf);
	(pc) =	sbr.rel @p1 .LBB2_25-.Ltmp14, $3  }
0x3c7: {  	v8 =	vadd.f32 $2.000000000e+00, v5;
	v9 =	vadd.f32 v9, v11;
	_ =	sdelay $0x1  }
0x3c8: {  	(erf) = vrcp.f32 v8;
	v4 =	vadd.f32 v9, v4  }
0x3c9: {  	v8 =	vmov s8;
	s8 =	sadd.s32 $0x10, s8  }
0x3ca: {  	v8 =	vshrl.u32 v8, $0x4  }
0x3cb: {  	v8 =	vshll.u32 v8, $0xD  }
0x3cc: {  	v8 =	vbroadcast v8, $0x0;
	_ =	sdelay $0x1  }
0x3cd: {  	v8 =	vor.u32 v6, v8;
	_ =	sdelay $0x4  }
0x3ce: {  	v8 =	vld.idx.msk [tilespmem:v8+s25+$0x0], $0xffff;
	_ =	sdelay $0x4  }
0x3cf: {  	v9 =	vand.u32 $0x7FFFFFFF, v8  }
0x3d0: {  	v9 =	vsub.f32 $0.0e+00, v9;
	_ =	sdelay $0x1  }
0x3d1: {  	v9 =	vmul.f32 $1.442695020e+00, v9;
	_ =	sdelay $0x1  }
0x3d2: {  	(erf) = vpow2.f32 v9;
	_ =	sdelay $0x7  }
0x3d3: {  	v9 =	vpop (erf)  }
0x3d4: {  	v11 =	vpop (erf)  }
0x3d5: {  	v12 =	vadd.f32 $2.000000000e+00, v11;
	_ =	sdelay $0x1  }
0x3d6: {  	(erf) = vrcp.f32 v12;
	_ =	sdelay $0x7  }
0x3d7: {  	v5 =	vmul.f32 v9, v5  }
0x3d8: {  	v9 =	vpop (erf)  }
0x3d9: {  	v62 =	vmul.f32 v5, v5;
	v9 =	vmul.f32 v9, v11;
	_ =	sdelay $0x1  }
0x3da: {  	v11 =	vmul.f32 $1.111111120e-01, v62;
	v13 =	vmul.f32 v9, v9;
	_ =	sdelay $0x1  }
0x3db: {  	v11 =	vadd.f32 $1.428571490e-01, v11;
	v14 =	vmul.f32 $1.111111120e-01, v13;
	_ =	sdelay $0x1  }
0x3dc: {  	v11 =	vmul.f32 v11, v62;
	v14 =	vadd.f32 $1.428571490e-01, v14;
	_ =	sdelay $0x1  }
0x3dd: {  	v11 =	vadd.f32 $2.000000030e-01, v11;
	v14 =	vmul.f32 v14, v13;
	_ =	sdelay $0x1  }
0x3de: {  	v11 =	vmul.f32 v11, v62;
	v14 =	vadd.f32 $2.000000030e-01, v14;
	_ =	sdelay $0x1  }
0x3df: {  	v11 =	vadd.f32 $3.333333430e-01, v11;
	v14 =	vmul.f32 v14, v13;
	_ =	sdelay $0x1  }
0x3e0: {  	v11 =	vmul.f32 v11, v62;
	v63 =	vadd.f32 $3.333333430e-01, v14;
	_ =	sdelay $0x1  }
0x3e1: {  	v5 =	vadd.f32 v5, v5;
	v11 =	vadd.f32 $1.000000000e+00, v11;
	v12 =	vmul.f32 v63, v13;
	_ =	sdelay $0x1  }
0x3e2: {  	v9 =	vadd.f32 v9, v9;
	v5 =	vmul.f32 v11, v5;
	v11 =	vadd.f32 $1.000000000e+00, v12  }
0x3e3: {  	v1 =	vmax.f32 v1, $0.0e+00  }
0x3e4: {  	v1 =	vadd.f32 v5, v1;
	v5 =	vmul.f32 v11, v9  }
0x3e5: {  	v8 =	vmax.f32 v8, $0.0e+00  }
0x3e6: {  	v1 =	vadd.f32 v1, v4;
	v4 =	vadd.f32 v5, v8;
	_ =	sdelay $0x1  }
0x3e7: {  	(xrf2) =	vadd.scan.msk.f32 $0xffff, v2;
	v1 =	vadd.f32 v4, v1;
	_ =	sdelay $0x1  }
0x3e8: {  	(xrf2) =	vadd.scan.msk.f32 $0xffff, v1;
	_ =	sdelay $0x7  }
0x3e9: {  	v1, _, _ =	vpop (xrf2)  }
0x3ea: {  	(v2sf) =	vpush v1, $0xF  }
0x3eb: {  	v1, _, _ =	vpop (xrf2)  }
0x3ec: {  	(v2sf) =	vpush v1, $0xF;
	_ =	sdelay $0xc  }
0x3ed: {  	s8 =	spop (v2sf)  }
0x3ee: {  	s8 =	sadd.f32 $0.0e+00, s8  }
0x3ef: {  	s9 =	smul.f32 $2.441406250e-04, s9;
	s15 =	spop (v2sf)  }
0x3f0: {  	s21 =	smul.f32 $9.765625000e-04, s20;
	s8 =	sadd.f32 s15, s8  }
0x3f1: {  	_ = 	snop  }
0x3f2: {  	s9 =	sadd.f32 s21, s9;
	s8 =	smul.f32 $3.906250000e-03, s8  }
0x3f3: {  	_ = 	snop  }
0x3f4: {  	s8 =	sadd.f32 s8, s9;
	_ =	sdelay $0x1  }
0x3f5: {  	s8 =	smul.f32 $3.125000000e-02, s8  }
.Ltmp15:
0x3f6: {  	_ = 	snop;
	(pc) =	sbr.rel @!p0 .LBB2_27-.Ltmp15, $4  }
0x3f7: {  	_ = 	snop  }
0x3f8: {  	v1 =	vmov s8  }
0x3f9: {  	v1 =	vnsel vm2, $0x0, v1  }
0x3fa: {  	s8 =	simm.s32 $0x28;
	[tilespmem:$0x1FEE0] =	vst v1  }
0x3fb: {  	s4 =	simm.s32 $0x1  }
0x3fc: {  	_ =	swait.ge [sflag:s4], $0x80  }
0x3fd: {  	[sflag:s4] =	ssyncset.done $0x0  }
0x3fe: {  	[sflag:s4] =	ssyncadd.s32 $0xFFFFFF80  }
0x3ff: {  	_ =	swait.ge [sflag:s4], $0x80  }
0x400: {  	[sflag:s4] =	ssyncset.done $0x0  }
0x401: {  	[sflag:s4] =	ssyncadd.s32 $0xFFFFFF80  }
0x402: {  	_ =	swait.ge [sflag:s4], $0x80  }
0x403: {  	[sflag:s4] =	ssyncset.done $0x0  }
0x404: {  	[sflag:s4] =	ssyncadd.s32 $0xFFFFFF80  }
0x405: {  	_ =	swait.ge [sflag:s4], $0x80  }
0x406: {  	[sflag:s4] =	ssyncset.done $0x0  }
0x407: {  	[sflag:s4] =	ssyncadd.s32 $0xFFFFFF80  }
0x408: {  	_ =	swait.ge [sflag:s4], $0x80  }
0x409: {  	[sflag:s4] =	ssyncset.done $0x0  }
0x40a: {  	[sflag:s4] =	ssyncadd.s32 $0xFFFFFF80  }
0x40b: {  	_ =	swait.ge [sflag:s4], $0x80  }
0x40c: {  	[sflag:s4] =	ssyncset.done $0x0  }
0x40d: {  	[sflag:s4] =	ssyncadd.s32 $0xFFFFFF80  }
0x40e: {  	_ =	swait.ge [sflag:s4], $0x80  }
0x40f: {  	[sflag:s4] =	ssyncset.done $0x0  }
0x410: {  	[sflag:s4] =	ssyncadd.s32 $0xFFFFFF80  }
0x411: {  	_ =	swait.ge [sflag:s4], $0x80  }
0x412: {  	[sflag:s4] =	ssyncset.done $0x0  }
0x413: {  	[sflag:s4] =	ssyncadd.s32 $0xFFFFFF80  }
0x414: {  	_ =	swait.ge [sflag:s4], $0x80  }
0x415: {  	[sflag:s4] =	ssyncset.done $0x0  }
0x416: {  	[sflag:s4] =	ssyncadd.s32 $0xFFFFFF80  }
0x417: {  	_ =	swait.ge [sflag:s4], $0x80  }
0x418: {  	[sflag:s4] =	ssyncset.done $0x0  }
0x419: {  	[sflag:s4] =	ssyncadd.s32 $0xFFFFFF80  }
0x41a: {  	_ =	swait.ge [sflag:s4], $0x80  }
0x41b: {  	[sflag:s4] =	ssyncset.done $0x0  }
0x41c: {  	[sflag:s4] =	ssyncadd.s32 $0xFFFFFF80  }
0x41d: {  	_ =	swait.ge [sflag:s4], $0x80  }
0x41e: {  	[sflag:s4] =	ssyncset.done $0x0  }
0x41f: {  	[sflag:s4] =	ssyncadd.s32 $0xFFFFFF80  }
0x420: {  	_ =	swait.ge [sflag:s4], $0x80  }
0x421: {  	[sflag:s4] =	ssyncset.done $0x0  }
0x422: {  	[sflag:s4] =	ssyncadd.s32 $0xFFFFFF80  }
0x423: {  	_ =	swait.ge [sflag:s4], $0x80  }
0x424: {  	[sflag:s4] =	ssyncset.done $0x0  }
0x425: {  	[sflag:s4] =	ssyncadd.s32 $0xFFFFFF80  }
0x426: {  	_ =	swait.ge [sflag:s4], $0x80  }
0x427: {  	[sflag:s4] =	ssyncset.done $0x0  }
0x428: {  	[sflag:s4] =	ssyncadd.s32 $0xFFFFFF80  }
0x429: {  	_ =	swait.ge [sflag:s4], $0x80  }
0x42a: {  	[sflag:s4] =	ssyncset.done $0x0  }
0x42b: {  	[sflag:s4] =	ssyncadd.s32 $0xFFFFFF80  }
0x42c: {  	_ =	swait.ge [sflag:s4], $0x80  }
0x42d: {  	[sflag:s4] =	ssyncset.done $0x0  }
0x42e: {  	[sflag:s4] =	ssyncadd.s32 $0xFFFFFF80  }
0x42f: {  	_ =	swait.ge [sflag:s4], $0x80  }
0x430: {  	[sflag:s4] =	ssyncset.done $0x0  }
0x431: {  	[sflag:s4] =	ssyncadd.s32 $0xFFFFFF80  }
0x432: {  	_ =	swait.ge [sflag:s4], $0x80  }
0x433: {  	[sflag:s4] =	ssyncset.done $0x0  }
0x434: {  	[sflag:s4] =	ssyncadd.s32 $0xFFFFFF80  }
0x435: {  	v12 =	vmov s4;
	_ =	swait.ge [sflag:s4], $0x80  }
0x436: {  	[sflag:s4] =	ssyncset.done $0x0  }
0x437: {  	[sflag:s4] =	ssyncadd.s32 $0xFFFFFF80  }
0x438: {  	v2 =	vld [tilespmem:$0x11500]  }
0x439: {  	v4 =	vld [tilespmem:$0x11510]  }
0x43a: {  	s21 =	simm.s32 $0x2;
	v13 =	vld.idx.msk [tilespmem:v12+s30+$0x0], $0xffff  }
0x43b: {  	v8 =	vmov s21;
	v5 =	vld [tilespmem:$0x11490]  }
0x43c: {  	v11 =	vld.idx.msk [tilespmem:v12+s24+$0x0], $0xffff  }
0x43d: {  	vm10 =	vmmov vm3;
	vm11 =	vmmov vm3;
	vm9 =	vmmov vm3  }
0x43e: {  	vm8 =	vmmov vm3;
	vm6 =	vgt.u32 v12, v0;
	vm7 =	vgt.u32 v8, v0;
	v1 =	vld [tilespmem:$0x11480]  }
0x43f: {  	vm15 =	vgt.u32 v12, v7;
	vm6 =	vmmov vm6;
	vm7 =	vmmov vm7  }
0x440: {  	s8 =	simm.s32 $0x3;
	s9 =	simm.s32 $0x11400;
	vm12 =	vmmov vm6;
	v9 =	vld.idx.msk [tilespmem:v8+s30+$0x0], $0xffff;
	vm13 =	veq.s32 v2, v13;
	vm14 =	veq.s32 v4, v13  }
.LBB2_39:
0x441: {  	p1 =	sne.s32 s8, $0x13;
	vm6 =	vmand vm15, vm14;
	vm14 =	veq.s32 v5, v11;
	v12 =	vmovc v8;
	v13 =	vmovc v11;
	v11 =	vld.idx.msk [tilespmem:v8+s24+$0x0], $0xffff;
	v8 =	vmov s8;
	s8 =	sadd.s32 $0x1, s8  }
.Ltmp16:
0x442: {  	vm12 =	vmand vm12, vm13;
	vm15 =	vgt.u32 v8, v0;
	vm13 =	vmand vm6, vm14;
	(pc) =	sbr.rel @p1 .LBB2_39-.Ltmp16, $4  }
0x443: {  	vm10 =	vmor vm10, vm12;
	vm14 =	veq.s32 v1, v13;
	vm11 =	vmor vm11, vm13  }
0x444: {  	vm9 =	vmor vm9, vm6;
	vm6 =	vmand vm12, vm14;
	vm12 =	vmmov vm7  }
0x445: {  	vm7 =	vmmov vm15;
	vm8 =	vmor vm8, vm6  }
0x446: {  	vm15 =	vgt.u32 v12, v7;
	vm13 =	veq.s32 v2, v9;
	vm14 =	veq.s32 v4, v9;
	v9 =	vld.idx.msk [tilespmem:v8+s30+$0x0], $0xffff  }
0x447: {  	_ =	sdelay $0x2  }
0x448: {  	vm6 =	vmand vm15, vm14;
	vm14 =	veq.s32 v5, v11;
	vm12 =	vmand vm12, vm13  }
0x449: {  	v12 =	vld.idx.msk [tilespmem:v8+s24+$0x0], $0xffff;
	vm7 =	vmmov vm7;
	vm13 =	vmand vm6, vm14;
	vm14 =	veq.s32 v1, v11  }
0x44a: {  	vm10 =	vmor vm10, vm12;
	vm6 =	vmor vm9, vm6;
	vm12 =	vmand vm12, vm14  }
0x44b: {  	s4 =	simm.s32 $0x0;
	vm11 =	vmor vm11, vm13;
	vm8 =	vmor vm8, vm12;
	vm12 =	vgt.u32 v8, v7  }
0x44c: {  	vm9 =	veq.s32 v4, v9;
	v4 =	vmov s4;
	vm13 =	veq.s32 v2, v9  }
0x44d: {  	v9 =	vimm.f32 $1.000000000e+00;
	vm9 =	vmand vm12, vm9;
	v2 =	vadd.s32 $0x5, v4  }
0x44e: {  	vm12 =	veq.s32 v5, v12;
	vm7 =	vmand vm7, vm13;
	v2 =	vand.u32 $0xFF, v2  }
0x44f: {  	vm13 =	veq.s32 v1, v12;
	vm10 =	vmor vm10, vm7;
	v1 =	vbroadcast v2, $0x0  }
0x450: {  	vm6 =	vmor vm6, vm9;
	vm7 =	vmand vm7, vm13;
	v2 =	vimm.f32 $0.0e+00  }
0x451: {  	v4 =	vsel vm10, $0x0, v9;
	vm7 =	vmor vm8, vm7;
	v8 =	vadd.s32 v10, v1  }
0x452: {  	vm9 =	vmand vm9, vm12;
	v5 =	vsel vm0, $0x3F800000, v2;
	[tilespmem:$0x11580] =	vst v4;
	v26 =	vsel vm7, $0x0, v9  }
0x453: {  	v4 =	vsel vm6, $0x0, v5;
	vm6 =	vmor vm11, vm9;
	[tilespmem:$0x11600] =	vst v26  }
0x454: {  	[tilespmem:$0x11590] =	vst v4;
	v25 =	vsel vm6, $0x0, v5  }
0x455: {  	[tilespmem:$0x11610] =	vst v25  }
0x456: {  	v8 =	vld.idx.msk [tilespmem:v8+s7+$0x0], $0xffff;
	_ =	sdelay $0x3  }
0x457: {  	s15 =	simm.s32 $0x1  }
0x458: {  	v4 =	vmov s15;
	v5 =	vand.u32 $0x7FFFFFFF, v8  }
0x459: {  	v1 =	vadd.s32 v3, v1;
	v4 =	vadd.s32 $0x5, v4;
	v5 =	vsub.f32 $0.0e+00, v5  }
0x45a: {  	v4 =	vand.u32 $0xFF, v4  }
0x45b: {  	v9 =	vbroadcast v4, $0x0;
	v4 =	vmul.f32 $1.442695020e+00, v5;
	_ =	sdelay $0x1  }
0x45c: {  	(erf) = vpow2.f32 v4  }
0x45d: {  	v1 =	vld.idx.msk [tilespmem:v1+s7+$0x0], $0xffff;
	v5 =	vadd.s32 v10, v9;
	_ =	sdelay $0x4  }
0x45e: {  	v4 =	vld.idx.msk [tilespmem:v5+s7+$0x0], $0xffff;
	v5 =	vand.u32 $0x7FFFFFFF, v1  }
0x45f: {  	v5 =	vsub.f32 $0.0e+00, v5;
	_ =	sdelay $0x1  }
0x460: {  	v9 =	vadd.s32 v3, v9;
	v5 =	vmul.f32 $1.442695020e+00, v5;
	v11 =	vpop (erf)  }
0x461: {  	s17 =	simm.s32 $0x2;
	v13 =	vadd.f32 $2.000000000e+00, v11  }
0x462: {  	v12 =	vand.u32 $0x7FFFFFFF, v4;
	(erf) = vpow2.f32 v5;
	v5 =	vmov s17  }
0x463: {  	v12 =	vsub.f32 $0.0e+00, v12;
	v5 =	vadd.s32 $0x5, v5;
	(erf) = vrcp.f32 v13  }
0x464: {  	v5 =	vand.u32 $0xFF, v5  }
0x465: {  	v9 =	vld.idx.msk [tilespmem:v9+s7+$0x0], $0xffff;
	v12 =	vmul.f32 $1.442695020e+00, v12;
	v5 =	vbroadcast v5, $0x0;
	_ =	sdelay $0x1  }
0x466: {  	(erf) = vpow2.f32 v12;
	v12 =	vadd.s32 v10, v5;
	_ =	sdelay $0x2  }
0x467: {  	v13 =	vand.u32 $0x7FFFFFFF, v9  }
0x468: {  	v13 =	vsub.f32 $0.0e+00, v13;
	v14 =	vpop (erf)  }
0x469: {  	v15 =	vadd.f32 $2.000000000e+00, v14;
	v21 =	vld.idx.msk [tilespmem:v12+s7+$0x0], $0xffff;
	v16 =	vpop (erf)  }
0x46a: {  	v5 =	vadd.s32 v3, v5;
	v12 =	vmul.f32 $1.442695020e+00, v13;
	v13 =	vmul.f32 v16, v11  }
0x46b: {  	(erf) = vrcp.f32 v15  }
0x46c: {  	(erf) = vpow2.f32 v12;
	v12 =	vmul.f32 v13, v13  }
0x46d: {  	v15 =	vld [tilespmem:$0x11480];
	v11 =	vpop (erf)  }
0x46e: {  	v16 =	vadd.f32 $2.000000000e+00, v11;
	v20 =	vand.u32 $0x7FFFFFFF, v21;
	v19 =	vmul.f32 $1.111111120e-01, v12  }
0x46f: {  	s19 =	simm.s32 $0x3;
	v24 =	vld.idx.msk [tilespmem:v5+s7+$0x0], $0xffff;
	v5 =	vsub.f32 $0.0e+00, v20  }
0x470: {  	(erf) = vrcp.f32 v16;
	v16 =	vadd.f32 $1.428571490e-01, v19;
	v19 =	vmov s19  }
0x471: {  	v19 =	vadd.s32 $0x5, v19  }
0x472: {  	vm6 =	vgt.s32 v15, $0x0;
	v5 =	vmul.f32 $1.442695020e+00, v5;
	v19 =	vand.u32 $0xFF, v19  }
0x473: {  	v15 =	vnsel vm6, $0x0, v15;
	v19 =	vbroadcast v19, $0x0  }
0x474: {  	v15 =	vmin.u32 v15, $0x4F;
	(erf) = vpow2.f32 v5;
	v5 =	vor.u32 $0x5, v3  }
0x475: {  	v30 =	vadd.s32 v5, v15;
	v15 =	vadd.s32 v10, v19  }
0x476: {  	v27 =	vpop (erf);
	v16 =	vmul.f32 v16, v12  }
0x477: {  	v20 =	vld [tilespmem:$0x11490];
	v14 =	vmul.f32 v27, v14  }
0x478: {  	v29 =	vand.u32 $0x7FFFFFFF, v24;
	v16 =	vadd.f32 $2.000000030e-01, v16  }
0x479: {  	v5 =	vsub.f32 $0.0e+00, v29;
	v31 =	vpop (erf);
	v62 =	vmul.f32 v14, v14  }
0x47a: {  	v17 =	vor.u32 $0x2, v3;
	v29 =	vadd.f32 $2.000000000e+00, v31;
	v16 =	vmul.f32 v16, v12;
	v34 =	vld.idx.msk [tilespmem:v15+s7+$0x0], $0xffff  }
0x47b: {  	v23 =	vor.u32 $0x3, v3;
	v37 =	vmax.f32 v1, $0.0e+00;
	v1 =	vmul.f32 $1.111111120e-01, v62;
	v15 =	vld [tilespmem:$0x1FF60]  }
0x47c: {  	vm6 =	vgt.s32 v20, $0x0;
	(erf) = vrcp.f32 v29;
	v16 =	vadd.f32 $3.333333430e-01, v16  }
0x47d: {  	v32 =	vmul.f32 $1.442695020e+00, v5;
	v19 =	vadd.s32 v3, v19;
	v5 =	vpop (erf);
	v1 =	vadd.f32 $1.428571490e-01, v1  }
0x47e: {  	v33 =	vmul.f32 v5, v11;
	v11 =	vnsel vm6, $0x0, v20;
	v12 =	vmul.f32 v16, v12  }
0x47f: {  	v13 =	vadd.f32 v13, v13;
	v20 =	vmin.u32 v11, $0x4F;
	v36 =	vmul.f32 v1, v62  }
0x480: {  	v63 =	vadd.s32 v15, v20;
	v15 =	vadd.f32 $1.000000000e+00, v12;
	v1 =	vand.u32 $0x7FFFFFFF, v34  }
0x481: {  	v38 =	vpop (erf);
	v1 =	vsub.f32 $0.0e+00, v1  }
0x482: {  	s20 =	simm.s32 $0x4;
	v8 =	vmax.f32 v8, $0.0e+00;
	v40 =	vld.idx.msk [tilespmem:v19+s7+$0x0], $0xffff;
	v19 =	vadd.f32 $2.000000000e+00, v38;
	v13 =	vmul.f32 v15, v13  }
0x483: {  	(erf) = vpow2.f32 v32;
	v15 =	vld.idx.msk [tilespmem:v17+s7+$0x0], $0xffff;
	v17 =	vmov s20;
	v1 =	vmul.f32 $1.442695020e+00, v1  }
0x484: {  	(erf) = vrcp.f32 v19;
	v8 =	vadd.f32 v13, v8;
	v13 =	vadd.s32 $0x5, v17;
	v17 =	vld.idx.msk [tilespmem:v23+s7+$0x0], $0xffff  }
0x485: {  	v23 =	vpop (erf);
	(erf) = vpow2.f32 v1;
	v1 =	vld.idx.msk [tilespmem:v30+s7+$0x0], $0xffff;
	_ =	sdelay $0x1  }
0x486: {  	v29 =	vmul.f32 v33, v33  }
0x487: {  	v22 =	vor.u32 $0x2, v39  }
0x488: {  	v28 =	vor.u32 $0x3, v39;
	v16 =	vmul.f32 $1.111111120e-01, v29  }
0x489: {  	[tilespmem:$0x1FC80] =	vst v1;
	v1 =	vld [tilespmem:$0x1FF00]  }
0x48a: {  	v20 =	vadd.f32 $1.428571490e-01, v16;
	_ =	sdelay $0x1  }
0x48b: {  	v42 =	vand.u32 $0x7FFFFFFF, v40;
	v19 =	vmul.f32 v20, v29;
	v20 =	vld.idx.msk [tilespmem:v22+s9+$0x0], $0xffff  }
0x48c: {  	v22 =	vld.idx.msk [tilespmem:v28+s9+$0x0], $0xffff;
	v28 =	vsub.f32 $0.0e+00, v42;
	v41 =	vpop (erf)  }
0x48d: {  	v57 =	vadd.f32 $2.000000000e+00, v41  }
0x48e: {  	v28 =	vmul.f32 $1.442695020e+00, v28  }
0x48f: {  	(erf) = vrcp.f32 v57  }
0x490: {  	(erf) = vpow2.f32 v28;
	v28 =	vld.idx.msk [tilespmem:v1+s7+$0x0], $0xffff  }
0x491: {  	v1 =	vld [tilespmem:$0x1FF10];
	_ =	sdelay $0x1  }
0x492: {  	v19 =	vadd.f32 $2.000000030e-01, v19;
	_ =	sdelay $0x1  }
0x493: {  	v44 =	vmul.f32 v19, v29;
	_ =	sdelay $0x1  }
0x494: {  	v58 =	vadd.f32 $3.333333430e-01, v44;
	_ =	sdelay $0x1  }
0x495: {  	v42 =	vmul.f32 v58, v29;
	v29 =	vld.idx.msk [tilespmem:v1+s7+$0x0], $0xffff  }
0x496: {  	v1 =	vld [tilespmem:$0x1FF20];
	_ =	sdelay $0x7  }
0x497: {  	v32 =	vld.idx.msk [tilespmem:v1+s9+$0x0], $0xffff  }
0x498: {  	v1 =	vld [tilespmem:$0x1FF30];
	_ =	sdelay $0x5  }
0x499: {  	v31 =	vmul.f32 v23, v31  }
0x49a: {  	v30 =	vadd.f32 $2.000000030e-01, v36;
	v36 =	vmax.f32 v24, $0.0e+00  }
0x49b: {  	v24 =	vmul.f32 v31, v31;
	v60 =	vadd.f32 $1.000000000e+00, v42;
	v42 =	vadd.f32 v31, v31;
	v31 =	vld.idx.msk [tilespmem:v1+s7+$0x0], $0xffff  }
0x49c: {  	v1 =	vld [tilespmem:$0x1FF40]  }
0x49d: {  	v35 =	vmax.f32 v9, $0.0e+00;
	v9 =	vld [tilespmem:$0x11590]  }
0x49e: {  	v27 =	vld [tilespmem:$0x11580]  }
0x49f: {  	v5 =	vld.idx.msk [tilespmem:v3+s7+$0x0], $0xffff;
	v13 =	vand.u32 $0xFF, v13  }
0x4a0: {  	v11 =	vld.idx.msk [tilespmem:v39+s9+$0x0], $0xffff;
	v13 =	vbroadcast v13, $0x0;
	v47 =	vmul.f32 v30, v62  }
0x4a1: {  	v49 =	vadd.f32 v14, v14;
	v33 =	vadd.f32 v33, v33;
	v12 =	vld [tilespmem:$0x1FEF0];
	v14 =	vpop (erf)  }
0x4a2: {  	v23 =	vld.idx.msk [tilespmem:v45+s9+$0x0], $0xffff;
	v45 =	vmul.f32 v14, v38;
	v46 =	vadd.s32 v10, v13;
	v14 =	vadd.f32 $3.333333430e-01, v47  }
0x4a3: {  	v16 =	vld.idx.msk [tilespmem:v43+s9+$0x0], $0xffff  }
0x4a4: {  	v53 =	vadd.s32 v3, v13;
	v13 =	vmul.f32 v14, v62;
	v14 =	vmul.f32 v60, v33;
	v33 =	vld.idx.msk [tilespmem:v1+s9+$0x0], $0xffff  }
0x4a5: {  	v59 =	vmul.f32 $1.111111120e-01, v24;
	v1 =	vld [tilespmem:$0x1FF50]  }
0x4a6: {  	v56 =	vmul.f32 v8, v9;
	v8 =	vld.idx.msk [tilespmem:v6+s7+$0x0], $0xffff  }
0x4a7: {  	v43 =	vadd.f32 $1.428571490e-01, v59;
	v38 =	vld.idx.msk [tilespmem:v46+s7+$0x0], $0xffff;
	v46 =	vmul.f32 v45, v45  }
0x4a8: {  	v4 =	vmax.f32 v4, $0.0e+00;
	v30 =	vld.idx.msk [tilespmem:v48+s9+$0x0], $0xffff;
	v51 =	vadd.f32 $1.000000000e+00, v13  }
0x4a9: {  	v44 =	vadd.f32 v56, v2;
	v50 =	vmul.f32 v43, v24;
	v43 =	vld.idx.msk [tilespmem:v53+s7+$0x0], $0xffff;
	v48 =	vpop (erf);
	v61 =	vmul.f32 $1.111111120e-01, v46  }
0x4aa: {  	v19 =	vld.idx.msk [tilespmem:v10+s7+$0x0], $0xffff;
	v62 =	vadd.f32 $2.000000000e+00, v48;
	v52 =	vadd.f32 v14, v4  }
0x4ab: {  	v12 =	vld.idx.msk [tilespmem:v12+s7+$0x0], $0xffff;
	v13 =	vmax.f32 v40, $0.0e+00;
	v47 =	vmul.f32 v51, v49;
	v54 =	vadd.f32 $1.428571490e-01, v61  }
0x4ac: {  	s21 =	simm.s32 $0x5;
	v4 =	vld.idx.msk [tilespmem:v63+s7+$0x0], $0xffff;
	v51 =	vpop (erf);
	(erf) = vrcp.f32 v62;
	v63 =	vand.u32 $0x7FFFFFFF, v38;
	v52 =	vmul.f32 v52, v9  }
0x4ad: {  	s8 =	simm.s32 $0x6;
	v40 =	vmov s21;
	v49 =	vpop (erf);
	v39 =	vsub.f32 $0.0e+00, v63;
	v53 =	vmul.f32 v54, v46;
	v14 =	vld.idx.msk [tilespmem:v1+s7+$0x0], $0xffff  }
.LBB2_41:
0x4ae: {  	p1 =	sne.s32 s8, $0x4F;
	v40 =	vadd.s32 $0x5, v40;
	v54 =	vand.u32 $0x7FFFFFFF, v43;
	v44 =	vadd.f32 v52, v44  }
0x4af: {  	v40 =	vand.u32 $0xFF, v40;
	v39 =	vmul.f32 $1.442695020e+00, v39;
	v52 =	vadd.f32 $2.000000030e-01, v53  }
0x4b0: {  	v53 =	vsub.f32 $0.0e+00, v54;
	v54 =	vadd.f32 $2.000000000e+00, v49;
	v40 =	vbroadcast v40, $0x0  }
0x4b1: {  	v50 =	vadd.f32 $2.000000030e-01, v50;
	(erf) = vpow2.f32 v39;
	v39 =	vmul.f32 v52, v46  }
0x4b2: {  	v53 =	vmul.f32 $1.442695020e+00, v53;
	v52 =	vadd.s32 v3, v40;
	v40 =	vadd.s32 v10, v40  }
0x4b3: {  	v51 =	vmul.f32 v51, v41;
	v41 =	vmovc v49;
	(erf) = vrcp.f32 v54;
	v39 =	vadd.f32 $3.333333430e-01, v39  }
0x4b4: {  	v43 =	vmax.f32 v43, $0.0e+00;
	v49 =	vmul.f32 v50, v24;
	(erf) = vpow2.f32 v53  }
0x4b5: {  	v54 =	vadd.f32 v51, v51;
	v53 =	vmul.f32 v51, v51;
	v50 =	vpop (erf);
	v39 =	vmul.f32 v39, v46  }
0x4b6: {  	v47 =	vadd.f32 v47, v37;
	v37 =	vmovc v35;
	v35 =	vmovc v36;
	v49 =	vadd.f32 $3.333333430e-01, v49;
	v48 =	vmul.f32 v50, v48  }
0x4b7: {  	v36 =	vmovc v13;
	v13 =	vmovc v43;
	v50 =	vadd.f32 v45, v45;
	v55 =	vld.idx.msk [tilespmem:v40+s7+$0x0], $0xffff;
	v40 =	vmul.f32 $1.111111120e-01, v53;
	v39 =	vadd.f32 $1.000000000e+00, v39  }
0x4b8: {  	v49 =	vmul.f32 v49, v24;
	v24 =	vmovc v53;
	v43 =	vld.idx.msk [tilespmem:v52+s7+$0x0], $0xffff;
	v46 =	vmul.f32 v48, v48;
	v45 =	vmov v48  }
0x4b9: {  	v52 =	vmul.f32 v47, v27;
	v40 =	vadd.f32 $1.428571490e-01, v40;
	v39 =	vmul.f32 v39, v50  }
.Ltmp17:
0x4ba: {  	v1 =	vmax.f32 v21, $0.0e+00;
	v56 =	vadd.f32 $1.000000000e+00, v49;
	v48 =	vpop (erf);
	v47 =	vmul.f32 $1.111111120e-01, v46;
	(pc) =	sbr.rel @p1 .LBB2_41-.Ltmp17, $4  }
0x4bb: {  	v21 =	vmovc v34;
	v34 =	vmovc v38;
	v53 =	vadd.f32 $2.000000000e+00, v48;
	v50 =	vmul.f32 v40, v24;
	v39 =	vadd.f32 v39, v1  }
0x4bc: {  	v2 =	vadd.f32 v52, v2;
	v57 =	vadd.f32 $1.428571490e-01, v47;
	v51 =	vpop (erf);
	v47 =	vmul.f32 v56, v42  }
0x4bd: {  	v1 =	vand.u32 $0x7FFFFFFF, v55;
	v49 =	vpop (erf);
	(erf) = vrcp.f32 v53;
	v52 =	vmul.f32 v39, v9  }
0x4be: {  	v40 =	vmov s8;
	s8 =	sadd.s32 $0x1, s8;
	v42 =	vmovc v54;
	v38 =	vmovc v55;
	v39 =	vsub.f32 $0.0e+00, v1;
	v53 =	vmul.f32 v57, v46  }
0x4bf: {  	v40 =	vadd.s32 $0x5, v40  }
0x4c0: {  	v40 =	vand.u32 $0xFF, v40  }
0x4c1: {  	v40 =	vbroadcast v40, $0x0  }
0x4c2: {  	v54 =	vand.u32 $0x7FFFFFFF, v43  }
0x4c3: {  	v39 =	vmul.f32 $1.442695020e+00, v39;
	v54 =	vsub.f32 $0.0e+00, v54;
	v55 =	vadd.s32 v10, v40  }
0x4c4: {  	v56 =	vadd.f32 $2.000000000e+00, v49  }
0x4c5: {  	(erf) = vpow2.f32 v39;
	v62 =	vmul.f32 $1.442695020e+00, v54;
	v61 =	vadd.s32 v3, v40  }
0x4c6: {  	(erf) = vrcp.f32 v56  }
0x4c7: {  	(erf) = vpow2.f32 v62  }
0x4c8: {  	v40 =	vld.idx.msk [tilespmem:v55+s7+$0x0], $0xffff;
	_ =	sdelay $0x1  }
0x4c9: {  	v39 =	vld.idx.msk [tilespmem:v61+s7+$0x0], $0xffff;
	_ =	sdelay $0x2  }
0x4ca: {  	v54 =	vpop (erf);
	v55 =	vand.u32 $0x7FFFFFFF, v40  }
0x4cb: {  	v56 =	vpop (erf);
	v55 =	vsub.f32 $0.0e+00, v55  }
0x4cc: {  	v57 =	vadd.f32 $2.000000000e+00, v56;
	v58 =	vpop (erf);
	v59 =	vand.u32 $0x7FFFFFFF, v39  }
0x4cd: {  	v60 =	vpop (erf);
	v59 =	vsub.f32 $0.0e+00, v59;
	v55 =	vmul.f32 $1.442695020e+00, v55  }
0x4ce: {  	(erf) = vrcp.f32 v57;
	v63 =	vadd.f32 $2.000000000e+00, v60  }
0x4cf: {  	v59 =	vmul.f32 $1.442695020e+00, v59;
	(erf) = vpow2.f32 v55  }
0x4d0: {  	(erf) = vrcp.f32 v63  }
0x4d1: {  	(erf) = vpow2.f32 v59;
	_ =	sdelay $0x5  }
0x4d2: {  	v55 =	vpop (erf)  }
0x4d3: {  	v57 =	vpop (erf)  }
0x4d4: {  	v59 =	vpop (erf)  }
0x4d5: {  	v61 =	vand.u32 $0x7FFFFFFF, v8;
	v62 =	vadd.f32 $2.000000000e+00, v57;
	v63 =	vpop (erf)  }
0x4d6: {  	v61 =	vsub.f32 $0.0e+00, v61;
	v1 =	vadd.f32 $2.000000000e+00, v63  }
0x4d7: {  	v53 =	vadd.f32 $2.000000030e-01, v53;
	v48 =	vmul.f32 v54, v48;
	(erf) = vrcp.f32 v62  }
0x4d8: {  	v61 =	vmul.f32 $1.442695020e+00, v61;
	(erf) = vrcp.f32 v1  }
0x4d9: {  	v1 =	vmul.f32 v53, v46;
	v53 =	vmul.f32 v48, v48  }
0x4da: {  	(erf) = vpow2.f32 v61  }
0x4db: {  	v50 =	vadd.f32 $2.000000030e-01, v50;
	v61 =	vmul.f32 $1.111111120e-01, v53  }
0x4dc: {  	v41 =	vmul.f32 v51, v41;
	v44 =	vadd.f32 v52, v44;
	v45 =	vadd.f32 v45, v45  }
0x4dd: {  	v1 =	vadd.f32 $3.333333430e-01, v1;
	v62 =	vadd.f32 $1.428571490e-01, v61  }
0x4de: {  	v37 =	vadd.f32 v47, v37;
	v50 =	vmul.f32 v50, v24;
	v54 =	vmul.f32 v41, v41  }
0x4df: {  	v21 =	vmax.f32 v21, $0.0e+00;
	v1 =	vmul.f32 v1, v46;
	v46 =	vmul.f32 v62, v53  }
0x4e0: {  	v34 =	vmax.f32 v34, $0.0e+00;
	v50 =	vadd.f32 $3.333333430e-01, v50;
	v61 =	vmul.f32 $1.111111120e-01, v54  }
0x4e1: {  	v38 =	vmax.f32 v38, $0.0e+00;
	v5 =	vsub.f32 v5, v11;
	v1 =	vadd.f32 $1.000000000e+00, v1;
	v52 =	vpop (erf)  }
0x4e2: {  	v24 =	vmul.f32 v50, v24;
	v50 =	vadd.f32 $1.428571490e-01, v61;
	v61 =	vand.u32 $0x7FFFFFFF, v14;
	v51 =	vpop (erf)  }
0x4e3: {  	v61 =	vsub.f32 $0.0e+00, v61;
	v1 =	vmul.f32 v1, v45;
	v45 =	vadd.f32 $2.000000030e-01, v46;
	v46 =	vpop (erf)  }
0x4e4: {  	v37 =	vmul.f32 v37, v27;
	v49 =	vmul.f32 v58, v49;
	v58 =	vadd.f32 $2.000000000e+00, v46  }
0x4e5: {  	v11 =	vsub.f32 v12, v16;
	v62 =	vmul.f32 $1.442695020e+00, v61;
	v45 =	vmul.f32 v45, v53  }
0x4e6: {  	v24 =	vadd.f32 $1.000000000e+00, v24;
	v50 =	vmul.f32 v50, v54;
	(erf) = vrcp.f32 v58  }
0x4e7: {  	v55 =	vmul.f32 v55, v56;
	v45 =	vadd.f32 $3.333333430e-01, v45;
	(erf) = vpow2.f32 v62  }
0x4e8: {  	v24 =	vmul.f32 v24, v42;
	v42 =	vmul.f32 v49, v49;
	v50 =	vadd.f32 $2.000000030e-01, v50  }
0x4e9: {  	v15 =	vsub.f32 v15, v20;
	v56 =	vmul.f32 v45, v53;
	v45 =	vmul.f32 v55, v55  }
0x4ea: {  	v2 =	vadd.f32 v37, v2;
	v24 =	vadd.f32 v24, v35;
	v50 =	vmul.f32 v50, v54  }
0x4eb: {  	v48 =	vadd.f32 v48, v48;
	v61 =	vmul.f32 $1.111111120e-01, v42;
	v58 =	vmul.f32 $1.111111120e-01, v45  }
0x4ec: {  	v5 =	vmul.f32 v5, v5;
	v1 =	vadd.f32 v1, v21;
	v47 =	vadd.f32 $3.333333430e-01, v50  }
0x4ed: {  	v11 =	vmul.f32 v11, v11;
	v35 =	vadd.f32 $1.428571490e-01, v61;
	v53 =	vadd.f32 $1.428571490e-01, v58  }
0x4ee: {  	v1 =	vmul.f32 v1, v9;
	v21 =	vadd.f32 $1.000000000e+00, v56;
	v62 =	vmul.f32 v47, v54  }
0x4ef: {  	v41 =	vadd.f32 v41, v41;
	v35 =	vmul.f32 v35, v42;
	v47 =	vmul.f32 v53, v45;
	v54 =	vpop (erf)  }
0x4f0: {  	v1 =	vadd.f32 v1, v44;
	v21 =	vmul.f32 v21, v48;
	v37 =	vadd.f32 $1.000000000e+00, v62;
	v44 =	vpop (erf)  }
0x4f1: {  	v58 =	vmul.f32 v59, v60;
	v56 =	vadd.f32 $2.000000030e-01, v47;
	v59 =	vadd.f32 $2.000000000e+00, v44  }
0x4f2: {  	v21 =	vadd.f32 v21, v34;
	v37 =	vmul.f32 v37, v41;
	v34 =	vmul.f32 v54, v46  }
0x4f3: {  	v5 =	vadd.f32 v11, v5;
	v41 =	vmul.f32 v56, v45;
	(erf) = vrcp.f32 v59  }
0x4f4: {  	v11 =	vmul.f32 v15, v15;
	v24 =	vmul.f32 v24, v27;
	v35 =	vadd.f32 $2.000000030e-01, v35  }
0x4f5: {  	v19 =	vsub.f32 v19, v23;
	v54 =	vmul.f32 v34, v34;
	v41 =	vadd.f32 $3.333333430e-01, v41  }
0x4f6: {  	v5 =	vadd.f32 v11, v5;
	v2 =	vadd.f32 v24, v2;
	v35 =	vmul.f32 v35, v42  }
0x4f7: {  	v62 =	vadd.f32 v55, v55;
	v55 =	vmul.f32 $1.111111120e-01, v54;
	v41 =	vmul.f32 v41, v45  }
0x4f8: {  	v19 =	vmul.f32 v19, v19;
	v50 =	vsub.f32 v29, v32;
	v35 =	vadd.f32 $3.333333430e-01, v35  }
0x4f9: {  	v24 =	vmul.f32 v52, v57;
	v46 =	vadd.f32 $1.428571490e-01, v55;
	v41 =	vadd.f32 $1.000000000e+00, v41  }
0x4fa: {  	v60 =	vadd.f32 v49, v49;
	v35 =	vmul.f32 v35, v42;
	v21 =	vmul.f32 v21, v9  }
0x4fb: {  	v48 =	vsub.f32 v28, v30;
	v57 =	vmul.f32 v46, v54;
	v41 =	vmul.f32 v41, v62  }
0x4fc: {  	v47 =	vmul.f32 v58, v58;
	v36 =	vadd.f32 v37, v36;
	v35 =	vadd.f32 $1.000000000e+00, v35;
	v56 =	vpop (erf)  }
0x4fd: {  	v12 =	vadd.f32 $2.000000030e-01, v57;
	v38 =	vadd.f32 v41, v38;
	v41 =	vmul.f32 v56, v44  }
0x4fe: {  	v37 =	vmul.f32 v24, v24;
	v1 =	vadd.f32 v21, v1;
	v35 =	vmul.f32 v35, v60  }
0x4ff: {  	v60 =	vsub.f32 v17, v22;
	v12 =	vmul.f32 v12, v54;
	v16 =	vmul.f32 v41, v41  }
0x500: {  	v21 =	vadd.f32 v58, v58;
	v61 =	vmul.f32 $1.111111120e-01, v47;
	v53 =	vmul.f32 $1.111111120e-01, v37  }
0x501: {  	v11 =	vmul.f32 v60, v60;
	v12 =	vadd.f32 $3.333333430e-01, v12;
	v58 =	vmul.f32 $1.111111120e-01, v16  }
0x502: {  	v36 =	vmul.f32 v36, v27;
	v49 =	vadd.f32 v34, v34;
	v52 =	vadd.f32 $1.428571490e-01, v61  }
0x503: {  	v5 =	vadd.f32 v11, v5;
	v11 =	vmul.f32 v12, v54;
	v17 =	vadd.f32 $1.428571490e-01, v58  }
0x504: {  	v22 =	vmul.f32 v48, v48;
	v45 =	vadd.f32 $1.428571490e-01, v53;
	v44 =	vmul.f32 v51, v63  }
0x505: {  	v42 =	vmul.f32 v52, v47;
	v11 =	vadd.f32 $1.000000000e+00, v11;
	v63 =	vmul.f32 v17, v16  }
0x506: {  	v2 =	vadd.f32 v36, v2;
	v45 =	vmul.f32 v45, v37;
	v59 =	vmul.f32 v44, v44  }
0x507: {  	v61 =	vadd.f32 $2.000000030e-01, v42;
	v11 =	vmul.f32 v11, v49;
	v42 =	vadd.f32 $2.000000030e-01, v63  }
0x508: {  	v52 =	vmax.f32 v8, $0.0e+00;
	v5 =	vmul.f32 v5, v27;
	v62 =	vmul.f32 $1.111111120e-01, v59  }
0x509: {  	v20 =	vadd.f32 $2.000000030e-01, v45;
	v11 =	vadd.f32 v11, v52;
	v12 =	vmul.f32 v42, v16  }
0x50a: {  	v19 =	vadd.f32 v22, v19;
	v8 =	vmul.f32 v8, v27;
	v36 =	vadd.f32 $1.428571490e-01, v62  }
0x50b: {  	(xrf2) =	vadd.scan.msk.f32 $0xffff, v5;
	v17 =	vmul.f32 v20, v37;
	v5 =	vmul.f32 v11, v27;
	v12 =	vadd.f32 $3.333333430e-01, v12  }
0x50c: {  	v53 =	vsub.f32 v31, v33;
	(xrf2) =	vadd.scan.msk.f32 $0xffff, v8;
	v20 =	vmul.f32 v61, v47;
	v46 =	vmul.f32 v36, v59  }
0x50d: {  	v51 =	vmul.f32 v50, v50;
	v54 =	vadd.f32 v41, v41;
	(xrf2) =	vadd.scan.msk.f32 $0xffff, v5;
	v5 =	vld [tilespmem:$0x1FC80];
	v12 =	vmul.f32 v12, v16  }
0x50e: {  	v15 =	vadd.f32 $2.000000030e-01, v46;
	v20 =	vadd.f32 $3.333333430e-01, v20  }
0x50f: {  	v16 =	vadd.f32 v51, v19;
	v19 =	vmul.f32 v53, v53;
	v12 =	vadd.f32 $1.000000000e+00, v12  }
0x510: {  	v17 =	vadd.f32 $3.333333430e-01, v17;
	v11 =	vmul.f32 v15, v59  }
0x511: {  	v55 =	vmul.f32 v20, v47;
	v8 =	vadd.f32 v19, v16;
	v12 =	vmul.f32 v12, v54  }
0x512: {  	v11 =	vadd.f32 $3.333333430e-01, v11;
	v5 =	vmul.f32 v5, v26;
	v16 =	vmax.f32 v14, $0.0e+00  }
0x513: {  	(xrf2) =	vadd.scan.msk.f32 $0xffff, v27;
	v8 =	vmul.f32 v8, v9;
	v12 =	vadd.f32 v12, v16;
	v16 =	vmul.f32 v17, v37  }
0x514: {  	v56 =	vadd.f32 $1.000000000e+00, v55;
	v11 =	vmul.f32 v11, v59;
	(xrf2) =	vadd.scan.msk.f32 $0xffff, v5;
	v5 =	vmul.f32 v14, v9  }
0x515: {  	(xrf2) =	vadd.scan.msk.f32 $0xffff, v8;
	v8 =	vmul.f32 v12, v9;
	v58 =	vadd.f32 $1.000000000e+00, v16;
	v16 =	vadd.f32 v24, v24  }
0x516: {  	v13 =	vadd.f32 v35, v13;
	v11 =	vadd.f32 $1.000000000e+00, v11;
	v14 =	vmul.f32 v56, v21;
	(xrf2) =	vadd.scan.msk.f32 $0xffff, v5  }
0x517: {  	v43 =	vmax.f32 v43, $0.0e+00;
	v5 =	vadd.f32 v44, v44;
	(xrf2) =	vadd.scan.msk.f32 $0xffff, v8;
	v8 =	vmul.f32 v58, v16  }
0x518: {  	v60 =	vmax.f32 v40, $0.0e+00;
	v59 =	vmul.f32 v13, v27;
	v14 =	vadd.f32 v14, v43  }
0x519: {  	v57 =	vmul.f32 v38, v9;
	v5 =	vmul.f32 v11, v5;
	v8 =	vadd.f32 v8, v60  }
0x51a: {  	v61 =	vmax.f32 v39, $0.0e+00;
	v2 =	vadd.f32 v59, v2;
	v62 =	vmul.f32 v14, v27;
	v11, _, _ =	vpop (xrf2)  }
0x51b: {  	(v2sf) =	vpush v11, $0xF;
	v11, _, _ =	vpop (xrf2);
	v5 =	vadd.f32 v5, v61;
	v8 =	vmul.f32 v8, v9  }
0x51c: {  	v4 =	vmul.f32 v4, v25;
	v1 =	vadd.f32 v57, v1;
	v63, _, _ =	vpop (xrf2);
	(v2sf) =	vpush v11, $0xF  }
0x51d: {  	v2 =	vadd.f32 v62, v2;
	(xrf2) =	vadd.scan.msk.f32 $0xffff, v9;
	(v2sf) =	vpush v63, $0xF;
	v5 =	vmul.f32 v5, v27;
	v9, _, _ =	vpop (xrf2)  }
0x51e: {  	(v2sf) =	vpush v9, $0xF  }
0x51f: {  	v2 =	vadd.f32 v5, v2;
	v1 =	vadd.f32 v8, v1;
	v8, _, _ =	vpop (xrf2)  }
0x520: {  	(xrf2) =	vadd.scan.msk.f32 $0xffff, v4;
	v4, _, _ =	vpop (xrf2);
	(v2sf) =	vpush v8, $0xF  }
0x521: {  	v1 =	vadd.f32 v1, v2;
	v5, _, _ =	vpop (xrf2);
	(v2sf) =	vpush v4, $0xF  }
0x522: {  	(v2sf) =	vpush v5, $0xF;
	v4, _, _ =	vpop (xrf2)  }
0x523: {  	(xrf2) =	vadd.scan.msk.f32 $0xffff, v1;
	(v2sf) =	vpush v4, $0xF;
	_ =	sdelay $0x4  }
0x524: {  	v1, _, _ =	vpop (xrf2)  }
0x525: {  	(v2sf) =	vpush v1, $0xF;
	_ =	sdelay $0x1  }
0x526: {  	v1, _, _ =	vpop (xrf2);
	s4 =	spop (v2sf)  }
0x527: {  	(v2sf) =	vpush v1, $0xF;
	s8 =	spop (v2sf)  }
0x528: {  	s9 =	spop (v2sf);
	v1, _, _ =	vpop (xrf2)  }
0x529: {  	s15 =	spop (v2sf);
	(v2sf) =	vpush v1, $0xF  }
0x52a: {  	s17 =	spop (v2sf)  }
0x52b: {  	s4 =	sadd.f32 $0.0e+00, s4;
	s19 =	spop (v2sf)  }
0x52c: {  	s9 =	sadd.f32 $0.0e+00, s9;
	s20 =	spop (v2sf)  }
0x52d: {  	s8 =	sadd.f32 $0.0e+00, s8;
	s21 =	spop (v2sf)  }
0x52e: {  	s9 =	sadd.f32 s21, s9  }
0x52f: {  	s4 =	sadd.f32 s19, s4  }
0x530: {  	s8 =	sadd.f32 s20, s8;
	s9 =	smul.f32 $5.000000000e-01, s9  }
0x531: {  	s15 =	sadd.f32 $0.0e+00, s15;
	s4 =	smul.f32 $5.000000000e+00, s4  }
0x532: {  	s8 =	sadd.f32 s9, s8  }
0x533: {  	s19 =	spop (v2sf);
	s4 =	smul.f32 $2.083333400e-02, s4  }
0x534: {  	s15 =	sadd.f32 s19, s15;
	s8 =	smul.f32 $2.034505270e-05, s8  }
.Ltmp18:
0x535: {  	s17 =	sadd.f32 $0.0e+00, s17;
	(pc) =	sbr.rel .LBB2_43-.Ltmp18, $4  }
0x536: {  	s21 =	spop (v2sf);
	s20 =	smul.f32 $8.000000000e+01, s15  }
0x537: {  	p1 =	sgt.f32 s15, $0.0e+00;
	s9 =	sadd.f32 s21, s17;
	v1 =	vmov s4;
	v2 =	vmov s8  }
0x538: {  	vm7 =	vmmov vm3;
	s15 =	rddreg [dreg:$0xd];
	v1 =	vnsel vm4, $0x0, v1;
	s21 =	spop (v2sf);
	v2 =	vnsel vm2, $0x0, v2  }
0x539: {  	v5 =	vld [tilespmem:$0x1FEE0];
	vm7 =	vmneg @p1 vm7;
	s8 =	smax.f32 s20, $1.000000000e+00;
	s9 =	ssub.f32 s21, s9;
	v1 =	vsub.f32 v1, v2  }
.LBB2_27:
0x53a: {  	_ =	swait.ge [sflag:s31], $0x80  }
0x53b: {  	s8 =	sadd.s32 $0xFFFFFFFF, s8;
	s4 =	simm.s32 $0x11400;
	[sflag:s31] =	ssyncset.done $0x0  }
.LBB2_28:
0x53c: {  	p1 =	sne.s32 s8, $0x1;
	s8 =	sadd.s32 $0xFFFFFFFF, s8;
	[sflag:s31] =	ssyncadd.s32 $0xFFFFFF80  }
.Ltmp19:
0x53d: {  	(pc) =	sbr.rel @p1 .LBB2_28-.Ltmp19, $3  }
0x53e: {  	_ =	sdelay $0x1  }
0x53f: {  	_ =	swait.ge [sflag:s31], $0x80  }
0x540: {  	[sflag:s31] =	ssyncset.done $0x0  }
0x541: {  	s8 =	simm.s32 $0x1  }
0x542: {  	v12 =	vmov s8  }
0x543: {  	[sflag:s31] =	ssyncadd.s32 $0xFFFFFF80  }
0x544: {  	v2 =	vld [tilespmem:$0x11500]  }
0x545: {  	v4 =	vld [tilespmem:$0x11510]  }
0x546: {  	s23 =	simm.s32 $0x2;
	v5 =	vld [tilespmem:$0x11490]  }
0x547: {  	v8 =	vmov s23;
	v13 =	vld.idx.msk [tilespmem:v12+s30+$0x0], $0xffff  }
0x548: {  	v11 =	vld.idx.msk [tilespmem:v12+s24+$0x0], $0xffff  }
0x549: {  	vm10 =	vmmov vm3;
	vm11 =	vmmov vm3;
	vm7 =	vgt.u32 v12, v0  }
0x54a: {  	vm9 =	vmmov vm3;
	v1 =	vld [tilespmem:$0x11480];
	vm8 =	vgt.u32 v8, v0;
	vm7 =	vmmov vm7  }
0x54b: {  	vm15 =	vgt.u32 v12, v7;
	vm12 =	vmmov vm7;
	vm7 =	vmmov vm8  }
0x54c: {  	s8 =	simm.s32 $0x3;
	vm8 =	vmmov vm3;
	v9 =	vld.idx.msk [tilespmem:v8+s30+$0x0], $0xffff;
	vm13 =	veq.s32 v2, v13;
	vm14 =	veq.s32 v4, v13  }
.LBB2_30:
0x54d: {  	p1 =	sne.s32 s8, $0x13;
	vm14 =	vmand vm15, vm14;
	vm15 =	veq.s32 v5, v11;
	v12 =	vmovc v8;
	v13 =	vmovc v11;
	v11 =	vld.idx.msk [tilespmem:v8+s24+$0x0], $0xffff;
	v8 =	vmov s8;
	s8 =	sadd.s32 $0x1, s8  }
.Ltmp20:
0x54e: {  	vm12 =	vmand vm12, vm13;
	vm6 =	vgt.u32 v8, v0;
	vm13 =	vmand vm14, vm15;
	(pc) =	sbr.rel @p1 .LBB2_30-.Ltmp20, $4  }
0x54f: {  	vm10 =	vmor vm10, vm12;
	vm15 =	veq.s32 v1, v13;
	vm11 =	vmor vm11, vm13  }
0x550: {  	vm9 =	vmor vm9, vm14;
	vm13 =	vmand vm12, vm15;
	vm12 =	vmmov vm7  }
0x551: {  	vm7 =	vmmov vm6;
	vm8 =	vmor vm8, vm13  }
0x552: {  	vm15 =	vgt.u32 v12, v7;
	vm13 =	veq.s32 v2, v9;
	vm14 =	veq.s32 v4, v9;
	v9 =	vld.idx.msk [tilespmem:v8+s30+$0x0], $0xffff  }
0x553: {  	_ =	sdelay $0x2  }
0x554: {  	vm6 =	vmand vm15, vm14;
	vm14 =	veq.s32 v5, v11  }
0x555: {  	v12 =	vld.idx.msk [tilespmem:v8+s24+$0x0], $0xffff;
	vm12 =	vmand vm12, vm13;
	vm13 =	vmand vm6, vm14;
	vm14 =	veq.s32 v1, v11  }
0x556: {  	vm7 =	vmmov vm7;
	vm10 =	vmor vm10, vm12;
	vm12 =	vmand vm12, vm14  }
0x557: {  	s8 =	simm.s32 $0x0;
	vm6 =	vmor vm9, vm6;
	vm11 =	vmor vm11, vm13;
	vm8 =	vmor vm8, vm12  }
0x558: {  	vm12 =	vgt.u32 v8, v7;
	vm9 =	veq.s32 v4, v9;
	v4 =	vmov s8  }
0x559: {  	vm13 =	veq.s32 v2, v9;
	v9 =	vimm.f32 $1.000000000e+00;
	vm9 =	vmand vm12, vm9  }
0x55a: {  	v2 =	vadd.s32 $0x5, v4;
	vm12 =	veq.s32 v5, v12;
	vm7 =	vmand vm7, vm13  }
0x55b: {  	vm13 =	veq.s32 v1, v12;
	v1 =	vimm.f32 $0.0e+00;
	v2 =	vand.u32 $0xFF, v2  }
0x55c: {  	vm10 =	vmor vm10, vm7;
	vm6 =	vmor vm6, vm9;
	v2 =	vbroadcast v2, $0x0  }
0x55d: {  	vm7 =	vmand vm7, vm13;
	v5 =	vsel vm0, $0x3F800000, v1;
	v4 =	vsel vm10, $0x0, v9  }
0x55e: {  	vm7 =	vmor vm8, vm7;
	[tilespmem:$0x11580] =	vst v4;
	v4 =	vsel vm6, $0x0, v5;
	v8 =	vadd.s32 v10, v2  }
0x55f: {  	vm9 =	vmand vm9, vm12;
	[tilespmem:$0x11590] =	vst v4;
	v4 =	vsel vm7, $0x0, v9  }
0x560: {  	vm6 =	vmor vm11, vm9;
	[tilespmem:$0x1FDA0] =	vst v4  }
0x561: {  	[tilespmem:$0x11600] =	vst v4;
	v4 =	vsel vm6, $0x0, v5  }
0x562: {  	[tilespmem:$0x11610] =	vst v4  }
0x563: {  	v8 =	vld.idx.msk [tilespmem:v8+s7+$0x0], $0xffff;
	_ =	sdelay $0x4  }
0x564: {  	v5 =	vand.u32 $0x7FFFFFFF, v8  }
0x565: {  	v2 =	vadd.s32 v3, v2;
	v5 =	vsub.f32 $0.0e+00, v5;
	_ =	sdelay $0x1  }
0x566: {  	s19 =	simm.s32 $0x1;
	v5 =	vmul.f32 $1.442695020e+00, v5  }
0x567: {  	[tilespmem:$0x1FDB0] =	vst v4;
	v4 =	vmov s19  }
0x568: {  	v4 =	vadd.s32 $0x5, v4;
	(erf) = vpow2.f32 v5  }
0x569: {  	v4 =	vand.u32 $0xFF, v4;
	v5 =	vld.idx.msk [tilespmem:v2+s7+$0x0], $0xffff  }
0x56a: {  	v4 =	vbroadcast v4, $0x0;
	_ =	sdelay $0x1  }
0x56b: {  	v9 =	vadd.s32 v10, v4;
	_ =	sdelay $0x1  }
0x56c: {  	v2 =	vand.u32 $0x7FFFFFFF, v5  }
0x56d: {  	v2 =	vsub.f32 $0.0e+00, v2;
	_ =	sdelay $0x1  }
0x56e: {  	v4 =	vadd.s32 v3, v4;
	v9 =	vld.idx.msk [tilespmem:v9+s7+$0x0], $0xffff;
	v2 =	vmul.f32 $1.442695020e+00, v2;
	v11 =	vpop (erf)  }
0x56f: {  	v13 =	vadd.f32 $2.000000000e+00, v11  }
0x570: {  	(erf) = vpow2.f32 v2  }
0x571: {  	(erf) = vrcp.f32 v13;
	_ =	sdelay $0x1  }
0x572: {  	v12 =	vand.u32 $0x7FFFFFFF, v9;
	v13 =	vld.idx.msk [tilespmem:v4+s7+$0x0], $0xffff  }
0x573: {  	v12 =	vsub.f32 $0.0e+00, v12;
	_ =	sdelay $0x1  }
0x574: {  	v12 =	vmul.f32 $1.442695020e+00, v12;
	_ =	sdelay $0x1  }
0x575: {  	(erf) = vpow2.f32 v12;
	v12 =	vand.u32 $0x7FFFFFFF, v13  }
0x576: {  	v12 =	vsub.f32 $0.0e+00, v12;
	v14 =	vpop (erf)  }
0x577: {  	v15 =	vadd.f32 $2.000000000e+00, v14;
	v16 =	vpop (erf)  }
0x578: {  	v12 =	vmul.f32 $1.442695020e+00, v12;
	v11 =	vmul.f32 v16, v11  }
0x579: {  	(erf) = vrcp.f32 v15  }
0x57a: {  	(erf) = vpow2.f32 v12;
	v12 =	vmul.f32 v11, v11;
	_ =	sdelay $0x1  }
0x57b: {  	v19 =	vmul.f32 $1.111111120e-01, v12;
	_ =	sdelay $0x1  }
0x57c: {  	s20 =	simm.s32 $0x2;
	v15 =	vpop (erf);
	v19 =	vadd.f32 $1.428571490e-01, v19  }
0x57d: {  	v2 =	vmov s20;
	v16 =	vadd.f32 $2.000000000e+00, v15  }
0x57e: {  	v2 =	vadd.s32 $0x5, v2;
	v19 =	vmul.f32 v19, v12  }
0x57f: {  	v2 =	vand.u32 $0xFF, v2;
	(erf) = vrcp.f32 v16  }
0x580: {  	v4 =	vbroadcast v2, $0x0;
	v19 =	vadd.f32 $2.000000030e-01, v19;
	_ =	sdelay $0x1  }
0x581: {  	v2 =	vadd.s32 v10, v4;
	v19 =	vmul.f32 v19, v12;
	_ =	sdelay $0x1  }
0x582: {  	v19 =	vadd.f32 $3.333333430e-01, v19  }
0x583: {  	v49 =	vld [tilespmem:$0x11480]  }
0x584: {  	v23 =	vpop (erf);
	v19 =	vmul.f32 v19, v12;
	v12 =	vld.idx.msk [tilespmem:v39+s4+$0x0], $0xffff  }
0x585: {  	v4 =	vadd.s32 v3, v4;
	v2 =	vld.idx.msk [tilespmem:v2+s7+$0x0], $0xffff;
	v25 =	vpop (erf)  }
0x586: {  	v54 =	vld [tilespmem:$0x11490];
	v14 =	vmul.f32 v23, v14;
	v23 =	vpop (erf)  }
0x587: {  	v23 =	vmul.f32 v23, v15;
	v15 =	vld.idx.msk [tilespmem:v3+s7+$0x0], $0xffff;
	_ =	sdelay $0x1  }
0x588: {  	vm6 =	vgt.s32 v49, $0x0;
	[tilespmem:$0x1FDD0] =	vst v12;
	v12 =	vld [tilespmem:$0x1FF60]  }
0x589: {  	s21 =	simm.s32 $0x3;
	v22 =	vnsel vm6, $0x0, v49;
	v21 =	vld.idx.msk [tilespmem:v4+s7+$0x0], $0xffff;
	v20 =	vand.u32 $0x7FFFFFFF, v2  }
0x58a: {  	vm6 =	vgt.s32 v54, $0x0;
	v4 =	vsub.f32 $0.0e+00, v20;
	v20 =	vmov s21  }
0x58b: {  	v22 =	vmin.u32 v22, $0x4F;
	v20 =	vadd.s32 $0x5, v20;
	[tilespmem:$0x1FDC0] =	vst v15;
	v15 =	vnsel vm6, $0x0, v54  }
0x58c: {  	v4 =	vmul.f32 $1.442695020e+00, v4;
	v20 =	vand.u32 $0xFF, v20;
	v15 =	vmin.u32 v15, $0x4F  }
0x58d: {  	v20 =	vbroadcast v20, $0x0;
	v27 =	vadd.s32 v12, v15;
	v12 =	vmax.f32 v5, $0.0e+00;
	v5 =	vld [tilespmem:$0x1FEF0]  }
0x58e: {  	v24 =	vand.u32 $0x7FFFFFFF, v21;
	(erf) = vpow2.f32 v4;
	v4 =	vor.u32 $0x5, v3  }
0x58f: {  	v22 =	vadd.s32 v4, v22;
	v4 =	vsub.f32 $0.0e+00, v24;
	v24 =	vadd.s32 v10, v20;
	_ =	sdelay $0x1  }
0x590: {  	v26 =	vadd.f32 $2.000000000e+00, v25  }
0x591: {  	v4 =	vmul.f32 $1.442695020e+00, v4  }
0x592: {  	(erf) = vrcp.f32 v26  }
0x593: {  	(erf) = vpow2.f32 v4;
	v4 =	vld.idx.msk [tilespmem:v24+s7+$0x0], $0xffff  }
0x594: {  	v24 =	vmul.f32 v23, v23;
	v5 =	vld.idx.msk [tilespmem:v5+s7+$0x0], $0xffff  }
0x595: {  	v17 =	vor.u32 $0x2, v3;
	v26 =	vmul.f32 v14, v14  }
0x596: {  	v11 =	vadd.f32 v11, v11;
	v19 =	vadd.f32 $1.000000000e+00, v19;
	v31 =	vmul.f32 $1.111111120e-01, v24  }
0x597: {  	v53 =	vor.u32 $0x2, v39;
	v15 =	vmul.f32 $1.111111120e-01, v26  }
0x598: {  	v30 =	vpop (erf);
	v11 =	vmul.f32 v19, v11;
	v19 =	vadd.f32 $1.428571490e-01, v31  }
0x599: {  	v31 =	vld.idx.msk [tilespmem:v43+s4+$0x0], $0xffff;
	[tilespmem:$0x1FDE0] =	vst v5;
	v5 =	vmax.f32 v13, $0.0e+00;
	v13 =	vadd.f32 $1.428571490e-01, v15;
	v15 =	vadd.f32 $2.000000000e+00, v30  }
0x59a: {  	v16 =	vor.u32 $0x3, v3  }
0x59b: {  	v20 =	vadd.s32 v3, v20;
	(erf) = vrcp.f32 v15;
	v15 =	vld.idx.msk [tilespmem:v17+s7+$0x0], $0xffff  }
0x59c: {  	v52 =	vor.u32 $0x3, v39;
	v17 =	vmul.f32 v19, v24;
	v19 =	vld.idx.msk [tilespmem:v53+s4+$0x0], $0xffff;
	_ =	sdelay $0x1  }
0x59d: {  	v29 =	vld [tilespmem:$0x11590];
	[tilespmem:$0x1FDF0] =	vst v31;
	v31 =	vmul.f32 v13, v26;
	v13 =	vand.u32 $0x7FFFFFFF, v4  }
0x59e: {  	v16 =	vld.idx.msk [tilespmem:v16+s7+$0x0], $0xffff;
	v13 =	vsub.f32 $0.0e+00, v13  }
0x59f: {  	v20 =	vld.idx.msk [tilespmem:v20+s7+$0x0], $0xffff  }
0x5a0: {  	[tilespmem:$0x1FE10] =	vst v19;
	v19 =	vmul.f32 $1.442695020e+00, v13;
	v13 =	vld.idx.msk [tilespmem:v52+s4+$0x0], $0xffff;
	_ =	sdelay $0x1  }
0x5a1: {  	v8 =	vmax.f32 v8, $0.0e+00  }
0x5a2: {  	s22 =	simm.s32 $0x4;
	[tilespmem:$0x1FE20] =	vst v16;
	v8 =	vadd.f32 v11, v8  }
0x5a3: {  	v16 =	vpop (erf);
	v17 =	vadd.f32 $2.000000030e-01, v17;
	[tilespmem:$0x1FE00] =	vst v15;
	v15 =	vmov s22  }
0x5a4: {  	v32 =	vmul.f32 v8, v29;
	v11 =	vadd.s32 $0x5, v15;
	v15 =	vand.u32 $0x7FFFFFFF, v20;
	[tilespmem:$0x1FE30] =	vst v13;
	v13 =	vpop (erf)  }
0x5a5: {  	v17 =	vmul.f32 v17, v24;
	v8 =	vsub.f32 $0.0e+00, v15;
	v15 =	vadd.f32 $2.000000000e+00, v13  }
0x5a6: {  	(erf) = vpow2.f32 v19  }
0x5a7: {  	(erf) = vrcp.f32 v15;
	v15 =	vadd.f32 $3.333333430e-01, v17;
	v17 =	vld [tilespmem:$0x1FF00];
	_ =	sdelay $0x5  }
0x5a8: {  	v11 =	vand.u32 $0xFF, v11  }
0x5a9: {  	v19 =	vld.idx.msk [tilespmem:v22+s7+$0x0], $0xffff;
	v11 =	vbroadcast v11, $0x0  }
0x5aa: {  	v17 =	vld.idx.msk [tilespmem:v17+s7+$0x0], $0xffff  }
0x5ab: {  	v22 =	vadd.s32 v10, v11;
	_ =	sdelay $0x2  }
0x5ac: {  	[tilespmem:$0x1FE40] =	vst v19  }
0x5ad: {  	v19 =	vadd.f32 $2.000000030e-01, v31;
	v31 =	vmul.f32 $1.442695020e+00, v8;
	v8 =	vld.idx.msk [tilespmem:v10+s7+$0x0], $0xffff;
	[tilespmem:$0x1FE70] =	vst v17;
	v17 =	vpop (erf)  }
0x5ae: {  	v17 =	vmul.f32 v17, v30;
	v30 =	vadd.s32 v3, v11;
	v11 =	vld.idx.msk [tilespmem:v22+s7+$0x0], $0xffff  }
0x5af: {  	v22 =	vld [tilespmem:$0x1FF20];
	_ =	sdelay $0x4  }
0x5b0: {  	[tilespmem:$0x1FE50] =	vst v8;
	v8 =	vld.idx.msk [tilespmem:v45+s4+$0x0], $0xffff;
	_ =	sdelay $0x2  }
0x5b1: {  	v22 =	vld.idx.msk [tilespmem:v22+s4+$0x0], $0xffff;
	_ =	sdelay $0x1  }
0x5b2: {  	[tilespmem:$0x1FE60] =	vst v8;
	v8 =	vmax.f32 v21, $0.0e+00;
	v21 =	vmul.f32 v15, v24;
	_ =	sdelay $0x1  }
0x5b3: {  	v23 =	vadd.f32 v23, v23;
	v16 =	vmul.f32 v16, v25;
	v24 =	vld [tilespmem:$0x1FF10];
	v25 =	vadd.f32 $1.000000000e+00, v21  }
0x5b4: {  	[tilespmem:$0x1FEA0] =	vst v22;
	v22 =	vld [tilespmem:$0x1FF30]  }
0x5b5: {  	v23 =	vmul.f32 v25, v23;
	v25 =	vmax.f32 v9, $0.0e+00;
	v9 =	vld [tilespmem:$0x1FF40];
	_ =	sdelay $0x3  }
0x5b6: {  	v63 =	vadd.f32 v23, v25;
	v23 =	vld [tilespmem:$0x1FF50]  }
0x5b7: {  	v19 =	vmul.f32 v19, v26  }
0x5b8: {  	v24 =	vld.idx.msk [tilespmem:v24+s7+$0x0], $0xffff  }
0x5b9: {  	v19 =	vadd.f32 $3.333333430e-01, v19;
	v22 =	vld.idx.msk [tilespmem:v22+s7+$0x0], $0xffff  }
0x5ba: {  	v9 =	vld.idx.msk [tilespmem:v9+s4+$0x0], $0xffff  }
0x5bb: {  	v19 =	vmul.f32 v19, v26  }
0x5bc: {  	(erf) = vpow2.f32 v31;
	v31 =	vadd.f32 v14, v14;
	v14 =	vmul.f32 v16, v16  }
0x5bd: {  	v19 =	vadd.f32 $1.000000000e+00, v19;
	v15 =	vld.idx.msk [tilespmem:v48+s4+$0x0], $0xffff;
	[tilespmem:$0x1FE90] =	vst v24  }
0x5be: {  	v21 =	vmul.f32 v17, v17;
	v24 =	vmul.f32 $1.111111120e-01, v14;
	v41 =	vld.idx.msk [tilespmem:v23+s7+$0x0], $0xffff;
	[tilespmem:$0x1FEB0] =	vst v22;
	v22 =	vpop (erf)  }
0x5bf: {  	v23 =	vmul.f32 v19, v31;
	v19 =	vld.idx.msk [tilespmem:v27+s7+$0x0], $0xffff;
	[tilespmem:$0x1FEC0] =	vst v9;
	v9 =	vmax.f32 v20, $0.0e+00;
	v20 =	vadd.f32 $2.000000000e+00, v22  }
0x5c0: {  	v26 =	vmul.f32 $1.111111120e-01, v21  }
0x5c1: {  	v24 =	vadd.f32 $1.428571490e-01, v24;
	(erf) = vrcp.f32 v20;
	v20 =	vld.idx.msk [tilespmem:v30+s7+$0x0], $0xffff  }
0x5c2: {  	v16 =	vadd.f32 v16, v16  }
0x5c3: {  	s23 =	simm.s32 $0x5;
	[tilespmem:$0x1FE80] =	vst v15;
	v15 =	vadd.f32 v32, v1;
	v34 =	vadd.f32 $1.428571490e-01, v26  }
0x5c4: {  	v28 =	vld [tilespmem:$0x11580];
	v27 =	vmul.f32 v63, v29;
	v31 =	vmov s23;
	[tilespmem:$0x1FED0] =	vst v19;
	v19 =	vand.u32 $0x7FFFFFFF, v11;
	v26 =	vpop (erf)  }
0x5c5: {  	s8 =	simm.s32 $0x6;
	v33 =	vld.idx.msk [tilespmem:v6+s7+$0x0], $0xffff;
	v25 =	vmul.f32 v24, v14;
	v19 =	vsub.f32 $0.0e+00, v19;
	v24 =	vpop (erf);
	v30 =	vmul.f32 v34, v21  }
.LBB2_32:
0x5c6: {  	p1 =	sne.s32 s8, $0x4F;
	v31 =	vadd.s32 $0x5, v31;
	v32 =	vand.u32 $0x7FFFFFFF, v20;
	v15 =	vadd.f32 v27, v15  }
0x5c7: {  	v27 =	vand.u32 $0xFF, v31;
	v19 =	vmul.f32 $1.442695020e+00, v19;
	v30 =	vadd.f32 $2.000000030e-01, v30  }
0x5c8: {  	v31 =	vsub.f32 $0.0e+00, v32;
	v32 =	vadd.f32 $2.000000000e+00, v24;
	v27 =	vbroadcast v27, $0x0  }
0x5c9: {  	v25 =	vadd.f32 $2.000000030e-01, v25;
	(erf) = vpow2.f32 v19;
	v19 =	vmul.f32 v30, v21  }
0x5ca: {  	v31 =	vmul.f32 $1.442695020e+00, v31;
	v30 =	vadd.s32 v3, v27;
	v27 =	vadd.s32 v10, v27  }
0x5cb: {  	v26 =	vmul.f32 v26, v13;
	v13 =	vmovc v24;
	(erf) = vrcp.f32 v32;
	v19 =	vadd.f32 $3.333333430e-01, v19  }
0x5cc: {  	v20 =	vmax.f32 v20, $0.0e+00;
	v24 =	vmul.f32 v25, v14;
	(erf) = vpow2.f32 v31  }
0x5cd: {  	v32 =	vadd.f32 v26, v26;
	v31 =	vmul.f32 v26, v26;
	v25 =	vpop (erf);
	v19 =	vmul.f32 v19, v21  }
0x5ce: {  	v23 =	vadd.f32 v23, v12;
	v12 =	vmovc v5;
	v5 =	vmovc v8;
	v24 =	vadd.f32 $3.333333430e-01, v24;
	v22 =	vmul.f32 v25, v22  }
0x5cf: {  	v8 =	vmovc v9;
	v9 =	vmovc v20;
	v26 =	vadd.f32 v17, v17;
	v25 =	vmul.f32 $1.111111120e-01, v31;
	v34 =	vld.idx.msk [tilespmem:v27+s7+$0x0], $0xffff;
	v19 =	vadd.f32 $1.000000000e+00, v19  }
0x5d0: {  	v24 =	vmul.f32 v24, v14;
	v14 =	vmovc v31;
	v20 =	vld.idx.msk [tilespmem:v30+s7+$0x0], $0xffff;
	v21 =	vmul.f32 v22, v22;
	v17 =	vmov v22  }
0x5d1: {  	v27 =	vmul.f32 v23, v28;
	v25 =	vadd.f32 $1.428571490e-01, v25;
	v19 =	vmul.f32 v19, v26  }
.Ltmp21:
0x5d2: {  	v35 =	vmax.f32 v2, $0.0e+00;
	v31 =	vadd.f32 $1.000000000e+00, v24;
	v22 =	vpop (erf);
	v23 =	vmul.f32 $1.111111120e-01, v21;
	(pc) =	sbr.rel @p1 .LBB2_32-.Ltmp21, $4  }
0x5d3: {  	v2 =	vmovc v4;
	v4 =	vmovc v11;
	v25 =	vmul.f32 v25, v14;
	v30 =	vadd.f32 $2.000000000e+00, v22;
	v19 =	vadd.f32 v19, v35  }
0x5d4: {  	v1 =	vadd.f32 v27, v1;
	v36 =	vadd.f32 $1.428571490e-01, v23;
	v26 =	vpop (erf);
	v23 =	vmul.f32 v31, v16  }
0x5d5: {  	v35 =	vand.u32 $0x7FFFFFFF, v34;
	v24 =	vpop (erf);
	(erf) = vrcp.f32 v30;
	v27 =	vmul.f32 v19, v29  }
0x5d6: {  	v31 =	vmov s8;
	s8 =	sadd.s32 $0x1, s8;
	v16 =	vmovc v32;
	v11 =	vmovc v34;
	v19 =	vsub.f32 $0.0e+00, v35;
	v30 =	vmul.f32 v36, v21  }
0x5d7: {  	v31 =	vadd.s32 $0x5, v31  }
0x5d8: {  	v31 =	vand.u32 $0xFF, v31;
	v19 =	vmul.f32 $1.442695020e+00, v19  }
0x5d9: {  	v31 =	vbroadcast v31, $0x0  }
0x5da: {  	v32 =	vand.u32 $0x7FFFFFFF, v20;
	(erf) = vpow2.f32 v19  }
0x5db: {  	v32 =	vsub.f32 $0.0e+00, v32;
	v34 =	vadd.s32 v10, v31  }
0x5dc: {  	v35 =	vadd.f32 $2.000000000e+00, v24  }
0x5dd: {  	v19 =	vmul.f32 $1.442695020e+00, v32;
	v31 =	vadd.s32 v3, v31  }
0x5de: {  	(erf) = vrcp.f32 v35  }
0x5df: {  	(erf) = vpow2.f32 v19  }
0x5e0: {  	v19 =	vld.idx.msk [tilespmem:v34+s7+$0x0], $0xffff;
	_ =	sdelay $0x1  }
0x5e1: {  	v62 =	vpop (erf);
	v31 =	vld.idx.msk [tilespmem:v31+s7+$0x0], $0xffff  }
0x5e2: {  	v63 =	vpop (erf)  }
0x5e3: {  	v36 =	vadd.f32 $2.000000000e+00, v63  }
0x5e4: {  	v30 =	vadd.f32 $2.000000030e-01, v30;
	v34 =	vand.u32 $0x7FFFFFFF, v19  }
0x5e5: {  	v34 =	vsub.f32 $0.0e+00, v34  }
0x5e6: {  	v13 =	vmul.f32 v26, v13;
	v30 =	vmul.f32 v30, v21;
	v37 =	vpop (erf);
	v38 =	vand.u32 $0x7FFFFFFF, v31  }
0x5e7: {  	(erf) = vrcp.f32 v36;
	v38 =	vsub.f32 $0.0e+00, v38;
	v34 =	vmul.f32 $1.442695020e+00, v34;
	v36 =	vpop (erf)  }
0x5e8: {  	v42 =	vadd.f32 $3.333333430e-01, v30;
	v22 =	vmul.f32 v62, v22;
	v40 =	vadd.f32 $2.000000000e+00, v36  }
0x5e9: {  	v38 =	vmul.f32 $1.442695020e+00, v38;
	(erf) = vpow2.f32 v34  }
0x5ea: {  	v25 =	vadd.f32 $2.000000030e-01, v25;
	v44 =	vmul.f32 v42, v21;
	(erf) = vrcp.f32 v40  }
0x5eb: {  	v30 =	vmul.f32 v22, v22;
	(erf) = vpow2.f32 v38  }
0x5ec: {  	v25 =	vmul.f32 v25, v14;
	v46 =	vmul.f32 v13, v13  }
0x5ed: {  	v17 =	vadd.f32 v17, v17;
	v21 =	vadd.f32 $1.000000000e+00, v44;
	v47 =	vmul.f32 $1.111111120e-01, v30  }
0x5ee: {  	v15 =	vadd.f32 v27, v15;
	v25 =	vadd.f32 $3.333333430e-01, v25;
	v27 =	vmul.f32 $1.111111120e-01, v46  }
0x5ef: {  	v17 =	vmul.f32 v21, v17;
	v32 =	vadd.f32 $1.428571490e-01, v47  }
0x5f0: {  	v12 =	vadd.f32 v23, v12;
	v50 =	vmul.f32 v25, v14  }
0x5f1: {  	v2 =	vmax.f32 v2, $0.0e+00;
	v55 =	vadd.f32 $1.428571490e-01, v27;
	v56 =	vmul.f32 v32, v30;
	v51 =	vpop (erf)  }
0x5f2: {  	v14 =	vadd.f32 $1.000000000e+00, v50;
	v2 =	vadd.f32 v17, v2;
	v27 =	vpop (erf)  }
0x5f3: {  	v4 =	vmax.f32 v4, $0.0e+00;
	v25 =	vadd.f32 $2.000000030e-01, v56;
	v17 =	vpop (erf);
	v57 =	vadd.f32 $2.000000000e+00, v27  }
0x5f4: {  	v12 =	vmul.f32 v12, v28;
	v13 =	vadd.f32 v13, v13;
	v14 =	vmul.f32 v14, v16;
	v58 =	vpop (erf)  }
0x5f5: {  	v59 =	vmul.f32 v25, v30;
	v16 =	vadd.f32 $2.000000000e+00, v58;
	(erf) = vrcp.f32 v57  }
0x5f6: {  	v1 =	vadd.f32 v12, v1;
	v23 =	vmul.f32 v55, v46;
	v5 =	vadd.f32 v14, v5  }
0x5f7: {  	v60 =	vmul.f32 v37, v24;
	v12 =	vadd.f32 $3.333333430e-01, v59;
	(erf) = vrcp.f32 v16  }
0x5f8: {  	v5 =	vmul.f32 v5, v28;
	v21 =	vmul.f32 v51, v63;
	v16 =	vadd.f32 $2.000000030e-01, v23  }
0x5f9: {  	v22 =	vadd.f32 v22, v22;
	v61 =	vmul.f32 v60, v60;
	v12 =	vmul.f32 v12, v30  }
0x5fa: {  	v62 =	vmax.f32 v31, $0.0e+00;
	v63 =	vmul.f32 v21, v21;
	v16 =	vmul.f32 v16, v46  }
0x5fb: {  	v2 =	vmul.f32 v2, v29;
	v30 =	vmul.f32 $1.111111120e-01, v61;
	v12 =	vadd.f32 $1.000000000e+00, v12  }
0x5fc: {  	v24 =	vadd.f32 v60, v60;
	v37 =	vmul.f32 $1.111111120e-01, v63;
	v16 =	vadd.f32 $3.333333430e-01, v16  }
0x5fd: {  	v1 =	vadd.f32 v5, v1;
	v38 =	vadd.f32 $1.428571490e-01, v30;
	v12 =	vmul.f32 v12, v22  }
0x5fe: {  	v17 =	vmul.f32 v17, v36;
	v14 =	vadd.f32 $1.428571490e-01, v37;
	v16 =	vmul.f32 v16, v46;
	v40 =	vpop (erf)  }
0x5ff: {  	v2 =	vadd.f32 v2, v15;
	v26 =	vmul.f32 v38, v61;
	v22 =	vmul.f32 v40, v27  }
0x600: {  	v14 =	vmul.f32 v14, v63;
	v16 =	vadd.f32 $1.000000000e+00, v16;
	v27 =	vmul.f32 v17, v17;
	v30 =	vpop (erf)  }
0x601: {  	v4 =	vadd.f32 v12, v4;
	v42 =	vmul.f32 v22, v22;
	v30 =	vmul.f32 v30, v58  }
0x602: {  	v14 =	vadd.f32 $2.000000030e-01, v14;
	v13 =	vmul.f32 v16, v13;
	v16 =	vmul.f32 $1.111111120e-01, v27  }
0x603: {  	v21 =	vadd.f32 v21, v21;
	v5 =	vmul.f32 $1.111111120e-01, v42;
	v31 =	vmul.f32 v30, v30  }
0x604: {  	v26 =	vadd.f32 $2.000000030e-01, v26;
	v4 =	vmul.f32 v4, v29;
	v14 =	vmul.f32 v14, v63  }
0x605: {  	v16 =	vadd.f32 $1.428571490e-01, v16;
	v5 =	vadd.f32 $1.428571490e-01, v5;
	v44 =	vmul.f32 $1.111111120e-01, v31  }
0x606: {  	v20 =	vmax.f32 v20, $0.0e+00;
	v4 =	vadd.f32 v4, v2;
	v2 =	vadd.f32 $3.333333430e-01, v14  }
0x607: {  	v46 =	vmul.f32 v16, v27;
	v5 =	vmul.f32 v5, v42;
	v47 =	vadd.f32 $1.428571490e-01, v44  }
0x608: {  	v17 =	vadd.f32 v17, v17;
	v2 =	vmul.f32 v2, v63;
	v16 =	vmul.f32 v26, v61  }
0x609: {  	v14 =	vadd.f32 $2.000000030e-01, v46;
	v5 =	vadd.f32 $2.000000030e-01, v5;
	v50 =	vmul.f32 v47, v31  }
0x60a: {  	v11 =	vmax.f32 v11, $0.0e+00;
	v2 =	vadd.f32 $1.000000000e+00, v2;
	v16 =	vadd.f32 $3.333333430e-01, v16  }
0x60b: {  	v14 =	vmul.f32 v14, v27;
	v5 =	vmul.f32 v5, v42;
	v51 =	vadd.f32 $2.000000030e-01, v50  }
0x60c: {  	v8 =	vadd.f32 v13, v8;
	v2 =	vmul.f32 v2, v21;
	v15 =	vmul.f32 v16, v61  }
0x60d: {  	v14 =	vadd.f32 $3.333333430e-01, v14;
	v5 =	vadd.f32 $3.333333430e-01, v5;
	v13 =	vmul.f32 v51, v31  }
0x60e: {  	v8 =	vmul.f32 v8, v28;
	v2 =	vadd.f32 v2, v11;
	v15 =	vadd.f32 $1.000000000e+00, v15  }
0x60f: {  	v14 =	vmul.f32 v14, v27;
	v5 =	vmul.f32 v5, v42;
	v11 =	vadd.f32 $3.333333430e-01, v13  }
0x610: {  	v56 =	vadd.f32 v22, v22;
	v8 =	vadd.f32 v8, v1;
	v55 =	vmul.f32 v15, v24  }
0x611: {  	s8 =	simm.s32 $0x21;
	v1 =	vadd.f32 $1.000000000e+00, v14;
	v5 =	vadd.f32 $1.000000000e+00, v5;
	v11 =	vmul.f32 v11, v31  }
0x612: {  	v57 =	vmov s8;
	v58 =	vadd.f32 v30, v30;
	v9 =	vadd.f32 v55, v9  }
0x613: {  	v1 =	vmul.f32 v1, v17;
	v5 =	vmul.f32 v5, v56;
	v11 =	vadd.f32 $1.000000000e+00, v11  }
0x614: {  	v59 =	vmax.f32 v19, $0.0e+00;
	v16 =	vmul.f32 v2, v29;
	v9 =	vmul.f32 v9, v28  }
0x615: {  	s22 =	simm.s32 $0x1;
	v60 =	vadd.f32 v1, v20;
	v5 =	vadd.f32 v5, v59;
	v11 =	vmul.f32 v11, v58  }
0x616: {  	v61 =	vmov s22;
	v63 =	vadd.f32 v16, v4;
	v8 =	vadd.f32 v9, v8  }
0x617: {  	v9 =	vmul.f32 v60, v28;
	v11 =	vadd.f32 v11, v62;
	v5 =	vmul.f32 v5, v29  }
0x618: {  	v12 =	vld.idx.msk [tilespmem:v57+s30+$0x0], $0xffff  }
0x619: {  	s9 =	simm.s32 $0x22;
	v2 =	vld [tilespmem:$0x11530];
	v8 =	vadd.f32 v9, v8;
	v9 =	vmul.f32 v11, v28;
	v5 =	vadd.f32 v5, v63  }
0x61a: {  	s23 =	simm.s32 $0x2;
	v1 =	vld [tilespmem:$0x11520];
	v62 =	vmov s9  }
0x61b: {  	v4 =	vmov s23;
	[tilespmem:$0x1FD80] =	vst v5;
	v5 =	vadd.f32 v9, v8;
	v8 =	vld.idx.msk [tilespmem:v61+s24+$0x0], $0xffff  }
0x61c: {  	vm10 =	vmmov vm3;
	vm11 =	vmmov vm3;
	vm6 =	vgt.u32 v61, v0  }
0x61d: {  	vm8 =	vmmov vm3;
	vm9 =	vmmov vm3;
	vm6 =	vmmov vm6  }
0x61e: {  	vm15 =	vgt.u32 v61, v7;
	vm7 =	vgt.u32 v4, v0;
	vm12 =	vmmov vm6  }
0x61f: {  	s8 =	simm.s32 $0x23;
	vm7 =	vmmov vm7;
	vm14 =	veq.s32 v2, v12;
	vm13 =	veq.s32 v1, v12;
	[tilespmem:$0x1FD90] =	vst v5;
	v5 =	vld.idx.msk [tilespmem:v62+s30+$0x0], $0xffff  }
.LBB2_34:
0x620: {  	s9 =	sadd.s32 $0xFFFFFFE0, s8;
	v9 =	vmov s8;
	p1 =	sne.s32 s8, $0x33;
	s8 =	sadd.s32 $0x1, s8;
	vm6 =	vmand vm15, vm14;
	vm14 =	veq.s32 v54, v8;
	v11 =	vmovc v8;
	v8 =	vld.idx.msk [tilespmem:v4+s24+$0x0], $0xffff;
	v12 =	vmovc v4  }
.Ltmp22:
0x621: {  	vm12 =	vmand vm12, vm13;
	v4 =	vmov s9;
	vm13 =	vmand vm6, vm14;
	(pc) =	sbr.rel @p1 .LBB2_34-.Ltmp22, $4  }
0x622: {  	vm15 =	veq.s32 v49, v11;
	vm14 =	vgt.u32 v4, v0;
	vm10 =	vmor vm10, vm13  }
0x623: {  	vm11 =	vmor vm11, vm12;
	vm8 =	vmor vm8, vm6;
	vm6 =	vmand vm12, vm15  }
0x624: {  	vm12 =	vmmov vm7;
	vm9 =	vmor vm9, vm6;
	vm7 =	vmmov vm14  }
0x625: {  	vm15 =	vgt.u32 v12, v7;
	vm13 =	veq.s32 v1, v5;
	vm14 =	veq.s32 v2, v5;
	v5 =	vld.idx.msk [tilespmem:v9+s30+$0x0], $0xffff  }
0x626: {  	_ =	sdelay $0x1  }
0x627: {  	vm6 =	vmand vm15, vm14;
	vm14 =	veq.s32 v54, v8;
	vm12 =	vmand vm12, vm13  }
0x628: {  	vm7 =	vmmov vm7;
	v57 =	vimm.f32 $0.0e+00;
	vm13 =	vmand vm6, vm14  }
0x629: {  	v9 =	vld.idx.msk [tilespmem:v4+s24+$0x0], $0xffff;
	vm14 =	veq.s32 v49, v8;
	vm11 =	vmor vm11, vm12;
	vm6 =	vmor vm8, vm6  }
0x62a: {  	s8 =	simm.s32 $0x0;
	v8 =	vimm.f32 $1.000000000e+00;
	vm10 =	vmor vm10, vm13;
	vm12 =	vmand vm12, vm14  }
0x62b: {  	vm8 =	vmor vm9, vm12;
	vm9 =	veq.s32 v2, v5;
	v2 =	vmov s8  }
0x62c: {  	vm12 =	vgt.u32 v4, v7;
	vm13 =	veq.s32 v1, v5;
	v1 =	vadd.s32 $0x5, v2  }
0x62d: {  	v4 =	vsel vm0, $0x3F800000, v57;
	vm9 =	vmand vm12, vm9;
	v1 =	vand.u32 $0xFF, v1  }
0x62e: {  	vm12 =	veq.s32 v54, v9;
	vm7 =	vmand vm7, vm13;
	v1 =	vbroadcast v1, $0x0  }
0x62f: {  	vm13 =	veq.s32 v49, v9;
	vm11 =	vmor vm11, vm7;
	vm6 =	vmor vm6, vm9  }
0x630: {  	vm7 =	vmand vm7, vm13;
	v2 =	vsel vm11, $0x0, v8;
	v5 =	vadd.s32 v18, v1  }
0x631: {  	vm9 =	vmand vm9, vm12;
	vm7 =	vmor vm8, vm7;
	[tilespmem:$0x11580] =	vst v2;
	v2 =	vsel vm6, $0x0, v4  }
0x632: {  	vm6 =	vmor vm10, vm9;
	v54 =	vsel vm7, $0x0, v8;
	[tilespmem:$0x11590] =	vst v2  }
0x633: {  	[tilespmem:$0x11600] =	vst v54;
	v2 =	vsel vm6, $0x0, v4  }
0x634: {  	[tilespmem:$0x11610] =	vst v2  }
0x635: {  	v8 =	vld.idx.msk [tilespmem:v5+s7+$0x0], $0xffff;
	_ =	sdelay $0x1  }
0x636: {  	s19 =	simm.s32 $0x1  }
0x637: {  	[tilespmem:$0x1FC90] =	vst v2;
	v2 =	vmov s19  }
0x638: {  	v2 =	vadd.s32 $0x5, v2  }
0x639: {  	v31 =	vadd.s32 $0xA00, v3;
	v2 =	vand.u32 $0xFF, v2;
	v4 =	vand.u32 $0x7FFFFFFF, v8  }
0x63a: {  	v1 =	vadd.s32 v31, v1;
	v2 =	vbroadcast v2, $0x0;
	v4 =	vsub.f32 $0.0e+00, v4;
	_ =	sdelay $0x1  }
0x63b: {  	v5 =	vadd.s32 v18, v2;
	v4 =	vmul.f32 $1.442695020e+00, v4;
	_ =	sdelay $0x1  }
0x63c: {  	(erf) = vpow2.f32 v4  }
0x63d: {  	v1 =	vld.idx.msk [tilespmem:v1+s7+$0x0], $0xffff;
	_ =	sdelay $0x1  }
0x63e: {  	v5 =	vld.idx.msk [tilespmem:v5+s7+$0x0], $0xffff;
	_ =	sdelay $0x2  }
0x63f: {  	v4 =	vand.u32 $0x7FFFFFFF, v1  }
0x640: {  	v2 =	vadd.s32 v31, v2;
	v4 =	vsub.f32 $0.0e+00, v4  }
0x641: {  	v11 =	vand.u32 $0x7FFFFFFF, v5  }
0x642: {  	v11 =	vsub.f32 $0.0e+00, v11;
	v4 =	vmul.f32 $1.442695020e+00, v4;
	v9 =	vpop (erf)  }
0x643: {  	v12 =	vadd.f32 $2.000000000e+00, v9  }
0x644: {  	s20 =	simm.s32 $0x2;
	v11 =	vmul.f32 $1.442695020e+00, v11;
	(erf) = vpow2.f32 v4  }
0x645: {  	v4 =	vmov s20;
	(erf) = vrcp.f32 v12;
	v12 =	vld.idx.msk [tilespmem:v2+s7+$0x0], $0xffff  }
0x646: {  	v4 =	vadd.s32 $0x5, v4;
	(erf) = vpow2.f32 v11  }
0x647: {  	v4 =	vand.u32 $0xFF, v4  }
0x648: {  	v2 =	vbroadcast v4, $0x0;
	_ =	sdelay $0x1  }
0x649: {  	v4 =	vadd.s32 v18, v2;
	v11 =	vand.u32 $0x7FFFFFFF, v12  }
0x64a: {  	v11 =	vsub.f32 $0.0e+00, v11;
	_ =	sdelay $0x1  }
0x64b: {  	v13 =	vpop (erf)  }
0x64c: {  	v14 =	vadd.f32 $2.000000000e+00, v13;
	v15 =	vpop (erf)  }
0x64d: {  	v20 =	vld.idx.msk [tilespmem:v4+s7+$0x0], $0xffff;
	v4 =	vmul.f32 $1.442695020e+00, v11;
	v11 =	vpop (erf)  }
0x64e: {  	(erf) = vrcp.f32 v14;
	v9 =	vmul.f32 v15, v9;
	v15 =	vadd.f32 $2.000000000e+00, v11  }
0x64f: {  	(erf) = vpow2.f32 v4  }
0x650: {  	(erf) = vrcp.f32 v15;
	_ =	sdelay $0x6  }
0x651: {  	v25 =	vpop (erf)  }
0x652: {  	v2 =	vadd.s32 v31, v2;
	v14 =	vld [tilespmem:$0x11480];
	v27 =	vpop (erf)  }
0x653: {  	v21 =	vld [tilespmem:$0x11490];
	v4 =	vmul.f32 v9, v9;
	v13 =	vmul.f32 v25, v13;
	v25 =	vpop (erf)  }
0x654: {  	v25 =	vmul.f32 v25, v11;
	v11 =	vld.idx.msk [tilespmem:v31+s7+$0x0], $0xffff  }
0x655: {  	v17 =	vmul.f32 $1.111111120e-01, v4;
	_ =	sdelay $0x1  }
0x656: {  	v23 =	vld.idx.msk [tilespmem:v2+s7+$0x0], $0xffff;
	vm6 =	vgt.s32 v14, $0x0;
	v19 =	vand.u32 $0x7FFFFFFF, v20;
	v17 =	vadd.f32 $1.428571490e-01, v17  }
0x657: {  	s21 =	simm.s32 $0x3;
	v14 =	vnsel vm6, $0x0, v14;
	vm6 =	vgt.s32 v21, $0x0;
	v2 =	vsub.f32 $0.0e+00, v19  }
0x658: {  	v19 =	vmov s21;
	v17 =	vmul.f32 v17, v4;
	[tilespmem:$0x1FCA0] =	vst v11;
	v11 =	vnsel vm6, $0x0, v21;
	v21 =	vld.idx.msk [tilespmem:v39+s4+$0x0], $0xffff  }
0x659: {  	v19 =	vadd.s32 $0x5, v19  }
0x65a: {  	v2 =	vmul.f32 $1.442695020e+00, v2;
	v19 =	vand.u32 $0xFF, v19;
	v17 =	vadd.f32 $2.000000030e-01, v17  }
0x65b: {  	v14 =	vmin.u32 v14, $0x4F;
	v26 =	vand.u32 $0x7FFFFFFF, v23;
	v19 =	vbroadcast v19, $0x0  }
0x65c: {  	(erf) = vpow2.f32 v2;
	v2 =	vadd.s32 $0xA05, v3;
	v17 =	vmul.f32 v17, v4  }
0x65d: {  	v14 =	vadd.s32 v2, v14;
	v2 =	vsub.f32 $0.0e+00, v26;
	v26 =	vadd.s32 v18, v19;
	[tilespmem:$0x1FCB0] =	vst v21;
	v21 =	vld [tilespmem:$0x1FFB0]  }
0x65e: {  	v17 =	vadd.f32 $3.333333430e-01, v17  }
0x65f: {  	v30 =	vadd.f32 $2.000000000e+00, v27  }
0x660: {  	v2 =	vmul.f32 $1.442695020e+00, v2;
	v4 =	vmul.f32 v17, v4  }
0x661: {  	v9 =	vadd.f32 v9, v9;
	(erf) = vrcp.f32 v30;
	v11 =	vmin.u32 v11, $0x4F  }
0x662: {  	(erf) = vpow2.f32 v2;
	v2 =	vld.idx.msk [tilespmem:v26+s7+$0x0], $0xffff;
	v26 =	vadd.s32 v21, v11;
	v11 =	vadd.f32 $1.000000000e+00, v4;
	_ =	sdelay $0x1  }
0x663: {  	v15 =	vadd.s32 $0xA02, v3;
	v9 =	vmul.f32 v11, v9;
	v11 =	vld.idx.msk [tilespmem:v43+s4+$0x0], $0xffff;
	_ =	sdelay $0x1  }
0x664: {  	v16 =	vadd.s32 $0xA01, v3;
	_ =	sdelay $0x2  }
0x665: {  	[tilespmem:$0x1FCD0] =	vst v11;
	v11 =	vld.idx.msk [tilespmem:v15+s7+$0x0], $0xffff;
	_ =	sdelay $0x1  }
0x666: {  	v4 =	vld.idx.msk [tilespmem:v16+s7+$0x0], $0xffff;
	_ =	sdelay $0x2  }
0x667: {  	v22 =	vadd.s32 $0xA03, v3;
	[tilespmem:$0x1FCE0] =	vst v11;
	v11 =	vld.idx.msk [tilespmem:v53+s4+$0x0], $0xffff  }
0x668: {  	v37 =	vpop (erf)  }
0x669: {  	[tilespmem:$0x1FCC0] =	vst v4;
	v4 =	vmax.f32 v12, $0.0e+00;
	v12 =	vadd.f32 $2.000000000e+00, v37  }
0x66a: {  	s22 =	simm.s32 $0x4  }
0x66b: {  	v8 =	vmax.f32 v8, $0.0e+00;
	(erf) = vrcp.f32 v12;
	v12 =	vmov s22  }
0x66c: {  	v8 =	vadd.f32 v9, v8;
	v9 =	vadd.s32 $0x5, v12;
	[tilespmem:$0x1FCF0] =	vst v11;
	v11 =	vld.idx.msk [tilespmem:v22+s7+$0x0], $0xffff  }
0x66d: {  	v22 =	vand.u32 $0xFF, v9;
	v9 =	vld.idx.msk [tilespmem:v52+s4+$0x0], $0xffff;
	_ =	sdelay $0x4  }
0x66e: {  	[tilespmem:$0x1FD10] =	vst v9;
	v9 =	vld.idx.msk [tilespmem:v14+s7+$0x0], $0xffff;
	_ =	sdelay $0x4  }
0x66f: {  	[tilespmem:$0x1FD20] =	vst v9;
	v9 =	vld.idx.msk [tilespmem:v18+s7+$0x0], $0xffff;
	_ =	sdelay $0x3  }
0x670: {  	v32 =	vmul.f32 v13, v13  }
0x671: {  	[tilespmem:$0x1FD30] =	vst v9;
	v9 =	vld.idx.msk [tilespmem:v45+s4+$0x0], $0xffff  }
0x672: {  	v30 =	vmax.f32 v1, $0.0e+00;
	v1 =	vmul.f32 $1.111111120e-01, v32;
	_ =	sdelay $0x1  }
0x673: {  	v19 =	vadd.s32 v31, v19;
	v1 =	vadd.f32 $1.428571490e-01, v1  }
0x674: {  	v56 =	vld [tilespmem:$0x11590]  }
0x675: {  	v1 =	vmul.f32 v1, v32;
	[tilespmem:$0x1FD40] =	vst v9;
	v9 =	vld [tilespmem:$0x1FF70]  }
0x676: {  	v17 =	vmul.f32 v25, v25  }
0x677: {  	v1 =	vadd.f32 $2.000000030e-01, v1  }
0x678: {  	v42 =	vld.idx.msk [tilespmem:v19+s7+$0x0], $0xffff;
	v19 =	vmul.f32 $1.111111120e-01, v17  }
0x679: {  	v1 =	vmul.f32 v1, v32  }
0x67a: {  	v16 =	vadd.f32 $1.428571490e-01, v19;
	v19 =	vand.u32 $0x7FFFFFFF, v2;
	v8 =	vmul.f32 v8, v56  }
0x67b: {  	v24 =	vadd.s32 $0xA04, v3;
	v15 =	vsub.f32 $0.0e+00, v19  }
0x67c: {  	v16 =	vmul.f32 v16, v17;
	v36 =	vadd.f32 v8, v57;
	v8 =	vadd.f32 $3.333333430e-01, v1;
	v1 =	vld [tilespmem:$0x1FF80]  }
0x67d: {  	v9 =	vld.idx.msk [tilespmem:v9+s7+$0x0], $0xffff  }
0x67e: {  	v16 =	vadd.f32 $2.000000030e-01, v16;
	v15 =	vmul.f32 $1.442695020e+00, v15;
	v32 =	vmul.f32 v8, v32;
	v8 =	vld [tilespmem:$0x1FF20]  }
0x67f: {  	v35 =	vpop (erf)  }
0x680: {  	v63 =	vmax.f32 v5, $0.0e+00;
	v5 =	vld [tilespmem:$0x1FF40];
	v34 =	vpop (erf);
	(erf) = vpow2.f32 v15;
	v15 =	vmul.f32 v16, v17  }
0x681: {  	v58 =	vld.idx.msk [tilespmem:v24+s7+$0x0], $0xffff;
	v24 =	vadd.f32 $2.000000000e+00, v34  }
0x682: {  	v12 =	vand.u32 $0x7FFFFFFF, v42;
	v15 =	vadd.f32 $3.333333430e-01, v15;
	v38 =	vbroadcast v22, $0x0;
	[tilespmem:$0x1FD50] =	vst v9;
	v9 =	vld [tilespmem:$0x1FFA0]  }
0x683: {  	v25 =	vadd.f32 v25, v25;
	v12 =	vsub.f32 $0.0e+00, v12;
	(erf) = vrcp.f32 v24  }
0x684: {  	v24 =	vmul.f32 v35, v27;
	v15 =	vmul.f32 v15, v17;
	v1 =	vld.idx.msk [tilespmem:v1+s7+$0x0], $0xffff;
	v53 =	vadd.s32 v18, v38  }
0x685: {  	v27 =	vmax.f32 v23, $0.0e+00;
	v23 =	vadd.f32 v13, v13;
	v13 =	vpop (erf);
	v14 =	vmul.f32 $1.442695020e+00, v12  }
0x686: {  	v35 =	vmul.f32 v24, v24;
	v37 =	vmul.f32 v13, v37;
	v15 =	vadd.f32 $1.000000000e+00, v15;
	v13 =	vld.idx.msk [tilespmem:v8+s4+$0x0], $0xffff  }
0x687: {  	v8 =	vld [tilespmem:$0x1FF90];
	v59 =	vadd.s32 v31, v38;
	(erf) = vpow2.f32 v14  }
0x688: {  	v40 =	vmul.f32 $1.111111120e-01, v35;
	v25 =	vmul.f32 v15, v25;
	v15 =	vld.idx.msk [tilespmem:v5+s4+$0x0], $0xffff  }
0x689: {  	v32 =	vadd.f32 $1.000000000e+00, v32;
	[tilespmem:$0x1FD60] =	vst v1;
	v1 =	vld.idx.msk [tilespmem:v53+s7+$0x0], $0xffff  }
0x68a: {  	v39 =	vmul.f32 v37, v37;
	v60 =	vld.idx.msk [tilespmem:v9+s7+$0x0], $0xffff  }
0x68b: {  	v5 =	vmax.f32 v42, $0.0e+00;
	v42 =	vmul.f32 v32, v23;
	v9 =	vld.idx.msk [tilespmem:v26+s7+$0x0], $0xffff  }
0x68c: {  	v38 =	vadd.f32 v24, v24;
	v24 =	vadd.f32 $1.428571490e-01, v40;
	v40 =	vpop (erf);
	v44 =	vmul.f32 $1.111111120e-01, v39;
	v23 =	vld.idx.msk [tilespmem:v59+s7+$0x0], $0xffff  }
0x68d: {  	v46 =	vadd.f32 $2.000000000e+00, v40;
	v45 =	vadd.f32 v25, v63  }
0x68e: {  	v17 =	vld.idx.msk [tilespmem:v48+s4+$0x0], $0xffff;
	v48 =	vmul.f32 v24, v35;
	v44 =	vadd.f32 $1.428571490e-01, v44  }
0x68f: {  	s23 =	simm.s32 $0x5;
	v55 =	vld [tilespmem:$0x11580];
	[tilespmem:$0x1FD00] =	vst v11;
	(erf) = vrcp.f32 v46;
	v25 =	vpop (erf);
	v24 =	vmul.f32 v45, v56;
	v26 =	vand.u32 $0x7FFFFFFF, v1  }
0x690: {  	s8 =	simm.s32 $0x6;
	v32 =	vmov s23;
	v53 =	vmul.f32 v44, v39;
	v8 =	vld.idx.msk [tilespmem:v8+s7+$0x0], $0xffff;
	v43 =	vpop (erf);
	v26 =	vsub.f32 $0.0e+00, v26;
	[tilespmem:$0x1FD70] =	vst v9  }
.LBB2_36:
0x691: {  	p1 =	sne.s32 s8, $0x4F;
	v32 =	vadd.s32 $0x5, v32;
	v44 =	vand.u32 $0x7FFFFFFF, v23;
	v36 =	vadd.f32 v24, v36  }
0x692: {  	v24 =	vand.u32 $0xFF, v32;
	v26 =	vmul.f32 $1.442695020e+00, v26;
	v32 =	vadd.f32 $2.000000030e-01, v53  }
0x693: {  	v45 =	vadd.f32 $2.000000000e+00, v43;
	v44 =	vsub.f32 $0.0e+00, v44;
	v24 =	vbroadcast v24, $0x0  }
0x694: {  	(erf) = vpow2.f32 v26;
	v26 =	vmul.f32 v32, v39;
	v32 =	vadd.f32 $2.000000030e-01, v48  }
0x695: {  	v44 =	vmul.f32 $1.442695020e+00, v44;
	v46 =	vadd.s32 v31, v24;
	v24 =	vadd.s32 v18, v24  }
0x696: {  	v25 =	vmul.f32 v25, v34;
	v34 =	vmovc v43;
	(erf) = vrcp.f32 v45;
	v26 =	vadd.f32 $3.333333430e-01, v26  }
0x697: {  	v23 =	vmax.f32 v23, $0.0e+00;
	v32 =	vmul.f32 v32, v35;
	(erf) = vpow2.f32 v44  }
0x698: {  	v45 =	vadd.f32 v25, v25;
	v44 =	vmul.f32 v25, v25;
	v43 =	vpop (erf);
	v25 =	vmul.f32 v26, v39  }
0x699: {  	v32 =	vadd.f32 $3.333333430e-01, v32;
	v26 =	vmul.f32 v43, v40;
	v40 =	vadd.f32 v42, v30;
	v30 =	vmovc v4;
	v4 =	vmovc v27  }
0x69a: {  	v42 =	vadd.f32 v37, v37;
	v27 =	vmovc v5;
	v5 =	vmovc v23;
	v47 =	vld.idx.msk [tilespmem:v24+s7+$0x0], $0xffff;
	v24 =	vmul.f32 $1.111111120e-01, v44;
	v25 =	vadd.f32 $1.000000000e+00, v25  }
0x69b: {  	v32 =	vmul.f32 v32, v35;
	v35 =	vmovc v44;
	v23 =	vld.idx.msk [tilespmem:v46+s7+$0x0], $0xffff;
	v39 =	vmul.f32 v26, v26;
	v37 =	vmov v26  }
0x69c: {  	v26 =	vmul.f32 v40, v55;
	v24 =	vadd.f32 $1.428571490e-01, v24;
	v11 =	vmul.f32 v25, v42  }
.Ltmp23:
0x69d: {  	v9 =	vmax.f32 v20, $0.0e+00;
	v32 =	vadd.f32 $1.000000000e+00, v32;
	v40 =	vpop (erf);
	v42 =	vmul.f32 $1.111111120e-01, v39;
	(pc) =	sbr.rel @p1 .LBB2_36-.Ltmp23, $4  }
0x69e: {  	v20 =	vmovc v2;
	v2 =	vmovc v1;
	v44 =	vadd.f32 $2.000000000e+00, v40;
	v48 =	vmul.f32 v24, v35;
	v24 =	vadd.f32 v11, v9  }
0x69f: {  	v57 =	vadd.f32 v26, v57;
	v9 =	vadd.f32 $1.428571490e-01, v42;
	v25 =	vpop (erf);
	v42 =	vmul.f32 v32, v38  }
0x6a0: {  	v26 =	vand.u32 $0x7FFFFFFF, v47;
	v43 =	vpop (erf);
	(erf) = vrcp.f32 v44;
	v24 =	vmul.f32 v24, v56  }
0x6a1: {  	v32 =	vmov s8;
	s8 =	sadd.s32 $0x1, s8;
	v38 =	vmovc v45;
	v1 =	vmovc v47;
	v26 =	vsub.f32 $0.0e+00, v26;
	v53 =	vmul.f32 v9, v39  }
0x6a2: {  	v32 =	vadd.s32 $0x5, v32  }
0x6a3: {  	v32 =	vand.u32 $0xFF, v32  }
0x6a4: {  	v32 =	vbroadcast v32, $0x0  }
0x6a5: {  	v44 =	vand.u32 $0x7FFFFFFF, v23  }
0x6a6: {  	v26 =	vmul.f32 $1.442695020e+00, v26;
	v44 =	vsub.f32 $0.0e+00, v44;
	v45 =	vadd.s32 v18, v32  }
0x6a7: {  	v46 =	vadd.f32 $2.000000000e+00, v43  }
0x6a8: {  	(erf) = vpow2.f32 v26;
	v52 =	vmul.f32 $1.442695020e+00, v44;
	v51 =	vadd.s32 v31, v32  }
0x6a9: {  	(erf) = vrcp.f32 v46  }
0x6aa: {  	(erf) = vpow2.f32 v52  }
0x6ab: {  	v32 =	vld.idx.msk [tilespmem:v45+s7+$0x0], $0xffff;
	_ =	sdelay $0x1  }
0x6ac: {  	v31 =	vld.idx.msk [tilespmem:v51+s7+$0x0], $0xffff;
	_ =	sdelay $0x2  }
0x6ad: {  	v61 =	vpop (erf);
	v59 =	vand.u32 $0x7FFFFFFF, v32  }
0x6ae: {  	v26 =	vpop (erf);
	v62 =	vsub.f32 $0.0e+00, v59  }
0x6af: {  	v63 =	vadd.f32 $2.000000000e+00, v26;
	v52 =	vpop (erf);
	v12 =	vand.u32 $0x7FFFFFFF, v31  }
0x6b0: {  	v44 =	vpop (erf);
	v46 =	vsub.f32 $0.0e+00, v12;
	v47 =	vmul.f32 $1.442695020e+00, v62  }
0x6b1: {  	(erf) = vrcp.f32 v63;
	v14 =	vadd.f32 $2.000000000e+00, v44  }
0x6b2: {  	v46 =	vmul.f32 $1.442695020e+00, v46;
	(erf) = vpow2.f32 v47  }
0x6b3: {  	(erf) = vrcp.f32 v14  }
0x6b4: {  	(erf) = vpow2.f32 v46;
	_ =	sdelay $0x5  }
0x6b5: {  	v59 =	vpop (erf)  }
0x6b6: {  	v50 =	vpop (erf)  }
0x6b7: {  	v21 =	vand.u32 $0x7FFFFFFF, v33;
	v46 =	vpop (erf)  }
0x6b8: {  	v22 =	vsub.f32 $0.0e+00, v21;
	v51 =	vadd.f32 $2.000000000e+00, v50;
	v45 =	vpop (erf)  }
0x6b9: {  	v62 =	vadd.f32 $2.000000000e+00, v45  }
0x6ba: {  	v47 =	vmul.f32 $1.442695020e+00, v22;
	(erf) = vrcp.f32 v51  }
0x6bb: {  	(erf) = vrcp.f32 v62  }
0x6bc: {  	(erf) = vpow2.f32 v47;
	_ =	sdelay $0x6  }
0x6bd: {  	v51 =	vpop (erf)  }
0x6be: {  	v12 =	vand.u32 $0x7FFFFFFF, v41;
	v47 =	vpop (erf)  }
0x6bf: {  	v62 =	vsub.f32 $0.0e+00, v12;
	v63 =	vpop (erf)  }
0x6c0: {  	v19 =	vadd.f32 $2.000000000e+00, v63  }
0x6c1: {  	v62 =	vmul.f32 $1.442695020e+00, v62  }
0x6c2: {  	(erf) = vrcp.f32 v19  }
0x6c3: {  	(erf) = vpow2.f32 v62;
	_ =	sdelay $0x7  }
0x6c4: {  	v19 =	vpop (erf)  }
0x6c5: {  	v62 =	vpop (erf)  }
0x6c6: {  	v21 =	vadd.f32 $2.000000000e+00, v62;
	_ =	sdelay $0x1  }
0x6c7: {  	(erf) = vrcp.f32 v21;
	_ =	sdelay $0x1  }
0x6c8: {  	v19 =	vmul.f32 v19, v63;
	_ =	sdelay $0x1  }
0x6c9: {  	v9 =	vld [tilespmem:$0x1FDC0];
	v21 =	vmul.f32 v19, v19  }
0x6ca: {  	v11 =	vld [tilespmem:$0x1FDD0]  }
0x6cb: {  	v14 =	vmul.f32 $1.111111120e-01, v21;
	_ =	sdelay $0x1  }
0x6cc: {  	v22 =	vadd.f32 $1.428571490e-01, v14  }
0x6cd: {  	v49 =	vpop (erf)  }
0x6ce: {  	v49 =	vmul.f32 v49, v62;
	v62 =	vmul.f32 v22, v21;
	v22 =	vsub.f32 v9, v11;
	v9 =	vld [tilespmem:$0x1FDE0]  }
0x6cf: {  	v11 =	vld [tilespmem:$0x1FDF0];
	_ =	sdelay $0x1  }
0x6d0: {  	v12 =	vld [tilespmem:$0x1FE00]  }
0x6d1: {  	v14 =	vld [tilespmem:$0x1FE10];
	_ =	sdelay $0x1  }
0x6d2: {  	v62 =	vadd.f32 $2.000000030e-01, v62;
	v9 =	vsub.f32 v9, v11  }
0x6d3: {  	v22 =	vmul.f32 v22, v22  }
0x6d4: {  	v62 =	vmul.f32 v62, v21;
	v9 =	vmul.f32 v9, v9  }
0x6d5: {  	v12 =	vsub.f32 v12, v14;
	v14 =	vld [tilespmem:$0x1FE20]  }
0x6d6: {  	v9 =	vadd.f32 v9, v22;
	v22 =	vadd.f32 $3.333333430e-01, v62;
	v62 =	vld [tilespmem:$0x1FE30];
	_ =	sdelay $0x1  }
0x6d7: {  	v12 =	vmul.f32 v12, v12;
	_ =	sdelay $0x1  }
0x6d8: {  	v9 =	vadd.f32 v12, v9;
	v12 =	vmul.f32 v22, v21;
	v21 =	vld [tilespmem:$0x1FE60]  }
0x6d9: {  	v62 =	vsub.f32 v14, v62;
	v14 =	vld [tilespmem:$0x1FE50];
	_ =	sdelay $0x3  }
0x6da: {  	v22 =	vld [tilespmem:$0x1FE80]  }
0x6db: {  	v21 =	vsub.f32 v14, v21;
	v14 =	vld [tilespmem:$0x1FE70];
	_ =	sdelay $0x1  }
0x6dc: {  	v63 =	vmul.f32 v49, v49  }
0x6dd: {  	v19 =	vadd.f32 v19, v19  }
0x6de: {  	v16 =	vld [tilespmem:$0x1FEA0];
	v11 =	vmul.f32 $1.111111120e-01, v63;
	v12 =	vadd.f32 $1.000000000e+00, v12;
	v62 =	vmul.f32 v62, v62  }
0x6df: {  	v22 =	vsub.f32 v14, v22;
	v14 =	vld [tilespmem:$0x1FE90]  }
0x6e0: {  	v11 =	vadd.f32 $1.428571490e-01, v11;
	v12 =	vmul.f32 v12, v19;
	v9 =	vadd.f32 v62, v9  }
0x6e1: {  	v62 =	vmax.f32 v33, $0.0e+00;
	v21 =	vmul.f32 v21, v21;
	v22 =	vmul.f32 v22, v22  }
0x6e2: {  	v12 =	vadd.f32 v12, v62;
	v62 =	vld [tilespmem:$0x1FEC0]  }
0x6e3: {  	v11 =	vmul.f32 v11, v63;
	v19 =	vadd.f32 v22, v21;
	v21 =	vld [tilespmem:$0x1FEB0]  }
0x6e4: {  	v14 =	vsub.f32 v14, v16  }
0x6e5: {  	v11 =	vadd.f32 $2.000000030e-01, v11  }
0x6e6: {  	v14 =	vmul.f32 v14, v14  }
0x6e7: {  	v11 =	vmul.f32 v11, v63;
	v9 =	vmul.f32 v9, v28  }
0x6e8: {  	v21 =	vsub.f32 v21, v62;
	v14 =	vadd.f32 v14, v19;
	v19 =	vmul.f32 v33, v28  }
0x6e9: {  	(xrf2) =	vadd.scan.msk.f32 $0xffff, v9;
	v9 =	vmul.f32 v12, v28  }
0x6ea: {  	v11 =	vadd.f32 $3.333333430e-01, v11;
	v21 =	vmul.f32 v21, v21;
	(xrf2) =	vadd.scan.msk.f32 $0xffff, v19  }
0x6eb: {  	(xrf2) =	vadd.scan.msk.f32 $0xffff, v9;
	v9 =	vld [tilespmem:$0x1FDA0]  }
0x6ec: {  	v11 =	vmul.f32 v11, v63;
	v63 =	vadd.f32 v21, v14;
	v21 =	vld [tilespmem:$0x1FE40];
	_ =	sdelay $0x1  }
0x6ed: {  	v11 =	vadd.f32 $1.000000000e+00, v11;
	v62 =	vadd.f32 v49, v49;
	_ =	sdelay $0x1  }
0x6ee: {  	v11 =	vmul.f32 v11, v62  }
0x6ef: {  	v22 =	vmax.f32 v41, $0.0e+00;
	v9 =	vmul.f32 v21, v9  }
0x6f0: {  	(xrf2) =	vadd.scan.msk.f32 $0xffff, v28;
	v11 =	vadd.f32 v11, v22;
	v12 =	vmul.f32 v63, v29  }
0x6f1: {  	(xrf2) =	vadd.scan.msk.f32 $0xffff, v9;
	v9 =	vmul.f32 v41, v29  }
0x6f2: {  	v11 =	vmul.f32 v11, v29;
	(xrf2) =	vadd.scan.msk.f32 $0xffff, v12  }
0x6f3: {  	(xrf2) =	vadd.scan.msk.f32 $0xffff, v9  }
0x6f4: {  	(xrf2) =	vadd.scan.msk.f32 $0xffff, v11  }
0x6f5: {  	(xrf2) =	vadd.scan.msk.f32 $0xffff, v29;
	_ =	sdelay $0x1  }
0x6f6: {  	v9, _, _ =	vpop (xrf2)  }
0x6f7: {  	(v2sf) =	vpush v9, $0xF;
	v9, _, _ =	vpop (xrf2)  }
0x6f8: {  	(v2sf) =	vpush v9, $0xF;
	v9, _, _ =	vpop (xrf2)  }
0x6f9: {  	(v2sf) =	vpush v9, $0xF;
	v9, _, _ =	vpop (xrf2)  }
0x6fa: {  	(v2sf) =	vpush v9, $0xF;
	v9, _, _ =	vpop (xrf2)  }
0x6fb: {  	(v2sf) =	vpush v9, $0xF;
	v9, _, _ =	vpop (xrf2)  }
0x6fc: {  	(v2sf) =	vpush v9, $0xF;
	v9, _, _ =	vpop (xrf2)  }
0x6fd: {  	(v2sf) =	vpush v9, $0xF;
	v9, _, _ =	vpop (xrf2)  }
0x6fe: {  	(v2sf) =	vpush v9, $0xF;
	v9, _, _ =	vpop (xrf2)  }
0x6ff: {  	(v2sf) =	vpush v9, $0xF;
	_ =	sdelay $0x3  }
0x700: {  	v9 =	vadd.f32 $2.000000030e-01, v53;
	_ =	sdelay $0x1  }
0x701: {  	v19 =	vmul.f32 v61, v40;
	v9 =	vmul.f32 v9, v39  }
0x702: {  	s8 =	spop (v2sf)  }
0x703: {  	v21 =	vmul.f32 v19, v19;
	v9 =	vadd.f32 $3.333333430e-01, v9;
	s15 =	spop (v2sf)  }
0x704: {  	v33 =	vadd.f32 $2.000000030e-01, v48;
	s17 =	spop (v2sf)  }
0x705: {  	v42 =	vadd.f32 v42, v30;
	v9 =	vmul.f32 v9, v39;
	v39 =	vmul.f32 $1.111111120e-01, v21;
	s9 =	spop (v2sf)  }
0x706: {  	v41 =	vadd.f32 v37, v37;
	v12 =	vmul.f32 v33, v35;
	v29 =	vmul.f32 v59, v26;
	s23 =	spop (v2sf)  }
0x707: {  	v9 =	vadd.f32 $1.000000000e+00, v9;
	v22 =	vadd.f32 $1.428571490e-01, v39;
	s21 =	spop (v2sf)  }
0x708: {  	v24 =	vadd.f32 v24, v36;
	v12 =	vadd.f32 $3.333333430e-01, v12;
	v61 =	vmul.f32 v29, v29;
	s20 =	spop (v2sf)  }
0x709: {  	v20 =	vmax.f32 v20, $0.0e+00;
	s9 =	sadd.f32 $0.0e+00, s9;
	v9 =	vmul.f32 v9, v41;
	v22 =	vmul.f32 v22, v21;
	s19 =	spop (v2sf)  }
0x70a: {  	v2 =	vmax.f32 v2, $0.0e+00;
	v12 =	vmul.f32 v12, v35;
	v53 =	vmul.f32 v52, v43;
	s22 =	spop (v2sf)  }
0x70b: {  	v22 =	vadd.f32 $2.000000030e-01, v22;
	v9 =	vadd.f32 v9, v20;
	v20 =	vmul.f32 $1.111111120e-01, v61;
	s9 =	sadd.f32 s22, s9  }
0x70c: {  	v48 =	vmul.f32 v42, v55;
	v12 =	vadd.f32 $1.000000000e+00, v12;
	v63 =	vmul.f32 v53, v53  }
0x70d: {  	v11 =	vand.u32 $0x7FFFFFFF, v58;
	v22 =	vmul.f32 v22, v21;
	v20 =	vadd.f32 $1.428571490e-01, v20;
	s22 =	smul.f32 $8.000000000e+01, s9  }
0x70e: {  	v11 =	vsub.f32 $0.0e+00, v11;
	v12 =	vmul.f32 v12, v38;
	v38 =	vmul.f32 $1.111111120e-01, v63  }
0x70f: {  	v14 =	vmul.f32 v25, v34;
	v22 =	vadd.f32 $3.333333430e-01, v22;
	v20 =	vmul.f32 v20, v61;
	s22 =	smax.f32 s22, $1.000000000e+00  }
0x710: {  	v11 =	vmul.f32 $1.442695020e+00, v11;
	v39 =	vadd.f32 $1.428571490e-01, v38;
	v34 =	vmov s22  }
0x711: {  	v21 =	vmul.f32 v22, v21;
	v20 =	vadd.f32 $2.000000030e-01, v20;
	(erf) = vrcp.f32 v34  }
0x712: {  	v19 =	vadd.f32 v19, v19;
	(erf) = vpow2.f32 v11;
	v11 =	vmul.f32 v14, v14  }
0x713: {  	v22 =	vmul.f32 v39, v63;
	v21 =	vadd.f32 $1.000000000e+00, v21;
	v20 =	vmul.f32 v20, v61  }
0x714: {  	v49 =	vand.u32 $0x7FFFFFFF, v60;
	v28 =	vadd.f32 v48, v57;
	v40 =	vmul.f32 $1.111111120e-01, v11  }
0x715: {  	v41 =	vmul.f32 v21, v19;
	v19 =	vadd.f32 $2.000000030e-01, v22;
	v20 =	vadd.f32 $3.333333430e-01, v20  }
0x716: {  	v57 =	vadd.f32 v29, v29;
	v9 =	vmul.f32 v9, v56;
	v25 =	vadd.f32 $1.428571490e-01, v40  }
0x717: {  	v2 =	vadd.f32 v41, v2;
	v43 =	vmul.f32 v19, v63;
	v20 =	vmul.f32 v20, v61  }
0x718: {  	v4 =	vadd.f32 v12, v4;
	v9 =	vadd.f32 v9, v24;
	v25 =	vmul.f32 v25, v11  }
0x719: {  	v2 =	vmul.f32 v2, v56;
	v12 =	vadd.f32 $3.333333430e-01, v43;
	v20 =	vadd.f32 $1.000000000e+00, v20  }
0x71a: {  	v16 =	vld [tilespmem:$0x1FCA0];
	v30 =	vsub.f32 $0.0e+00, v49;
	v26 =	vpop (erf);
	v25 =	vadd.f32 $2.000000030e-01, v25  }
0x71b: {  	v2 =	vadd.f32 v2, v9;
	v9 =	vmul.f32 v12, v63;
	v12 =	vmul.f32 v20, v57;
	v20 =	vld [tilespmem:$0x1FCB0];
	v59 =	vpop (erf)  }
0x71c: {  	v62 =	vadd.f32 $2.000000000e+00, v59;
	v40 =	vmul.f32 v25, v11  }
0x71d: {  	v30 =	vmul.f32 $1.442695020e+00, v30  }
0x71e: {  	(erf) = vrcp.f32 v62;
	v24 =	vadd.f32 $3.333333430e-01, v40  }
0x71f: {  	(erf) = vpow2.f32 v30  }
0x720: {  	v20 =	vsub.f32 v16, v20;
	v16 =	vld [tilespmem:$0x1FCC0];
	v11 =	vmul.f32 v24, v11  }
0x721: {  	v62 =	vld [tilespmem:$0x1FCD0]  }
0x722: {  	v25 =	vmul.f32 v51, v50;
	v51 =	vadd.f32 v14, v14;
	v11 =	vadd.f32 $1.000000000e+00, v11;
	_ =	sdelay $0x1  }
0x723: {  	v11 =	vmul.f32 v11, v51  }
0x724: {  	v37 =	vld [tilespmem:$0x1FCF0]  }
0x725: {  	v4 =	vmul.f32 v4, v55;
	v30 =	vsub.f32 v16, v62;
	v16 =	vld [tilespmem:$0x1FCE0];
	v11 =	vadd.f32 v11, v27  }
0x726: {  	v42 =	vmul.f32 v25, v25;
	v19 =	vpop (erf)  }
0x727: {  	v4 =	vadd.f32 v4, v28;
	v49 =	vpop (erf);
	v19 =	vmul.f32 v19, v59;
	v11 =	vmul.f32 v11, v55  }
0x728: {  	v50 =	vadd.f32 $2.000000000e+00, v49  }
0x729: {  	v40 =	vld [tilespmem:$0x1FD10];
	v48 =	vmul.f32 $1.111111120e-01, v42;
	v59 =	vmul.f32 v19, v19;
	v4 =	vadd.f32 v11, v4  }
0x72a: {  	v11 =	vmul.f32 v30, v30;
	v30 =	vsub.f32 v16, v37;
	v16 =	vld [tilespmem:$0x1FD00];
	(erf) = vrcp.f32 v50  }
0x72b: {  	v22 =	vadd.f32 $1.428571490e-01, v48;
	v61 =	vmul.f32 $1.111111120e-01, v59;
	_ =	sdelay $0x1  }
0x72c: {  	v52 =	vmul.f32 v22, v42;
	v22 =	vadd.f32 $1.428571490e-01, v61  }
0x72d: {  	v28 =	vmul.f32 v46, v44;
	v44 =	vld [tilespmem:$0x1FD90];
	v33 =	vmul.f32 v20, v20  }
0x72e: {  	v39 =	vmul.f32 v30, v30;
	v30 =	vsub.f32 v16, v40;
	v16 =	vld [tilespmem:$0x1FD80];
	v20 =	vmul.f32 v22, v59;
	_ =	sdelay $0x1  }
0x72f: {  	v20 =	vadd.f32 $2.000000030e-01, v20;
	_ =	sdelay $0x1  }
0x730: {  	v27 =	vmul.f32 v47, v45;
	v47 =	vld [tilespmem:$0x1FD40];
	v34 =	vpop (erf);
	v20 =	vmul.f32 v20, v59  }
0x731: {  	v14 =	vadd.f32 $2.000000030e-01, v52;
	v21 =	vmul.f32 v34, v49;
	v34 =	vadd.f32 v16, v44;
	v16 =	vld [tilespmem:$0x1FD30]  }
0x732: {  	v53 =	vadd.f32 v53, v53;
	v20 =	vadd.f32 $3.333333430e-01, v20  }
0x733: {  	v38 =	vmul.f32 v28, v28;
	v9 =	vadd.f32 $1.000000000e+00, v9;
	v14 =	vmul.f32 v14, v42  }
0x734: {  	v1 =	vmax.f32 v1, $0.0e+00;
	v36 =	vld [tilespmem:$0x1FED0];
	v41 =	vmul.f32 v21, v21;
	v20 =	vmul.f32 v20, v59  }
0x735: {  	v35 =	vld [tilespmem:$0x1FDB0];
	v9 =	vmul.f32 v9, v53;
	v14 =	vadd.f32 $3.333333430e-01, v14;
	v19 =	vadd.f32 v19, v19  }
0x736: {  	v43 =	vmul.f32 $1.111111120e-01, v41;
	v29 =	vsub.f32 v16, v47;
	v16 =	vld [tilespmem:$0x1FD50];
	v20 =	vadd.f32 $1.000000000e+00, v20  }
0x737: {  	v8 =	vsub.f32 v8, v15;
	v45 =	vmul.f32 $1.111111120e-01, v38;
	v63 =	vmul.f32 v14, v42  }
0x738: {  	v42 =	vmul.f32 v30, v30;
	v30 =	vadd.f32 $1.428571490e-01, v43;
	v19 =	vmul.f32 v20, v19;
	v20 =	vld [tilespmem:$0x1FD60]  }
0x739: {  	v5 =	vadd.f32 v9, v5;
	v9 =	vmul.f32 v27, v27;
	v11 =	vadd.f32 v11, v33  }
0x73a: {  	v22 =	vmul.f32 v36, v35;
	v35 =	vadd.f32 $1.428571490e-01, v45;
	v48 =	vmul.f32 v30, v41  }
0x73b: {  	v46 =	vmul.f32 $1.111111120e-01, v9;
	v11 =	vadd.f32 v39, v11;
	v16 =	vsub.f32 v16, v17  }
0x73c: {  	v49 =	vmul.f32 v35, v38;
	v29 =	vmul.f32 v29, v29;
	v24 =	vadd.f32 $2.000000030e-01, v48  }
0x73d: {  	v17 =	vadd.f32 $1.428571490e-01, v46;
	v16 =	vmul.f32 v16, v16;
	v13 =	vsub.f32 v20, v13  }
0x73e: {  	v11 =	vadd.f32 v42, v11;
	v20 =	vadd.f32 $2.000000030e-01, v49;
	v24 =	vmul.f32 v24, v41  }
0x73f: {  	v57 =	vld [tilespmem:$0x1FD20];
	v17 =	vmul.f32 v17, v9;
	v16 =	vadd.f32 v16, v29;
	v13 =	vmul.f32 v13, v13  }
0x740: {  	v11 =	vmul.f32 v11, v55;
	v50 =	vmul.f32 v20, v38;
	v20 =	vadd.f32 $3.333333430e-01, v24  }
0x741: {  	(xrf2) =	vadd.scan.msk.f32 $0xffff, v22;
	v17 =	vadd.f32 $2.000000030e-01, v17;
	v13 =	vadd.f32 v13, v16;
	v16 =	vmax.f32 v58, $0.0e+00  }
0x742: {  	(xrf2) =	vadd.scan.msk.f32 $0xffff, v34;
	v16 =	vadd.f32 v19, v16;
	v19 =	vmul.f32 v20, v41;
	v20 =	vmul.f32 v58, v55  }
0x743: {  	v8 =	vmul.f32 v8, v8;
	(xrf2) =	vadd.scan.msk.f32 $0xffff, v11;
	v11 =	vadd.f32 $3.333333430e-01, v50;
	v51 =	vmul.f32 v17, v9  }
0x744: {  	v1 =	vadd.f32 v12, v1;
	v15 =	vmul.f32 v57, v54;
	(xrf2) =	vadd.scan.msk.f32 $0xffff, v20;
	v52 =	vmul.f32 v16, v55  }
0x745: {  	v8 =	vadd.f32 v8, v13;
	v11 =	vmul.f32 v11, v38;
	v13 =	vadd.f32 $3.333333430e-01, v51  }
0x746: {  	v5 =	vmul.f32 v5, v55;
	v17 =	vadd.f32 v21, v21;
	v16 =	vadd.f32 $1.000000000e+00, v19;
	(xrf2) =	vadd.scan.msk.f32 $0xffff, v52  }
0x747: {  	v8 =	vmul.f32 v8, v56;
	v9 =	vmul.f32 v13, v9;
	v11 =	vadd.f32 $1.000000000e+00, v11;
	(xrf2) =	vadd.scan.msk.f32 $0xffff, v55  }
0x748: {  	v12 =	vadd.f32 $1.000000000e+00, v63;
	v63 =	vadd.f32 v27, v27;
	v16 =	vmul.f32 v16, v17;
	(xrf2) =	vadd.scan.msk.f32 $0xffff, v15  }
0x749: {  	v58 =	vmax.f32 v60, $0.0e+00;
	v9 =	vadd.f32 $1.000000000e+00, v9;
	(xrf2) =	vadd.scan.msk.f32 $0xffff, v8;
	v8 =	vadd.f32 v28, v28  }
0x74a: {  	v53 =	vadd.f32 v25, v25;
	v61 =	vmul.f32 v60, v56;
	v59 =	vadd.f32 v16, v58  }
0x74b: {  	v4 =	vadd.f32 v5, v4;
	v9 =	vmul.f32 v9, v63;
	v8 =	vmul.f32 v11, v8;
	v11, _, _ =	vpop (xrf2)  }
0x74c: {  	v13 =	vmul.f32 v59, v56;
	(v2sf) =	vpush v11, $0xF;
	v5, _, _ =	vpop (xrf2);
	v11 =	vmax.f32 v23, $0.0e+00  }
0x74d: {  	v8 =	vadd.f32 v8, v11;
	(v2sf) =	vpush v5, $0xF;
	v5, _, _ =	vpop (xrf2);
	v11 =	vmax.f32 v31, $0.0e+00  }
0x74e: {  	v12 =	vmul.f32 v12, v53;
	(xrf2) =	vadd.scan.msk.f32 $0xffff, v61;
	(v2sf) =	vpush v5, $0xF;
	v5, _, _ =	vpop (xrf2);
	v9 =	vadd.f32 v9, v11;
	v11 =	vld [tilespmem:$0x1FD70]  }
0x74f: {  	v62 =	vmax.f32 v32, $0.0e+00;
	(xrf2) =	vadd.scan.msk.f32 $0xffff, v13;
	(v2sf) =	vpush v5, $0xF;
	v5 =	vmul.f32 v8, v55;
	v8 =	vld [tilespmem:$0x1FC90]  }
0x750: {  	v1 =	vmul.f32 v1, v56;
	v12 =	vadd.f32 v12, v62;
	_ =	sdelay $0x1  }
0x751: {  	v1 =	vadd.f32 v1, v2;
	v2 =	vmul.f32 v12, v56  }
0x752: {  	(xrf2) =	vadd.scan.msk.f32 $0xffff, v56  }
0x753: {  	v8 =	vmul.f32 v11, v8;
	v11, _, _ =	vpop (xrf2)  }
0x754: {  	v4 =	vadd.f32 v5, v4;
	v5 =	vmul.f32 v9, v55;
	(v2sf) =	vpush v11, $0xF;
	v9, _, _ =	vpop (xrf2)  }
0x755: {  	v1 =	vadd.f32 v2, v1;
	(v2sf) =	vpush v9, $0xF;
	v2, _, _ =	vpop (xrf2)  }
0x756: {  	v4 =	vadd.f32 v5, v4;
	(xrf2) =	vadd.scan.msk.f32 $0xffff, v8;
	(v2sf) =	vpush v2, $0xF;
	v2, _, _ =	vpop (xrf2)  }
0x757: {  	(v2sf) =	vpush v2, $0xF;
	v2, _, _ =	vpop (xrf2)  }
0x758: {  	v1 =	vadd.f32 v1, v4;
	(v2sf) =	vpush v2, $0xF;
	v2, _, _ =	vpop (xrf2)  }
0x759: {  	s8 =	sadd.f32 $0.0e+00, s8;
	(v2sf) =	vpush v2, $0xF  }
0x75a: {  	s15 =	sadd.f32 $0.0e+00, s15;
	(xrf2) =	vadd.scan.msk.f32 $0xffff, v1  }
0x75b: {  	s17 =	sadd.f32 $0.0e+00, s17  }
0x75c: {  	s23 =	sadd.f32 $0.0e+00, s23;
	v1, _, _ =	vpop (xrf2)  }
0x75d: {  	s8 =	sadd.f32 s21, s8;
	s22 =	spop (v2sf);
	(v2sf) =	vpush v1, $0xF  }
0x75e: {  	s17 =	sadd.f32 s19, s17  }
0x75f: {  	s15 =	sadd.f32 s20, s15;
	s8 =	smul.f32 $5.000000000e+00, s8  }
0x760: {  	s17 =	smul.f32 $5.000000000e-01, s17;
	s4 =	spop (v2sf);
	v1, _, _ =	vpop (xrf2)  }
0x761: {  	p1 =	sgt.f32 s9, $0.0e+00;
	s19 =	spop (v2sf);
	(v2sf) =	vpush v1, $0xF  }
0x762: {  	s15 =	sadd.f32 s17, s15;
	s21 =	spop (v2sf)  }
0x763: {  	s22 =	sadd.f32 s22, s23;
	s20 =	spop (v2sf)  }
0x764: {  	s19 =	sadd.f32 $0.0e+00, s19;
	v1, _, _ =	vpop (xrf2);
	s23 =	spop (v2sf)  }
0x765: {  	s4 =	ssub.f32 s4, s22;
	(v2sf) =	vpush v1, $0xF;
	s9 =	spop (v2sf)  }
0x766: {  	s21 =	sadd.f32 $0.0e+00, s21;
	s17 =	spop (v2sf)  }
0x767: {  	s20 =	sadd.f32 $0.0e+00, s20;
	s22 =	spop (v2sf)  }
0x768: {  	s17 =	sadd.f32 s17, s19;
	s19 =	spop (v2sf)  }
0x769: {  	s8 =	smul.f32 $2.083333400e-02, s8;
	s19 =	sadd.f32 s19, s20  }
0x76a: {  	s15 =	smul.f32 $5.086263170e-06, s15;
	s20 =	sadd.f32 s22, s21  }
0x76b: {  	s4 =	smul.f32 $2.083333400e-02, s4;
	s22 =	sadd.f32 $0.0e+00, s23  }
0x76c: {  	s21 =	spop (v2sf);
	s17 =	smul.f32 $5.000000000e+00, s17  }
0x76d: {  	v1 =	vmov s8;
	s19 =	smul.f32 $5.000000000e-01, s19;
	s8 =	sadd.f32 s21, s22  }
0x76e: {  	vm6 =	vmmov vm3;
	s9 =	sadd.f32 $0.0e+00, s9;
	s17 =	smul.f32 $2.083333400e-02, s17  }
0x76f: {  	vm6 =	vmneg @p1 vm6;
	s20 =	sadd.f32 s19, s20;
	s22 =	smul.f32 $8.000000000e+01, s8  }
0x770: {  	vm6 =	vmand vm6, vm5;
	v2 =	vmov s15;
	v4 =	vmov s4;
	p1 =	sgt.f32 s8, $0.0e+00;
	s23 =	spop (v2sf)  }
0x771: {  	v5 =	vld [tilespmem:$0x1FEE0];
	v2 =	vnsel vm2, $0x0, v2;
	v4 =	vnsel vm6, $0x0, v4;
	v1 =	vnsel vm4, $0x0, v1;
	s15 =	smul.f32 $8.138021070e-05, s20;
	s8 =	smax.f32 s22, $1.000000000e+00  }
.Ltmp24:
0x772: {  	v1 =	vsub.f32 v1, v2;
	v2 =	vmul.f32 v4, v26;
	s22 =	rddreg [dreg:$0x5];
	(pc) =	sbr.rel .LBB2_43-.Ltmp24, $4  }
0x773: {  	s4 =	sadd.f32 s23, s9  }
0x774: {  	v1 =	vadd.f32 v2, v1;
	v2 =	vmov s17;
	v4 =	vmov s15;
	s15 =	rddreg [dreg:$0xd];
	s23 =	spop (v2sf)  }
0x775: {  	vm7 =	vmmov vm3;
	v2 =	vnsel vm4, $0x0, v2;
	v4 =	vnsel vm2, $0x0, v4;
	s9 =	ssub.f32 s23, s4  }
0x776: {  	v5 =	vadd.f32 v1, v5;
	vm7 =	vmneg @p1 vm7;
	v1 =	vsub.f32 v2, v4;
	s23 =	rddreg [dreg:$0x6]  }
.LBB2_44:
0x777: {  	_ =	sfence.sel $0x180000  }
0x778: {  	[bflag:$0x0] =	sbarrier.arrive $0xFFFF  }
0x779: {  	_ =	strace $0x90000047  }
0x77a: {  	s0 =	stileid.u32;
	[bflag:$0x2] =	sbarrier.arrive $0xFFFF  }
0x77b: {  	p0 =	sne.s32 s0, $0x0;
	s0 =	rddreg [dreg:$0x4]  }
0x77c: {  	s0 =	sadd.s32 @!p0 $0x100000, s0  }
0x77d: {  	[sflag:s0] =	ssyncadd.tile.s32 @!p0 $0x1;
	_ =	shalt  }
.Lfunc_end2:
_tile_overlayer_lowered:
.L_overlay_start_2:
0x77e: {  	(tag) =	ssettag $0x2  }
0x77f: {  	s0 =	rddreg [dreg:$0x0];
	s2 =	stileid.u32  }
0x780: {  	s1 =	rddreg [dreg:$0x1];
	p0 =	sne.s32 s2, $0x0  }
0x781: {  	s3 =	rddreg [dreg:$0x2];
	[bflag:$0x3] =	sbarrier.arrive $0xFFFF;
	s2 =	simm.s32 @!p0 $0x1C04  }
0x782: {  	[timem:s3], [sflag:s2] =	dma.local @!p0 [hbm:s0], s1  }
0x783: {  	s0 =	simm.s32 @!p0 $0x4  }
0x784: {  	_ =	swait.ge @!p0 [sflag:s0], s1  }
0x785: {  	s1 =	ssub.s32 @!p0 $0x0, s1;
	[sflag:s0] =	ssyncset.done @!p0 $0x0  }
0x786: {  	[sflag:s0] =	ssyncadd.s32 @!p0 s1  }
0x787: {  	[bflag:$0x3] =	sbarrier.arrive $0xFFFF  }
0x788: {  	_ =	shalt  }

</sc_bundles>
